<compile_context>
chip_gen: v7x
topology: tpu7x:2x2x1
jax: 0.10.2.dev20260603
libtpu: 0.0.44.dev20260713+nightly
codegen_flags: <defaults>
</compile_context>

<pallas_src>
import functools

import jax
import jax.numpy as jnp
from jax import lax
from jax.experimental import pallas as pl
from jax.experimental.pallas import tpu as pltpu
from jax.experimental.pallas import tpu_sc as plsc

NC = 2
NS = 16
SUB = 128


def _segment_sum_sc(edge_flat, msg3, zeros):
    n = zeros.shape[0]
    d_msg = 16
    num_blocks = msg3.shape[0] // (2 * 8)
    bpu = 2
    blk = 8 * SUB
    num_units = num_blocks // bpu
    rows_per_sub = ((n + NS * 8 - 1) // (NS * 8)) * 8

    mesh = plsc.VectorSubcoreMesh(core_axis_name="c", subcore_axis_name="s")

    vm = pltpu.VMEM
    @functools.partial(
        pl.kernel,
        mesh=mesh,
        compiler_params=pltpu.CompilerParams(use_tc_tiling_on_sc=False,
                                             needs_layout_passes=False),
        out_type=jax.ShapeDtypeStruct((n, 128), jnp.float32),
        scratch_types=[
            vm((bpu * 16, 129), jnp.float32), vm((bpu * 16, 129), jnp.float32),
            vm((bpu * SUB, d_msg), jnp.float32), vm((bpu * SUB, d_msg), jnp.float32),
            vm((bpu * SUB,), jnp.int32), vm((bpu * SUB,), jnp.int32),
            vm((bpu, SUB), jnp.int32), vm((bpu, SUB), jnp.int32),
            pltpu.SemaphoreType.DMA, pltpu.SemaphoreType.DMA,
            pltpu.SemaphoreType.DMA, pltpu.SemaphoreType.DMA,
            pltpu.VMEM_SHARED((n, d_msg), jnp.float32),
        ],
    )
    def seg_sum(dest_hbm, msg_hbm, zeros_hbm, out_hbm,
                stg0, stg1, msgb0, msgb1, idx0, idx1, sidx0, sidx1,
                isem0, isem1, ssem0, ssem1, acc):
        stg = (stg0, stg1)
        msgb = (msgb0, msgb1)
        idx = (idx0, idx1)
        sidx = (sidx0, sidx1)
        isem = (isem0, isem1)
        ssem = (ssem0, ssem1)

        c = lax.axis_index("c")
        s = lax.axis_index("s")
        wid = c * NS + s

        row0 = pl.multiple_of(
            jnp.minimum(s * rows_per_sub, n - rows_per_sub), 8)
        pltpu.sync_copy(zeros_hbm.at[pl.ds(row0, rows_per_sub)],
                        acc.at[pl.ds(row0, rows_per_sub)])
        plsc.subcore_barrier()

        base = num_units // (NC * NS)
        rem = num_units % (NC * NS)
        extra = jnp.where(wid < rem, 1, 0)
        start = wid * base + jnp.minimum(wid, rem)
        count = base + extra

        f_iota = lax.iota(jnp.int32, 16)
        row_const = [k * 16 + f_iota for k in range(bpu)]
        zero_vec = f_iota * 0

        def in_copies(u, b):
            yield (dest_hbm.at[pl.ds(num_blocks * SUB + u * bpu * SUB, bpu * SUB)], idx[b], isem[b])
            for k in range(bpu):
                for h in range(2):
                    src_row = (h * num_blocks + u * bpu + k) * 8
                    yield (msg_hbm.at[pl.ds(src_row, 8)],
                           stg[b].at[pl.ds(k * 16 + h * 8, 8), pl.ds(0, SUB)],
                           isem[b])

        def sc_copies(b):
            for k in range(bpu):
                yield (msgb[b].at[pl.ds(k * SUB, SUB)], acc.at[sidx[b].at[k]],
                       ssem[b])

        def pbody(p, _):
            for b in range(2):
                i = 2 * p + b
                u = start + i

                @pl.when((i >= 2) & (i < count + 2))
                def _():
                    for a_, d_, m_ in sc_copies(b):
                        pltpu.make_async_copy(a_, d_, m_).wait()

                @pl.when(i < count)
                def _():
                    for a_, d_, m_ in in_copies(u, b):
                        pltpu.make_async_copy(a_, d_, m_).wait()
                    for k in range(bpu):
                        for j in range(SUB // 16):
                            sidx[b][k, pl.ds(j * 16, 16)] = (
                                idx[b][pl.ds(k * SUB + j * 16, 16)])
                    @plsc.parallel_loop(0, SUB, 8, carry=zero_vec)
                    def _(e0, ecol):
                        for e2 in range(8):
                            for k in range(bpu):
                                msgb[b][k * SUB + e0 + e2] = plsc.load_gather(
                                    stg[b], [row_const[k], ecol + e2])
                        return ecol + 8
                    for a_, d_, m_ in sc_copies(b):
                        pltpu.async_copy(a_, d_, m_, add=True)

                @pl.when(i < count - 2)
                def _():
                    for a_, d_, m_ in in_copies(u + 2, b):
                        pltpu.async_copy(a_, d_, m_)
            return 0

        for a_, d_, m_ in in_copies(start, 0):
            pltpu.async_copy(a_, d_, m_)
        for a_, d_, m_ in in_copies(start + 1, 1):
            pltpu.async_copy(a_, d_, m_)
        lax.fori_loop(0, (count + 3) // 2, pbody, 0)

        plsc.subcore_barrier()
        pltpu.sync_copy(acc.at[pl.ds(row0, rows_per_sub)],
                        out_hbm.at[pl.ds(row0, rows_per_sub),
                                   pl.ds(pl.multiple_of(c * d_msg, 16),
                                         d_msg)])

    return seg_sum(edge_flat, msg3, zeros)


def _mlp_body(x_ref, p_ref, w1x_ref, w1m_ref, b1_ref, w2_ref,
              b2_ref, w3_ref, g_ref, be_ref, o_ref):
    xb = x_ref[...]
    m = p_ref[:, :16] + p_ref[:, 16:32]
    h = (jnp.dot(xb, w1x_ref[...], preferred_element_type=jnp.float32)
         + jnp.dot(m, w1m_ref[...], preferred_element_type=jnp.float32)
         + b1_ref[...])
    h = jnp.where(h >= 0, h, 0.2 * h)
    h = jnp.dot(h, w2_ref[...], preferred_element_type=jnp.float32) + b2_ref[...]
    h = jnp.where(h >= 0, h, 0.2 * h)
    h = jnp.dot(h, w3_ref[...], preferred_element_type=jnp.float32)
    mu = jnp.mean(h, axis=-1, keepdims=True)
    var = jnp.mean((h - mu) ** 2, axis=-1, keepdims=True)
    o_ref[...] = (h - mu) * lax.rsqrt(var + 1e-5) * g_ref[...] + be_ref[...]


def _mlp_tc(x, parts, W1x, W1m, b1, W2, b2, W3, gamma, beta, block_n):
    n, d_in = x.shape
    d_msg = W1m.shape[0]
    d_out = W1x.shape[1]
    grid = (n // block_n,)
    return pl.pallas_call(
        _mlp_body,
        grid=grid,
        in_specs=[
            pl.BlockSpec((block_n, d_in), lambda i: (i, 0)),
            pl.BlockSpec((block_n, 128), lambda i: (i, 0)),
            pl.BlockSpec((d_in, d_out), lambda i: (0, 0)),
            pl.BlockSpec((d_msg, d_out), lambda i: (0, 0)),
            pl.BlockSpec((1, d_out), lambda i: (0, 0)),
            pl.BlockSpec((d_out, d_out), lambda i: (0, 0)),
            pl.BlockSpec((1, d_out), lambda i: (0, 0)),
            pl.BlockSpec((d_out, d_out), lambda i: (0, 0)),
            pl.BlockSpec((1, d_out), lambda i: (0, 0)),
            pl.BlockSpec((1, d_out), lambda i: (0, 0)),
        ],
        out_specs=pl.BlockSpec((block_n, d_out), lambda i: (i, 0)),
        out_shape=jax.ShapeDtypeStruct((n, d_out), jnp.float32),
        compiler_params=pltpu.CompilerParams(
            dimension_semantics=("arbitrary",),
        ),
    )(x, parts, W1x, W1m, b1, W2, b2, W3, gamma, beta)


def kernel(x, edge_index, message, W1, b1, W2, b2, W3, gamma, beta):
    n, d_in = x.shape
    e, d_msg = message.shape

    msg3 = (message.T.reshape(2, 8, e // SUB, SUB)
            .transpose(0, 2, 1, 3).reshape(-1, SUB))
    edge_flat = edge_index.reshape(-1)
    zeros = jnp.zeros((n, d_msg), dtype=jnp.float32)
    parts = _segment_sum_sc(edge_flat, msg3, zeros)

    W1x = W1[:d_in]
    W1m = W1[d_in:]
    out = _mlp_tc(x, parts, W1x, W1m, b1.reshape(1, -1),
                  W2, b2.reshape(1, -1), W3, gamma.reshape(1, -1),
                  beta.reshape(1, -1), block_n=2000)
    return out

# --- scband reference (transcript-rebuilt; emitter-appended) ---
"""Pipeline reference for scband-node-model-29137058136337 (READ-ONLY COPY).

The authoritative reference and input builder live on the scoring server;
editing this copy changes nothing except your own understanding.
"""

import jax, jax.numpy as jnp
import numpy as np

N = 100000
E = 3200000
D_IN = 128
D_MSG = 16
D_OUT = 128


def setup_inputs(seed: int = 0) -> dict:
    key = jax.random.key(seed)
    ks = jax.random.split(key, 10)
    x = jax.random.normal(ks[0], (N, D_IN), dtype=jnp.float32)
    edge_index = jax.random.randint(ks[1], (2, E), 0, N, dtype=jnp.int32)
    message = jax.random.normal(ks[2], (E, D_MSG), dtype=jnp.float32)
    # learned parameters of the node_model MLP + LayerNorm
    W1 = jax.random.normal(ks[3], (D_IN + D_MSG, D_OUT), dtype=jnp.float32) * 0.05
    b1 = jnp.zeros((D_OUT,), dtype=jnp.float32)
    W2 = jax.random.normal(ks[4], (D_OUT, D_OUT), dtype=jnp.float32) * 0.05
    b2 = jnp.zeros((D_OUT,), dtype=jnp.float32)
    W3 = jax.random.normal(ks[5], (D_OUT, D_OUT), dtype=jnp.float32) * 0.05
    gamma = jnp.ones((D_OUT,), dtype=jnp.float32)
    beta = jnp.zeros((D_OUT,), dtype=jnp.float32)
    return {"x": x, "edge_index": edge_index, "message": message,
            "W1": W1, "b1": b1, "W2": W2, "b2": b2, "W3": W3,
            "gamma": gamma, "beta": beta}


def reference(x, edge_index, message, W1, b1, W2, b2, W3, gamma, beta):
    n = x.shape[0]
    dest = edge_index[1]
    # scatter-add aggregation of edge messages onto destination nodes
    msg_aggr = jax.ops.segment_sum(message, dest, num_segments=n)
    h = jnp.concatenate([x, msg_aggr], axis=-1)
    h = jnp.dot(h, W1) + b1
    h = jax.nn.leaky_relu(h, negative_slope=0.2)
    h = jnp.dot(h, W2) + b2
    h = jax.nn.leaky_relu(h, negative_slope=0.2)
    h = jnp.dot(h, W3)  # no bias
    mean = jnp.mean(h, axis=-1, keepdims=True)
    var = jnp.var(h, axis=-1, keepdims=True)
    h = (h - mean) / jnp.sqrt(var + 1e-5) * gamma + beta
    return h

if __name__ == "__main__":
    import jax
    _d = setup_inputs()
    print(jax.jit(kernel)(*tuple(_d.values())))

</pallas_src>

<mosaic_0001>
#map = affine_map<(d0, d1) -> (0)>
#map1 = affine_map<(d0, d1) -> (0, 0)>
module attributes {stable_mosaic.version = 14 : i64} {
  func.func @seg_sum(%arg0: i32, %arg1: i32, %arg2: memref<6400000xi32, #tpu.memory_space<hbm>>, %arg3: memref<400000x128xf32, #tpu.memory_space<hbm>>, %arg4: memref<100000x16xf32, #tpu.memory_space<hbm>>, %arg5: memref<100000x128xf32, #tpu.memory_space<hbm>>, %arg6: memref<32x129xf32, #tpu.memory_space<vmem>>, %arg7: memref<32x129xf32, #tpu.memory_space<vmem>>, %arg8: memref<256x16xf32, #tpu.memory_space<vmem>>, %arg9: memref<256x16xf32, #tpu.memory_space<vmem>>, %arg10: memref<256xi32, #tpu.memory_space<vmem>>, %arg11: memref<256xi32, #tpu.memory_space<vmem>>, %arg12: memref<2x128xi32, #tpu.memory_space<vmem>>, %arg13: memref<2x128xi32, #tpu.memory_space<vmem>>, %arg14: memref<!tpu.dma_semaphore, #tpu.memory_space<semaphore_mem>>, %arg15: memref<!tpu.dma_semaphore, #tpu.memory_space<semaphore_mem>>, %arg16: memref<!tpu.dma_semaphore, #tpu.memory_space<semaphore_mem>>, %arg17: memref<!tpu.dma_semaphore, #tpu.memory_space<semaphore_mem>>, %arg18: memref<100000x16xf32, #tpu.memory_space<vmem_shared>>) attributes {dimension_semantics = [#tpu.dimension_semantics<core_parallel>, #tpu.dimension_semantics<subcore_parallel>], iteration_bounds = array<i64: 2, 16>, scalar_prefetch = 0 : i64, scratch_operands = 13 : i64, tpu.core_type = #tpu.core_type<sc_vector_subcore>, window_params = [{transform_indices = #map}, {transform_indices = #map1}, {transform_indices = #map1}, {transform_indices = #map1}]} {
    %mul3A = arith.constant 16 : i32
    %mul3A_0 = arith.muli %arg0, %mul3A : i32
    %add3A = arith.addi %mul3A_0, %arg1 : i32
    %mul3A_1 = arith.constant 6256 : i32
    %mul3A_2 = arith.muli %arg1, %mul3A_1 : i32
    %min3A = arith.constant 93744 : i32
    %min3A_3 = arith.minsi %mul3A_2, %min3A : i32
    %multiple_of3A = tpu.assume_multiple %min3A_3, 8 : i32
    "tpu.region"() ({
      %run_scoped3A = tpu.sem_alloc : memref<!tpu.dma_semaphore, #tpu.memory_space<semaphore_mem>>
      %dma_start3A_218 = arith.constant 0 : i32
      %dma_start3A_219 = tpu.memref_slice %arg18[%multiple_of3A, %dma_start3A_218] : memref<100000x16xf32, #tpu.memory_space<vmem_shared>> -> memref<6256x16xf32, #tpu.memory_space<vmem_shared>>
      %dma_start3A_220 = arith.constant 0 : i32
      %dma_start3A_221 = tpu.memref_slice %arg4[%multiple_of3A, %dma_start3A_220] : memref<100000x16xf32, #tpu.memory_space<hbm>> -> memref<6256x16xf32, #tpu.memory_space<hbm>>
      tpu.enqueue_dma source(%dma_start3A_221 : memref<6256x16xf32, #tpu.memory_space<hbm>>) target(%dma_start3A_219 : memref<6256x16xf32, #tpu.memory_space<vmem_shared>>) target_semaphore(%run_scoped3A : memref<!tpu.dma_semaphore, #tpu.memory_space<semaphore_mem>>)
      %dma_wait3A = arith.constant 0 : i32
      %dma_wait3A_222 = tpu.memref_slice %arg18[%multiple_of3A, %dma_wait3A] : memref<100000x16xf32, #tpu.memory_space<vmem_shared>> -> memref<6256x16xf32, #tpu.memory_space<vmem_shared>>
      %dma_wait3A_223 = arith.constant 0 : i32
      %dma_wait3A_224 = tpu.memref_slice %arg4[%multiple_of3A, %dma_wait3A_223] : memref<100000x16xf32, #tpu.memory_space<hbm>> -> memref<6256x16xf32, #tpu.memory_space<hbm>>
      tpu.wait_dma2 semaphore(%run_scoped3A : memref<!tpu.dma_semaphore, #tpu.memory_space<semaphore_mem>>) src(%dma_wait3A_224 : memref<6256x16xf32, #tpu.memory_space<hbm>>) dst(%dma_wait3A_222 : memref<6256x16xf32, #tpu.memory_space<vmem_shared>>)
      tpu.yield
    }) : () -> ()
    %barrier3A = arith.constant 0 : index
    tpu.barrier barrier_id(%barrier3A)
    %lt3A = arith.constant 20 : i32
    %lt3A_4 = arith.cmpi slt, %add3A, %lt3A : i32
    %jit3A = arith.constant 1 : i32
    %jit3A_5 = arith.constant 0 : i32
    %select_n3A = arith.select %lt3A_4, %jit3A, %jit3A_5 : i32
    %mul3A_6 = arith.constant 390 : i32
    %mul3A_7 = arith.muli %add3A, %mul3A_6 : i32
    %min3A_8 = arith.constant 20 : i32
    %min3A_9 = arith.minsi %add3A, %min3A_8 : i32
    %add3A_10 = arith.addi %mul3A_7, %min3A_9 : i32
    %add3A_11 = arith.constant 390 : i32
    %add3A_12 = arith.addi %add3A_11, %select_n3A : i32
    %iota3A = tpu.iota {dimensions = array<i32: 0>} : vector<16xi32>
    %add3A_13 = arith.constant 0 : i32
    %add3A_14 = vector.broadcast %add3A_13 : i32 to vector<16xi32>
    %add3A_15 = arith.addi %add3A_14, %iota3A : vector<16xi32>
    %add3A_16 = arith.constant 16 : i32
    %add3A_17 = vector.broadcast %add3A_16 : i32 to vector<16xi32>
    %add3A_18 = arith.addi %add3A_17, %iota3A : vector<16xi32>
    %mul3A_19 = arith.constant 0 : i32
    %mul3A_20 = vector.broadcast %mul3A_19 : i32 to vector<16xi32>
    %mul3A_21 = arith.muli %iota3A, %mul3A_20 : vector<16xi32>
    %mul3A_22 = arith.constant 2 : i32
    %mul3A_23 = arith.muli %add3A_10, %mul3A_22 : i32
    %mul3A_24 = arith.constant 128 : i32
    %mul3A_25 = arith.muli %mul3A_23, %mul3A_24 : i32
    %add3A_26 = arith.constant 3200000 : i32
    %add3A_27 = arith.addi %add3A_26, %mul3A_25 : i32
    %dma_start3A = tpu.memref_slice %arg2[%add3A_27] : memref<6400000xi32, #tpu.memory_space<hbm>> -> memref<256xi32, #tpu.memory_space<hbm>>
    %dma_start3A_28 = tpu.memref_slice %arg2[%add3A_27] : memref<6400000xi32, #tpu.memory_space<hbm>> -> memref<256xi32, #tpu.memory_space<hbm>>
    tpu.enqueue_dma source(%dma_start3A_28 : memref<256xi32, #tpu.memory_space<hbm>>) target(%arg10 : memref<256xi32, #tpu.memory_space<vmem>>) target_semaphore(%arg14 : memref<!tpu.dma_semaphore, #tpu.memory_space<semaphore_mem>>)
    %mul3A_29 = arith.constant 2 : i32
    %mul3A_30 = arith.muli %add3A_10, %mul3A_29 : i32
    %add3A_31 = arith.constant 0 : i32
    %add3A_32 = arith.addi %add3A_31, %mul3A_30 : i32
    %add3A_33 = arith.constant 0 : i32
    %add3A_34 = arith.addi %add3A_32, %add3A_33 : i32
    %mul3A_35 = arith.constant 8 : i32
    %mul3A_36 = arith.muli %add3A_34, %mul3A_35 : i32
    %dma_start3A_37 = arith.constant 0 : i32
    %dma_start3A_38 = arith.constant 0 : i32
    %dma_start3A_39 = tpu.memref_slice %arg6[%dma_start3A_37, %dma_start3A_38] : memref<32x129xf32, #tpu.memory_space<vmem>> -> memref<8x128xf32, #tpu.memory_space<vmem>>
    %dma_start3A_40 = arith.constant 0 : i32
    %dma_start3A_41 = tpu.memref_slice %arg3[%mul3A_36, %dma_start3A_40] : memref<400000x128xf32, #tpu.memory_space<hbm>> -> memref<8x128xf32, #tpu.memory_space<hbm>>
    %dma_start3A_42 = arith.constant 0 : i32
    %dma_start3A_43 = arith.constant 0 : i32
    %dma_start3A_44 = tpu.memref_slice %arg6[%dma_start3A_42, %dma_start3A_43] : memref<32x129xf32, #tpu.memory_space<vmem>> -> memref<8x128xf32, #tpu.memory_space<vmem>>
    %dma_start3A_45 = arith.constant 0 : i32
    %dma_start3A_46 = tpu.memref_slice %arg3[%mul3A_36, %dma_start3A_45] : memref<400000x128xf32, #tpu.memory_space<hbm>> -> memref<8x128xf32, #tpu.memory_space<hbm>>
    tpu.enqueue_dma source(%dma_start3A_46 : memref<8x128xf32, #tpu.memory_space<hbm>>) target(%dma_start3A_44 : memref<8x128xf32, #tpu.memory_space<vmem>>) target_semaphore(%arg14 : memref<!tpu.dma_semaphore, #tpu.memory_space<semaphore_mem>>)
    %mul3A_47 = arith.constant 2 : i32
    %mul3A_48 = arith.muli %add3A_10, %mul3A_47 : i32
    %add3A_49 = arith.constant 25000 : i32
    %add3A_50 = arith.addi %add3A_49, %mul3A_48 : i32
    %add3A_51 = arith.constant 0 : i32
    %add3A_52 = arith.addi %add3A_50, %add3A_51 : i32
    %mul3A_53 = arith.constant 8 : i32
    %mul3A_54 = arith.muli %add3A_52, %mul3A_53 : i32
    %dma_start3A_55 = arith.constant 8 : i32
    %dma_start3A_56 = arith.constant 0 : i32
    %dma_start3A_57 = tpu.memref_slice %arg6[%dma_start3A_55, %dma_start3A_56] : memref<32x129xf32, #tpu.memory_space<vmem>> -> memref<8x128xf32, #tpu.memory_space<vmem>>
    %dma_start3A_58 = arith.constant 0 : i32
    %dma_start3A_59 = tpu.memref_slice %arg3[%mul3A_54, %dma_start3A_58] : memref<400000x128xf32, #tpu.memory_space<hbm>> -> memref<8x128xf32, #tpu.memory_space<hbm>>
    %dma_start3A_60 = arith.constant 8 : i32
    %dma_start3A_61 = arith.constant 0 : i32
    %dma_start3A_62 = tpu.memref_slice %arg6[%dma_start3A_60, %dma_start3A_61] : memref<32x129xf32, #tpu.memory_space<vmem>> -> memref<8x128xf32, #tpu.memory_space<vmem>>
    %dma_start3A_63 = arith.constant 0 : i32
    %dma_start3A_64 = tpu.memref_slice %arg3[%mul3A_54, %dma_start3A_63] : memref<400000x128xf32, #tpu.memory_space<hbm>> -> memref<8x128xf32, #tpu.memory_space<hbm>>
    tpu.enqueue_dma source(%dma_start3A_64 : memref<8x128xf32, #tpu.memory_space<hbm>>) target(%dma_start3A_62 : memref<8x128xf32, #tpu.memory_space<vmem>>) target_semaphore(%arg14 : memref<!tpu.dma_semaphore, #tpu.memory_space<semaphore_mem>>)
    %mul3A_65 = arith.constant 2 : i32
    %mul3A_66 = arith.muli %add3A_10, %mul3A_65 : i32
    %add3A_67 = arith.constant 0 : i32
    %add3A_68 = arith.addi %add3A_67, %mul3A_66 : i32
    %add3A_69 = arith.constant 1 : i32
    %add3A_70 = arith.addi %add3A_68, %add3A_69 : i32
    %mul3A_71 = arith.constant 8 : i32
    %mul3A_72 = arith.muli %add3A_70, %mul3A_71 : i32
    %dma_start3A_73 = arith.constant 16 : i32
    %dma_start3A_74 = arith.constant 0 : i32
    %dma_start3A_75 = tpu.memref_slice %arg6[%dma_start3A_73, %dma_start3A_74] : memref<32x129xf32, #tpu.memory_space<vmem>> -> memref<8x128xf32, #tpu.memory_space<vmem>>
    %dma_start3A_76 = arith.constant 0 : i32
    %dma_start3A_77 = tpu.memref_slice %arg3[%mul3A_72, %dma_start3A_76] : memref<400000x128xf32, #tpu.memory_space<hbm>> -> memref<8x128xf32, #tpu.memory_space<hbm>>
    %dma_start3A_78 = arith.constant 16 : i32
    %dma_start3A_79 = arith.constant 0 : i32
    %dma_start3A_80 = tpu.memref_slice %arg6[%dma_start3A_78, %dma_start3A_79] : memref<32x129xf32, #tpu.memory_space<vmem>> -> memref<8x128xf32, #tpu.memory_space<vmem>>
    %dma_start3A_81 = arith.constant 0 : i32
    %dma_start3A_82 = tpu.memref_slice %arg3[%mul3A_72, %dma_start3A_81] : memref<400000x128xf32, #tpu.memory_space<hbm>> -> memref<8x128xf32, #tpu.memory_space<hbm>>
    tpu.enqueue_dma source(%dma_start3A_82 : memref<8x128xf32, #tpu.memory_space<hbm>>) target(%dma_start3A_80 : memref<8x128xf32, #tpu.memory_space<vmem>>) target_semaphore(%arg14 : memref<!tpu.dma_semaphore, #tpu.memory_space<semaphore_mem>>)
    %mul3A_83 = arith.constant 2 : i32
    %mul3A_84 = arith.muli %add3A_10, %mul3A_83 : i32
    %add3A_85 = arith.constant 25000 : i32
    %add3A_86 = arith.addi %add3A_85, %mul3A_84 : i32
    %add3A_87 = arith.constant 1 : i32
    %add3A_88 = arith.addi %add3A_86, %add3A_87 : i32
    %mul3A_89 = arith.constant 8 : i32
    %mul3A_90 = arith.muli %add3A_88, %mul3A_89 : i32
    %dma_start3A_91 = arith.constant 24 : i32
    %dma_start3A_92 = arith.constant 0 : i32
    %dma_start3A_93 = tpu.memref_slice %arg6[%dma_start3A_91, %dma_start3A_92] : memref<32x129xf32, #tpu.memory_space<vmem>> -> memref<8x128xf32, #tpu.memory_space<vmem>>
    %dma_start3A_94 = arith.constant 0 : i32
    %dma_start3A_95 = tpu.memref_slice %arg3[%mul3A_90, %dma_start3A_94] : memref<400000x128xf32, #tpu.memory_space<hbm>> -> memref<8x128xf32, #tpu.memory_space<hbm>>
    %dma_start3A_96 = arith.constant 24 : i32
    %dma_start3A_97 = arith.constant 0 : i32
    %dma_start3A_98 = tpu.memref_slice %arg6[%dma_start3A_96, %dma_start3A_97] : memref<32x129xf32, #tpu.memory_space<vmem>> -> memref<8x128xf32, #tpu.memory_space<vmem>>
    %dma_start3A_99 = arith.constant 0 : i32
    %dma_start3A_100 = tpu.memref_slice %arg3[%mul3A_90, %dma_start3A_99] : memref<400000x128xf32, #tpu.memory_space<hbm>> -> memref<8x128xf32, #tpu.memory_space<hbm>>
    tpu.enqueue_dma source(%dma_start3A_100 : memref<8x128xf32, #tpu.memory_space<hbm>>) target(%dma_start3A_98 : memref<8x128xf32, #tpu.memory_space<vmem>>) target_semaphore(%arg14 : memref<!tpu.dma_semaphore, #tpu.memory_space<semaphore_mem>>)
    %add3A_101 = arith.constant 1 : i32
    %add3A_102 = arith.addi %add3A_10, %add3A_101 : i32
    %mul3A_103 = arith.constant 2 : i32
    %mul3A_104 = arith.muli %add3A_102, %mul3A_103 : i32
    %mul3A_105 = arith.constant 128 : i32
    %mul3A_106 = arith.muli %mul3A_104, %mul3A_105 : i32
    %add3A_107 = arith.constant 3200000 : i32
    %add3A_108 = arith.addi %add3A_107, %mul3A_106 : i32
    %dma_start3A_109 = tpu.memref_slice %arg2[%add3A_108] : memref<6400000xi32, #tpu.memory_space<hbm>> -> memref<256xi32, #tpu.memory_space<hbm>>
    %dma_start3A_110 = tpu.memref_slice %arg2[%add3A_108] : memref<6400000xi32, #tpu.memory_space<hbm>> -> memref<256xi32, #tpu.memory_space<hbm>>
    tpu.enqueue_dma source(%dma_start3A_110 : memref<256xi32, #tpu.memory_space<hbm>>) target(%arg11 : memref<256xi32, #tpu.memory_space<vmem>>) target_semaphore(%arg15 : memref<!tpu.dma_semaphore, #tpu.memory_space<semaphore_mem>>)
    %mul3A_111 = arith.constant 2 : i32
    %mul3A_112 = arith.muli %add3A_102, %mul3A_111 : i32
    %add3A_113 = arith.constant 0 : i32
    %add3A_114 = arith.addi %add3A_113, %mul3A_112 : i32
    %add3A_115 = arith.constant 0 : i32
    %add3A_116 = arith.addi %add3A_114, %add3A_115 : i32
    %mul3A_117 = arith.constant 8 : i32
    %mul3A_118 = arith.muli %add3A_116, %mul3A_117 : i32
    %dma_start3A_119 = arith.constant 0 : i32
    %dma_start3A_120 = arith.constant 0 : i32
    %dma_start3A_121 = tpu.memref_slice %arg7[%dma_start3A_119, %dma_start3A_120] : memref<32x129xf32, #tpu.memory_space<vmem>> -> memref<8x128xf32, #tpu.memory_space<vmem>>
    %dma_start3A_122 = arith.constant 0 : i32
    %dma_start3A_123 = tpu.memref_slice %arg3[%mul3A_118, %dma_start3A_122] : memref<400000x128xf32, #tpu.memory_space<hbm>> -> memref<8x128xf32, #tpu.memory_space<hbm>>
    %dma_start3A_124 = arith.constant 0 : i32
    %dma_start3A_125 = arith.constant 0 : i32
    %dma_start3A_126 = tpu.memref_slice %arg7[%dma_start3A_124, %dma_start3A_125] : memref<32x129xf32, #tpu.memory_space<vmem>> -> memref<8x128xf32, #tpu.memory_space<vmem>>
    %dma_start3A_127 = arith.constant 0 : i32
    %dma_start3A_128 = tpu.memref_slice %arg3[%mul3A_118, %dma_start3A_127] : memref<400000x128xf32, #tpu.memory_space<hbm>> -> memref<8x128xf32, #tpu.memory_space<hbm>>
    tpu.enqueue_dma source(%dma_start3A_128 : memref<8x128xf32, #tpu.memory_space<hbm>>) target(%dma_start3A_126 : memref<8x128xf32, #tpu.memory_space<vmem>>) target_semaphore(%arg15 : memref<!tpu.dma_semaphore, #tpu.memory_space<semaphore_mem>>)
    %mul3A_129 = arith.constant 2 : i32
    %mul3A_130 = arith.muli %add3A_102, %mul3A_129 : i32
    %add3A_131 = arith.constant 25000 : i32
    %add3A_132 = arith.addi %add3A_131, %mul3A_130 : i32
    %add3A_133 = arith.constant 0 : i32
    %add3A_134 = arith.addi %add3A_132, %add3A_133 : i32
    %mul3A_135 = arith.constant 8 : i32
    %mul3A_136 = arith.muli %add3A_134, %mul3A_135 : i32
    %dma_start3A_137 = arith.constant 8 : i32
    %dma_start3A_138 = arith.constant 0 : i32
    %dma_start3A_139 = tpu.memref_slice %arg7[%dma_start3A_137, %dma_start3A_138] : memref<32x129xf32, #tpu.memory_space<vmem>> -> memref<8x128xf32, #tpu.memory_space<vmem>>
    %dma_start3A_140 = arith.constant 0 : i32
    %dma_start3A_141 = tpu.memref_slice %arg3[%mul3A_136, %dma_start3A_140] : memref<400000x128xf32, #tpu.memory_space<hbm>> -> memref<8x128xf32, #tpu.memory_space<hbm>>
    %dma_start3A_142 = arith.constant 8 : i32
    %dma_start3A_143 = arith.constant 0 : i32
    %dma_start3A_144 = tpu.memref_slice %arg7[%dma_start3A_142, %dma_start3A_143] : memref<32x129xf32, #tpu.memory_space<vmem>> -> memref<8x128xf32, #tpu.memory_space<vmem>>
    %dma_start3A_145 = arith.constant 0 : i32
    %dma_start3A_146 = tpu.memref_slice %arg3[%mul3A_136, %dma_start3A_145] : memref<400000x128xf32, #tpu.memory_space<hbm>> -> memref<8x128xf32, #tpu.memory_space<hbm>>
    tpu.enqueue_dma source(%dma_start3A_146 : memref<8x128xf32, #tpu.memory_space<hbm>>) target(%dma_start3A_144 : memref<8x128xf32, #tpu.memory_space<vmem>>) target_semaphore(%arg15 : memref<!tpu.dma_semaphore, #tpu.memory_space<semaphore_mem>>)
    %mul3A_147 = arith.constant 2 : i32
    %mul3A_148 = arith.muli %add3A_102, %mul3A_147 : i32
    %add3A_149 = arith.constant 0 : i32
    %add3A_150 = arith.addi %add3A_149, %mul3A_148 : i32
    %add3A_151 = arith.constant 1 : i32
    %add3A_152 = arith.addi %add3A_150, %add3A_151 : i32
    %mul3A_153 = arith.constant 8 : i32
    %mul3A_154 = arith.muli %add3A_152, %mul3A_153 : i32
    %dma_start3A_155 = arith.constant 16 : i32
    %dma_start3A_156 = arith.constant 0 : i32
    %dma_start3A_157 = tpu.memref_slice %arg7[%dma_start3A_155, %dma_start3A_156] : memref<32x129xf32, #tpu.memory_space<vmem>> -> memref<8x128xf32, #tpu.memory_space<vmem>>
    %dma_start3A_158 = arith.constant 0 : i32
    %dma_start3A_159 = tpu.memref_slice %arg3[%mul3A_154, %dma_start3A_158] : memref<400000x128xf32, #tpu.memory_space<hbm>> -> memref<8x128xf32, #tpu.memory_space<hbm>>
    %dma_start3A_160 = arith.constant 16 : i32
    %dma_start3A_161 = arith.constant 0 : i32
    %dma_start3A_162 = tpu.memref_slice %arg7[%dma_start3A_160, %dma_start3A_161] : memref<32x129xf32, #tpu.memory_space<vmem>> -> memref<8x128xf32, #tpu.memory_space<vmem>>
    %dma_start3A_163 = arith.constant 0 : i32
    %dma_start3A_164 = tpu.memref_slice %arg3[%mul3A_154, %dma_start3A_163] : memref<400000x128xf32, #tpu.memory_space<hbm>> -> memref<8x128xf32, #tpu.memory_space<hbm>>
    tpu.enqueue_dma source(%dma_start3A_164 : memref<8x128xf32, #tpu.memory_space<hbm>>) target(%dma_start3A_162 : memref<8x128xf32, #tpu.memory_space<vmem>>) target_semaphore(%arg15 : memref<!tpu.dma_semaphore, #tpu.memory_space<semaphore_mem>>)
    %mul3A_165 = arith.constant 2 : i32
    %mul3A_166 = arith.muli %add3A_102, %mul3A_165 : i32
    %add3A_167 = arith.constant 25000 : i32
    %add3A_168 = arith.addi %add3A_167, %mul3A_166 : i32
    %add3A_169 = arith.constant 1 : i32
    %add3A_170 = arith.addi %add3A_168, %add3A_169 : i32
    %mul3A_171 = arith.constant 8 : i32
    %mul3A_172 = arith.muli %add3A_170, %mul3A_171 : i32
    %dma_start3A_173 = arith.constant 24 : i32
    %dma_start3A_174 = arith.constant 0 : i32
    %dma_start3A_175 = tpu.memref_slice %arg7[%dma_start3A_173, %dma_start3A_174] : memref<32x129xf32, #tpu.memory_space<vmem>> -> memref<8x128xf32, #tpu.memory_space<vmem>>
    %dma_start3A_176 = arith.constant 0 : i32
    %dma_start3A_177 = tpu.memref_slice %arg3[%mul3A_172, %dma_start3A_176] : memref<400000x128xf32, #tpu.memory_space<hbm>> -> memref<8x128xf32, #tpu.memory_space<hbm>>
    %dma_start3A_178 = arith.constant 24 : i32
    %dma_start3A_179 = arith.constant 0 : i32
    %dma_start3A_180 = tpu.memref_slice %arg7[%dma_start3A_178, %dma_start3A_179] : memref<32x129xf32, #tpu.memory_space<vmem>> -> memref<8x128xf32, #tpu.memory_space<vmem>>
    %dma_start3A_181 = arith.constant 0 : i32
    %dma_start3A_182 = tpu.memref_slice %arg3[%mul3A_172, %dma_start3A_181] : memref<400000x128xf32, #tpu.memory_space<hbm>> -> memref<8x128xf32, #tpu.memory_space<hbm>>
    tpu.enqueue_dma source(%dma_start3A_182 : memref<8x128xf32, #tpu.memory_space<hbm>>) target(%dma_start3A_180 : memref<8x128xf32, #tpu.memory_space<vmem>>) target_semaphore(%arg15 : memref<!tpu.dma_semaphore, #tpu.memory_space<semaphore_mem>>)
    %add3A_183 = arith.constant 3 : i32
    %add3A_184 = arith.addi %add3A_12, %add3A_183 : i32
    %jit3A_185 = arith.constant 2 : i32
    %div3A = arith.divsi %add3A_184, %jit3A_185 : i32
    %sign3A = arith.constant 0 : i32
    %sign3A_186 = arith.cmpi sgt, %add3A_184, %sign3A : i32
    %sign3A_187 = arith.extui %sign3A_186 : i1 to i32
    %sign3A_188 = arith.constant 0 : i32
    %sign3A_189 = arith.cmpi slt, %add3A_184, %sign3A_188 : i32
    %sign3A_190 = arith.extui %sign3A_189 : i1 to i32
    %sign3A_191 = arith.subi %sign3A_187, %sign3A_190 : i32
    %sign3A_192 = arith.constant 0 : i32
    %sign3A_193 = arith.cmpi sgt, %jit3A_185, %sign3A_192 : i32
    %sign3A_194 = arith.extui %sign3A_193 : i1 to i32
    %sign3A_195 = arith.constant 0 : i32
    %sign3A_196 = arith.cmpi slt, %jit3A_185, %sign3A_195 : i32
    %sign3A_197 = arith.extui %sign3A_196 : i1 to i32
    %sign3A_198 = arith.subi %sign3A_194, %sign3A_197 : i32
    %ne3A = arith.cmpi ne, %sign3A_191, %sign3A_198 : i32
    %rem3A = arith.remsi %add3A_184, %jit3A_185 : i32
    %ne3A_199 = arith.constant 0 : i32
    %ne3A_200 = arith.cmpi ne, %rem3A, %ne3A_199 : i32
    %and3A = arith.andi %ne3A, %ne3A_200 : i1
    %sub3A = arith.constant 1 : i32
    %sub3A_201 = arith.subi %div3A, %sub3A : i32
    %select_n3A_202 = arith.select %and3A, %sub3A_201, %div3A : i32
    %while3A = arith.constant 0 : i32
    %while3A_203 = arith.constant 0 : i32
    %while3A_204 = arith.subi %select_n3A_202, %while3A : i32
    %while3A_205 = arith.addi %while3A, %while3A_204 : i32
    %while3A_206 = arith.constant 1 : i32
    %while3A_207 = arith.divsi %while3A_204, %while3A_206 : i32
    %while3A_208 = arith.muli %while3A_207, %while3A_206 : i32
    %while3A_209 = arith.addi %while3A, %while3A_208 : i32
    %while3A_210 = arith.constant 1 : i32
    %while3A_211 = scf.for %while3A_218 = %while3A to %while3A_209 step %while3A_210 iter_args(%while3A_219 = %while3A_203) -> (i32)  : i32 {
      %mul3A_220 = arith.constant 2 : i32
      %mul3A_221 = arith.muli %mul3A_220, %while3A_218 : i32
      %add3A_222 = arith.constant 0 : i32
      %add3A_223 = arith.addi %mul3A_221, %add3A_222 : i32
      %add3A_224 = arith.addi %add3A_10, %add3A_223 : i32
      %ge3A = arith.constant 2 : i32
      %ge3A_225 = arith.cmpi sge, %add3A_223, %ge3A : i32
      %add3A_226 = arith.constant 2 : i32
      %add3A_227 = arith.addi %add3A_12, %add3A_226 : i32
      %lt3A_228 = arith.cmpi slt, %add3A_223, %add3A_227 : i32
      %and3A_229 = arith.andi %ge3A_225, %lt3A_228 : i1
      %convert_element_type3A = arith.extui %and3A_229 : i1 to i32
      %cond3A = arith.constant 0 : i32
      %cond3A_230 = arith.cmpi ne, %convert_element_type3A, %cond3A : i32
      scf.if %cond3A_230 {
        %dma_wait3A = arith.constant 0 : i32
        %dma_wait3A_266 = arith.constant 0 : i32
        %dma_wait3A_267 = arith.constant 0 : i32
        %dma_wait3A_268 = tpu.memref_slice %arg8[%dma_wait3A_266, %dma_wait3A_267] : memref<256x16xf32, #tpu.memory_space<vmem>> -> memref<128x16xf32, #tpu.memory_space<vmem>>
        %dma_wait3A_269 = arith.constant 0 : i32
        %dma_wait3A_270 = tpu.memref_slice %arg12[%dma_wait3A, %dma_wait3A_269] : memref<2x128xi32, #tpu.memory_space<vmem>> -> memref<1x128xi32, #tpu.memory_space<vmem>>
        %dma_wait3A_271 = tpu.memref_squeeze %dma_wait3A_270 : memref<1x128xi32, #tpu.memory_space<vmem>> -> memref<128xi32, #tpu.memory_space<vmem>>
        %dma_wait3A_272 = arith.constant 0 : i32
        %dma_wait3A_273 = arith.constant 0 : i32
        %dma_wait3A_274 = tpu.memref_slice %arg18[%dma_wait3A_272, %dma_wait3A_273] : memref<100000x16xf32, #tpu.memory_space<vmem_shared>> -> memref<100000x16xf32, #tpu.memory_space<vmem_shared>>
        tpu.wait_indirect_dma semaphore(%arg16 : memref<!tpu.dma_semaphore, #tpu.memory_space<semaphore_mem>>) src(%dma_wait3A_268 : memref<128x16xf32, #tpu.memory_space<vmem>>) dst(%dma_wait3A_274 : memref<100000x16xf32, #tpu.memory_space<vmem_shared>>)
        %dma_wait3A_275 = arith.constant 1 : i32
        %dma_wait3A_276 = arith.constant 128 : i32
        %dma_wait3A_277 = arith.constant 0 : i32
        %dma_wait3A_278 = tpu.memref_slice %arg8[%dma_wait3A_276, %dma_wait3A_277] : memref<256x16xf32, #tpu.memory_space<vmem>> -> memref<128x16xf32, #tpu.memory_space<vmem>>
        %dma_wait3A_279 = arith.constant 0 : i32
        %dma_wait3A_280 = tpu.memref_slice %arg12[%dma_wait3A_275, %dma_wait3A_279] : memref<2x128xi32, #tpu.memory_space<vmem>> -> memref<1x128xi32, #tpu.memory_space<vmem>>
        %dma_wait3A_281 = tpu.memref_squeeze %dma_wait3A_280 : memref<1x128xi32, #tpu.memory_space<vmem>> -> memref<128xi32, #tpu.memory_space<vmem>>
        %dma_wait3A_282 = arith.constant 0 : i32
        %dma_wait3A_283 = arith.constant 0 : i32
        %dma_wait3A_284 = tpu.memref_slice %arg18[%dma_wait3A_282, %dma_wait3A_283] : memref<100000x16xf32, #tpu.memory_space<vmem_shared>> -> memref<100000x16xf32, #tpu.memory_space<vmem_shared>>
        tpu.wait_indirect_dma semaphore(%arg16 : memref<!tpu.dma_semaphore, #tpu.memory_space<semaphore_mem>>) src(%dma_wait3A_278 : memref<128x16xf32, #tpu.memory_space<vmem>>) dst(%dma_wait3A_284 : memref<100000x16xf32, #tpu.memory_space<vmem_shared>>)
      } else {
      }
      %lt3A_231 = arith.cmpi slt, %add3A_223, %add3A_12 : i32
      %convert_element_type3A_232 = arith.extui %lt3A_231 : i1 to i32
      %cond3A_233 = arith.constant 0 : i32
      %cond3A_234 = arith.cmpi ne, %convert_element_type3A_232, %cond3A_233 : i32
      scf.if %cond3A_234 {
        %mul3A_266 = arith.constant 2 : i32
        %mul3A_267 = arith.muli %add3A_224, %mul3A_266 : i32
        %mul3A_268 = arith.constant 128 : i32
        %mul3A_269 = arith.muli %mul3A_267, %mul3A_268 : i32
        %add3A_270 = arith.constant 3200000 : i32
        %add3A_271 = arith.addi %add3A_270, %mul3A_269 : i32
        %dma_wait3A = tpu.memref_slice %arg2[%add3A_271] : memref<6400000xi32, #tpu.memory_space<hbm>> -> memref<256xi32, #tpu.memory_space<hbm>>
        %dma_wait3A_272 = tpu.memref_slice %arg2[%add3A_271] : memref<6400000xi32, #tpu.memory_space<hbm>> -> memref<256xi32, #tpu.memory_space<hbm>>
        tpu.wait_dma2 semaphore(%arg14 : memref<!tpu.dma_semaphore, #tpu.memory_space<semaphore_mem>>) src(%dma_wait3A_272 : memref<256xi32, #tpu.memory_space<hbm>>) dst(%arg10 : memref<256xi32, #tpu.memory_space<vmem>>)
        %mul3A_273 = arith.constant 2 : i32
        %mul3A_274 = arith.muli %add3A_224, %mul3A_273 : i32
        %add3A_275 = arith.constant 0 : i32
        %add3A_276 = arith.addi %add3A_275, %mul3A_274 : i32
        %add3A_277 = arith.constant 0 : i32
        %add3A_278 = arith.addi %add3A_276, %add3A_277 : i32
        %mul3A_279 = arith.constant 8 : i32
        %mul3A_280 = arith.muli %add3A_278, %mul3A_279 : i32
        %dma_wait3A_281 = arith.constant 0 : i32
        %dma_wait3A_282 = arith.constant 0 : i32
        %dma_wait3A_283 = tpu.memref_slice %arg6[%dma_wait3A_281, %dma_wait3A_282] : memref<32x129xf32, #tpu.memory_space<vmem>> -> memref<8x128xf32, #tpu.memory_space<vmem>>
        %dma_wait3A_284 = arith.constant 0 : i32
        %dma_wait3A_285 = tpu.memref_slice %arg3[%mul3A_280, %dma_wait3A_284] : memref<400000x128xf32, #tpu.memory_space<hbm>> -> memref<8x128xf32, #tpu.memory_space<hbm>>
        %dma_wait3A_286 = arith.constant 0 : i32
        %dma_wait3A_287 = arith.constant 0 : i32
        %dma_wait3A_288 = tpu.memref_slice %arg6[%dma_wait3A_286, %dma_wait3A_287] : memref<32x129xf32, #tpu.memory_space<vmem>> -> memref<8x128xf32, #tpu.memory_space<vmem>>
        %dma_wait3A_289 = arith.constant 0 : i32
        %dma_wait3A_290 = tpu.memref_slice %arg3[%mul3A_280, %dma_wait3A_289] : memref<400000x128xf32, #tpu.memory_space<hbm>> -> memref<8x128xf32, #tpu.memory_space<hbm>>
        tpu.wait_dma2 semaphore(%arg14 : memref<!tpu.dma_semaphore, #tpu.memory_space<semaphore_mem>>) src(%dma_wait3A_290 : memref<8x128xf32, #tpu.memory_space<hbm>>) dst(%dma_wait3A_288 : memref<8x128xf32, #tpu.memory_space<vmem>>)
        %mul3A_291 = arith.constant 2 : i32
        %mul3A_292 = arith.muli %add3A_224, %mul3A_291 : i32
        %add3A_293 = arith.constant 25000 : i32
        %add3A_294 = arith.addi %add3A_293, %mul3A_292 : i32
        %add3A_295 = arith.constant 0 : i32
        %add3A_296 = arith.addi %add3A_294, %add3A_295 : i32
        %mul3A_297 = arith.constant 8 : i32
        %mul3A_298 = arith.muli %add3A_296, %mul3A_297 : i32
        %dma_wait3A_299 = arith.constant 8 : i32
        %dma_wait3A_300 = arith.constant 0 : i32
        %dma_wait3A_301 = tpu.memref_slice %arg6[%dma_wait3A_299, %dma_wait3A_300] : memref<32x129xf32, #tpu.memory_space<vmem>> -> memref<8x128xf32, #tpu.memory_space<vmem>>
        %dma_wait3A_302 = arith.constant 0 : i32
        %dma_wait3A_303 = tpu.memref_slice %arg3[%mul3A_298, %dma_wait3A_302] : memref<400000x128xf32, #tpu.memory_space<hbm>> -> memref<8x128xf32, #tpu.memory_space<hbm>>
        %dma_wait3A_304 = arith.constant 8 : i32
        %dma_wait3A_305 = arith.constant 0 : i32
        %dma_wait3A_306 = tpu.memref_slice %arg6[%dma_wait3A_304, %dma_wait3A_305] : memref<32x129xf32, #tpu.memory_space<vmem>> -> memref<8x128xf32, #tpu.memory_space<vmem>>
        %dma_wait3A_307 = arith.constant 0 : i32
        %dma_wait3A_308 = tpu.memref_slice %arg3[%mul3A_298, %dma_wait3A_307] : memref<400000x128xf32, #tpu.memory_space<hbm>> -> memref<8x128xf32, #tpu.memory_space<hbm>>
        tpu.wait_dma2 semaphore(%arg14 : memref<!tpu.dma_semaphore, #tpu.memory_space<semaphore_mem>>) src(%dma_wait3A_308 : memref<8x128xf32, #tpu.memory_space<hbm>>) dst(%dma_wait3A_306 : memref<8x128xf32, #tpu.memory_space<vmem>>)
        %mul3A_309 = arith.constant 2 : i32
        %mul3A_310 = arith.muli %add3A_224, %mul3A_309 : i32
        %add3A_311 = arith.constant 0 : i32
        %add3A_312 = arith.addi %add3A_311, %mul3A_310 : i32
        %add3A_313 = arith.constant 1 : i32
        %add3A_314 = arith.addi %add3A_312, %add3A_313 : i32
        %mul3A_315 = arith.constant 8 : i32
        %mul3A_316 = arith.muli %add3A_314, %mul3A_315 : i32
        %dma_wait3A_317 = arith.constant 16 : i32
        %dma_wait3A_318 = arith.constant 0 : i32
        %dma_wait3A_319 = tpu.memref_slice %arg6[%dma_wait3A_317, %dma_wait3A_318] : memref<32x129xf32, #tpu.memory_space<vmem>> -> memref<8x128xf32, #tpu.memory_space<vmem>>
        %dma_wait3A_320 = arith.constant 0 : i32
        %dma_wait3A_321 = tpu.memref_slice %arg3[%mul3A_316, %dma_wait3A_320] : memref<400000x128xf32, #tpu.memory_space<hbm>> -> memref<8x128xf32, #tpu.memory_space<hbm>>
        %dma_wait3A_322 = arith.constant 16 : i32
        %dma_wait3A_323 = arith.constant 0 : i32
        %dma_wait3A_324 = tpu.memref_slice %arg6[%dma_wait3A_322, %dma_wait3A_323] : memref<32x129xf32, #tpu.memory_space<vmem>> -> memref<8x128xf32, #tpu.memory_space<vmem>>
        %dma_wait3A_325 = arith.constant 0 : i32
        %dma_wait3A_326 = tpu.memref_slice %arg3[%mul3A_316, %dma_wait3A_325] : memref<400000x128xf32, #tpu.memory_space<hbm>> -> memref<8x128xf32, #tpu.memory_space<hbm>>
        tpu.wait_dma2 semaphore(%arg14 : memref<!tpu.dma_semaphore, #tpu.memory_space<semaphore_mem>>) src(%dma_wait3A_326 : memref<8x128xf32, #tpu.memory_space<hbm>>) dst(%dma_wait3A_324 : memref<8x128xf32, #tpu.memory_space<vmem>>)
        %mul3A_327 = arith.constant 2 : i32
        %mul3A_328 = arith.muli %add3A_224, %mul3A_327 : i32
        %add3A_329 = arith.constant 25000 : i32
        %add3A_330 = arith.addi %add3A_329, %mul3A_328 : i32
        %add3A_331 = arith.constant 1 : i32
        %add3A_332 = arith.addi %add3A_330, %add3A_331 : i32
        %mul3A_333 = arith.constant 8 : i32
        %mul3A_334 = arith.muli %add3A_332, %mul3A_333 : i32
        %dma_wait3A_335 = arith.constant 24 : i32
        %dma_wait3A_336 = arith.constant 0 : i32
        %dma_wait3A_337 = tpu.memref_slice %arg6[%dma_wait3A_335, %dma_wait3A_336] : memref<32x129xf32, #tpu.memory_space<vmem>> -> memref<8x128xf32, #tpu.memory_space<vmem>>
        %dma_wait3A_338 = arith.constant 0 : i32
        %dma_wait3A_339 = tpu.memref_slice %arg3[%mul3A_334, %dma_wait3A_338] : memref<400000x128xf32, #tpu.memory_space<hbm>> -> memref<8x128xf32, #tpu.memory_space<hbm>>
        %dma_wait3A_340 = arith.constant 24 : i32
        %dma_wait3A_341 = arith.constant 0 : i32
        %dma_wait3A_342 = tpu.memref_slice %arg6[%dma_wait3A_340, %dma_wait3A_341] : memref<32x129xf32, #tpu.memory_space<vmem>> -> memref<8x128xf32, #tpu.memory_space<vmem>>
        %dma_wait3A_343 = arith.constant 0 : i32
        %dma_wait3A_344 = tpu.memref_slice %arg3[%mul3A_334, %dma_wait3A_343] : memref<400000x128xf32, #tpu.memory_space<hbm>> -> memref<8x128xf32, #tpu.memory_space<hbm>>
        tpu.wait_dma2 semaphore(%arg14 : memref<!tpu.dma_semaphore, #tpu.memory_space<semaphore_mem>>) src(%dma_wait3A_344 : memref<8x128xf32, #tpu.memory_space<hbm>>) dst(%dma_wait3A_342 : memref<8x128xf32, #tpu.memory_space<vmem>>)
        %get3A = arith.constant 0 : index
        %get3A_345 = tpu.vector_load %arg10[%get3A] {strides = array<i32>} : memref<256xi32, #tpu.memory_space<vmem>>, vector<16xi32>,
        %swap3A = arith.constant 0 : i32
        %swap3A_346 = arith.index_cast %swap3A : i32 to index
        %swap3A_347 = arith.constant 0 : index
        %swap3A_348 = tpu.vector_load %arg12[%swap3A_346, %swap3A_347] {strides = array<i32>} : memref<2x128xi32, #tpu.memory_space<vmem>>, vector<16xi32>,
        tpu.vector_store %arg12[%swap3A_346, %swap3A_347], %get3A_345 {strides = array<i32>} : memref<2x128xi32, #tpu.memory_space<vmem>>, vector<16xi32>,
        %get3A_349 = arith.constant 16 : index
        %get3A_350 = tpu.vector_load %arg10[%get3A_349] {strides = array<i32>} : memref<256xi32, #tpu.memory_space<vmem>>, vector<16xi32>,
        %swap3A_351 = arith.constant 0 : i32
        %swap3A_352 = arith.index_cast %swap3A_351 : i32 to index
        %swap3A_353 = arith.constant 16 : index
        %swap3A_354 = tpu.vector_load %arg12[%swap3A_352, %swap3A_353] {strides = array<i32>} : memref<2x128xi32, #tpu.memory_space<vmem>>, vector<16xi32>,
        tpu.vector_store %arg12[%swap3A_352, %swap3A_353], %get3A_350 {strides = array<i32>} : memref<2x128xi32, #tpu.memory_space<vmem>>, vector<16xi32>,
        %get3A_355 = arith.constant 32 : index
        %get3A_356 = tpu.vector_load %arg10[%get3A_355] {strides = array<i32>} : memref<256xi32, #tpu.memory_space<vmem>>, vector<16xi32>,
        %swap3A_357 = arith.constant 0 : i32
        %swap3A_358 = arith.index_cast %swap3A_357 : i32 to index
        %swap3A_359 = arith.constant 32 : index
        %swap3A_360 = tpu.vector_load %arg12[%swap3A_358, %swap3A_359] {strides = array<i32>} : memref<2x128xi32, #tpu.memory_space<vmem>>, vector<16xi32>,
        tpu.vector_store %arg12[%swap3A_358, %swap3A_359], %get3A_356 {strides = array<i32>} : memref<2x128xi32, #tpu.memory_space<vmem>>, vector<16xi32>,
        %get3A_361 = arith.constant 48 : index
        %get3A_362 = tpu.vector_load %arg10[%get3A_361] {strides = array<i32>} : memref<256xi32, #tpu.memory_space<vmem>>, vector<16xi32>,
        %swap3A_363 = arith.constant 0 : i32
        %swap3A_364 = arith.index_cast %swap3A_363 : i32 to index
        %swap3A_365 = arith.constant 48 : index
        %swap3A_366 = tpu.vector_load %arg12[%swap3A_364, %swap3A_365] {strides = array<i32>} : memref<2x128xi32, #tpu.memory_space<vmem>>, vector<16xi32>,
        tpu.vector_store %arg12[%swap3A_364, %swap3A_365], %get3A_362 {strides = array<i32>} : memref<2x128xi32, #tpu.memory_space<vmem>>, vector<16xi32>,
        %get3A_367 = arith.constant 64 : index
        %get3A_368 = tpu.vector_load %arg10[%get3A_367] {strides = array<i32>} : memref<256xi32, #tpu.memory_space<vmem>>, vector<16xi32>,
        %swap3A_369 = arith.constant 0 : i32
        %swap3A_370 = arith.index_cast %swap3A_369 : i32 to index
        %swap3A_371 = arith.constant 64 : index
        %swap3A_372 = tpu.vector_load %arg12[%swap3A_370, %swap3A_371] {strides = array<i32>} : memref<2x128xi32, #tpu.memory_space<vmem>>, vector<16xi32>,
        tpu.vector_store %arg12[%swap3A_370, %swap3A_371], %get3A_368 {strides = array<i32>} : memref<2x128xi32, #tpu.memory_space<vmem>>, vector<16xi32>,
        %get3A_373 = arith.constant 80 : index
        %get3A_374 = tpu.vector_load %arg10[%get3A_373] {strides = array<i32>} : memref<256xi32, #tpu.memory_space<vmem>>, vector<16xi32>,
        %swap3A_375 = arith.constant 0 : i32
        %swap3A_376 = arith.index_cast %swap3A_375 : i32 to index
        %swap3A_377 = arith.constant 80 : index
        %swap3A_378 = tpu.vector_load %arg12[%swap3A_376, %swap3A_377] {strides = array<i32>} : memref<2x128xi32, #tpu.memory_space<vmem>>, vector<16xi32>,
        tpu.vector_store %arg12[%swap3A_376, %swap3A_377], %get3A_374 {strides = array<i32>} : memref<2x128xi32, #tpu.memory_space<vmem>>, vector<16xi32>,
        %get3A_379 = arith.constant 96 : index
        %get3A_380 = tpu.vector_load %arg10[%get3A_379] {strides = array<i32>} : memref<256xi32, #tpu.memory_space<vmem>>, vector<16xi32>,
        %swap3A_381 = arith.constant 0 : i32
        %swap3A_382 = arith.index_cast %swap3A_381 : i32 to index
        %swap3A_383 = arith.constant 96 : index
        %swap3A_384 = tpu.vector_load %arg12[%swap3A_382, %swap3A_383] {strides = array<i32>} : memref<2x128xi32, #tpu.memory_space<vmem>>, vector<16xi32>,
        tpu.vector_store %arg12[%swap3A_382, %swap3A_383], %get3A_380 {strides = array<i32>} : memref<2x128xi32, #tpu.memory_space<vmem>>, vector<16xi32>,
        %get3A_385 = arith.constant 112 : index
        %get3A_386 = tpu.vector_load %arg10[%get3A_385] {strides = array<i32>} : memref<256xi32, #tpu.memory_space<vmem>>, vector<16xi32>,
        %swap3A_387 = arith.constant 0 : i32
        %swap3A_388 = arith.index_cast %swap3A_387 : i32 to index
        %swap3A_389 = arith.constant 112 : index
        %swap3A_390 = tpu.vector_load %arg12[%swap3A_388, %swap3A_389] {strides = array<i32>} : memref<2x128xi32, #tpu.memory_space<vmem>>, vector<16xi32>,
        tpu.vector_store %arg12[%swap3A_388, %swap3A_389], %get3A_386 {strides = array<i32>} : memref<2x128xi32, #tpu.memory_space<vmem>>, vector<16xi32>,
        %get3A_391 = arith.constant 128 : index
        %get3A_392 = tpu.vector_load %arg10[%get3A_391] {strides = array<i32>} : memref<256xi32, #tpu.memory_space<vmem>>, vector<16xi32>,
        %swap3A_393 = arith.constant 1 : i32
        %swap3A_394 = arith.index_cast %swap3A_393 : i32 to index
        %swap3A_395 = arith.constant 0 : index
        %swap3A_396 = tpu.vector_load %arg12[%swap3A_394, %swap3A_395] {strides = array<i32>} : memref<2x128xi32, #tpu.memory_space<vmem>>, vector<16xi32>,
        tpu.vector_store %arg12[%swap3A_394, %swap3A_395], %get3A_392 {strides = array<i32>} : memref<2x128xi32, #tpu.memory_space<vmem>>, vector<16xi32>,
        %get3A_397 = arith.constant 144 : index
        %get3A_398 = tpu.vector_load %arg10[%get3A_397] {strides = array<i32>} : memref<256xi32, #tpu.memory_space<vmem>>, vector<16xi32>,
        %swap3A_399 = arith.constant 1 : i32
        %swap3A_400 = arith.index_cast %swap3A_399 : i32 to index
        %swap3A_401 = arith.constant 16 : index
        %swap3A_402 = tpu.vector_load %arg12[%swap3A_400, %swap3A_401] {strides = array<i32>} : memref<2x128xi32, #tpu.memory_space<vmem>>, vector<16xi32>,
        tpu.vector_store %arg12[%swap3A_400, %swap3A_401], %get3A_398 {strides = array<i32>} : memref<2x128xi32, #tpu.memory_space<vmem>>, vector<16xi32>,
        %get3A_403 = arith.constant 160 : index
        %get3A_404 = tpu.vector_load %arg10[%get3A_403] {strides = array<i32>} : memref<256xi32, #tpu.memory_space<vmem>>, vector<16xi32>,
        %swap3A_405 = arith.constant 1 : i32
        %swap3A_406 = arith.index_cast %swap3A_405 : i32 to index
        %swap3A_407 = arith.constant 32 : index
        %swap3A_408 = tpu.vector_load %arg12[%swap3A_406, %swap3A_407] {strides = array<i32>} : memref<2x128xi32, #tpu.memory_space<vmem>>, vector<16xi32>,
        tpu.vector_store %arg12[%swap3A_406, %swap3A_407], %get3A_404 {strides = array<i32>} : memref<2x128xi32, #tpu.memory_space<vmem>>, vector<16xi32>,
        %get3A_409 = arith.constant 176 : index
        %get3A_410 = tpu.vector_load %arg10[%get3A_409] {strides = array<i32>} : memref<256xi32, #tpu.memory_space<vmem>>, vector<16xi32>,
        %swap3A_411 = arith.constant 1 : i32
        %swap3A_412 = arith.index_cast %swap3A_411 : i32 to index
        %swap3A_413 = arith.constant 48 : index
        %swap3A_414 = tpu.vector_load %arg12[%swap3A_412, %swap3A_413] {strides = array<i32>} : memref<2x128xi32, #tpu.memory_space<vmem>>, vector<16xi32>,
        tpu.vector_store %arg12[%swap3A_412, %swap3A_413], %get3A_410 {strides = array<i32>} : memref<2x128xi32, #tpu.memory_space<vmem>>, vector<16xi32>,
        %get3A_415 = arith.constant 192 : index
        %get3A_416 = tpu.vector_load %arg10[%get3A_415] {strides = array<i32>} : memref<256xi32, #tpu.memory_space<vmem>>, vector<16xi32>,
        %swap3A_417 = arith.constant 1 : i32
        %swap3A_418 = arith.index_cast %swap3A_417 : i32 to index
        %swap3A_419 = arith.constant 64 : index
        %swap3A_420 = tpu.vector_load %arg12[%swap3A_418, %swap3A_419] {strides = array<i32>} : memref<2x128xi32, #tpu.memory_space<vmem>>, vector<16xi32>,
        tpu.vector_store %arg12[%swap3A_418, %swap3A_419], %get3A_416 {strides = array<i32>} : memref<2x128xi32, #tpu.memory_space<vmem>>, vector<16xi32>,
        %get3A_421 = arith.constant 208 : index
        %get3A_422 = tpu.vector_load %arg10[%get3A_421] {strides = array<i32>} : memref<256xi32, #tpu.memory_space<vmem>>, vector<16xi32>,
        %swap3A_423 = arith.constant 1 : i32
        %swap3A_424 = arith.index_cast %swap3A_423 : i32 to index
        %swap3A_425 = arith.constant 80 : index
        %swap3A_426 = tpu.vector_load %arg12[%swap3A_424, %swap3A_425] {strides = array<i32>} : memref<2x128xi32, #tpu.memory_space<vmem>>, vector<16xi32>,
        tpu.vector_store %arg12[%swap3A_424, %swap3A_425], %get3A_422 {strides = array<i32>} : memref<2x128xi32, #tpu.memory_space<vmem>>, vector<16xi32>,
        %get3A_427 = arith.constant 224 : index
        %get3A_428 = tpu.vector_load %arg10[%get3A_427] {strides = array<i32>} : memref<256xi32, #tpu.memory_space<vmem>>, vector<16xi32>,
        %swap3A_429 = arith.constant 1 : i32
        %swap3A_430 = arith.index_cast %swap3A_429 : i32 to index
        %swap3A_431 = arith.constant 96 : index
        %swap3A_432 = tpu.vector_load %arg12[%swap3A_430, %swap3A_431] {strides = array<i32>} : memref<2x128xi32, #tpu.memory_space<vmem>>, vector<16xi32>,
        tpu.vector_store %arg12[%swap3A_430, %swap3A_431], %get3A_428 {strides = array<i32>} : memref<2x128xi32, #tpu.memory_space<vmem>>, vector<16xi32>,
        %get3A_433 = arith.constant 240 : index
        %get3A_434 = tpu.vector_load %arg10[%get3A_433] {strides = array<i32>} : memref<256xi32, #tpu.memory_space<vmem>>, vector<16xi32>,
        %swap3A_435 = arith.constant 1 : i32
        %swap3A_436 = arith.index_cast %swap3A_435 : i32 to index
        %swap3A_437 = arith.constant 112 : index
        %swap3A_438 = tpu.vector_load %arg12[%swap3A_436, %swap3A_437] {strides = array<i32>} : memref<2x128xi32, #tpu.memory_space<vmem>>, vector<16xi32>,
        tpu.vector_store %arg12[%swap3A_436, %swap3A_437], %get3A_434 {strides = array<i32>} : memref<2x128xi32, #tpu.memory_space<vmem>>, vector<16xi32>,
        %parallel_loop3A = arith.constant 0 : i32
        %parallel_loop3A_439 = arith.constant 128 : i32
        %parallel_loop3A_440 = arith.constant 8 : i32
        %parallel_loop3A_441 = scf.for %parallel_loop3A_462 = %parallel_loop3A to %parallel_loop3A_439 step %parallel_loop3A_440 iter_args(%parallel_loop3A_463 = %mul3A_21) -> (vector<16xi32>)  : i32 {
          %parallel_loop3A_464 = arith.constant 0 : i32
          %parallel_loop3A_465 = vector.broadcast %parallel_loop3A_464 : i32 to vector<16xi32>
          %parallel_loop3A_466 = arith.addi %parallel_loop3A_463, %parallel_loop3A_465 : vector<16xi32>
          %parallel_loop3A_467 = tpu.vector_load_idx %arg6[%add3A_15, %parallel_loop3A_466] : memref<32x129xf32, #tpu.memory_space<vmem>>[vector<16xi32>, vector<16xi32>], vector<16xf32>,
          %parallel_loop3A_468 = arith.constant 0 : i32
          %parallel_loop3A_469 = arith.addi %parallel_loop3A_468, %parallel_loop3A_462 : i32
          %parallel_loop3A_470 = arith.constant 0 : i32
          %parallel_loop3A_471 = arith.addi %parallel_loop3A_469, %parallel_loop3A_470 : i32
          %parallel_loop3A_472 = arith.index_cast %parallel_loop3A_471 : i32 to index
          %parallel_loop3A_473 = arith.constant 0 : index
          %parallel_loop3A_474 = tpu.vector_load %arg8[%parallel_loop3A_472, %parallel_loop3A_473] {strides = array<i32>} : memref<256x16xf32, #tpu.memory_space<vmem>>, vector<16xf32>,
          tpu.vector_store %arg8[%parallel_loop3A_472, %parallel_loop3A_473], %parallel_loop3A_467 {strides = array<i32>} : memref<256x16xf32, #tpu.memory_space<vmem>>, vector<16xf32>,
          %parallel_loop3A_475 = arith.constant 0 : i32
          %parallel_loop3A_476 = vector.broadcast %parallel_loop3A_475 : i32 to vector<16xi32>
          %parallel_loop3A_477 = arith.addi %parallel_loop3A_463, %parallel_loop3A_476 : vector<16xi32>
          %parallel_loop3A_478 = tpu.vector_load_idx %arg6[%add3A_18, %parallel_loop3A_477] : memref<32x129xf32, #tpu.memory_space<vmem>>[vector<16xi32>, vector<16xi32>], vector<16xf32>,
          %parallel_loop3A_479 = arith.constant 128 : i32
          %parallel_loop3A_480 = arith.addi %parallel_loop3A_479, %parallel_loop3A_462 : i32
          %parallel_loop3A_481 = arith.constant 0 : i32
          %parallel_loop3A_482 = arith.addi %parallel_loop3A_480, %parallel_loop3A_481 : i32
          %parallel_loop3A_483 = arith.index_cast %parallel_loop3A_482 : i32 to index
          %parallel_loop3A_484 = arith.constant 0 : index
          %parallel_loop3A_485 = tpu.vector_load %arg8[%parallel_loop3A_483, %parallel_loop3A_484] {strides = array<i32>} : memref<256x16xf32, #tpu.memory_space<vmem>>, vector<16xf32>,
          tpu.vector_store %arg8[%parallel_loop3A_483, %parallel_loop3A_484], %parallel_loop3A_478 {strides = array<i32>} : memref<256x16xf32, #tpu.memory_space<vmem>>, vector<16xf32>,
          %parallel_loop3A_486 = arith.constant 1 : i32
          %parallel_loop3A_487 = vector.broadcast %parallel_loop3A_486 : i32 to vector<16xi32>
          %parallel_loop3A_488 = arith.addi %parallel_loop3A_463, %parallel_loop3A_487 : vector<16xi32>
          %parallel_loop3A_489 = tpu.vector_load_idx %arg6[%add3A_15, %parallel_loop3A_488] : memref<32x129xf32, #tpu.memory_space<vmem>>[vector<16xi32>, vector<16xi32>], vector<16xf32>,
          %parallel_loop3A_490 = arith.constant 0 : i32
          %parallel_loop3A_491 = arith.addi %parallel_loop3A_490, %parallel_loop3A_462 : i32
          %parallel_loop3A_492 = arith.constant 1 : i32
          %parallel_loop3A_493 = arith.addi %parallel_loop3A_491, %parallel_loop3A_492 : i32
          %parallel_loop3A_494 = arith.index_cast %parallel_loop3A_493 : i32 to index
          %parallel_loop3A_495 = arith.constant 0 : index
          %parallel_loop3A_496 = tpu.vector_load %arg8[%parallel_loop3A_494, %parallel_loop3A_495] {strides = array<i32>} : memref<256x16xf32, #tpu.memory_space<vmem>>, vector<16xf32>,
          tpu.vector_store %arg8[%parallel_loop3A_494, %parallel_loop3A_495], %parallel_loop3A_489 {strides = array<i32>} : memref<256x16xf32, #tpu.memory_space<vmem>>, vector<16xf32>,
          %parallel_loop3A_497 = arith.constant 1 : i32
          %parallel_loop3A_498 = vector.broadcast %parallel_loop3A_497 : i32 to vector<16xi32>
          %parallel_loop3A_499 = arith.addi %parallel_loop3A_463, %parallel_loop3A_498 : vector<16xi32>
          %parallel_loop3A_500 = tpu.vector_load_idx %arg6[%add3A_18, %parallel_loop3A_499] : memref<32x129xf32, #tpu.memory_space<vmem>>[vector<16xi32>, vector<16xi32>], vector<16xf32>,
          %parallel_loop3A_501 = arith.constant 128 : i32
          %parallel_loop3A_502 = arith.addi %parallel_loop3A_501, %parallel_loop3A_462 : i32
          %parallel_loop3A_503 = arith.constant 1 : i32
          %parallel_loop3A_504 = arith.addi %parallel_loop3A_502, %parallel_loop3A_503 : i32
          %parallel_loop3A_505 = arith.index_cast %parallel_loop3A_504 : i32 to index
          %parallel_loop3A_506 = arith.constant 0 : index
          %parallel_loop3A_507 = tpu.vector_load %arg8[%parallel_loop3A_505, %parallel_loop3A_506] {strides = array<i32>} : memref<256x16xf32, #tpu.memory_space<vmem>>, vector<16xf32>,
          tpu.vector_store %arg8[%parallel_loop3A_505, %parallel_loop3A_506], %parallel_loop3A_500 {strides = array<i32>} : memref<256x16xf32, #tpu.memory_space<vmem>>, vector<16xf32>,
          %parallel_loop3A_508 = arith.constant 2 : i32
          %parallel_loop3A_509 = vector.broadcast %parallel_loop3A_508 : i32 to vector<16xi32>
          %parallel_loop3A_510 = arith.addi %parallel_loop3A_463, %parallel_loop3A_509 : vector<16xi32>
          %parallel_loop3A_511 = tpu.vector_load_idx %arg6[%add3A_15, %parallel_loop3A_510] : memref<32x129xf32, #tpu.memory_space<vmem>>[vector<16xi32>, vector<16xi32>], vector<16xf32>,
          %parallel_loop3A_512 = arith.constant 0 : i32
          %parallel_loop3A_513 = arith.addi %parallel_loop3A_512, %parallel_loop3A_462 : i32
          %parallel_loop3A_514 = arith.constant 2 : i32
          %parallel_loop3A_515 = arith.addi %parallel_loop3A_513, %parallel_loop3A_514 : i32
          %parallel_loop3A_516 = arith.index_cast %parallel_loop3A_515 : i32 to index
          %parallel_loop3A_517 = arith.constant 0 : index
          %parallel_loop3A_518 = tpu.vector_load %arg8[%parallel_loop3A_516, %parallel_loop3A_517] {strides = array<i32>} : memref<256x16xf32, #tpu.memory_space<vmem>>, vector<16xf32>,
          tpu.vector_store %arg8[%parallel_loop3A_516, %parallel_loop3A_517], %parallel_loop3A_511 {strides = array<i32>} : memref<256x16xf32, #tpu.memory_space<vmem>>, vector<16xf32>,
          %parallel_loop3A_519 = arith.constant 2 : i32
          %parallel_loop3A_520 = vector.broadcast %parallel_loop3A_519 : i32 to vector<16xi32>
          %parallel_loop3A_521 = arith.addi %parallel_loop3A_463, %parallel_loop3A_520 : vector<16xi32>
          %parallel_loop3A_522 = tpu.vector_load_idx %arg6[%add3A_18, %parallel_loop3A_521] : memref<32x129xf32, #tpu.memory_space<vmem>>[vector<16xi32>, vector<16xi32>], vector<16xf32>,
          %parallel_loop3A_523 = arith.constant 128 : i32
          %parallel_loop3A_524 = arith.addi %parallel_loop3A_523, %parallel_loop3A_462 : i32
          %parallel_loop3A_525 = arith.constant 2 : i32
          %parallel_loop3A_526 = arith.addi %parallel_loop3A_524, %parallel_loop3A_525 : i32
          %parallel_loop3A_527 = arith.index_cast %parallel_loop3A_526 : i32 to index
          %parallel_loop3A_528 = arith.constant 0 : index
          %parallel_loop3A_529 = tpu.vector_load %arg8[%parallel_loop3A_527, %parallel_loop3A_528] {strides = array<i32>} : memref<256x16xf32, #tpu.memory_space<vmem>>, vector<16xf32>,
          tpu.vector_store %arg8[%parallel_loop3A_527, %parallel_loop3A_528], %parallel_loop3A_522 {strides = array<i32>} : memref<256x16xf32, #tpu.memory_space<vmem>>, vector<16xf32>,
          %parallel_loop3A_530 = arith.constant 3 : i32
          %parallel_loop3A_531 = vector.broadcast %parallel_loop3A_530 : i32 to vector<16xi32>
          %parallel_loop3A_532 = arith.addi %parallel_loop3A_463, %parallel_loop3A_531 : vector<16xi32>
          %parallel_loop3A_533 = tpu.vector_load_idx %arg6[%add3A_15, %parallel_loop3A_532] : memref<32x129xf32, #tpu.memory_space<vmem>>[vector<16xi32>, vector<16xi32>], vector<16xf32>,
          %parallel_loop3A_534 = arith.constant 0 : i32
          %parallel_loop3A_535 = arith.addi %parallel_loop3A_534, %parallel_loop3A_462 : i32
          %parallel_loop3A_536 = arith.constant 3 : i32
          %parallel_loop3A_537 = arith.addi %parallel_loop3A_535, %parallel_loop3A_536 : i32
          %parallel_loop3A_538 = arith.index_cast %parallel_loop3A_537 : i32 to index
          %parallel_loop3A_539 = arith.constant 0 : index
          %parallel_loop3A_540 = tpu.vector_load %arg8[%parallel_loop3A_538, %parallel_loop3A_539] {strides = array<i32>} : memref<256x16xf32, #tpu.memory_space<vmem>>, vector<16xf32>,
          tpu.vector_store %arg8[%parallel_loop3A_538, %parallel_loop3A_539], %parallel_loop3A_533 {strides = array<i32>} : memref<256x16xf32, #tpu.memory_space<vmem>>, vector<16xf32>,
          %parallel_loop3A_541 = arith.constant 3 : i32
          %parallel_loop3A_542 = vector.broadcast %parallel_loop3A_541 : i32 to vector<16xi32>
          %parallel_loop3A_543 = arith.addi %parallel_loop3A_463, %parallel_loop3A_542 : vector<16xi32>
          %parallel_loop3A_544 = tpu.vector_load_idx %arg6[%add3A_18, %parallel_loop3A_543] : memref<32x129xf32, #tpu.memory_space<vmem>>[vector<16xi32>, vector<16xi32>], vector<16xf32>,
          %parallel_loop3A_545 = arith.constant 128 : i32
          %parallel_loop3A_546 = arith.addi %parallel_loop3A_545, %parallel_loop3A_462 : i32
          %parallel_loop3A_547 = arith.constant 3 : i32
          %parallel_loop3A_548 = arith.addi %parallel_loop3A_546, %parallel_loop3A_547 : i32
          %parallel_loop3A_549 = arith.index_cast %parallel_loop3A_548 : i32 to index
          %parallel_loop3A_550 = arith.constant 0 : index
          %parallel_loop3A_551 = tpu.vector_load %arg8[%parallel_loop3A_549, %parallel_loop3A_550] {strides = array<i32>} : memref<256x16xf32, #tpu.memory_space<vmem>>, vector<16xf32>,
          tpu.vector_store %arg8[%parallel_loop3A_549, %parallel_loop3A_550], %parallel_loop3A_544 {strides = array<i32>} : memref<256x16xf32, #tpu.memory_space<vmem>>, vector<16xf32>,
          %parallel_loop3A_552 = arith.constant 4 : i32
          %parallel_loop3A_553 = vector.broadcast %parallel_loop3A_552 : i32 to vector<16xi32>
          %parallel_loop3A_554 = arith.addi %parallel_loop3A_463, %parallel_loop3A_553 : vector<16xi32>
          %parallel_loop3A_555 = tpu.vector_load_idx %arg6[%add3A_15, %parallel_loop3A_554] : memref<32x129xf32, #tpu.memory_space<vmem>>[vector<16xi32>, vector<16xi32>], vector<16xf32>,
          %parallel_loop3A_556 = arith.constant 0 : i32
          %parallel_loop3A_557 = arith.addi %parallel_loop3A_556, %parallel_loop3A_462 : i32
          %parallel_loop3A_558 = arith.constant 4 : i32
          %parallel_loop3A_559 = arith.addi %parallel_loop3A_557, %parallel_loop3A_558 : i32
          %parallel_loop3A_560 = arith.index_cast %parallel_loop3A_559 : i32 to index
          %parallel_loop3A_561 = arith.constant 0 : index
          %parallel_loop3A_562 = tpu.vector_load %arg8[%parallel_loop3A_560, %parallel_loop3A_561] {strides = array<i32>} : memref<256x16xf32, #tpu.memory_space<vmem>>, vector<16xf32>,
          tpu.vector_store %arg8[%parallel_loop3A_560, %parallel_loop3A_561], %parallel_loop3A_555 {strides = array<i32>} : memref<256x16xf32, #tpu.memory_space<vmem>>, vector<16xf32>,
          %parallel_loop3A_563 = arith.constant 4 : i32
          %parallel_loop3A_564 = vector.broadcast %parallel_loop3A_563 : i32 to vector<16xi32>
          %parallel_loop3A_565 = arith.addi %parallel_loop3A_463, %parallel_loop3A_564 : vector<16xi32>
          %parallel_loop3A_566 = tpu.vector_load_idx %arg6[%add3A_18, %parallel_loop3A_565] : memref<32x129xf32, #tpu.memory_space<vmem>>[vector<16xi32>, vector<16xi32>], vector<16xf32>,
          %parallel_loop3A_567 = arith.constant 128 : i32
          %parallel_loop3A_568 = arith.addi %parallel_loop3A_567, %parallel_loop3A_462 : i32
          %parallel_loop3A_569 = arith.constant 4 : i32
          %parallel_loop3A_570 = arith.addi %parallel_loop3A_568, %parallel_loop3A_569 : i32
          %parallel_loop3A_571 = arith.index_cast %parallel_loop3A_570 : i32 to index
          %parallel_loop3A_572 = arith.constant 0 : index
          %parallel_loop3A_573 = tpu.vector_load %arg8[%parallel_loop3A_571, %parallel_loop3A_572] {strides = array<i32>} : memref<256x16xf32, #tpu.memory_space<vmem>>, vector<16xf32>,
          tpu.vector_store %arg8[%parallel_loop3A_571, %parallel_loop3A_572], %parallel_loop3A_566 {strides = array<i32>} : memref<256x16xf32, #tpu.memory_space<vmem>>, vector<16xf32>,
          %parallel_loop3A_574 = arith.constant 5 : i32
          %parallel_loop3A_575 = vector.broadcast %parallel_loop3A_574 : i32 to vector<16xi32>
          %parallel_loop3A_576 = arith.addi %parallel_loop3A_463, %parallel_loop3A_575 : vector<16xi32>
          %parallel_loop3A_577 = tpu.vector_load_idx %arg6[%add3A_15, %parallel_loop3A_576] : memref<32x129xf32, #tpu.memory_space<vmem>>[vector<16xi32>, vector<16xi32>], vector<16xf32>,
          %parallel_loop3A_578 = arith.constant 0 : i32
          %parallel_loop3A_579 = arith.addi %parallel_loop3A_578, %parallel_loop3A_462 : i32
          %parallel_loop3A_580 = arith.constant 5 : i32
          %parallel_loop3A_581 = arith.addi %parallel_loop3A_579, %parallel_loop3A_580 : i32
          %parallel_loop3A_582 = arith.index_cast %parallel_loop3A_581 : i32 to index
          %parallel_loop3A_583 = arith.constant 0 : index
          %parallel_loop3A_584 = tpu.vector_load %arg8[%parallel_loop3A_582, %parallel_loop3A_583] {strides = array<i32>} : memref<256x16xf32, #tpu.memory_space<vmem>>, vector<16xf32>,
          tpu.vector_store %arg8[%parallel_loop3A_582, %parallel_loop3A_583], %parallel_loop3A_577 {strides = array<i32>} : memref<256x16xf32, #tpu.memory_space<vmem>>, vector<16xf32>,
          %parallel_loop3A_585 = arith.constant 5 : i32
          %parallel_loop3A_586 = vector.broadcast %parallel_loop3A_585 : i32 to vector<16xi32>
          %parallel_loop3A_587 = arith.addi %parallel_loop3A_463, %parallel_loop3A_586 : vector<16xi32>
          %parallel_loop3A_588 = tpu.vector_load_idx %arg6[%add3A_18, %parallel_loop3A_587] : memref<32x129xf32, #tpu.memory_space<vmem>>[vector<16xi32>, vector<16xi32>], vector<16xf32>,
          %parallel_loop3A_589 = arith.constant 128 : i32
          %parallel_loop3A_590 = arith.addi %parallel_loop3A_589, %parallel_loop3A_462 : i32
          %parallel_loop3A_591 = arith.constant 5 : i32
          %parallel_loop3A_592 = arith.addi %parallel_loop3A_590, %parallel_loop3A_591 : i32
          %parallel_loop3A_593 = arith.index_cast %parallel_loop3A_592 : i32 to index
          %parallel_loop3A_594 = arith.constant 0 : index
          %parallel_loop3A_595 = tpu.vector_load %arg8[%parallel_loop3A_593, %parallel_loop3A_594] {strides = array<i32>} : memref<256x16xf32, #tpu.memory_space<vmem>>, vector<16xf32>,
          tpu.vector_store %arg8[%parallel_loop3A_593, %parallel_loop3A_594], %parallel_loop3A_588 {strides = array<i32>} : memref<256x16xf32, #tpu.memory_space<vmem>>, vector<16xf32>,
          %parallel_loop3A_596 = arith.constant 6 : i32
          %parallel_loop3A_597 = vector.broadcast %parallel_loop3A_596 : i32 to vector<16xi32>
          %parallel_loop3A_598 = arith.addi %parallel_loop3A_463, %parallel_loop3A_597 : vector<16xi32>
          %parallel_loop3A_599 = tpu.vector_load_idx %arg6[%add3A_15, %parallel_loop3A_598] : memref<32x129xf32, #tpu.memory_space<vmem>>[vector<16xi32>, vector<16xi32>], vector<16xf32>,
          %parallel_loop3A_600 = arith.constant 0 : i32
          %parallel_loop3A_601 = arith.addi %parallel_loop3A_600, %parallel_loop3A_462 : i32
          %parallel_loop3A_602 = arith.constant 6 : i32
          %parallel_loop3A_603 = arith.addi %parallel_loop3A_601, %parallel_loop3A_602 : i32
          %parallel_loop3A_604 = arith.index_cast %parallel_loop3A_603 : i32 to index
          %parallel_loop3A_605 = arith.constant 0 : index
          %parallel_loop3A_606 = tpu.vector_load %arg8[%parallel_loop3A_604, %parallel_loop3A_605] {strides = array<i32>} : memref<256x16xf32, #tpu.memory_space<vmem>>, vector<16xf32>,
          tpu.vector_store %arg8[%parallel_loop3A_604, %parallel_loop3A_605], %parallel_loop3A_599 {strides = array<i32>} : memref<256x16xf32, #tpu.memory_space<vmem>>, vector<16xf32>,
          %parallel_loop3A_607 = arith.constant 6 : i32
          %parallel_loop3A_608 = vector.broadcast %parallel_loop3A_607 : i32 to vector<16xi32>
          %parallel_loop3A_609 = arith.addi %parallel_loop3A_463, %parallel_loop3A_608 : vector<16xi32>
          %parallel_loop3A_610 = tpu.vector_load_idx %arg6[%add3A_18, %parallel_loop3A_609] : memref<32x129xf32, #tpu.memory_space<vmem>>[vector<16xi32>, vector<16xi32>], vector<16xf32>,
          %parallel_loop3A_611 = arith.constant 128 : i32
          %parallel_loop3A_612 = arith.addi %parallel_loop3A_611, %parallel_loop3A_462 : i32
          %parallel_loop3A_613 = arith.constant 6 : i32
          %parallel_loop3A_614 = arith.addi %parallel_loop3A_612, %parallel_loop3A_613 : i32
          %parallel_loop3A_615 = arith.index_cast %parallel_loop3A_614 : i32 to index
          %parallel_loop3A_616 = arith.constant 0 : index
          %parallel_loop3A_617 = tpu.vector_load %arg8[%parallel_loop3A_615, %parallel_loop3A_616] {strides = array<i32>} : memref<256x16xf32, #tpu.memory_space<vmem>>, vector<16xf32>,
          tpu.vector_store %arg8[%parallel_loop3A_615, %parallel_loop3A_616], %parallel_loop3A_610 {strides = array<i32>} : memref<256x16xf32, #tpu.memory_space<vmem>>, vector<16xf32>,
          %parallel_loop3A_618 = arith.constant 7 : i32
          %parallel_loop3A_619 = vector.broadcast %parallel_loop3A_618 : i32 to vector<16xi32>
          %parallel_loop3A_620 = arith.addi %parallel_loop3A_463, %parallel_loop3A_619 : vector<16xi32>
          %parallel_loop3A_621 = tpu.vector_load_idx %arg6[%add3A_15, %parallel_loop3A_620] : memref<32x129xf32, #tpu.memory_space<vmem>>[vector<16xi32>, vector<16xi32>], vector<16xf32>,
          %parallel_loop3A_622 = arith.constant 0 : i32
          %parallel_loop3A_623 = arith.addi %parallel_loop3A_622, %parallel_loop3A_462 : i32
          %parallel_loop3A_624 = arith.constant 7 : i32
          %parallel_loop3A_625 = arith.addi %parallel_loop3A_623, %parallel_loop3A_624 : i32
          %parallel_loop3A_626 = arith.index_cast %parallel_loop3A_625 : i32 to index
          %parallel_loop3A_627 = arith.constant 0 : index
          %parallel_loop3A_628 = tpu.vector_load %arg8[%parallel_loop3A_626, %parallel_loop3A_627] {strides = array<i32>} : memref<256x16xf32, #tpu.memory_space<vmem>>, vector<16xf32>,
          tpu.vector_store %arg8[%parallel_loop3A_626, %parallel_loop3A_627], %parallel_loop3A_621 {strides = array<i32>} : memref<256x16xf32, #tpu.memory_space<vmem>>, vector<16xf32>,
          %parallel_loop3A_629 = arith.constant 7 : i32
          %parallel_loop3A_630 = vector.broadcast %parallel_loop3A_629 : i32 to vector<16xi32>
          %parallel_loop3A_631 = arith.addi %parallel_loop3A_463, %parallel_loop3A_630 : vector<16xi32>
          %parallel_loop3A_632 = tpu.vector_load_idx %arg6[%add3A_18, %parallel_loop3A_631] : memref<32x129xf32, #tpu.memory_space<vmem>>[vector<16xi32>, vector<16xi32>], vector<16xf32>,
          %parallel_loop3A_633 = arith.constant 128 : i32
          %parallel_loop3A_634 = arith.addi %parallel_loop3A_633, %parallel_loop3A_462 : i32
          %parallel_loop3A_635 = arith.constant 7 : i32
          %parallel_loop3A_636 = arith.addi %parallel_loop3A_634, %parallel_loop3A_635 : i32
          %parallel_loop3A_637 = arith.index_cast %parallel_loop3A_636 : i32 to index
          %parallel_loop3A_638 = arith.constant 0 : index
          %parallel_loop3A_639 = tpu.vector_load %arg8[%parallel_loop3A_637, %parallel_loop3A_638] {strides = array<i32>} : memref<256x16xf32, #tpu.memory_space<vmem>>, vector<16xf32>,
          tpu.vector_store %arg8[%parallel_loop3A_637, %parallel_loop3A_638], %parallel_loop3A_632 {strides = array<i32>} : memref<256x16xf32, #tpu.memory_space<vmem>>, vector<16xf32>,
          %parallel_loop3A_640 = arith.constant 8 : i32
          %parallel_loop3A_641 = vector.broadcast %parallel_loop3A_640 : i32 to vector<16xi32>
          %parallel_loop3A_642 = arith.addi %parallel_loop3A_463, %parallel_loop3A_641 : vector<16xi32>
          scf.yield %parallel_loop3A_642 : vector<16xi32>
        } {sc.loop_unroll_factor = 1 : i64, sc.parallel_access}
        %dma_start3A_442 = arith.constant 0 : i32
        %dma_start3A_443 = arith.constant 0 : i32
        %dma_start3A_444 = arith.constant 0 : i32
        %dma_start3A_445 = tpu.memref_slice %arg8[%dma_start3A_443, %dma_start3A_444] : memref<256x16xf32, #tpu.memory_space<vmem>> -> memref<128x16xf32, #tpu.memory_space<vmem>>
        %dma_start3A_446 = arith.constant 0 : i32
        %dma_start3A_447 = tpu.memref_slice %arg12[%dma_start3A_442, %dma_start3A_446] : memref<2x128xi32, #tpu.memory_space<vmem>> -> memref<1x128xi32, #tpu.memory_space<vmem>>
        %dma_start3A_448 = tpu.memref_squeeze %dma_start3A_447 : memref<1x128xi32, #tpu.memory_space<vmem>> -> memref<128xi32, #tpu.memory_space<vmem>>
        %dma_start3A_449 = arith.constant 0 : i32
        %dma_start3A_450 = arith.constant 0 : i32
        %dma_start3A_451 = tpu.memref_slice %arg18[%dma_start3A_449, %dma_start3A_450] : memref<100000x16xf32, #tpu.memory_space<vmem_shared>> -> memref<100000x16xf32, #tpu.memory_space<vmem_shared>>
        tpu.enqueue_indirect_dma source(%dma_start3A_445 : memref<128x16xf32, #tpu.memory_space<vmem>>) target(%dma_start3A_451 : memref<100000x16xf32, #tpu.memory_space<vmem_shared>>) offsets(%dma_start3A_448 : memref<128xi32, #tpu.memory_space<vmem>>) semaphore(%arg16 : memref<!tpu.dma_semaphore, #tpu.memory_space<semaphore_mem>>) {add = true}
        %dma_start3A_452 = arith.constant 1 : i32
        %dma_start3A_453 = arith.constant 128 : i32
        %dma_start3A_454 = arith.constant 0 : i32
        %dma_start3A_455 = tpu.memref_slice %arg8[%dma_start3A_453, %dma_start3A_454] : memref<256x16xf32, #tpu.memory_space<vmem>> -> memref<128x16xf32, #tpu.memory_space<vmem>>
        %dma_start3A_456 = arith.constant 0 : i32
        %dma_start3A_457 = tpu.memref_slice %arg12[%dma_start3A_452, %dma_start3A_456] : memref<2x128xi32, #tpu.memory_space<vmem>> -> memref<1x128xi32, #tpu.memory_space<vmem>>
        %dma_start3A_458 = tpu.memref_squeeze %dma_start3A_457 : memref<1x128xi32, #tpu.memory_space<vmem>> -> memref<128xi32, #tpu.memory_space<vmem>>
        %dma_start3A_459 = arith.constant 0 : i32
        %dma_start3A_460 = arith.constant 0 : i32
        %dma_start3A_461 = tpu.memref_slice %arg18[%dma_start3A_459, %dma_start3A_460] : memref<100000x16xf32, #tpu.memory_space<vmem_shared>> -> memref<100000x16xf32, #tpu.memory_space<vmem_shared>>
        tpu.enqueue_indirect_dma source(%dma_start3A_455 : memref<128x16xf32, #tpu.memory_space<vmem>>) target(%dma_start3A_461 : memref<100000x16xf32, #tpu.memory_space<vmem_shared>>) offsets(%dma_start3A_458 : memref<128xi32, #tpu.memory_space<vmem>>) semaphore(%arg16 : memref<!tpu.dma_semaphore, #tpu.memory_space<semaphore_mem>>) {add = true}
      } else {
      }
      %sub3A_235 = arith.constant 2 : i32
      %sub3A_236 = arith.subi %add3A_12, %sub3A_235 : i32
      %lt3A_237 = arith.cmpi slt, %add3A_223, %sub3A_236 : i32
      %convert_element_type3A_238 = arith.extui %lt3A_237 : i1 to i32
      %cond3A_239 = arith.constant 0 : i32
      %cond3A_240 = arith.cmpi ne, %convert_element_type3A_238, %cond3A_239 : i32
      scf.if %cond3A_240 {
        %add3A_266 = arith.constant 2 : i32
        %add3A_267 = arith.addi %add3A_224, %add3A_266 : i32
        %mul3A_268 = arith.constant 2 : i32
        %mul3A_269 = arith.muli %add3A_267, %mul3A_268 : i32
        %mul3A_270 = arith.constant 128 : i32
        %mul3A_271 = arith.muli %mul3A_269, %mul3A_270 : i32
        %add3A_272 = arith.constant 3200000 : i32
        %add3A_273 = arith.addi %add3A_272, %mul3A_271 : i32
        %dma_start3A_274 = tpu.memref_slice %arg2[%add3A_273] : memref<6400000xi32, #tpu.memory_space<hbm>> -> memref<256xi32, #tpu.memory_space<hbm>>
        %dma_start3A_275 = tpu.memref_slice %arg2[%add3A_273] : memref<6400000xi32, #tpu.memory_space<hbm>> -> memref<256xi32, #tpu.memory_space<hbm>>
        tpu.enqueue_dma source(%dma_start3A_275 : memref<256xi32, #tpu.memory_space<hbm>>) target(%arg10 : memref<256xi32, #tpu.memory_space<vmem>>) target_semaphore(%arg14 : memref<!tpu.dma_semaphore, #tpu.memory_space<semaphore_mem>>)
        %mul3A_276 = arith.constant 2 : i32
        %mul3A_277 = arith.muli %add3A_267, %mul3A_276 : i32
        %add3A_278 = arith.constant 0 : i32
        %add3A_279 = arith.addi %add3A_278, %mul3A_277 : i32
        %add3A_280 = arith.constant 0 : i32
        %add3A_281 = arith.addi %add3A_279, %add3A_280 : i32
        %mul3A_282 = arith.constant 8 : i32
        %mul3A_283 = arith.muli %add3A_281, %mul3A_282 : i32
        %dma_start3A_284 = arith.constant 0 : i32
        %dma_start3A_285 = arith.constant 0 : i32
        %dma_start3A_286 = tpu.memref_slice %arg6[%dma_start3A_284, %dma_start3A_285] : memref<32x129xf32, #tpu.memory_space<vmem>> -> memref<8x128xf32, #tpu.memory_space<vmem>>
        %dma_start3A_287 = arith.constant 0 : i32
        %dma_start3A_288 = tpu.memref_slice %arg3[%mul3A_283, %dma_start3A_287] : memref<400000x128xf32, #tpu.memory_space<hbm>> -> memref<8x128xf32, #tpu.memory_space<hbm>>
        %dma_start3A_289 = arith.constant 0 : i32
        %dma_start3A_290 = arith.constant 0 : i32
        %dma_start3A_291 = tpu.memref_slice %arg6[%dma_start3A_289, %dma_start3A_290] : memref<32x129xf32, #tpu.memory_space<vmem>> -> memref<8x128xf32, #tpu.memory_space<vmem>>
        %dma_start3A_292 = arith.constant 0 : i32
        %dma_start3A_293 = tpu.memref_slice %arg3[%mul3A_283, %dma_start3A_292] : memref<400000x128xf32, #tpu.memory_space<hbm>> -> memref<8x128xf32, #tpu.memory_space<hbm>>
        tpu.enqueue_dma source(%dma_start3A_293 : memref<8x128xf32, #tpu.memory_space<hbm>>) target(%dma_start3A_291 : memref<8x128xf32, #tpu.memory_space<vmem>>) target_semaphore(%arg14 : memref<!tpu.dma_semaphore, #tpu.memory_space<semaphore_mem>>)
        %mul3A_294 = arith.constant 2 : i32
        %mul3A_295 = arith.muli %add3A_267, %mul3A_294 : i32
        %add3A_296 = arith.constant 25000 : i32
        %add3A_297 = arith.addi %add3A_296, %mul3A_295 : i32
        %add3A_298 = arith.constant 0 : i32
        %add3A_299 = arith.addi %add3A_297, %add3A_298 : i32
        %mul3A_300 = arith.constant 8 : i32
        %mul3A_301 = arith.muli %add3A_299, %mul3A_300 : i32
        %dma_start3A_302 = arith.constant 8 : i32
        %dma_start3A_303 = arith.constant 0 : i32
        %dma_start3A_304 = tpu.memref_slice %arg6[%dma_start3A_302, %dma_start3A_303] : memref<32x129xf32, #tpu.memory_space<vmem>> -> memref<8x128xf32, #tpu.memory_space<vmem>>
        %dma_start3A_305 = arith.constant 0 : i32
        %dma_start3A_306 = tpu.memref_slice %arg3[%mul3A_301, %dma_start3A_305] : memref<400000x128xf32, #tpu.memory_space<hbm>> -> memref<8x128xf32, #tpu.memory_space<hbm>>
        %dma_start3A_307 = arith.constant 8 : i32
        %dma_start3A_308 = arith.constant 0 : i32
        %dma_start3A_309 = tpu.memref_slice %arg6[%dma_start3A_307, %dma_start3A_308] : memref<32x129xf32, #tpu.memory_space<vmem>> -> memref<8x128xf32, #tpu.memory_space<vmem>>
        %dma_start3A_310 = arith.constant 0 : i32
        %dma_start3A_311 = tpu.memref_slice %arg3[%mul3A_301, %dma_start3A_310] : memref<400000x128xf32, #tpu.memory_space<hbm>> -> memref<8x128xf32, #tpu.memory_space<hbm>>
        tpu.enqueue_dma source(%dma_start3A_311 : memref<8x128xf32, #tpu.memory_space<hbm>>) target(%dma_start3A_309 : memref<8x128xf32, #tpu.memory_space<vmem>>) target_semaphore(%arg14 : memref<!tpu.dma_semaphore, #tpu.memory_space<semaphore_mem>>)
        %mul3A_312 = arith.constant 2 : i32
        %mul3A_313 = arith.muli %add3A_267, %mul3A_312 : i32
        %add3A_314 = arith.constant 0 : i32
        %add3A_315 = arith.addi %add3A_314, %mul3A_313 : i32
        %add3A_316 = arith.constant 1 : i32
        %add3A_317 = arith.addi %add3A_315, %add3A_316 : i32
        %mul3A_318 = arith.constant 8 : i32
        %mul3A_319 = arith.muli %add3A_317, %mul3A_318 : i32
        %dma_start3A_320 = arith.constant 16 : i32
        %dma_start3A_321 = arith.constant 0 : i32
        %dma_start3A_322 = tpu.memref_slice %arg6[%dma_start3A_320, %dma_start3A_321] : memref<32x129xf32, #tpu.memory_space<vmem>> -> memref<8x128xf32, #tpu.memory_space<vmem>>
        %dma_start3A_323 = arith.constant 0 : i32
        %dma_start3A_324 = tpu.memref_slice %arg3[%mul3A_319, %dma_start3A_323] : memref<400000x128xf32, #tpu.memory_space<hbm>> -> memref<8x128xf32, #tpu.memory_space<hbm>>
        %dma_start3A_325 = arith.constant 16 : i32
        %dma_start3A_326 = arith.constant 0 : i32
        %dma_start3A_327 = tpu.memref_slice %arg6[%dma_start3A_325, %dma_start3A_326] : memref<32x129xf32, #tpu.memory_space<vmem>> -> memref<8x128xf32, #tpu.memory_space<vmem>>
        %dma_start3A_328 = arith.constant 0 : i32
        %dma_start3A_329 = tpu.memref_slice %arg3[%mul3A_319, %dma_start3A_328] : memref<400000x128xf32, #tpu.memory_space<hbm>> -> memref<8x128xf32, #tpu.memory_space<hbm>>
        tpu.enqueue_dma source(%dma_start3A_329 : memref<8x128xf32, #tpu.memory_space<hbm>>) target(%dma_start3A_327 : memref<8x128xf32, #tpu.memory_space<vmem>>) target_semaphore(%arg14 : memref<!tpu.dma_semaphore, #tpu.memory_space<semaphore_mem>>)
        %mul3A_330 = arith.constant 2 : i32
        %mul3A_331 = arith.muli %add3A_267, %mul3A_330 : i32
        %add3A_332 = arith.constant 25000 : i32
        %add3A_333 = arith.addi %add3A_332, %mul3A_331 : i32
        %add3A_334 = arith.constant 1 : i32
        %add3A_335 = arith.addi %add3A_333, %add3A_334 : i32
        %mul3A_336 = arith.constant 8 : i32
        %mul3A_337 = arith.muli %add3A_335, %mul3A_336 : i32
        %dma_start3A_338 = arith.constant 24 : i32
        %dma_start3A_339 = arith.constant 0 : i32
        %dma_start3A_340 = tpu.memref_slice %arg6[%dma_start3A_338, %dma_start3A_339] : memref<32x129xf32, #tpu.memory_space<vmem>> -> memref<8x128xf32, #tpu.memory_space<vmem>>
        %dma_start3A_341 = arith.constant 0 : i32
        %dma_start3A_342 = tpu.memref_slice %arg3[%mul3A_337, %dma_start3A_341] : memref<400000x128xf32, #tpu.memory_space<hbm>> -> memref<8x128xf32, #tpu.memory_space<hbm>>
        %dma_start3A_343 = arith.constant 24 : i32
        %dma_start3A_344 = arith.constant 0 : i32
        %dma_start3A_345 = tpu.memref_slice %arg6[%dma_start3A_343, %dma_start3A_344] : memref<32x129xf32, #tpu.memory_space<vmem>> -> memref<8x128xf32, #tpu.memory_space<vmem>>
        %dma_start3A_346 = arith.constant 0 : i32
        %dma_start3A_347 = tpu.memref_slice %arg3[%mul3A_337, %dma_start3A_346] : memref<400000x128xf32, #tpu.memory_space<hbm>> -> memref<8x128xf32, #tpu.memory_space<hbm>>
        tpu.enqueue_dma source(%dma_start3A_347 : memref<8x128xf32, #tpu.memory_space<hbm>>) target(%dma_start3A_345 : memref<8x128xf32, #tpu.memory_space<vmem>>) target_semaphore(%arg14 : memref<!tpu.dma_semaphore, #tpu.memory_space<semaphore_mem>>)
      } else {
      }
      %mul3A_241 = arith.constant 2 : i32
      %mul3A_242 = arith.muli %mul3A_241, %while3A_218 : i32
      %add3A_243 = arith.constant 1 : i32
      %add3A_244 = arith.addi %mul3A_242, %add3A_243 : i32
      %add3A_245 = arith.addi %add3A_10, %add3A_244 : i32
      %ge3A_246 = arith.constant 2 : i32
      %ge3A_247 = arith.cmpi sge, %add3A_244, %ge3A_246 : i32
      %add3A_248 = arith.constant 2 : i32
      %add3A_249 = arith.addi %add3A_12, %add3A_248 : i32
      %lt3A_250 = arith.cmpi slt, %add3A_244, %add3A_249 : i32
      %and3A_251 = arith.andi %ge3A_247, %lt3A_250 : i1
      %convert_element_type3A_252 = arith.extui %and3A_251 : i1 to i32
      %cond3A_253 = arith.constant 0 : i32
      %cond3A_254 = arith.cmpi ne, %convert_element_type3A_252, %cond3A_253 : i32
      scf.if %cond3A_254 {
        %dma_wait3A = arith.constant 0 : i32
        %dma_wait3A_266 = arith.constant 0 : i32
        %dma_wait3A_267 = arith.constant 0 : i32
        %dma_wait3A_268 = tpu.memref_slice %arg9[%dma_wait3A_266, %dma_wait3A_267] : memref<256x16xf32, #tpu.memory_space<vmem>> -> memref<128x16xf32, #tpu.memory_space<vmem>>
        %dma_wait3A_269 = arith.constant 0 : i32
        %dma_wait3A_270 = tpu.memref_slice %arg13[%dma_wait3A, %dma_wait3A_269] : memref<2x128xi32, #tpu.memory_space<vmem>> -> memref<1x128xi32, #tpu.memory_space<vmem>>
        %dma_wait3A_271 = tpu.memref_squeeze %dma_wait3A_270 : memref<1x128xi32, #tpu.memory_space<vmem>> -> memref<128xi32, #tpu.memory_space<vmem>>
        %dma_wait3A_272 = arith.constant 0 : i32
        %dma_wait3A_273 = arith.constant 0 : i32
        %dma_wait3A_274 = tpu.memref_slice %arg18[%dma_wait3A_272, %dma_wait3A_273] : memref<100000x16xf32, #tpu.memory_space<vmem_shared>> -> memref<100000x16xf32, #tpu.memory_space<vmem_shared>>
        tpu.wait_indirect_dma semaphore(%arg17 : memref<!tpu.dma_semaphore, #tpu.memory_space<semaphore_mem>>) src(%dma_wait3A_268 : memref<128x16xf32, #tpu.memory_space<vmem>>) dst(%dma_wait3A_274 : memref<100000x16xf32, #tpu.memory_space<vmem_shared>>)
        %dma_wait3A_275 = arith.constant 1 : i32
        %dma_wait3A_276 = arith.constant 128 : i32
        %dma_wait3A_277 = arith.constant 0 : i32
        %dma_wait3A_278 = tpu.memref_slice %arg9[%dma_wait3A_276, %dma_wait3A_277] : memref<256x16xf32, #tpu.memory_space<vmem>> -> memref<128x16xf32, #tpu.memory_space<vmem>>
        %dma_wait3A_279 = arith.constant 0 : i32
        %dma_wait3A_280 = tpu.memref_slice %arg13[%dma_wait3A_275, %dma_wait3A_279] : memref<2x128xi32, #tpu.memory_space<vmem>> -> memref<1x128xi32, #tpu.memory_space<vmem>>
        %dma_wait3A_281 = tpu.memref_squeeze %dma_wait3A_280 : memref<1x128xi32, #tpu.memory_space<vmem>> -> memref<128xi32, #tpu.memory_space<vmem>>
        %dma_wait3A_282 = arith.constant 0 : i32
        %dma_wait3A_283 = arith.constant 0 : i32
        %dma_wait3A_284 = tpu.memref_slice %arg18[%dma_wait3A_282, %dma_wait3A_283] : memref<100000x16xf32, #tpu.memory_space<vmem_shared>> -> memref<100000x16xf32, #tpu.memory_space<vmem_shared>>
        tpu.wait_indirect_dma semaphore(%arg17 : memref<!tpu.dma_semaphore, #tpu.memory_space<semaphore_mem>>) src(%dma_wait3A_278 : memref<128x16xf32, #tpu.memory_space<vmem>>) dst(%dma_wait3A_284 : memref<100000x16xf32, #tpu.memory_space<vmem_shared>>)
      } else {
      }
      %lt3A_255 = arith.cmpi slt, %add3A_244, %add3A_12 : i32
      %convert_element_type3A_256 = arith.extui %lt3A_255 : i1 to i32
      %cond3A_257 = arith.constant 0 : i32
      %cond3A_258 = arith.cmpi ne, %convert_element_type3A_256, %cond3A_257 : i32
      scf.if %cond3A_258 {
        %mul3A_266 = arith.constant 2 : i32
        %mul3A_267 = arith.muli %add3A_245, %mul3A_266 : i32
        %mul3A_268 = arith.constant 128 : i32
        %mul3A_269 = arith.muli %mul3A_267, %mul3A_268 : i32
        %add3A_270 = arith.constant 3200000 : i32
        %add3A_271 = arith.addi %add3A_270, %mul3A_269 : i32
        %dma_wait3A = tpu.memref_slice %arg2[%add3A_271] : memref<6400000xi32, #tpu.memory_space<hbm>> -> memref<256xi32, #tpu.memory_space<hbm>>
        %dma_wait3A_272 = tpu.memref_slice %arg2[%add3A_271] : memref<6400000xi32, #tpu.memory_space<hbm>> -> memref<256xi32, #tpu.memory_space<hbm>>
        tpu.wait_dma2 semaphore(%arg15 : memref<!tpu.dma_semaphore, #tpu.memory_space<semaphore_mem>>) src(%dma_wait3A_272 : memref<256xi32, #tpu.memory_space<hbm>>) dst(%arg11 : memref<256xi32, #tpu.memory_space<vmem>>)
        %mul3A_273 = arith.constant 2 : i32
        %mul3A_274 = arith.muli %add3A_245, %mul3A_273 : i32
        %add3A_275 = arith.constant 0 : i32
        %add3A_276 = arith.addi %add3A_275, %mul3A_274 : i32
        %add3A_277 = arith.constant 0 : i32
        %add3A_278 = arith.addi %add3A_276, %add3A_277 : i32
        %mul3A_279 = arith.constant 8 : i32
        %mul3A_280 = arith.muli %add3A_278, %mul3A_279 : i32
        %dma_wait3A_281 = arith.constant 0 : i32
        %dma_wait3A_282 = arith.constant 0 : i32
        %dma_wait3A_283 = tpu.memref_slice %arg7[%dma_wait3A_281, %dma_wait3A_282] : memref<32x129xf32, #tpu.memory_space<vmem>> -> memref<8x128xf32, #tpu.memory_space<vmem>>
        %dma_wait3A_284 = arith.constant 0 : i32
        %dma_wait3A_285 = tpu.memref_slice %arg3[%mul3A_280, %dma_wait3A_284] : memref<400000x128xf32, #tpu.memory_space<hbm>> -> memref<8x128xf32, #tpu.memory_space<hbm>>
        %dma_wait3A_286 = arith.constant 0 : i32
        %dma_wait3A_287 = arith.constant 0 : i32
        %dma_wait3A_288 = tpu.memref_slice %arg7[%dma_wait3A_286, %dma_wait3A_287] : memref<32x129xf32, #tpu.memory_space<vmem>> -> memref<8x128xf32, #tpu.memory_space<vmem>>
        %dma_wait3A_289 = arith.constant 0 : i32
        %dma_wait3A_290 = tpu.memref_slice %arg3[%mul3A_280, %dma_wait3A_289] : memref<400000x128xf32, #tpu.memory_space<hbm>> -> memref<8x128xf32, #tpu.memory_space<hbm>>
        tpu.wait_dma2 semaphore(%arg15 : memref<!tpu.dma_semaphore, #tpu.memory_space<semaphore_mem>>) src(%dma_wait3A_290 : memref<8x128xf32, #tpu.memory_space<hbm>>) dst(%dma_wait3A_288 : memref<8x128xf32, #tpu.memory_space<vmem>>)
        %mul3A_291 = arith.constant 2 : i32
        %mul3A_292 = arith.muli %add3A_245, %mul3A_291 : i32
        %add3A_293 = arith.constant 25000 : i32
        %add3A_294 = arith.addi %add3A_293, %mul3A_292 : i32
        %add3A_295 = arith.constant 0 : i32
        %add3A_296 = arith.addi %add3A_294, %add3A_295 : i32
        %mul3A_297 = arith.constant 8 : i32
        %mul3A_298 = arith.muli %add3A_296, %mul3A_297 : i32
        %dma_wait3A_299 = arith.constant 8 : i32
        %dma_wait3A_300 = arith.constant 0 : i32
        %dma_wait3A_301 = tpu.memref_slice %arg7[%dma_wait3A_299, %dma_wait3A_300] : memref<32x129xf32, #tpu.memory_space<vmem>> -> memref<8x128xf32, #tpu.memory_space<vmem>>
        %dma_wait3A_302 = arith.constant 0 : i32
        %dma_wait3A_303 = tpu.memref_slice %arg3[%mul3A_298, %dma_wait3A_302] : memref<400000x128xf32, #tpu.memory_space<hbm>> -> memref<8x128xf32, #tpu.memory_space<hbm>>
        %dma_wait3A_304 = arith.constant 8 : i32
        %dma_wait3A_305 = arith.constant 0 : i32
        %dma_wait3A_306 = tpu.memref_slice %arg7[%dma_wait3A_304, %dma_wait3A_305] : memref<32x129xf32, #tpu.memory_space<vmem>> -> memref<8x128xf32, #tpu.memory_space<vmem>>
        %dma_wait3A_307 = arith.constant 0 : i32
        %dma_wait3A_308 = tpu.memref_slice %arg3[%mul3A_298, %dma_wait3A_307] : memref<400000x128xf32, #tpu.memory_space<hbm>> -> memref<8x128xf32, #tpu.memory_space<hbm>>
        tpu.wait_dma2 semaphore(%arg15 : memref<!tpu.dma_semaphore, #tpu.memory_space<semaphore_mem>>) src(%dma_wait3A_308 : memref<8x128xf32, #tpu.memory_space<hbm>>) dst(%dma_wait3A_306 : memref<8x128xf32, #tpu.memory_space<vmem>>)
        %mul3A_309 = arith.constant 2 : i32
        %mul3A_310 = arith.muli %add3A_245, %mul3A_309 : i32
        %add3A_311 = arith.constant 0 : i32
        %add3A_312 = arith.addi %add3A_311, %mul3A_310 : i32
        %add3A_313 = arith.constant 1 : i32
        %add3A_314 = arith.addi %add3A_312, %add3A_313 : i32
        %mul3A_315 = arith.constant 8 : i32
        %mul3A_316 = arith.muli %add3A_314, %mul3A_315 : i32
        %dma_wait3A_317 = arith.constant 16 : i32
        %dma_wait3A_318 = arith.constant 0 : i32
        %dma_wait3A_319 = tpu.memref_slice %arg7[%dma_wait3A_317, %dma_wait3A_318] : memref<32x129xf32, #tpu.memory_space<vmem>> -> memref<8x128xf32, #tpu.memory_space<vmem>>
        %dma_wait3A_320 = arith.constant 0 : i32
        %dma_wait3A_321 = tpu.memref_slice %arg3[%mul3A_316, %dma_wait3A_320] : memref<400000x128xf32, #tpu.memory_space<hbm>> -> memref<8x128xf32, #tpu.memory_space<hbm>>
        %dma_wait3A_322 = arith.constant 16 : i32
        %dma_wait3A_323 = arith.constant 0 : i32
        %dma_wait3A_324 = tpu.memref_slice %arg7[%dma_wait3A_322, %dma_wait3A_323] : memref<32x129xf32, #tpu.memory_space<vmem>> -> memref<8x128xf32, #tpu.memory_space<vmem>>
        %dma_wait3A_325 = arith.constant 0 : i32
        %dma_wait3A_326 = tpu.memref_slice %arg3[%mul3A_316, %dma_wait3A_325] : memref<400000x128xf32, #tpu.memory_space<hbm>> -> memref<8x128xf32, #tpu.memory_space<hbm>>
        tpu.wait_dma2 semaphore(%arg15 : memref<!tpu.dma_semaphore, #tpu.memory_space<semaphore_mem>>) src(%dma_wait3A_326 : memref<8x128xf32, #tpu.memory_space<hbm>>) dst(%dma_wait3A_324 : memref<8x128xf32, #tpu.memory_space<vmem>>)
        %mul3A_327 = arith.constant 2 : i32
        %mul3A_328 = arith.muli %add3A_245, %mul3A_327 : i32
        %add3A_329 = arith.constant 25000 : i32
        %add3A_330 = arith.addi %add3A_329, %mul3A_328 : i32
        %add3A_331 = arith.constant 1 : i32
        %add3A_332 = arith.addi %add3A_330, %add3A_331 : i32
        %mul3A_333 = arith.constant 8 : i32
        %mul3A_334 = arith.muli %add3A_332, %mul3A_333 : i32
        %dma_wait3A_335 = arith.constant 24 : i32
        %dma_wait3A_336 = arith.constant 0 : i32
        %dma_wait3A_337 = tpu.memref_slice %arg7[%dma_wait3A_335, %dma_wait3A_336] : memref<32x129xf32, #tpu.memory_space<vmem>> -> memref<8x128xf32, #tpu.memory_space<vmem>>
        %dma_wait3A_338 = arith.constant 0 : i32
        %dma_wait3A_339 = tpu.memref_slice %arg3[%mul3A_334, %dma_wait3A_338] : memref<400000x128xf32, #tpu.memory_space<hbm>> -> memref<8x128xf32, #tpu.memory_space<hbm>>
        %dma_wait3A_340 = arith.constant 24 : i32
        %dma_wait3A_341 = arith.constant 0 : i32
        %dma_wait3A_342 = tpu.memref_slice %arg7[%dma_wait3A_340, %dma_wait3A_341] : memref<32x129xf32, #tpu.memory_space<vmem>> -> memref<8x128xf32, #tpu.memory_space<vmem>>
        %dma_wait3A_343 = arith.constant 0 : i32
        %dma_wait3A_344 = tpu.memref_slice %arg3[%mul3A_334, %dma_wait3A_343] : memref<400000x128xf32, #tpu.memory_space<hbm>> -> memref<8x128xf32, #tpu.memory_space<hbm>>
        tpu.wait_dma2 semaphore(%arg15 : memref<!tpu.dma_semaphore, #tpu.memory_space<semaphore_mem>>) src(%dma_wait3A_344 : memref<8x128xf32, #tpu.memory_space<hbm>>) dst(%dma_wait3A_342 : memref<8x128xf32, #tpu.memory_space<vmem>>)
        %get3A = arith.constant 0 : index
        %get3A_345 = tpu.vector_load %arg11[%get3A] {strides = array<i32>} : memref<256xi32, #tpu.memory_space<vmem>>, vector<16xi32>,
        %swap3A = arith.constant 0 : i32
        %swap3A_346 = arith.index_cast %swap3A : i32 to index
        %swap3A_347 = arith.constant 0 : index
        %swap3A_348 = tpu.vector_load %arg13[%swap3A_346, %swap3A_347] {strides = array<i32>} : memref<2x128xi32, #tpu.memory_space<vmem>>, vector<16xi32>,
        tpu.vector_store %arg13[%swap3A_346, %swap3A_347], %get3A_345 {strides = array<i32>} : memref<2x128xi32, #tpu.memory_space<vmem>>, vector<16xi32>,
        %get3A_349 = arith.constant 16 : index
        %get3A_350 = tpu.vector_load %arg11[%get3A_349] {strides = array<i32>} : memref<256xi32, #tpu.memory_space<vmem>>, vector<16xi32>,
        %swap3A_351 = arith.constant 0 : i32
        %swap3A_352 = arith.index_cast %swap3A_351 : i32 to index
        %swap3A_353 = arith.constant 16 : index
        %swap3A_354 = tpu.vector_load %arg13[%swap3A_352, %swap3A_353] {strides = array<i32>} : memref<2x128xi32, #tpu.memory_space<vmem>>, vector<16xi32>,
        tpu.vector_store %arg13[%swap3A_352, %swap3A_353], %get3A_350 {strides = array<i32>} : memref<2x128xi32, #tpu.memory_space<vmem>>, vector<16xi32>,
        %get3A_355 = arith.constant 32 : index
        %get3A_356 = tpu.vector_load %arg11[%get3A_355] {strides = array<i32>} : memref<256xi32, #tpu.memory_space<vmem>>, vector<16xi32>,
        %swap3A_357 = arith.constant 0 : i32
        %swap3A_358 = arith.index_cast %swap3A_357 : i32 to index
        %swap3A_359 = arith.constant 32 : index
        %swap3A_360 = tpu.vector_load %arg13[%swap3A_358, %swap3A_359] {strides = array<i32>} : memref<2x128xi32, #tpu.memory_space<vmem>>, vector<16xi32>,
        tpu.vector_store %arg13[%swap3A_358, %swap3A_359], %get3A_356 {strides = array<i32>} : memref<2x128xi32, #tpu.memory_space<vmem>>, vector<16xi32>,
        %get3A_361 = arith.constant 48 : index
        %get3A_362 = tpu.vector_load %arg11[%get3A_361] {strides = array<i32>} : memref<256xi32, #tpu.memory_space<vmem>>, vector<16xi32>,
        %swap3A_363 = arith.constant 0 : i32
        %swap3A_364 = arith.index_cast %swap3A_363 : i32 to index
        %swap3A_365 = arith.constant 48 : index
        %swap3A_366 = tpu.vector_load %arg13[%swap3A_364, %swap3A_365] {strides = array<i32>} : memref<2x128xi32, #tpu.memory_space<vmem>>, vector<16xi32>,
        tpu.vector_store %arg13[%swap3A_364, %swap3A_365], %get3A_362 {strides = array<i32>} : memref<2x128xi32, #tpu.memory_space<vmem>>, vector<16xi32>,
        %get3A_367 = arith.constant 64 : index
        %get3A_368 = tpu.vector_load %arg11[%get3A_367] {strides = array<i32>} : memref<256xi32, #tpu.memory_space<vmem>>, vector<16xi32>,
        %swap3A_369 = arith.constant 0 : i32
        %swap3A_370 = arith.index_cast %swap3A_369 : i32 to index
        %swap3A_371 = arith.constant 64 : index
        %swap3A_372 = tpu.vector_load %arg13[%swap3A_370, %swap3A_371] {strides = array<i32>} : memref<2x128xi32, #tpu.memory_space<vmem>>, vector<16xi32>,
        tpu.vector_store %arg13[%swap3A_370, %swap3A_371], %get3A_368 {strides = array<i32>} : memref<2x128xi32, #tpu.memory_space<vmem>>, vector<16xi32>,
        %get3A_373 = arith.constant 80 : index
        %get3A_374 = tpu.vector_load %arg11[%get3A_373] {strides = array<i32>} : memref<256xi32, #tpu.memory_space<vmem>>, vector<16xi32>,
        %swap3A_375 = arith.constant 0 : i32
        %swap3A_376 = arith.index_cast %swap3A_375 : i32 to index
        %swap3A_377 = arith.constant 80 : index
        %swap3A_378 = tpu.vector_load %arg13[%swap3A_376, %swap3A_377] {strides = array<i32>} : memref<2x128xi32, #tpu.memory_space<vmem>>, vector<16xi32>,
        tpu.vector_store %arg13[%swap3A_376, %swap3A_377], %get3A_374 {strides = array<i32>} : memref<2x128xi32, #tpu.memory_space<vmem>>, vector<16xi32>,
        %get3A_379 = arith.constant 96 : index
        %get3A_380 = tpu.vector_load %arg11[%get3A_379] {strides = array<i32>} : memref<256xi32, #tpu.memory_space<vmem>>, vector<16xi32>,
        %swap3A_381 = arith.constant 0 : i32
        %swap3A_382 = arith.index_cast %swap3A_381 : i32 to index
        %swap3A_383 = arith.constant 96 : index
        %swap3A_384 = tpu.vector_load %arg13[%swap3A_382, %swap3A_383] {strides = array<i32>} : memref<2x128xi32, #tpu.memory_space<vmem>>, vector<16xi32>,
        tpu.vector_store %arg13[%swap3A_382, %swap3A_383], %get3A_380 {strides = array<i32>} : memref<2x128xi32, #tpu.memory_space<vmem>>, vector<16xi32>,
        %get3A_385 = arith.constant 112 : index
        %get3A_386 = tpu.vector_load %arg11[%get3A_385] {strides = array<i32>} : memref<256xi32, #tpu.memory_space<vmem>>, vector<16xi32>,
        %swap3A_387 = arith.constant 0 : i32
        %swap3A_388 = arith.index_cast %swap3A_387 : i32 to index
        %swap3A_389 = arith.constant 112 : index
        %swap3A_390 = tpu.vector_load %arg13[%swap3A_388, %swap3A_389] {strides = array<i32>} : memref<2x128xi32, #tpu.memory_space<vmem>>, vector<16xi32>,
        tpu.vector_store %arg13[%swap3A_388, %swap3A_389], %get3A_386 {strides = array<i32>} : memref<2x128xi32, #tpu.memory_space<vmem>>, vector<16xi32>,
        %get3A_391 = arith.constant 128 : index
        %get3A_392 = tpu.vector_load %arg11[%get3A_391] {strides = array<i32>} : memref<256xi32, #tpu.memory_space<vmem>>, vector<16xi32>,
        %swap3A_393 = arith.constant 1 : i32
        %swap3A_394 = arith.index_cast %swap3A_393 : i32 to index
        %swap3A_395 = arith.constant 0 : index
        %swap3A_396 = tpu.vector_load %arg13[%swap3A_394, %swap3A_395] {strides = array<i32>} : memref<2x128xi32, #tpu.memory_space<vmem>>, vector<16xi32>,
        tpu.vector_store %arg13[%swap3A_394, %swap3A_395], %get3A_392 {strides = array<i32>} : memref<2x128xi32, #tpu.memory_space<vmem>>, vector<16xi32>,
        %get3A_397 = arith.constant 144 : index
        %get3A_398 = tpu.vector_load %arg11[%get3A_397] {strides = array<i32>} : memref<256xi32, #tpu.memory_space<vmem>>, vector<16xi32>,
        %swap3A_399 = arith.constant 1 : i32
        %swap3A_400 = arith.index_cast %swap3A_399 : i32 to index
        %swap3A_401 = arith.constant 16 : index
        %swap3A_402 = tpu.vector_load %arg13[%swap3A_400, %swap3A_401] {strides = array<i32>} : memref<2x128xi32, #tpu.memory_space<vmem>>, vector<16xi32>,
        tpu.vector_store %arg13[%swap3A_400, %swap3A_401], %get3A_398 {strides = array<i32>} : memref<2x128xi32, #tpu.memory_space<vmem>>, vector<16xi32>,
        %get3A_403 = arith.constant 160 : index
        %get3A_404 = tpu.vector_load %arg11[%get3A_403] {strides = array<i32>} : memref<256xi32, #tpu.memory_space<vmem>>, vector<16xi32>,
        %swap3A_405 = arith.constant 1 : i32
        %swap3A_406 = arith.index_cast %swap3A_405 : i32 to index
        %swap3A_407 = arith.constant 32 : index
        %swap3A_408 = tpu.vector_load %arg13[%swap3A_406, %swap3A_407] {strides = array<i32>} : memref<2x128xi32, #tpu.memory_space<vmem>>, vector<16xi32>,
        tpu.vector_store %arg13[%swap3A_406, %swap3A_407], %get3A_404 {strides = array<i32>} : memref<2x128xi32, #tpu.memory_space<vmem>>, vector<16xi32>,
        %get3A_409 = arith.constant 176 : index
        %get3A_410 = tpu.vector_load %arg11[%get3A_409] {strides = array<i32>} : memref<256xi32, #tpu.memory_space<vmem>>, vector<16xi32>,
        %swap3A_411 = arith.constant 1 : i32
        %swap3A_412 = arith.index_cast %swap3A_411 : i32 to index
        %swap3A_413 = arith.constant 48 : index
        %swap3A_414 = tpu.vector_load %arg13[%swap3A_412, %swap3A_413] {strides = array<i32>} : memref<2x128xi32, #tpu.memory_space<vmem>>, vector<16xi32>,
        tpu.vector_store %arg13[%swap3A_412, %swap3A_413], %get3A_410 {strides = array<i32>} : memref<2x128xi32, #tpu.memory_space<vmem>>, vector<16xi32>,
        %get3A_415 = arith.constant 192 : index
        %get3A_416 = tpu.vector_load %arg11[%get3A_415] {strides = array<i32>} : memref<256xi32, #tpu.memory_space<vmem>>, vector<16xi32>,
        %swap3A_417 = arith.constant 1 : i32
        %swap3A_418 = arith.index_cast %swap3A_417 : i32 to index
        %swap3A_419 = arith.constant 64 : index
        %swap3A_420 = tpu.vector_load %arg13[%swap3A_418, %swap3A_419] {strides = array<i32>} : memref<2x128xi32, #tpu.memory_space<vmem>>, vector<16xi32>,
        tpu.vector_store %arg13[%swap3A_418, %swap3A_419], %get3A_416 {strides = array<i32>} : memref<2x128xi32, #tpu.memory_space<vmem>>, vector<16xi32>,
        %get3A_421 = arith.constant 208 : index
        %get3A_422 = tpu.vector_load %arg11[%get3A_421] {strides = array<i32>} : memref<256xi32, #tpu.memory_space<vmem>>, vector<16xi32>,
        %swap3A_423 = arith.constant 1 : i32
        %swap3A_424 = arith.index_cast %swap3A_423 : i32 to index
        %swap3A_425 = arith.constant 80 : index
        %swap3A_426 = tpu.vector_load %arg13[%swap3A_424, %swap3A_425] {strides = array<i32>} : memref<2x128xi32, #tpu.memory_space<vmem>>, vector<16xi32>,
        tpu.vector_store %arg13[%swap3A_424, %swap3A_425], %get3A_422 {strides = array<i32>} : memref<2x128xi32, #tpu.memory_space<vmem>>, vector<16xi32>,
        %get3A_427 = arith.constant 224 : index
        %get3A_428 = tpu.vector_load %arg11[%get3A_427] {strides = array<i32>} : memref<256xi32, #tpu.memory_space<vmem>>, vector<16xi32>,
        %swap3A_429 = arith.constant 1 : i32
        %swap3A_430 = arith.index_cast %swap3A_429 : i32 to index
        %swap3A_431 = arith.constant 96 : index
        %swap3A_432 = tpu.vector_load %arg13[%swap3A_430, %swap3A_431] {strides = array<i32>} : memref<2x128xi32, #tpu.memory_space<vmem>>, vector<16xi32>,
        tpu.vector_store %arg13[%swap3A_430, %swap3A_431], %get3A_428 {strides = array<i32>} : memref<2x128xi32, #tpu.memory_space<vmem>>, vector<16xi32>,
        %get3A_433 = arith.constant 240 : index
        %get3A_434 = tpu.vector_load %arg11[%get3A_433] {strides = array<i32>} : memref<256xi32, #tpu.memory_space<vmem>>, vector<16xi32>,
        %swap3A_435 = arith.constant 1 : i32
        %swap3A_436 = arith.index_cast %swap3A_435 : i32 to index
        %swap3A_437 = arith.constant 112 : index
        %swap3A_438 = tpu.vector_load %arg13[%swap3A_436, %swap3A_437] {strides = array<i32>} : memref<2x128xi32, #tpu.memory_space<vmem>>, vector<16xi32>,
        tpu.vector_store %arg13[%swap3A_436, %swap3A_437], %get3A_434 {strides = array<i32>} : memref<2x128xi32, #tpu.memory_space<vmem>>, vector<16xi32>,
        %parallel_loop3A = arith.constant 0 : i32
        %parallel_loop3A_439 = arith.constant 128 : i32
        %parallel_loop3A_440 = arith.constant 8 : i32
        %parallel_loop3A_441 = scf.for %parallel_loop3A_462 = %parallel_loop3A to %parallel_loop3A_439 step %parallel_loop3A_440 iter_args(%parallel_loop3A_463 = %mul3A_21) -> (vector<16xi32>)  : i32 {
          %parallel_loop3A_464 = arith.constant 0 : i32
          %parallel_loop3A_465 = vector.broadcast %parallel_loop3A_464 : i32 to vector<16xi32>
          %parallel_loop3A_466 = arith.addi %parallel_loop3A_463, %parallel_loop3A_465 : vector<16xi32>
          %parallel_loop3A_467 = tpu.vector_load_idx %arg7[%add3A_15, %parallel_loop3A_466] : memref<32x129xf32, #tpu.memory_space<vmem>>[vector<16xi32>, vector<16xi32>], vector<16xf32>,
          %parallel_loop3A_468 = arith.constant 0 : i32
          %parallel_loop3A_469 = arith.addi %parallel_loop3A_468, %parallel_loop3A_462 : i32
          %parallel_loop3A_470 = arith.constant 0 : i32
          %parallel_loop3A_471 = arith.addi %parallel_loop3A_469, %parallel_loop3A_470 : i32
          %parallel_loop3A_472 = arith.index_cast %parallel_loop3A_471 : i32 to index
          %parallel_loop3A_473 = arith.constant 0 : index
          %parallel_loop3A_474 = tpu.vector_load %arg9[%parallel_loop3A_472, %parallel_loop3A_473] {strides = array<i32>} : memref<256x16xf32, #tpu.memory_space<vmem>>, vector<16xf32>,
          tpu.vector_store %arg9[%parallel_loop3A_472, %parallel_loop3A_473], %parallel_loop3A_467 {strides = array<i32>} : memref<256x16xf32, #tpu.memory_space<vmem>>, vector<16xf32>,
          %parallel_loop3A_475 = arith.constant 0 : i32
          %parallel_loop3A_476 = vector.broadcast %parallel_loop3A_475 : i32 to vector<16xi32>
          %parallel_loop3A_477 = arith.addi %parallel_loop3A_463, %parallel_loop3A_476 : vector<16xi32>
          %parallel_loop3A_478 = tpu.vector_load_idx %arg7[%add3A_18, %parallel_loop3A_477] : memref<32x129xf32, #tpu.memory_space<vmem>>[vector<16xi32>, vector<16xi32>], vector<16xf32>,
          %parallel_loop3A_479 = arith.constant 128 : i32
          %parallel_loop3A_480 = arith.addi %parallel_loop3A_479, %parallel_loop3A_462 : i32
          %parallel_loop3A_481 = arith.constant 0 : i32
          %parallel_loop3A_482 = arith.addi %parallel_loop3A_480, %parallel_loop3A_481 : i32
          %parallel_loop3A_483 = arith.index_cast %parallel_loop3A_482 : i32 to index
          %parallel_loop3A_484 = arith.constant 0 : index
          %parallel_loop3A_485 = tpu.vector_load %arg9[%parallel_loop3A_483, %parallel_loop3A_484] {strides = array<i32>} : memref<256x16xf32, #tpu.memory_space<vmem>>, vector<16xf32>,
          tpu.vector_store %arg9[%parallel_loop3A_483, %parallel_loop3A_484], %parallel_loop3A_478 {strides = array<i32>} : memref<256x16xf32, #tpu.memory_space<vmem>>, vector<16xf32>,
          %parallel_loop3A_486 = arith.constant 1 : i32
          %parallel_loop3A_487 = vector.broadcast %parallel_loop3A_486 : i32 to vector<16xi32>
          %parallel_loop3A_488 = arith.addi %parallel_loop3A_463, %parallel_loop3A_487 : vector<16xi32>
          %parallel_loop3A_489 = tpu.vector_load_idx %arg7[%add3A_15, %parallel_loop3A_488] : memref<32x129xf32, #tpu.memory_space<vmem>>[vector<16xi32>, vector<16xi32>], vector<16xf32>,
          %parallel_loop3A_490 = arith.constant 0 : i32
          %parallel_loop3A_491 = arith.addi %parallel_loop3A_490, %parallel_loop3A_462 : i32
          %parallel_loop3A_492 = arith.constant 1 : i32
          %parallel_loop3A_493 = arith.addi %parallel_loop3A_491, %parallel_loop3A_492 : i32
          %parallel_loop3A_494 = arith.index_cast %parallel_loop3A_493 : i32 to index
          %parallel_loop3A_495 = arith.constant 0 : index
          %parallel_loop3A_496 = tpu.vector_load %arg9[%parallel_loop3A_494, %parallel_loop3A_495] {strides = array<i32>} : memref<256x16xf32, #tpu.memory_space<vmem>>, vector<16xf32>,
          tpu.vector_store %arg9[%parallel_loop3A_494, %parallel_loop3A_495], %parallel_loop3A_489 {strides = array<i32>} : memref<256x16xf32, #tpu.memory_space<vmem>>, vector<16xf32>,
          %parallel_loop3A_497 = arith.constant 1 : i32
          %parallel_loop3A_498 = vector.broadcast %parallel_loop3A_497 : i32 to vector<16xi32>
          %parallel_loop3A_499 = arith.addi %parallel_loop3A_463, %parallel_loop3A_498 : vector<16xi32>
          %parallel_loop3A_500 = tpu.vector_load_idx %arg7[%add3A_18, %parallel_loop3A_499] : memref<32x129xf32, #tpu.memory_space<vmem>>[vector<16xi32>, vector<16xi32>], vector<16xf32>,
          %parallel_loop3A_501 = arith.constant 128 : i32
          %parallel_loop3A_502 = arith.addi %parallel_loop3A_501, %parallel_loop3A_462 : i32
          %parallel_loop3A_503 = arith.constant 1 : i32
          %parallel_loop3A_504 = arith.addi %parallel_loop3A_502, %parallel_loop3A_503 : i32
          %parallel_loop3A_505 = arith.index_cast %parallel_loop3A_504 : i32 to index
          %parallel_loop3A_506 = arith.constant 0 : index
          %parallel_loop3A_507 = tpu.vector_load %arg9[%parallel_loop3A_505, %parallel_loop3A_506] {strides = array<i32>} : memref<256x16xf32, #tpu.memory_space<vmem>>, vector<16xf32>,
          tpu.vector_store %arg9[%parallel_loop3A_505, %parallel_loop3A_506], %parallel_loop3A_500 {strides = array<i32>} : memref<256x16xf32, #tpu.memory_space<vmem>>, vector<16xf32>,
          %parallel_loop3A_508 = arith.constant 2 : i32
          %parallel_loop3A_509 = vector.broadcast %parallel_loop3A_508 : i32 to vector<16xi32>
          %parallel_loop3A_510 = arith.addi %parallel_loop3A_463, %parallel_loop3A_509 : vector<16xi32>
          %parallel_loop3A_511 = tpu.vector_load_idx %arg7[%add3A_15, %parallel_loop3A_510] : memref<32x129xf32, #tpu.memory_space<vmem>>[vector<16xi32>, vector<16xi32>], vector<16xf32>,
          %parallel_loop3A_512 = arith.constant 0 : i32
          %parallel_loop3A_513 = arith.addi %parallel_loop3A_512, %parallel_loop3A_462 : i32
          %parallel_loop3A_514 = arith.constant 2 : i32
          %parallel_loop3A_515 = arith.addi %parallel_loop3A_513, %parallel_loop3A_514 : i32
          %parallel_loop3A_516 = arith.index_cast %parallel_loop3A_515 : i32 to index
          %parallel_loop3A_517 = arith.constant 0 : index
          %parallel_loop3A_518 = tpu.vector_load %arg9[%parallel_loop3A_516, %parallel_loop3A_517] {strides = array<i32>} : memref<256x16xf32, #tpu.memory_space<vmem>>, vector<16xf32>,
          tpu.vector_store %arg9[%parallel_loop3A_516, %parallel_loop3A_517], %parallel_loop3A_511 {strides = array<i32>} : memref<256x16xf32, #tpu.memory_space<vmem>>, vector<16xf32>,
          %parallel_loop3A_519 = arith.constant 2 : i32
          %parallel_loop3A_520 = vector.broadcast %parallel_loop3A_519 : i32 to vector<16xi32>
          %parallel_loop3A_521 = arith.addi %parallel_loop3A_463, %parallel_loop3A_520 : vector<16xi32>
          %parallel_loop3A_522 = tpu.vector_load_idx %arg7[%add3A_18, %parallel_loop3A_521] : memref<32x129xf32, #tpu.memory_space<vmem>>[vector<16xi32>, vector<16xi32>], vector<16xf32>,
          %parallel_loop3A_523 = arith.constant 128 : i32
          %parallel_loop3A_524 = arith.addi %parallel_loop3A_523, %parallel_loop3A_462 : i32
          %parallel_loop3A_525 = arith.constant 2 : i32
          %parallel_loop3A_526 = arith.addi %parallel_loop3A_524, %parallel_loop3A_525 : i32
          %parallel_loop3A_527 = arith.index_cast %parallel_loop3A_526 : i32 to index
          %parallel_loop3A_528 = arith.constant 0 : index
          %parallel_loop3A_529 = tpu.vector_load %arg9[%parallel_loop3A_527, %parallel_loop3A_528] {strides = array<i32>} : memref<256x16xf32, #tpu.memory_space<vmem>>, vector<16xf32>,
          tpu.vector_store %arg9[%parallel_loop3A_527, %parallel_loop3A_528], %parallel_loop3A_522 {strides = array<i32>} : memref<256x16xf32, #tpu.memory_space<vmem>>, vector<16xf32>,
          %parallel_loop3A_530 = arith.constant 3 : i32
          %parallel_loop3A_531 = vector.broadcast %parallel_loop3A_530 : i32 to vector<16xi32>
          %parallel_loop3A_532 = arith.addi %parallel_loop3A_463, %parallel_loop3A_531 : vector<16xi32>
          %parallel_loop3A_533 = tpu.vector_load_idx %arg7[%add3A_15, %parallel_loop3A_532] : memref<32x129xf32, #tpu.memory_space<vmem>>[vector<16xi32>, vector<16xi32>], vector<16xf32>,
          %parallel_loop3A_534 = arith.constant 0 : i32
          %parallel_loop3A_535 = arith.addi %parallel_loop3A_534, %parallel_loop3A_462 : i32
          %parallel_loop3A_536 = arith.constant 3 : i32
          %parallel_loop3A_537 = arith.addi %parallel_loop3A_535, %parallel_loop3A_536 : i32
          %parallel_loop3A_538 = arith.index_cast %parallel_loop3A_537 : i32 to index
          %parallel_loop3A_539 = arith.constant 0 : index
          %parallel_loop3A_540 = tpu.vector_load %arg9[%parallel_loop3A_538, %parallel_loop3A_539] {strides = array<i32>} : memref<256x16xf32, #tpu.memory_space<vmem>>, vector<16xf32>,
          tpu.vector_store %arg9[%parallel_loop3A_538, %parallel_loop3A_539], %parallel_loop3A_533 {strides = array<i32>} : memref<256x16xf32, #tpu.memory_space<vmem>>, vector<16xf32>,
          %parallel_loop3A_541 = arith.constant 3 : i32
          %parallel_loop3A_542 = vector.broadcast %parallel_loop3A_541 : i32 to vector<16xi32>
          %parallel_loop3A_543 = arith.addi %parallel_loop3A_463, %parallel_loop3A_542 : vector<16xi32>
          %parallel_loop3A_544 = tpu.vector_load_idx %arg7[%add3A_18, %parallel_loop3A_543] : memref<32x129xf32, #tpu.memory_space<vmem>>[vector<16xi32>, vector<16xi32>], vector<16xf32>,
          %parallel_loop3A_545 = arith.constant 128 : i32
          %parallel_loop3A_546 = arith.addi %parallel_loop3A_545, %parallel_loop3A_462 : i32
          %parallel_loop3A_547 = arith.constant 3 : i32
          %parallel_loop3A_548 = arith.addi %parallel_loop3A_546, %parallel_loop3A_547 : i32
          %parallel_loop3A_549 = arith.index_cast %parallel_loop3A_548 : i32 to index
          %parallel_loop3A_550 = arith.constant 0 : index
          %parallel_loop3A_551 = tpu.vector_load %arg9[%parallel_loop3A_549, %parallel_loop3A_550] {strides = array<i32>} : memref<256x16xf32, #tpu.memory_space<vmem>>, vector<16xf32>,
          tpu.vector_store %arg9[%parallel_loop3A_549, %parallel_loop3A_550], %parallel_loop3A_544 {strides = array<i32>} : memref<256x16xf32, #tpu.memory_space<vmem>>, vector<16xf32>,
          %parallel_loop3A_552 = arith.constant 4 : i32
          %parallel_loop3A_553 = vector.broadcast %parallel_loop3A_552 : i32 to vector<16xi32>
          %parallel_loop3A_554 = arith.addi %parallel_loop3A_463, %parallel_loop3A_553 : vector<16xi32>
          %parallel_loop3A_555 = tpu.vector_load_idx %arg7[%add3A_15, %parallel_loop3A_554] : memref<32x129xf32, #tpu.memory_space<vmem>>[vector<16xi32>, vector<16xi32>], vector<16xf32>,
          %parallel_loop3A_556 = arith.constant 0 : i32
          %parallel_loop3A_557 = arith.addi %parallel_loop3A_556, %parallel_loop3A_462 : i32
          %parallel_loop3A_558 = arith.constant 4 : i32
          %parallel_loop3A_559 = arith.addi %parallel_loop3A_557, %parallel_loop3A_558 : i32
          %parallel_loop3A_560 = arith.index_cast %parallel_loop3A_559 : i32 to index
          %parallel_loop3A_561 = arith.constant 0 : index
          %parallel_loop3A_562 = tpu.vector_load %arg9[%parallel_loop3A_560, %parallel_loop3A_561] {strides = array<i32>} : memref<256x16xf32, #tpu.memory_space<vmem>>, vector<16xf32>,
          tpu.vector_store %arg9[%parallel_loop3A_560, %parallel_loop3A_561], %parallel_loop3A_555 {strides = array<i32>} : memref<256x16xf32, #tpu.memory_space<vmem>>, vector<16xf32>,
          %parallel_loop3A_563 = arith.constant 4 : i32
          %parallel_loop3A_564 = vector.broadcast %parallel_loop3A_563 : i32 to vector<16xi32>
          %parallel_loop3A_565 = arith.addi %parallel_loop3A_463, %parallel_loop3A_564 : vector<16xi32>
          %parallel_loop3A_566 = tpu.vector_load_idx %arg7[%add3A_18, %parallel_loop3A_565] : memref<32x129xf32, #tpu.memory_space<vmem>>[vector<16xi32>, vector<16xi32>], vector<16xf32>,
          %parallel_loop3A_567 = arith.constant 128 : i32
          %parallel_loop3A_568 = arith.addi %parallel_loop3A_567, %parallel_loop3A_462 : i32
          %parallel_loop3A_569 = arith.constant 4 : i32
          %parallel_loop3A_570 = arith.addi %parallel_loop3A_568, %parallel_loop3A_569 : i32
          %parallel_loop3A_571 = arith.index_cast %parallel_loop3A_570 : i32 to index
          %parallel_loop3A_572 = arith.constant 0 : index
          %parallel_loop3A_573 = tpu.vector_load %arg9[%parallel_loop3A_571, %parallel_loop3A_572] {strides = array<i32>} : memref<256x16xf32, #tpu.memory_space<vmem>>, vector<16xf32>,
          tpu.vector_store %arg9[%parallel_loop3A_571, %parallel_loop3A_572], %parallel_loop3A_566 {strides = array<i32>} : memref<256x16xf32, #tpu.memory_space<vmem>>, vector<16xf32>,
          %parallel_loop3A_574 = arith.constant 5 : i32
          %parallel_loop3A_575 = vector.broadcast %parallel_loop3A_574 : i32 to vector<16xi32>
          %parallel_loop3A_576 = arith.addi %parallel_loop3A_463, %parallel_loop3A_575 : vector<16xi32>
          %parallel_loop3A_577 = tpu.vector_load_idx %arg7[%add3A_15, %parallel_loop3A_576] : memref<32x129xf32, #tpu.memory_space<vmem>>[vector<16xi32>, vector<16xi32>], vector<16xf32>,
          %parallel_loop3A_578 = arith.constant 0 : i32
          %parallel_loop3A_579 = arith.addi %parallel_loop3A_578, %parallel_loop3A_462 : i32
          %parallel_loop3A_580 = arith.constant 5 : i32
          %parallel_loop3A_581 = arith.addi %parallel_loop3A_579, %parallel_loop3A_580 : i32
          %parallel_loop3A_582 = arith.index_cast %parallel_loop3A_581 : i32 to index
          %parallel_loop3A_583 = arith.constant 0 : index
          %parallel_loop3A_584 = tpu.vector_load %arg9[%parallel_loop3A_582, %parallel_loop3A_583] {strides = array<i32>} : memref<256x16xf32, #tpu.memory_space<vmem>>, vector<16xf32>,
          tpu.vector_store %arg9[%parallel_loop3A_582, %parallel_loop3A_583], %parallel_loop3A_577 {strides = array<i32>} : memref<256x16xf32, #tpu.memory_space<vmem>>, vector<16xf32>,
          %parallel_loop3A_585 = arith.constant 5 : i32
          %parallel_loop3A_586 = vector.broadcast %parallel_loop3A_585 : i32 to vector<16xi32>
          %parallel_loop3A_587 = arith.addi %parallel_loop3A_463, %parallel_loop3A_586 : vector<16xi32>
          %parallel_loop3A_588 = tpu.vector_load_idx %arg7[%add3A_18, %parallel_loop3A_587] : memref<32x129xf32, #tpu.memory_space<vmem>>[vector<16xi32>, vector<16xi32>], vector<16xf32>,
          %parallel_loop3A_589 = arith.constant 128 : i32
          %parallel_loop3A_590 = arith.addi %parallel_loop3A_589, %parallel_loop3A_462 : i32
          %parallel_loop3A_591 = arith.constant 5 : i32
          %parallel_loop3A_592 = arith.addi %parallel_loop3A_590, %parallel_loop3A_591 : i32
          %parallel_loop3A_593 = arith.index_cast %parallel_loop3A_592 : i32 to index
          %parallel_loop3A_594 = arith.constant 0 : index
          %parallel_loop3A_595 = tpu.vector_load %arg9[%parallel_loop3A_593, %parallel_loop3A_594] {strides = array<i32>} : memref<256x16xf32, #tpu.memory_space<vmem>>, vector<16xf32>,
          tpu.vector_store %arg9[%parallel_loop3A_593, %parallel_loop3A_594], %parallel_loop3A_588 {strides = array<i32>} : memref<256x16xf32, #tpu.memory_space<vmem>>, vector<16xf32>,
          %parallel_loop3A_596 = arith.constant 6 : i32
          %parallel_loop3A_597 = vector.broadcast %parallel_loop3A_596 : i32 to vector<16xi32>
          %parallel_loop3A_598 = arith.addi %parallel_loop3A_463, %parallel_loop3A_597 : vector<16xi32>
          %parallel_loop3A_599 = tpu.vector_load_idx %arg7[%add3A_15, %parallel_loop3A_598] : memref<32x129xf32, #tpu.memory_space<vmem>>[vector<16xi32>, vector<16xi32>], vector<16xf32>,
          %parallel_loop3A_600 = arith.constant 0 : i32
          %parallel_loop3A_601 = arith.addi %parallel_loop3A_600, %parallel_loop3A_462 : i32
          %parallel_loop3A_602 = arith.constant 6 : i32
          %parallel_loop3A_603 = arith.addi %parallel_loop3A_601, %parallel_loop3A_602 : i32
          %parallel_loop3A_604 = arith.index_cast %parallel_loop3A_603 : i32 to index
          %parallel_loop3A_605 = arith.constant 0 : index
          %parallel_loop3A_606 = tpu.vector_load %arg9[%parallel_loop3A_604, %parallel_loop3A_605] {strides = array<i32>} : memref<256x16xf32, #tpu.memory_space<vmem>>, vector<16xf32>,
          tpu.vector_store %arg9[%parallel_loop3A_604, %parallel_loop3A_605], %parallel_loop3A_599 {strides = array<i32>} : memref<256x16xf32, #tpu.memory_space<vmem>>, vector<16xf32>,
          %parallel_loop3A_607 = arith.constant 6 : i32
          %parallel_loop3A_608 = vector.broadcast %parallel_loop3A_607 : i32 to vector<16xi32>
          %parallel_loop3A_609 = arith.addi %parallel_loop3A_463, %parallel_loop3A_608 : vector<16xi32>
          %parallel_loop3A_610 = tpu.vector_load_idx %arg7[%add3A_18, %parallel_loop3A_609] : memref<32x129xf32, #tpu.memory_space<vmem>>[vector<16xi32>, vector<16xi32>], vector<16xf32>,
          %parallel_loop3A_611 = arith.constant 128 : i32
          %parallel_loop3A_612 = arith.addi %parallel_loop3A_611, %parallel_loop3A_462 : i32
          %parallel_loop3A_613 = arith.constant 6 : i32
          %parallel_loop3A_614 = arith.addi %parallel_loop3A_612, %parallel_loop3A_613 : i32
          %parallel_loop3A_615 = arith.index_cast %parallel_loop3A_614 : i32 to index
          %parallel_loop3A_616 = arith.constant 0 : index
          %parallel_loop3A_617 = tpu.vector_load %arg9[%parallel_loop3A_615, %parallel_loop3A_616] {strides = array<i32>} : memref<256x16xf32, #tpu.memory_space<vmem>>, vector<16xf32>,
          tpu.vector_store %arg9[%parallel_loop3A_615, %parallel_loop3A_616], %parallel_loop3A_610 {strides = array<i32>} : memref<256x16xf32, #tpu.memory_space<vmem>>, vector<16xf32>,
          %parallel_loop3A_618 = arith.constant 7 : i32
          %parallel_loop3A_619 = vector.broadcast %parallel_loop3A_618 : i32 to vector<16xi32>
          %parallel_loop3A_620 = arith.addi %parallel_loop3A_463, %parallel_loop3A_619 : vector<16xi32>
          %parallel_loop3A_621 = tpu.vector_load_idx %arg7[%add3A_15, %parallel_loop3A_620] : memref<32x129xf32, #tpu.memory_space<vmem>>[vector<16xi32>, vector<16xi32>], vector<16xf32>,
          %parallel_loop3A_622 = arith.constant 0 : i32
          %parallel_loop3A_623 = arith.addi %parallel_loop3A_622, %parallel_loop3A_462 : i32
          %parallel_loop3A_624 = arith.constant 7 : i32
          %parallel_loop3A_625 = arith.addi %parallel_loop3A_623, %parallel_loop3A_624 : i32
          %parallel_loop3A_626 = arith.index_cast %parallel_loop3A_625 : i32 to index
          %parallel_loop3A_627 = arith.constant 0 : index
          %parallel_loop3A_628 = tpu.vector_load %arg9[%parallel_loop3A_626, %parallel_loop3A_627] {strides = array<i32>} : memref<256x16xf32, #tpu.memory_space<vmem>>, vector<16xf32>,
          tpu.vector_store %arg9[%parallel_loop3A_626, %parallel_loop3A_627], %parallel_loop3A_621 {strides = array<i32>} : memref<256x16xf32, #tpu.memory_space<vmem>>, vector<16xf32>,
          %parallel_loop3A_629 = arith.constant 7 : i32
          %parallel_loop3A_630 = vector.broadcast %parallel_loop3A_629 : i32 to vector<16xi32>
          %parallel_loop3A_631 = arith.addi %parallel_loop3A_463, %parallel_loop3A_630 : vector<16xi32>
          %parallel_loop3A_632 = tpu.vector_load_idx %arg7[%add3A_18, %parallel_loop3A_631] : memref<32x129xf32, #tpu.memory_space<vmem>>[vector<16xi32>, vector<16xi32>], vector<16xf32>,
          %parallel_loop3A_633 = arith.constant 128 : i32
          %parallel_loop3A_634 = arith.addi %parallel_loop3A_633, %parallel_loop3A_462 : i32
          %parallel_loop3A_635 = arith.constant 7 : i32
          %parallel_loop3A_636 = arith.addi %parallel_loop3A_634, %parallel_loop3A_635 : i32
          %parallel_loop3A_637 = arith.index_cast %parallel_loop3A_636 : i32 to index
          %parallel_loop3A_638 = arith.constant 0 : index
          %parallel_loop3A_639 = tpu.vector_load %arg9[%parallel_loop3A_637, %parallel_loop3A_638] {strides = array<i32>} : memref<256x16xf32, #tpu.memory_space<vmem>>, vector<16xf32>,
          tpu.vector_store %arg9[%parallel_loop3A_637, %parallel_loop3A_638], %parallel_loop3A_632 {strides = array<i32>} : memref<256x16xf32, #tpu.memory_space<vmem>>, vector<16xf32>,
          %parallel_loop3A_640 = arith.constant 8 : i32
          %parallel_loop3A_641 = vector.broadcast %parallel_loop3A_640 : i32 to vector<16xi32>
          %parallel_loop3A_642 = arith.addi %parallel_loop3A_463, %parallel_loop3A_641 : vector<16xi32>
          scf.yield %parallel_loop3A_642 : vector<16xi32>
        } {sc.loop_unroll_factor = 1 : i64, sc.parallel_access}
        %dma_start3A_442 = arith.constant 0 : i32
        %dma_start3A_443 = arith.constant 0 : i32
        %dma_start3A_444 = arith.constant 0 : i32
        %dma_start3A_445 = tpu.memref_slice %arg9[%dma_start3A_443, %dma_start3A_444] : memref<256x16xf32, #tpu.memory_space<vmem>> -> memref<128x16xf32, #tpu.memory_space<vmem>>
        %dma_start3A_446 = arith.constant 0 : i32
        %dma_start3A_447 = tpu.memref_slice %arg13[%dma_start3A_442, %dma_start3A_446] : memref<2x128xi32, #tpu.memory_space<vmem>> -> memref<1x128xi32, #tpu.memory_space<vmem>>
        %dma_start3A_448 = tpu.memref_squeeze %dma_start3A_447 : memref<1x128xi32, #tpu.memory_space<vmem>> -> memref<128xi32, #tpu.memory_space<vmem>>
        %dma_start3A_449 = arith.constant 0 : i32
        %dma_start3A_450 = arith.constant 0 : i32
        %dma_start3A_451 = tpu.memref_slice %arg18[%dma_start3A_449, %dma_start3A_450] : memref<100000x16xf32, #tpu.memory_space<vmem_shared>> -> memref<100000x16xf32, #tpu.memory_space<vmem_shared>>
        tpu.enqueue_indirect_dma source(%dma_start3A_445 : memref<128x16xf32, #tpu.memory_space<vmem>>) target(%dma_start3A_451 : memref<100000x16xf32, #tpu.memory_space<vmem_shared>>) offsets(%dma_start3A_448 : memref<128xi32, #tpu.memory_space<vmem>>) semaphore(%arg17 : memref<!tpu.dma_semaphore, #tpu.memory_space<semaphore_mem>>) {add = true}
        %dma_start3A_452 = arith.constant 1 : i32
        %dma_start3A_453 = arith.constant 128 : i32
        %dma_start3A_454 = arith.constant 0 : i32
        %dma_start3A_455 = tpu.memref_slice %arg9[%dma_start3A_453, %dma_start3A_454] : memref<256x16xf32, #tpu.memory_space<vmem>> -> memref<128x16xf32, #tpu.memory_space<vmem>>
        %dma_start3A_456 = arith.constant 0 : i32
        %dma_start3A_457 = tpu.memref_slice %arg13[%dma_start3A_452, %dma_start3A_456] : memref<2x128xi32, #tpu.memory_space<vmem>> -> memref<1x128xi32, #tpu.memory_space<vmem>>
        %dma_start3A_458 = tpu.memref_squeeze %dma_start3A_457 : memref<1x128xi32, #tpu.memory_space<vmem>> -> memref<128xi32, #tpu.memory_space<vmem>>
        %dma_start3A_459 = arith.constant 0 : i32
        %dma_start3A_460 = arith.constant 0 : i32
        %dma_start3A_461 = tpu.memref_slice %arg18[%dma_start3A_459, %dma_start3A_460] : memref<100000x16xf32, #tpu.memory_space<vmem_shared>> -> memref<100000x16xf32, #tpu.memory_space<vmem_shared>>
        tpu.enqueue_indirect_dma source(%dma_start3A_455 : memref<128x16xf32, #tpu.memory_space<vmem>>) target(%dma_start3A_461 : memref<100000x16xf32, #tpu.memory_space<vmem_shared>>) offsets(%dma_start3A_458 : memref<128xi32, #tpu.memory_space<vmem>>) semaphore(%arg17 : memref<!tpu.dma_semaphore, #tpu.memory_space<semaphore_mem>>) {add = true}
      } else {
      }
      %sub3A_259 = arith.constant 2 : i32
      %sub3A_260 = arith.subi %add3A_12, %sub3A_259 : i32
      %lt3A_261 = arith.cmpi slt, %add3A_244, %sub3A_260 : i32
      %convert_element_type3A_262 = arith.extui %lt3A_261 : i1 to i32
      %cond3A_263 = arith.constant 0 : i32
      %cond3A_264 = arith.cmpi ne, %convert_element_type3A_262, %cond3A_263 : i32
      scf.if %cond3A_264 {
        %add3A_266 = arith.constant 2 : i32
        %add3A_267 = arith.addi %add3A_245, %add3A_266 : i32
        %mul3A_268 = arith.constant 2 : i32
        %mul3A_269 = arith.muli %add3A_267, %mul3A_268 : i32
        %mul3A_270 = arith.constant 128 : i32
        %mul3A_271 = arith.muli %mul3A_269, %mul3A_270 : i32
        %add3A_272 = arith.constant 3200000 : i32
        %add3A_273 = arith.addi %add3A_272, %mul3A_271 : i32
        %dma_start3A_274 = tpu.memref_slice %arg2[%add3A_273] : memref<6400000xi32, #tpu.memory_space<hbm>> -> memref<256xi32, #tpu.memory_space<hbm>>
        %dma_start3A_275 = tpu.memref_slice %arg2[%add3A_273] : memref<6400000xi32, #tpu.memory_space<hbm>> -> memref<256xi32, #tpu.memory_space<hbm>>
        tpu.enqueue_dma source(%dma_start3A_275 : memref<256xi32, #tpu.memory_space<hbm>>) target(%arg11 : memref<256xi32, #tpu.memory_space<vmem>>) target_semaphore(%arg15 : memref<!tpu.dma_semaphore, #tpu.memory_space<semaphore_mem>>)
        %mul3A_276 = arith.constant 2 : i32
        %mul3A_277 = arith.muli %add3A_267, %mul3A_276 : i32
        %add3A_278 = arith.constant 0 : i32
        %add3A_279 = arith.addi %add3A_278, %mul3A_277 : i32
        %add3A_280 = arith.constant 0 : i32
        %add3A_281 = arith.addi %add3A_279, %add3A_280 : i32
        %mul3A_282 = arith.constant 8 : i32
        %mul3A_283 = arith.muli %add3A_281, %mul3A_282 : i32
        %dma_start3A_284 = arith.constant 0 : i32
        %dma_start3A_285 = arith.constant 0 : i32
        %dma_start3A_286 = tpu.memref_slice %arg7[%dma_start3A_284, %dma_start3A_285] : memref<32x129xf32, #tpu.memory_space<vmem>> -> memref<8x128xf32, #tpu.memory_space<vmem>>
        %dma_start3A_287 = arith.constant 0 : i32
        %dma_start3A_288 = tpu.memref_slice %arg3[%mul3A_283, %dma_start3A_287] : memref<400000x128xf32, #tpu.memory_space<hbm>> -> memref<8x128xf32, #tpu.memory_space<hbm>>
        %dma_start3A_289 = arith.constant 0 : i32
        %dma_start3A_290 = arith.constant 0 : i32
        %dma_start3A_291 = tpu.memref_slice %arg7[%dma_start3A_289, %dma_start3A_290] : memref<32x129xf32, #tpu.memory_space<vmem>> -> memref<8x128xf32, #tpu.memory_space<vmem>>
        %dma_start3A_292 = arith.constant 0 : i32
        %dma_start3A_293 = tpu.memref_slice %arg3[%mul3A_283, %dma_start3A_292] : memref<400000x128xf32, #tpu.memory_space<hbm>> -> memref<8x128xf32, #tpu.memory_space<hbm>>
        tpu.enqueue_dma source(%dma_start3A_293 : memref<8x128xf32, #tpu.memory_space<hbm>>) target(%dma_start3A_291 : memref<8x128xf32, #tpu.memory_space<vmem>>) target_semaphore(%arg15 : memref<!tpu.dma_semaphore, #tpu.memory_space<semaphore_mem>>)
        %mul3A_294 = arith.constant 2 : i32
        %mul3A_295 = arith.muli %add3A_267, %mul3A_294 : i32
        %add3A_296 = arith.constant 25000 : i32
        %add3A_297 = arith.addi %add3A_296, %mul3A_295 : i32
        %add3A_298 = arith.constant 0 : i32
        %add3A_299 = arith.addi %add3A_297, %add3A_298 : i32
        %mul3A_300 = arith.constant 8 : i32
        %mul3A_301 = arith.muli %add3A_299, %mul3A_300 : i32
        %dma_start3A_302 = arith.constant 8 : i32
        %dma_start3A_303 = arith.constant 0 : i32
        %dma_start3A_304 = tpu.memref_slice %arg7[%dma_start3A_302, %dma_start3A_303] : memref<32x129xf32, #tpu.memory_space<vmem>> -> memref<8x128xf32, #tpu.memory_space<vmem>>
        %dma_start3A_305 = arith.constant 0 : i32
        %dma_start3A_306 = tpu.memref_slice %arg3[%mul3A_301, %dma_start3A_305] : memref<400000x128xf32, #tpu.memory_space<hbm>> -> memref<8x128xf32, #tpu.memory_space<hbm>>
        %dma_start3A_307 = arith.constant 8 : i32
        %dma_start3A_308 = arith.constant 0 : i32
        %dma_start3A_309 = tpu.memref_slice %arg7[%dma_start3A_307, %dma_start3A_308] : memref<32x129xf32, #tpu.memory_space<vmem>> -> memref<8x128xf32, #tpu.memory_space<vmem>>
        %dma_start3A_310 = arith.constant 0 : i32
        %dma_start3A_311 = tpu.memref_slice %arg3[%mul3A_301, %dma_start3A_310] : memref<400000x128xf32, #tpu.memory_space<hbm>> -> memref<8x128xf32, #tpu.memory_space<hbm>>
        tpu.enqueue_dma source(%dma_start3A_311 : memref<8x128xf32, #tpu.memory_space<hbm>>) target(%dma_start3A_309 : memref<8x128xf32, #tpu.memory_space<vmem>>) target_semaphore(%arg15 : memref<!tpu.dma_semaphore, #tpu.memory_space<semaphore_mem>>)
        %mul3A_312 = arith.constant 2 : i32
        %mul3A_313 = arith.muli %add3A_267, %mul3A_312 : i32
        %add3A_314 = arith.constant 0 : i32
        %add3A_315 = arith.addi %add3A_314, %mul3A_313 : i32
        %add3A_316 = arith.constant 1 : i32
        %add3A_317 = arith.addi %add3A_315, %add3A_316 : i32
        %mul3A_318 = arith.constant 8 : i32
        %mul3A_319 = arith.muli %add3A_317, %mul3A_318 : i32
        %dma_start3A_320 = arith.constant 16 : i32
        %dma_start3A_321 = arith.constant 0 : i32
        %dma_start3A_322 = tpu.memref_slice %arg7[%dma_start3A_320, %dma_start3A_321] : memref<32x129xf32, #tpu.memory_space<vmem>> -> memref<8x128xf32, #tpu.memory_space<vmem>>
        %dma_start3A_323 = arith.constant 0 : i32
        %dma_start3A_324 = tpu.memref_slice %arg3[%mul3A_319, %dma_start3A_323] : memref<400000x128xf32, #tpu.memory_space<hbm>> -> memref<8x128xf32, #tpu.memory_space<hbm>>
        %dma_start3A_325 = arith.constant 16 : i32
        %dma_start3A_326 = arith.constant 0 : i32
        %dma_start3A_327 = tpu.memref_slice %arg7[%dma_start3A_325, %dma_start3A_326] : memref<32x129xf32, #tpu.memory_space<vmem>> -> memref<8x128xf32, #tpu.memory_space<vmem>>
        %dma_start3A_328 = arith.constant 0 : i32
        %dma_start3A_329 = tpu.memref_slice %arg3[%mul3A_319, %dma_start3A_328] : memref<400000x128xf32, #tpu.memory_space<hbm>> -> memref<8x128xf32, #tpu.memory_space<hbm>>
        tpu.enqueue_dma source(%dma_start3A_329 : memref<8x128xf32, #tpu.memory_space<hbm>>) target(%dma_start3A_327 : memref<8x128xf32, #tpu.memory_space<vmem>>) target_semaphore(%arg15 : memref<!tpu.dma_semaphore, #tpu.memory_space<semaphore_mem>>)
        %mul3A_330 = arith.constant 2 : i32
        %mul3A_331 = arith.muli %add3A_267, %mul3A_330 : i32
        %add3A_332 = arith.constant 25000 : i32
        %add3A_333 = arith.addi %add3A_332, %mul3A_331 : i32
        %add3A_334 = arith.constant 1 : i32
        %add3A_335 = arith.addi %add3A_333, %add3A_334 : i32
        %mul3A_336 = arith.constant 8 : i32
        %mul3A_337 = arith.muli %add3A_335, %mul3A_336 : i32
        %dma_start3A_338 = arith.constant 24 : i32
        %dma_start3A_339 = arith.constant 0 : i32
        %dma_start3A_340 = tpu.memref_slice %arg7[%dma_start3A_338, %dma_start3A_339] : memref<32x129xf32, #tpu.memory_space<vmem>> -> memref<8x128xf32, #tpu.memory_space<vmem>>
        %dma_start3A_341 = arith.constant 0 : i32
        %dma_start3A_342 = tpu.memref_slice %arg3[%mul3A_337, %dma_start3A_341] : memref<400000x128xf32, #tpu.memory_space<hbm>> -> memref<8x128xf32, #tpu.memory_space<hbm>>
        %dma_start3A_343 = arith.constant 24 : i32
        %dma_start3A_344 = arith.constant 0 : i32
        %dma_start3A_345 = tpu.memref_slice %arg7[%dma_start3A_343, %dma_start3A_344] : memref<32x129xf32, #tpu.memory_space<vmem>> -> memref<8x128xf32, #tpu.memory_space<vmem>>
        %dma_start3A_346 = arith.constant 0 : i32
        %dma_start3A_347 = tpu.memref_slice %arg3[%mul3A_337, %dma_start3A_346] : memref<400000x128xf32, #tpu.memory_space<hbm>> -> memref<8x128xf32, #tpu.memory_space<hbm>>
        tpu.enqueue_dma source(%dma_start3A_347 : memref<8x128xf32, #tpu.memory_space<hbm>>) target(%dma_start3A_345 : memref<8x128xf32, #tpu.memory_space<vmem>>) target_semaphore(%arg15 : memref<!tpu.dma_semaphore, #tpu.memory_space<semaphore_mem>>)
      } else {
      }
      %while3A_265 = arith.constant 0 : i32
      scf.yield %while3A_265 : i32
    }
    %while3A_212 = arith.constant 1 : i32
    %while3A_213 = scf.for %while3A_218 = %while3A_209 to %while3A_205 step %while3A_212 iter_args(%while3A_219 = %while3A_211) -> (i32)  : i32 {
      %mul3A_220 = arith.constant 2 : i32
      %mul3A_221 = arith.muli %mul3A_220, %while3A_218 : i32
      %add3A_222 = arith.constant 0 : i32
      %add3A_223 = arith.addi %mul3A_221, %add3A_222 : i32
      %add3A_224 = arith.addi %add3A_10, %add3A_223 : i32
      %ge3A = arith.constant 2 : i32
      %ge3A_225 = arith.cmpi sge, %add3A_223, %ge3A : i32
      %add3A_226 = arith.constant 2 : i32
      %add3A_227 = arith.addi %add3A_12, %add3A_226 : i32
      %lt3A_228 = arith.cmpi slt, %add3A_223, %add3A_227 : i32
      %and3A_229 = arith.andi %ge3A_225, %lt3A_228 : i1
      %convert_element_type3A = arith.extui %and3A_229 : i1 to i32
      %cond3A = arith.constant 0 : i32
      %cond3A_230 = arith.cmpi ne, %convert_element_type3A, %cond3A : i32
      scf.if %cond3A_230 {
        %dma_wait3A = arith.constant 0 : i32
        %dma_wait3A_266 = arith.constant 0 : i32
        %dma_wait3A_267 = arith.constant 0 : i32
        %dma_wait3A_268 = tpu.memref_slice %arg8[%dma_wait3A_266, %dma_wait3A_267] : memref<256x16xf32, #tpu.memory_space<vmem>> -> memref<128x16xf32, #tpu.memory_space<vmem>>
        %dma_wait3A_269 = arith.constant 0 : i32
        %dma_wait3A_270 = tpu.memref_slice %arg12[%dma_wait3A, %dma_wait3A_269] : memref<2x128xi32, #tpu.memory_space<vmem>> -> memref<1x128xi32, #tpu.memory_space<vmem>>
        %dma_wait3A_271 = tpu.memref_squeeze %dma_wait3A_270 : memref<1x128xi32, #tpu.memory_space<vmem>> -> memref<128xi32, #tpu.memory_space<vmem>>
        %dma_wait3A_272 = arith.constant 0 : i32
        %dma_wait3A_273 = arith.constant 0 : i32
        %dma_wait3A_274 = tpu.memref_slice %arg18[%dma_wait3A_272, %dma_wait3A_273] : memref<100000x16xf32, #tpu.memory_space<vmem_shared>> -> memref<100000x16xf32, #tpu.memory_space<vmem_shared>>
        tpu.wait_indirect_dma semaphore(%arg16 : memref<!tpu.dma_semaphore, #tpu.memory_space<semaphore_mem>>) src(%dma_wait3A_268 : memref<128x16xf32, #tpu.memory_space<vmem>>) dst(%dma_wait3A_274 : memref<100000x16xf32, #tpu.memory_space<vmem_shared>>)
        %dma_wait3A_275 = arith.constant 1 : i32
        %dma_wait3A_276 = arith.constant 128 : i32
        %dma_wait3A_277 = arith.constant 0 : i32
        %dma_wait3A_278 = tpu.memref_slice %arg8[%dma_wait3A_276, %dma_wait3A_277] : memref<256x16xf32, #tpu.memory_space<vmem>> -> memref<128x16xf32, #tpu.memory_space<vmem>>
        %dma_wait3A_279 = arith.constant 0 : i32
        %dma_wait3A_280 = tpu.memref_slice %arg12[%dma_wait3A_275, %dma_wait3A_279] : memref<2x128xi32, #tpu.memory_space<vmem>> -> memref<1x128xi32, #tpu.memory_space<vmem>>
        %dma_wait3A_281 = tpu.memref_squeeze %dma_wait3A_280 : memref<1x128xi32, #tpu.memory_space<vmem>> -> memref<128xi32, #tpu.memory_space<vmem>>
        %dma_wait3A_282 = arith.constant 0 : i32
        %dma_wait3A_283 = arith.constant 0 : i32
        %dma_wait3A_284 = tpu.memref_slice %arg18[%dma_wait3A_282, %dma_wait3A_283] : memref<100000x16xf32, #tpu.memory_space<vmem_shared>> -> memref<100000x16xf32, #tpu.memory_space<vmem_shared>>
        tpu.wait_indirect_dma semaphore(%arg16 : memref<!tpu.dma_semaphore, #tpu.memory_space<semaphore_mem>>) src(%dma_wait3A_278 : memref<128x16xf32, #tpu.memory_space<vmem>>) dst(%dma_wait3A_284 : memref<100000x16xf32, #tpu.memory_space<vmem_shared>>)
      } else {
      }
      %lt3A_231 = arith.cmpi slt, %add3A_223, %add3A_12 : i32
      %convert_element_type3A_232 = arith.extui %lt3A_231 : i1 to i32
      %cond3A_233 = arith.constant 0 : i32
      %cond3A_234 = arith.cmpi ne, %convert_element_type3A_232, %cond3A_233 : i32
      scf.if %cond3A_234 {
        %mul3A_266 = arith.constant 2 : i32
        %mul3A_267 = arith.muli %add3A_224, %mul3A_266 : i32
        %mul3A_268 = arith.constant 128 : i32
        %mul3A_269 = arith.muli %mul3A_267, %mul3A_268 : i32
        %add3A_270 = arith.constant 3200000 : i32
        %add3A_271 = arith.addi %add3A_270, %mul3A_269 : i32
        %dma_wait3A = tpu.memref_slice %arg2[%add3A_271] : memref<6400000xi32, #tpu.memory_space<hbm>> -> memref<256xi32, #tpu.memory_space<hbm>>
        %dma_wait3A_272 = tpu.memref_slice %arg2[%add3A_271] : memref<6400000xi32, #tpu.memory_space<hbm>> -> memref<256xi32, #tpu.memory_space<hbm>>
        tpu.wait_dma2 semaphore(%arg14 : memref<!tpu.dma_semaphore, #tpu.memory_space<semaphore_mem>>) src(%dma_wait3A_272 : memref<256xi32, #tpu.memory_space<hbm>>) dst(%arg10 : memref<256xi32, #tpu.memory_space<vmem>>)
        %mul3A_273 = arith.constant 2 : i32
        %mul3A_274 = arith.muli %add3A_224, %mul3A_273 : i32
        %add3A_275 = arith.constant 0 : i32
        %add3A_276 = arith.addi %add3A_275, %mul3A_274 : i32
        %add3A_277 = arith.constant 0 : i32
        %add3A_278 = arith.addi %add3A_276, %add3A_277 : i32
        %mul3A_279 = arith.constant 8 : i32
        %mul3A_280 = arith.muli %add3A_278, %mul3A_279 : i32
        %dma_wait3A_281 = arith.constant 0 : i32
        %dma_wait3A_282 = arith.constant 0 : i32
        %dma_wait3A_283 = tpu.memref_slice %arg6[%dma_wait3A_281, %dma_wait3A_282] : memref<32x129xf32, #tpu.memory_space<vmem>> -> memref<8x128xf32, #tpu.memory_space<vmem>>
        %dma_wait3A_284 = arith.constant 0 : i32
        %dma_wait3A_285 = tpu.memref_slice %arg3[%mul3A_280, %dma_wait3A_284] : memref<400000x128xf32, #tpu.memory_space<hbm>> -> memref<8x128xf32, #tpu.memory_space<hbm>>
        %dma_wait3A_286 = arith.constant 0 : i32
        %dma_wait3A_287 = arith.constant 0 : i32
        %dma_wait3A_288 = tpu.memref_slice %arg6[%dma_wait3A_286, %dma_wait3A_287] : memref<32x129xf32, #tpu.memory_space<vmem>> -> memref<8x128xf32, #tpu.memory_space<vmem>>
        %dma_wait3A_289 = arith.constant 0 : i32
        %dma_wait3A_290 = tpu.memref_slice %arg3[%mul3A_280, %dma_wait3A_289] : memref<400000x128xf32, #tpu.memory_space<hbm>> -> memref<8x128xf32, #tpu.memory_space<hbm>>
        tpu.wait_dma2 semaphore(%arg14 : memref<!tpu.dma_semaphore, #tpu.memory_space<semaphore_mem>>) src(%dma_wait3A_290 : memref<8x128xf32, #tpu.memory_space<hbm>>) dst(%dma_wait3A_288 : memref<8x128xf32, #tpu.memory_space<vmem>>)
        %mul3A_291 = arith.constant 2 : i32
        %mul3A_292 = arith.muli %add3A_224, %mul3A_291 : i32
        %add3A_293 = arith.constant 25000 : i32
        %add3A_294 = arith.addi %add3A_293, %mul3A_292 : i32
        %add3A_295 = arith.constant 0 : i32
        %add3A_296 = arith.addi %add3A_294, %add3A_295 : i32
        %mul3A_297 = arith.constant 8 : i32
        %mul3A_298 = arith.muli %add3A_296, %mul3A_297 : i32
        %dma_wait3A_299 = arith.constant 8 : i32
        %dma_wait3A_300 = arith.constant 0 : i32
        %dma_wait3A_301 = tpu.memref_slice %arg6[%dma_wait3A_299, %dma_wait3A_300] : memref<32x129xf32, #tpu.memory_space<vmem>> -> memref<8x128xf32, #tpu.memory_space<vmem>>
        %dma_wait3A_302 = arith.constant 0 : i32
        %dma_wait3A_303 = tpu.memref_slice %arg3[%mul3A_298, %dma_wait3A_302] : memref<400000x128xf32, #tpu.memory_space<hbm>> -> memref<8x128xf32, #tpu.memory_space<hbm>>
        %dma_wait3A_304 = arith.constant 8 : i32
        %dma_wait3A_305 = arith.constant 0 : i32
        %dma_wait3A_306 = tpu.memref_slice %arg6[%dma_wait3A_304, %dma_wait3A_305] : memref<32x129xf32, #tpu.memory_space<vmem>> -> memref<8x128xf32, #tpu.memory_space<vmem>>
        %dma_wait3A_307 = arith.constant 0 : i32
        %dma_wait3A_308 = tpu.memref_slice %arg3[%mul3A_298, %dma_wait3A_307] : memref<400000x128xf32, #tpu.memory_space<hbm>> -> memref<8x128xf32, #tpu.memory_space<hbm>>
        tpu.wait_dma2 semaphore(%arg14 : memref<!tpu.dma_semaphore, #tpu.memory_space<semaphore_mem>>) src(%dma_wait3A_308 : memref<8x128xf32, #tpu.memory_space<hbm>>) dst(%dma_wait3A_306 : memref<8x128xf32, #tpu.memory_space<vmem>>)
        %mul3A_309 = arith.constant 2 : i32
        %mul3A_310 = arith.muli %add3A_224, %mul3A_309 : i32
        %add3A_311 = arith.constant 0 : i32
        %add3A_312 = arith.addi %add3A_311, %mul3A_310 : i32
        %add3A_313 = arith.constant 1 : i32
        %add3A_314 = arith.addi %add3A_312, %add3A_313 : i32
        %mul3A_315 = arith.constant 8 : i32
        %mul3A_316 = arith.muli %add3A_314, %mul3A_315 : i32
        %dma_wait3A_317 = arith.constant 16 : i32
        %dma_wait3A_318 = arith.constant 0 : i32
        %dma_wait3A_319 = tpu.memref_slice %arg6[%dma_wait3A_317, %dma_wait3A_318] : memref<32x129xf32, #tpu.memory_space<vmem>> -> memref<8x128xf32, #tpu.memory_space<vmem>>
        %dma_wait3A_320 = arith.constant 0 : i32
        %dma_wait3A_321 = tpu.memref_slice %arg3[%mul3A_316, %dma_wait3A_320] : memref<400000x128xf32, #tpu.memory_space<hbm>> -> memref<8x128xf32, #tpu.memory_space<hbm>>
        %dma_wait3A_322 = arith.constant 16 : i32
        %dma_wait3A_323 = arith.constant 0 : i32
        %dma_wait3A_324 = tpu.memref_slice %arg6[%dma_wait3A_322, %dma_wait3A_323] : memref<32x129xf32, #tpu.memory_space<vmem>> -> memref<8x128xf32, #tpu.memory_space<vmem>>
        %dma_wait3A_325 = arith.constant 0 : i32
        %dma_wait3A_326 = tpu.memref_slice %arg3[%mul3A_316, %dma_wait3A_325] : memref<400000x128xf32, #tpu.memory_space<hbm>> -> memref<8x128xf32, #tpu.memory_space<hbm>>
        tpu.wait_dma2 semaphore(%arg14 : memref<!tpu.dma_semaphore, #tpu.memory_space<semaphore_mem>>) src(%dma_wait3A_326 : memref<8x128xf32, #tpu.memory_space<hbm>>) dst(%dma_wait3A_324 : memref<8x128xf32, #tpu.memory_space<vmem>>)
        %mul3A_327 = arith.constant 2 : i32
        %mul3A_328 = arith.muli %add3A_224, %mul3A_327 : i32
        %add3A_329 = arith.constant 25000 : i32
        %add3A_330 = arith.addi %add3A_329, %mul3A_328 : i32
        %add3A_331 = arith.constant 1 : i32
        %add3A_332 = arith.addi %add3A_330, %add3A_331 : i32
        %mul3A_333 = arith.constant 8 : i32
        %mul3A_334 = arith.muli %add3A_332, %mul3A_333 : i32
        %dma_wait3A_335 = arith.constant 24 : i32
        %dma_wait3A_336 = arith.constant 0 : i32
        %dma_wait3A_337 = tpu.memref_slice %arg6[%dma_wait3A_335, %dma_wait3A_336] : memref<32x129xf32, #tpu.memory_space<vmem>> -> memref<8x128xf32, #tpu.memory_space<vmem>>
        %dma_wait3A_338 = arith.constant 0 : i32
        %dma_wait3A_339 = tpu.memref_slice %arg3[%mul3A_334, %dma_wait3A_338] : memref<400000x128xf32, #tpu.memory_space<hbm>> -> memref<8x128xf32, #tpu.memory_space<hbm>>
        %dma_wait3A_340 = arith.constant 24 : i32
        %dma_wait3A_341 = arith.constant 0 : i32
        %dma_wait3A_342 = tpu.memref_slice %arg6[%dma_wait3A_340, %dma_wait3A_341] : memref<32x129xf32, #tpu.memory_space<vmem>> -> memref<8x128xf32, #tpu.memory_space<vmem>>
        %dma_wait3A_343 = arith.constant 0 : i32
        %dma_wait3A_344 = tpu.memref_slice %arg3[%mul3A_334, %dma_wait3A_343] : memref<400000x128xf32, #tpu.memory_space<hbm>> -> memref<8x128xf32, #tpu.memory_space<hbm>>
        tpu.wait_dma2 semaphore(%arg14 : memref<!tpu.dma_semaphore, #tpu.memory_space<semaphore_mem>>) src(%dma_wait3A_344 : memref<8x128xf32, #tpu.memory_space<hbm>>) dst(%dma_wait3A_342 : memref<8x128xf32, #tpu.memory_space<vmem>>)
        %get3A = arith.constant 0 : index
        %get3A_345 = tpu.vector_load %arg10[%get3A] {strides = array<i32>} : memref<256xi32, #tpu.memory_space<vmem>>, vector<16xi32>,
        %swap3A = arith.constant 0 : i32
        %swap3A_346 = arith.index_cast %swap3A : i32 to index
        %swap3A_347 = arith.constant 0 : index
        %swap3A_348 = tpu.vector_load %arg12[%swap3A_346, %swap3A_347] {strides = array<i32>} : memref<2x128xi32, #tpu.memory_space<vmem>>, vector<16xi32>,
        tpu.vector_store %arg12[%swap3A_346, %swap3A_347], %get3A_345 {strides = array<i32>} : memref<2x128xi32, #tpu.memory_space<vmem>>, vector<16xi32>,
        %get3A_349 = arith.constant 16 : index
        %get3A_350 = tpu.vector_load %arg10[%get3A_349] {strides = array<i32>} : memref<256xi32, #tpu.memory_space<vmem>>, vector<16xi32>,
        %swap3A_351 = arith.constant 0 : i32
        %swap3A_352 = arith.index_cast %swap3A_351 : i32 to index
        %swap3A_353 = arith.constant 16 : index
        %swap3A_354 = tpu.vector_load %arg12[%swap3A_352, %swap3A_353] {strides = array<i32>} : memref<2x128xi32, #tpu.memory_space<vmem>>, vector<16xi32>,
        tpu.vector_store %arg12[%swap3A_352, %swap3A_353], %get3A_350 {strides = array<i32>} : memref<2x128xi32, #tpu.memory_space<vmem>>, vector<16xi32>,
        %get3A_355 = arith.constant 32 : index
        %get3A_356 = tpu.vector_load %arg10[%get3A_355] {strides = array<i32>} : memref<256xi32, #tpu.memory_space<vmem>>, vector<16xi32>,
        %swap3A_357 = arith.constant 0 : i32
        %swap3A_358 = arith.index_cast %swap3A_357 : i32 to index
        %swap3A_359 = arith.constant 32 : index
        %swap3A_360 = tpu.vector_load %arg12[%swap3A_358, %swap3A_359] {strides = array<i32>} : memref<2x128xi32, #tpu.memory_space<vmem>>, vector<16xi32>,
        tpu.vector_store %arg12[%swap3A_358, %swap3A_359], %get3A_356 {strides = array<i32>} : memref<2x128xi32, #tpu.memory_space<vmem>>, vector<16xi32>,
        %get3A_361 = arith.constant 48 : index
        %get3A_362 = tpu.vector_load %arg10[%get3A_361] {strides = array<i32>} : memref<256xi32, #tpu.memory_space<vmem>>, vector<16xi32>,
        %swap3A_363 = arith.constant 0 : i32
        %swap3A_364 = arith.index_cast %swap3A_363 : i32 to index
        %swap3A_365 = arith.constant 48 : index
        %swap3A_366 = tpu.vector_load %arg12[%swap3A_364, %swap3A_365] {strides = array<i32>} : memref<2x128xi32, #tpu.memory_space<vmem>>, vector<16xi32>,
        tpu.vector_store %arg12[%swap3A_364, %swap3A_365], %get3A_362 {strides = array<i32>} : memref<2x128xi32, #tpu.memory_space<vmem>>, vector<16xi32>,
        %get3A_367 = arith.constant 64 : index
        %get3A_368 = tpu.vector_load %arg10[%get3A_367] {strides = array<i32>} : memref<256xi32, #tpu.memory_space<vmem>>, vector<16xi32>,
        %swap3A_369 = arith.constant 0 : i32
        %swap3A_370 = arith.index_cast %swap3A_369 : i32 to index
        %swap3A_371 = arith.constant 64 : index
        %swap3A_372 = tpu.vector_load %arg12[%swap3A_370, %swap3A_371] {strides = array<i32>} : memref<2x128xi32, #tpu.memory_space<vmem>>, vector<16xi32>,
        tpu.vector_store %arg12[%swap3A_370, %swap3A_371], %get3A_368 {strides = array<i32>} : memref<2x128xi32, #tpu.memory_space<vmem>>, vector<16xi32>,
        %get3A_373 = arith.constant 80 : index
        %get3A_374 = tpu.vector_load %arg10[%get3A_373] {strides = array<i32>} : memref<256xi32, #tpu.memory_space<vmem>>, vector<16xi32>,
        %swap3A_375 = arith.constant 0 : i32
        %swap3A_376 = arith.index_cast %swap3A_375 : i32 to index
        %swap3A_377 = arith.constant 80 : index
        %swap3A_378 = tpu.vector_load %arg12[%swap3A_376, %swap3A_377] {strides = array<i32>} : memref<2x128xi32, #tpu.memory_space<vmem>>, vector<16xi32>,
        tpu.vector_store %arg12[%swap3A_376, %swap3A_377], %get3A_374 {strides = array<i32>} : memref<2x128xi32, #tpu.memory_space<vmem>>, vector<16xi32>,
        %get3A_379 = arith.constant 96 : index
        %get3A_380 = tpu.vector_load %arg10[%get3A_379] {strides = array<i32>} : memref<256xi32, #tpu.memory_space<vmem>>, vector<16xi32>,
        %swap3A_381 = arith.constant 0 : i32
        %swap3A_382 = arith.index_cast %swap3A_381 : i32 to index
        %swap3A_383 = arith.constant 96 : index
        %swap3A_384 = tpu.vector_load %arg12[%swap3A_382, %swap3A_383] {strides = array<i32>} : memref<2x128xi32, #tpu.memory_space<vmem>>, vector<16xi32>,
        tpu.vector_store %arg12[%swap3A_382, %swap3A_383], %get3A_380 {strides = array<i32>} : memref<2x128xi32, #tpu.memory_space<vmem>>, vector<16xi32>,
        %get3A_385 = arith.constant 112 : index
        %get3A_386 = tpu.vector_load %arg10[%get3A_385] {strides = array<i32>} : memref<256xi32, #tpu.memory_space<vmem>>, vector<16xi32>,
        %swap3A_387 = arith.constant 0 : i32
        %swap3A_388 = arith.index_cast %swap3A_387 : i32 to index
        %swap3A_389 = arith.constant 112 : index
        %swap3A_390 = tpu.vector_load %arg12[%swap3A_388, %swap3A_389] {strides = array<i32>} : memref<2x128xi32, #tpu.memory_space<vmem>>, vector<16xi32>,
        tpu.vector_store %arg12[%swap3A_388, %swap3A_389], %get3A_386 {strides = array<i32>} : memref<2x128xi32, #tpu.memory_space<vmem>>, vector<16xi32>,
        %get3A_391 = arith.constant 128 : index
        %get3A_392 = tpu.vector_load %arg10[%get3A_391] {strides = array<i32>} : memref<256xi32, #tpu.memory_space<vmem>>, vector<16xi32>,
        %swap3A_393 = arith.constant 1 : i32
        %swap3A_394 = arith.index_cast %swap3A_393 : i32 to index
        %swap3A_395 = arith.constant 0 : index
        %swap3A_396 = tpu.vector_load %arg12[%swap3A_394, %swap3A_395] {strides = array<i32>} : memref<2x128xi32, #tpu.memory_space<vmem>>, vector<16xi32>,
        tpu.vector_store %arg12[%swap3A_394, %swap3A_395], %get3A_392 {strides = array<i32>} : memref<2x128xi32, #tpu.memory_space<vmem>>, vector<16xi32>,
        %get3A_397 = arith.constant 144 : index
        %get3A_398 = tpu.vector_load %arg10[%get3A_397] {strides = array<i32>} : memref<256xi32, #tpu.memory_space<vmem>>, vector<16xi32>,
        %swap3A_399 = arith.constant 1 : i32
        %swap3A_400 = arith.index_cast %swap3A_399 : i32 to index
        %swap3A_401 = arith.constant 16 : index
        %swap3A_402 = tpu.vector_load %arg12[%swap3A_400, %swap3A_401] {strides = array<i32>} : memref<2x128xi32, #tpu.memory_space<vmem>>, vector<16xi32>,
        tpu.vector_store %arg12[%swap3A_400, %swap3A_401], %get3A_398 {strides = array<i32>} : memref<2x128xi32, #tpu.memory_space<vmem>>, vector<16xi32>,
        %get3A_403 = arith.constant 160 : index
        %get3A_404 = tpu.vector_load %arg10[%get3A_403] {strides = array<i32>} : memref<256xi32, #tpu.memory_space<vmem>>, vector<16xi32>,
        %swap3A_405 = arith.constant 1 : i32
        %swap3A_406 = arith.index_cast %swap3A_405 : i32 to index
        %swap3A_407 = arith.constant 32 : index
        %swap3A_408 = tpu.vector_load %arg12[%swap3A_406, %swap3A_407] {strides = array<i32>} : memref<2x128xi32, #tpu.memory_space<vmem>>, vector<16xi32>,
        tpu.vector_store %arg12[%swap3A_406, %swap3A_407], %get3A_404 {strides = array<i32>} : memref<2x128xi32, #tpu.memory_space<vmem>>, vector<16xi32>,
        %get3A_409 = arith.constant 176 : index
        %get3A_410 = tpu.vector_load %arg10[%get3A_409] {strides = array<i32>} : memref<256xi32, #tpu.memory_space<vmem>>, vector<16xi32>,
        %swap3A_411 = arith.constant 1 : i32
        %swap3A_412 = arith.index_cast %swap3A_411 : i32 to index
        %swap3A_413 = arith.constant 48 : index
        %swap3A_414 = tpu.vector_load %arg12[%swap3A_412, %swap3A_413] {strides = array<i32>} : memref<2x128xi32, #tpu.memory_space<vmem>>, vector<16xi32>,
        tpu.vector_store %arg12[%swap3A_412, %swap3A_413], %get3A_410 {strides = array<i32>} : memref<2x128xi32, #tpu.memory_space<vmem>>, vector<16xi32>,
        %get3A_415 = arith.constant 192 : index
        %get3A_416 = tpu.vector_load %arg10[%get3A_415] {strides = array<i32>} : memref<256xi32, #tpu.memory_space<vmem>>, vector<16xi32>,
        %swap3A_417 = arith.constant 1 : i32
        %swap3A_418 = arith.index_cast %swap3A_417 : i32 to index
        %swap3A_419 = arith.constant 64 : index
        %swap3A_420 = tpu.vector_load %arg12[%swap3A_418, %swap3A_419] {strides = array<i32>} : memref<2x128xi32, #tpu.memory_space<vmem>>, vector<16xi32>,
        tpu.vector_store %arg12[%swap3A_418, %swap3A_419], %get3A_416 {strides = array<i32>} : memref<2x128xi32, #tpu.memory_space<vmem>>, vector<16xi32>,
        %get3A_421 = arith.constant 208 : index
        %get3A_422 = tpu.vector_load %arg10[%get3A_421] {strides = array<i32>} : memref<256xi32, #tpu.memory_space<vmem>>, vector<16xi32>,
        %swap3A_423 = arith.constant 1 : i32
        %swap3A_424 = arith.index_cast %swap3A_423 : i32 to index
        %swap3A_425 = arith.constant 80 : index
        %swap3A_426 = tpu.vector_load %arg12[%swap3A_424, %swap3A_425] {strides = array<i32>} : memref<2x128xi32, #tpu.memory_space<vmem>>, vector<16xi32>,
        tpu.vector_store %arg12[%swap3A_424, %swap3A_425], %get3A_422 {strides = array<i32>} : memref<2x128xi32, #tpu.memory_space<vmem>>, vector<16xi32>,
        %get3A_427 = arith.constant 224 : index
        %get3A_428 = tpu.vector_load %arg10[%get3A_427] {strides = array<i32>} : memref<256xi32, #tpu.memory_space<vmem>>, vector<16xi32>,
        %swap3A_429 = arith.constant 1 : i32
        %swap3A_430 = arith.index_cast %swap3A_429 : i32 to index
        %swap3A_431 = arith.constant 96 : index
        %swap3A_432 = tpu.vector_load %arg12[%swap3A_430, %swap3A_431] {strides = array<i32>} : memref<2x128xi32, #tpu.memory_space<vmem>>, vector<16xi32>,
        tpu.vector_store %arg12[%swap3A_430, %swap3A_431], %get3A_428 {strides = array<i32>} : memref<2x128xi32, #tpu.memory_space<vmem>>, vector<16xi32>,
        %get3A_433 = arith.constant 240 : index
        %get3A_434 = tpu.vector_load %arg10[%get3A_433] {strides = array<i32>} : memref<256xi32, #tpu.memory_space<vmem>>, vector<16xi32>,
        %swap3A_435 = arith.constant 1 : i32
        %swap3A_436 = arith.index_cast %swap3A_435 : i32 to index
        %swap3A_437 = arith.constant 112 : index
        %swap3A_438 = tpu.vector_load %arg12[%swap3A_436, %swap3A_437] {strides = array<i32>} : memref<2x128xi32, #tpu.memory_space<vmem>>, vector<16xi32>,
        tpu.vector_store %arg12[%swap3A_436, %swap3A_437], %get3A_434 {strides = array<i32>} : memref<2x128xi32, #tpu.memory_space<vmem>>, vector<16xi32>,
        %parallel_loop3A = arith.constant 0 : i32
        %parallel_loop3A_439 = arith.constant 128 : i32
        %parallel_loop3A_440 = arith.constant 8 : i32
        %parallel_loop3A_441 = scf.for %parallel_loop3A_462 = %parallel_loop3A to %parallel_loop3A_439 step %parallel_loop3A_440 iter_args(%parallel_loop3A_463 = %mul3A_21) -> (vector<16xi32>)  : i32 {
          %parallel_loop3A_464 = arith.constant 0 : i32
          %parallel_loop3A_465 = vector.broadcast %parallel_loop3A_464 : i32 to vector<16xi32>
          %parallel_loop3A_466 = arith.addi %parallel_loop3A_463, %parallel_loop3A_465 : vector<16xi32>
          %parallel_loop3A_467 = tpu.vector_load_idx %arg6[%add3A_15, %parallel_loop3A_466] : memref<32x129xf32, #tpu.memory_space<vmem>>[vector<16xi32>, vector<16xi32>], vector<16xf32>,
          %parallel_loop3A_468 = arith.constant 0 : i32
          %parallel_loop3A_469 = arith.addi %parallel_loop3A_468, %parallel_loop3A_462 : i32
          %parallel_loop3A_470 = arith.constant 0 : i32
          %parallel_loop3A_471 = arith.addi %parallel_loop3A_469, %parallel_loop3A_470 : i32
          %parallel_loop3A_472 = arith.index_cast %parallel_loop3A_471 : i32 to index
          %parallel_loop3A_473 = arith.constant 0 : index
          %parallel_loop3A_474 = tpu.vector_load %arg8[%parallel_loop3A_472, %parallel_loop3A_473] {strides = array<i32>} : memref<256x16xf32, #tpu.memory_space<vmem>>, vector<16xf32>,
          tpu.vector_store %arg8[%parallel_loop3A_472, %parallel_loop3A_473], %parallel_loop3A_467 {strides = array<i32>} : memref<256x16xf32, #tpu.memory_space<vmem>>, vector<16xf32>,
          %parallel_loop3A_475 = arith.constant 0 : i32
          %parallel_loop3A_476 = vector.broadcast %parallel_loop3A_475 : i32 to vector<16xi32>
          %parallel_loop3A_477 = arith.addi %parallel_loop3A_463, %parallel_loop3A_476 : vector<16xi32>
          %parallel_loop3A_478 = tpu.vector_load_idx %arg6[%add3A_18, %parallel_loop3A_477] : memref<32x129xf32, #tpu.memory_space<vmem>>[vector<16xi32>, vector<16xi32>], vector<16xf32>,
          %parallel_loop3A_479 = arith.constant 128 : i32
          %parallel_loop3A_480 = arith.addi %parallel_loop3A_479, %parallel_loop3A_462 : i32
          %parallel_loop3A_481 = arith.constant 0 : i32
          %parallel_loop3A_482 = arith.addi %parallel_loop3A_480, %parallel_loop3A_481 : i32
          %parallel_loop3A_483 = arith.index_cast %parallel_loop3A_482 : i32 to index
          %parallel_loop3A_484 = arith.constant 0 : index
          %parallel_loop3A_485 = tpu.vector_load %arg8[%parallel_loop3A_483, %parallel_loop3A_484] {strides = array<i32>} : memref<256x16xf32, #tpu.memory_space<vmem>>, vector<16xf32>,
          tpu.vector_store %arg8[%parallel_loop3A_483, %parallel_loop3A_484], %parallel_loop3A_478 {strides = array<i32>} : memref<256x16xf32, #tpu.memory_space<vmem>>, vector<16xf32>,
          %parallel_loop3A_486 = arith.constant 1 : i32
          %parallel_loop3A_487 = vector.broadcast %parallel_loop3A_486 : i32 to vector<16xi32>
          %parallel_loop3A_488 = arith.addi %parallel_loop3A_463, %parallel_loop3A_487 : vector<16xi32>
          %parallel_loop3A_489 = tpu.vector_load_idx %arg6[%add3A_15, %parallel_loop3A_488] : memref<32x129xf32, #tpu.memory_space<vmem>>[vector<16xi32>, vector<16xi32>], vector<16xf32>,
          %parallel_loop3A_490 = arith.constant 0 : i32
          %parallel_loop3A_491 = arith.addi %parallel_loop3A_490, %parallel_loop3A_462 : i32
          %parallel_loop3A_492 = arith.constant 1 : i32
          %parallel_loop3A_493 = arith.addi %parallel_loop3A_491, %parallel_loop3A_492 : i32
          %parallel_loop3A_494 = arith.index_cast %parallel_loop3A_493 : i32 to index
          %parallel_loop3A_495 = arith.constant 0 : index
          %parallel_loop3A_496 = tpu.vector_load %arg8[%parallel_loop3A_494, %parallel_loop3A_495] {strides = array<i32>} : memref<256x16xf32, #tpu.memory_space<vmem>>, vector<16xf32>,
          tpu.vector_store %arg8[%parallel_loop3A_494, %parallel_loop3A_495], %parallel_loop3A_489 {strides = array<i32>} : memref<256x16xf32, #tpu.memory_space<vmem>>, vector<16xf32>,
          %parallel_loop3A_497 = arith.constant 1 : i32
          %parallel_loop3A_498 = vector.broadcast %parallel_loop3A_497 : i32 to vector<16xi32>
          %parallel_loop3A_499 = arith.addi %parallel_loop3A_463, %parallel_loop3A_498 : vector<16xi32>
          %parallel_loop3A_500 = tpu.vector_load_idx %arg6[%add3A_18, %parallel_loop3A_499] : memref<32x129xf32, #tpu.memory_space<vmem>>[vector<16xi32>, vector<16xi32>], vector<16xf32>,
          %parallel_loop3A_501 = arith.constant 128 : i32
          %parallel_loop3A_502 = arith.addi %parallel_loop3A_501, %parallel_loop3A_462 : i32
          %parallel_loop3A_503 = arith.constant 1 : i32
          %parallel_loop3A_504 = arith.addi %parallel_loop3A_502, %parallel_loop3A_503 : i32
          %parallel_loop3A_505 = arith.index_cast %parallel_loop3A_504 : i32 to index
          %parallel_loop3A_506 = arith.constant 0 : index
          %parallel_loop3A_507 = tpu.vector_load %arg8[%parallel_loop3A_505, %parallel_loop3A_506] {strides = array<i32>} : memref<256x16xf32, #tpu.memory_space<vmem>>, vector<16xf32>,
          tpu.vector_store %arg8[%parallel_loop3A_505, %parallel_loop3A_506], %parallel_loop3A_500 {strides = array<i32>} : memref<256x16xf32, #tpu.memory_space<vmem>>, vector<16xf32>,
          %parallel_loop3A_508 = arith.constant 2 : i32
          %parallel_loop3A_509 = vector.broadcast %parallel_loop3A_508 : i32 to vector<16xi32>
          %parallel_loop3A_510 = arith.addi %parallel_loop3A_463, %parallel_loop3A_509 : vector<16xi32>
          %parallel_loop3A_511 = tpu.vector_load_idx %arg6[%add3A_15, %parallel_loop3A_510] : memref<32x129xf32, #tpu.memory_space<vmem>>[vector<16xi32>, vector<16xi32>], vector<16xf32>,
          %parallel_loop3A_512 = arith.constant 0 : i32
          %parallel_loop3A_513 = arith.addi %parallel_loop3A_512, %parallel_loop3A_462 : i32
          %parallel_loop3A_514 = arith.constant 2 : i32
          %parallel_loop3A_515 = arith.addi %parallel_loop3A_513, %parallel_loop3A_514 : i32
          %parallel_loop3A_516 = arith.index_cast %parallel_loop3A_515 : i32 to index
          %parallel_loop3A_517 = arith.constant 0 : index
          %parallel_loop3A_518 = tpu.vector_load %arg8[%parallel_loop3A_516, %parallel_loop3A_517] {strides = array<i32>} : memref<256x16xf32, #tpu.memory_space<vmem>>, vector<16xf32>,
          tpu.vector_store %arg8[%parallel_loop3A_516, %parallel_loop3A_517], %parallel_loop3A_511 {strides = array<i32>} : memref<256x16xf32, #tpu.memory_space<vmem>>, vector<16xf32>,
          %parallel_loop3A_519 = arith.constant 2 : i32
          %parallel_loop3A_520 = vector.broadcast %parallel_loop3A_519 : i32 to vector<16xi32>
          %parallel_loop3A_521 = arith.addi %parallel_loop3A_463, %parallel_loop3A_520 : vector<16xi32>
          %parallel_loop3A_522 = tpu.vector_load_idx %arg6[%add3A_18, %parallel_loop3A_521] : memref<32x129xf32, #tpu.memory_space<vmem>>[vector<16xi32>, vector<16xi32>], vector<16xf32>,
          %parallel_loop3A_523 = arith.constant 128 : i32
          %parallel_loop3A_524 = arith.addi %parallel_loop3A_523, %parallel_loop3A_462 : i32
          %parallel_loop3A_525 = arith.constant 2 : i32
          %parallel_loop3A_526 = arith.addi %parallel_loop3A_524, %parallel_loop3A_525 : i32
          %parallel_loop3A_527 = arith.index_cast %parallel_loop3A_526 : i32 to index
          %parallel_loop3A_528 = arith.constant 0 : index
          %parallel_loop3A_529 = tpu.vector_load %arg8[%parallel_loop3A_527, %parallel_loop3A_528] {strides = array<i32>} : memref<256x16xf32, #tpu.memory_space<vmem>>, vector<16xf32>,
          tpu.vector_store %arg8[%parallel_loop3A_527, %parallel_loop3A_528], %parallel_loop3A_522 {strides = array<i32>} : memref<256x16xf32, #tpu.memory_space<vmem>>, vector<16xf32>,
          %parallel_loop3A_530 = arith.constant 3 : i32
          %parallel_loop3A_531 = vector.broadcast %parallel_loop3A_530 : i32 to vector<16xi32>
          %parallel_loop3A_532 = arith.addi %parallel_loop3A_463, %parallel_loop3A_531 : vector<16xi32>
          %parallel_loop3A_533 = tpu.vector_load_idx %arg6[%add3A_15, %parallel_loop3A_532] : memref<32x129xf32, #tpu.memory_space<vmem>>[vector<16xi32>, vector<16xi32>], vector<16xf32>,
          %parallel_loop3A_534 = arith.constant 0 : i32
          %parallel_loop3A_535 = arith.addi %parallel_loop3A_534, %parallel_loop3A_462 : i32
          %parallel_loop3A_536 = arith.constant 3 : i32
          %parallel_loop3A_537 = arith.addi %parallel_loop3A_535, %parallel_loop3A_536 : i32
          %parallel_loop3A_538 = arith.index_cast %parallel_loop3A_537 : i32 to index
          %parallel_loop3A_539 = arith.constant 0 : index
          %parallel_loop3A_540 = tpu.vector_load %arg8[%parallel_loop3A_538, %parallel_loop3A_539] {strides = array<i32>} : memref<256x16xf32, #tpu.memory_space<vmem>>, vector<16xf32>,
          tpu.vector_store %arg8[%parallel_loop3A_538, %parallel_loop3A_539], %parallel_loop3A_533 {strides = array<i32>} : memref<256x16xf32, #tpu.memory_space<vmem>>, vector<16xf32>,
          %parallel_loop3A_541 = arith.constant 3 : i32
          %parallel_loop3A_542 = vector.broadcast %parallel_loop3A_541 : i32 to vector<16xi32>
          %parallel_loop3A_543 = arith.addi %parallel_loop3A_463, %parallel_loop3A_542 : vector<16xi32>
          %parallel_loop3A_544 = tpu.vector_load_idx %arg6[%add3A_18, %parallel_loop3A_543] : memref<32x129xf32, #tpu.memory_space<vmem>>[vector<16xi32>, vector<16xi32>], vector<16xf32>,
          %parallel_loop3A_545 = arith.constant 128 : i32
          %parallel_loop3A_546 = arith.addi %parallel_loop3A_545, %parallel_loop3A_462 : i32
          %parallel_loop3A_547 = arith.constant 3 : i32
          %parallel_loop3A_548 = arith.addi %parallel_loop3A_546, %parallel_loop3A_547 : i32
          %parallel_loop3A_549 = arith.index_cast %parallel_loop3A_548 : i32 to index
          %parallel_loop3A_550 = arith.constant 0 : index
          %parallel_loop3A_551 = tpu.vector_load %arg8[%parallel_loop3A_549, %parallel_loop3A_550] {strides = array<i32>} : memref<256x16xf32, #tpu.memory_space<vmem>>, vector<16xf32>,
          tpu.vector_store %arg8[%parallel_loop3A_549, %parallel_loop3A_550], %parallel_loop3A_544 {strides = array<i32>} : memref<256x16xf32, #tpu.memory_space<vmem>>, vector<16xf32>,
          %parallel_loop3A_552 = arith.constant 4 : i32
          %parallel_loop3A_553 = vector.broadcast %parallel_loop3A_552 : i32 to vector<16xi32>
          %parallel_loop3A_554 = arith.addi %parallel_loop3A_463, %parallel_loop3A_553 : vector<16xi32>
          %parallel_loop3A_555 = tpu.vector_load_idx %arg6[%add3A_15, %parallel_loop3A_554] : memref<32x129xf32, #tpu.memory_space<vmem>>[vector<16xi32>, vector<16xi32>], vector<16xf32>,
          %parallel_loop3A_556 = arith.constant 0 : i32
          %parallel_loop3A_557 = arith.addi %parallel_loop3A_556, %parallel_loop3A_462 : i32
          %parallel_loop3A_558 = arith.constant 4 : i32
          %parallel_loop3A_559 = arith.addi %parallel_loop3A_557, %parallel_loop3A_558 : i32
          %parallel_loop3A_560 = arith.index_cast %parallel_loop3A_559 : i32 to index
          %parallel_loop3A_561 = arith.constant 0 : index
          %parallel_loop3A_562 = tpu.vector_load %arg8[%parallel_loop3A_560, %parallel_loop3A_561] {strides = array<i32>} : memref<256x16xf32, #tpu.memory_space<vmem>>, vector<16xf32>,
          tpu.vector_store %arg8[%parallel_loop3A_560, %parallel_loop3A_561], %parallel_loop3A_555 {strides = array<i32>} : memref<256x16xf32, #tpu.memory_space<vmem>>, vector<16xf32>,
          %parallel_loop3A_563 = arith.constant 4 : i32
          %parallel_loop3A_564 = vector.broadcast %parallel_loop3A_563 : i32 to vector<16xi32>
          %parallel_loop3A_565 = arith.addi %parallel_loop3A_463, %parallel_loop3A_564 : vector<16xi32>
          %parallel_loop3A_566 = tpu.vector_load_idx %arg6[%add3A_18, %parallel_loop3A_565] : memref<32x129xf32, #tpu.memory_space<vmem>>[vector<16xi32>, vector<16xi32>], vector<16xf32>,
          %parallel_loop3A_567 = arith.constant 128 : i32
          %parallel_loop3A_568 = arith.addi %parallel_loop3A_567, %parallel_loop3A_462 : i32
          %parallel_loop3A_569 = arith.constant 4 : i32
          %parallel_loop3A_570 = arith.addi %parallel_loop3A_568, %parallel_loop3A_569 : i32
          %parallel_loop3A_571 = arith.index_cast %parallel_loop3A_570 : i32 to index
          %parallel_loop3A_572 = arith.constant 0 : index
          %parallel_loop3A_573 = tpu.vector_load %arg8[%parallel_loop3A_571, %parallel_loop3A_572] {strides = array<i32>} : memref<256x16xf32, #tpu.memory_space<vmem>>, vector<16xf32>,
          tpu.vector_store %arg8[%parallel_loop3A_571, %parallel_loop3A_572], %parallel_loop3A_566 {strides = array<i32>} : memref<256x16xf32, #tpu.memory_space<vmem>>, vector<16xf32>,
          %parallel_loop3A_574 = arith.constant 5 : i32
          %parallel_loop3A_575 = vector.broadcast %parallel_loop3A_574 : i32 to vector<16xi32>
          %parallel_loop3A_576 = arith.addi %parallel_loop3A_463, %parallel_loop3A_575 : vector<16xi32>
          %parallel_loop3A_577 = tpu.vector_load_idx %arg6[%add3A_15, %parallel_loop3A_576] : memref<32x129xf32, #tpu.memory_space<vmem>>[vector<16xi32>, vector<16xi32>], vector<16xf32>,
          %parallel_loop3A_578 = arith.constant 0 : i32
          %parallel_loop3A_579 = arith.addi %parallel_loop3A_578, %parallel_loop3A_462 : i32
          %parallel_loop3A_580 = arith.constant 5 : i32
          %parallel_loop3A_581 = arith.addi %parallel_loop3A_579, %parallel_loop3A_580 : i32
          %parallel_loop3A_582 = arith.index_cast %parallel_loop3A_581 : i32 to index
          %parallel_loop3A_583 = arith.constant 0 : index
          %parallel_loop3A_584 = tpu.vector_load %arg8[%parallel_loop3A_582, %parallel_loop3A_583] {strides = array<i32>} : memref<256x16xf32, #tpu.memory_space<vmem>>, vector<16xf32>,
          tpu.vector_store %arg8[%parallel_loop3A_582, %parallel_loop3A_583], %parallel_loop3A_577 {strides = array<i32>} : memref<256x16xf32, #tpu.memory_space<vmem>>, vector<16xf32>,
          %parallel_loop3A_585 = arith.constant 5 : i32
          %parallel_loop3A_586 = vector.broadcast %parallel_loop3A_585 : i32 to vector<16xi32>
          %parallel_loop3A_587 = arith.addi %parallel_loop3A_463, %parallel_loop3A_586 : vector<16xi32>
          %parallel_loop3A_588 = tpu.vector_load_idx %arg6[%add3A_18, %parallel_loop3A_587] : memref<32x129xf32, #tpu.memory_space<vmem>>[vector<16xi32>, vector<16xi32>], vector<16xf32>,
          %parallel_loop3A_589 = arith.constant 128 : i32
          %parallel_loop3A_590 = arith.addi %parallel_loop3A_589, %parallel_loop3A_462 : i32
          %parallel_loop3A_591 = arith.constant 5 : i32
          %parallel_loop3A_592 = arith.addi %parallel_loop3A_590, %parallel_loop3A_591 : i32
          %parallel_loop3A_593 = arith.index_cast %parallel_loop3A_592 : i32 to index
          %parallel_loop3A_594 = arith.constant 0 : index
          %parallel_loop3A_595 = tpu.vector_load %arg8[%parallel_loop3A_593, %parallel_loop3A_594] {strides = array<i32>} : memref<256x16xf32, #tpu.memory_space<vmem>>, vector<16xf32>,
          tpu.vector_store %arg8[%parallel_loop3A_593, %parallel_loop3A_594], %parallel_loop3A_588 {strides = array<i32>} : memref<256x16xf32, #tpu.memory_space<vmem>>, vector<16xf32>,
          %parallel_loop3A_596 = arith.constant 6 : i32
          %parallel_loop3A_597 = vector.broadcast %parallel_loop3A_596 : i32 to vector<16xi32>
          %parallel_loop3A_598 = arith.addi %parallel_loop3A_463, %parallel_loop3A_597 : vector<16xi32>
          %parallel_loop3A_599 = tpu.vector_load_idx %arg6[%add3A_15, %parallel_loop3A_598] : memref<32x129xf32, #tpu.memory_space<vmem>>[vector<16xi32>, vector<16xi32>], vector<16xf32>,
          %parallel_loop3A_600 = arith.constant 0 : i32
          %parallel_loop3A_601 = arith.addi %parallel_loop3A_600, %parallel_loop3A_462 : i32
          %parallel_loop3A_602 = arith.constant 6 : i32
          %parallel_loop3A_603 = arith.addi %parallel_loop3A_601, %parallel_loop3A_602 : i32
          %parallel_loop3A_604 = arith.index_cast %parallel_loop3A_603 : i32 to index
          %parallel_loop3A_605 = arith.constant 0 : index
          %parallel_loop3A_606 = tpu.vector_load %arg8[%parallel_loop3A_604, %parallel_loop3A_605] {strides = array<i32>} : memref<256x16xf32, #tpu.memory_space<vmem>>, vector<16xf32>,
          tpu.vector_store %arg8[%parallel_loop3A_604, %parallel_loop3A_605], %parallel_loop3A_599 {strides = array<i32>} : memref<256x16xf32, #tpu.memory_space<vmem>>, vector<16xf32>,
          %parallel_loop3A_607 = arith.constant 6 : i32
          %parallel_loop3A_608 = vector.broadcast %parallel_loop3A_607 : i32 to vector<16xi32>
          %parallel_loop3A_609 = arith.addi %parallel_loop3A_463, %parallel_loop3A_608 : vector<16xi32>
          %parallel_loop3A_610 = tpu.vector_load_idx %arg6[%add3A_18, %parallel_loop3A_609] : memref<32x129xf32, #tpu.memory_space<vmem>>[vector<16xi32>, vector<16xi32>], vector<16xf32>,
          %parallel_loop3A_611 = arith.constant 128 : i32
          %parallel_loop3A_612 = arith.addi %parallel_loop3A_611, %parallel_loop3A_462 : i32
          %parallel_loop3A_613 = arith.constant 6 : i32
          %parallel_loop3A_614 = arith.addi %parallel_loop3A_612, %parallel_loop3A_613 : i32
          %parallel_loop3A_615 = arith.index_cast %parallel_loop3A_614 : i32 to index
          %parallel_loop3A_616 = arith.constant 0 : index
          %parallel_loop3A_617 = tpu.vector_load %arg8[%parallel_loop3A_615, %parallel_loop3A_616] {strides = array<i32>} : memref<256x16xf32, #tpu.memory_space<vmem>>, vector<16xf32>,
          tpu.vector_store %arg8[%parallel_loop3A_615, %parallel_loop3A_616], %parallel_loop3A_610 {strides = array<i32>} : memref<256x16xf32, #tpu.memory_space<vmem>>, vector<16xf32>,
          %parallel_loop3A_618 = arith.constant 7 : i32
          %parallel_loop3A_619 = vector.broadcast %parallel_loop3A_618 : i32 to vector<16xi32>
          %parallel_loop3A_620 = arith.addi %parallel_loop3A_463, %parallel_loop3A_619 : vector<16xi32>
          %parallel_loop3A_621 = tpu.vector_load_idx %arg6[%add3A_15, %parallel_loop3A_620] : memref<32x129xf32, #tpu.memory_space<vmem>>[vector<16xi32>, vector<16xi32>], vector<16xf32>,
          %parallel_loop3A_622 = arith.constant 0 : i32
          %parallel_loop3A_623 = arith.addi %parallel_loop3A_622, %parallel_loop3A_462 : i32
          %parallel_loop3A_624 = arith.constant 7 : i32
          %parallel_loop3A_625 = arith.addi %parallel_loop3A_623, %parallel_loop3A_624 : i32
          %parallel_loop3A_626 = arith.index_cast %parallel_loop3A_625 : i32 to index
          %parallel_loop3A_627 = arith.constant 0 : index
          %parallel_loop3A_628 = tpu.vector_load %arg8[%parallel_loop3A_626, %parallel_loop3A_627] {strides = array<i32>} : memref<256x16xf32, #tpu.memory_space<vmem>>, vector<16xf32>,
          tpu.vector_store %arg8[%parallel_loop3A_626, %parallel_loop3A_627], %parallel_loop3A_621 {strides = array<i32>} : memref<256x16xf32, #tpu.memory_space<vmem>>, vector<16xf32>,
          %parallel_loop3A_629 = arith.constant 7 : i32
          %parallel_loop3A_630 = vector.broadcast %parallel_loop3A_629 : i32 to vector<16xi32>
          %parallel_loop3A_631 = arith.addi %parallel_loop3A_463, %parallel_loop3A_630 : vector<16xi32>
          %parallel_loop3A_632 = tpu.vector_load_idx %arg6[%add3A_18, %parallel_loop3A_631] : memref<32x129xf32, #tpu.memory_space<vmem>>[vector<16xi32>, vector<16xi32>], vector<16xf32>,
          %parallel_loop3A_633 = arith.constant 128 : i32
          %parallel_loop3A_634 = arith.addi %parallel_loop3A_633, %parallel_loop3A_462 : i32
          %parallel_loop3A_635 = arith.constant 7 : i32
          %parallel_loop3A_636 = arith.addi %parallel_loop3A_634, %parallel_loop3A_635 : i32
          %parallel_loop3A_637 = arith.index_cast %parallel_loop3A_636 : i32 to index
          %parallel_loop3A_638 = arith.constant 0 : index
          %parallel_loop3A_639 = tpu.vector_load %arg8[%parallel_loop3A_637, %parallel_loop3A_638] {strides = array<i32>} : memref<256x16xf32, #tpu.memory_space<vmem>>, vector<16xf32>,
          tpu.vector_store %arg8[%parallel_loop3A_637, %parallel_loop3A_638], %parallel_loop3A_632 {strides = array<i32>} : memref<256x16xf32, #tpu.memory_space<vmem>>, vector<16xf32>,
          %parallel_loop3A_640 = arith.constant 8 : i32
          %parallel_loop3A_641 = vector.broadcast %parallel_loop3A_640 : i32 to vector<16xi32>
          %parallel_loop3A_642 = arith.addi %parallel_loop3A_463, %parallel_loop3A_641 : vector<16xi32>
          scf.yield %parallel_loop3A_642 : vector<16xi32>
        } {sc.loop_unroll_factor = 1 : i64, sc.parallel_access}
        %dma_start3A_442 = arith.constant 0 : i32
        %dma_start3A_443 = arith.constant 0 : i32
        %dma_start3A_444 = arith.constant 0 : i32
        %dma_start3A_445 = tpu.memref_slice %arg8[%dma_start3A_443, %dma_start3A_444] : memref<256x16xf32, #tpu.memory_space<vmem>> -> memref<128x16xf32, #tpu.memory_space<vmem>>
        %dma_start3A_446 = arith.constant 0 : i32
        %dma_start3A_447 = tpu.memref_slice %arg12[%dma_start3A_442, %dma_start3A_446] : memref<2x128xi32, #tpu.memory_space<vmem>> -> memref<1x128xi32, #tpu.memory_space<vmem>>
        %dma_start3A_448 = tpu.memref_squeeze %dma_start3A_447 : memref<1x128xi32, #tpu.memory_space<vmem>> -> memref<128xi32, #tpu.memory_space<vmem>>
        %dma_start3A_449 = arith.constant 0 : i32
        %dma_start3A_450 = arith.constant 0 : i32
        %dma_start3A_451 = tpu.memref_slice %arg18[%dma_start3A_449, %dma_start3A_450] : memref<100000x16xf32, #tpu.memory_space<vmem_shared>> -> memref<100000x16xf32, #tpu.memory_space<vmem_shared>>
        tpu.enqueue_indirect_dma source(%dma_start3A_445 : memref<128x16xf32, #tpu.memory_space<vmem>>) target(%dma_start3A_451 : memref<100000x16xf32, #tpu.memory_space<vmem_shared>>) offsets(%dma_start3A_448 : memref<128xi32, #tpu.memory_space<vmem>>) semaphore(%arg16 : memref<!tpu.dma_semaphore, #tpu.memory_space<semaphore_mem>>) {add = true}
        %dma_start3A_452 = arith.constant 1 : i32
        %dma_start3A_453 = arith.constant 128 : i32
        %dma_start3A_454 = arith.constant 0 : i32
        %dma_start3A_455 = tpu.memref_slice %arg8[%dma_start3A_453, %dma_start3A_454] : memref<256x16xf32, #tpu.memory_space<vmem>> -> memref<128x16xf32, #tpu.memory_space<vmem>>
        %dma_start3A_456 = arith.constant 0 : i32
        %dma_start3A_457 = tpu.memref_slice %arg12[%dma_start3A_452, %dma_start3A_456] : memref<2x128xi32, #tpu.memory_space<vmem>> -> memref<1x128xi32, #tpu.memory_space<vmem>>
        %dma_start3A_458 = tpu.memref_squeeze %dma_start3A_457 : memref<1x128xi32, #tpu.memory_space<vmem>> -> memref<128xi32, #tpu.memory_space<vmem>>
        %dma_start3A_459 = arith.constant 0 : i32
        %dma_start3A_460 = arith.constant 0 : i32
        %dma_start3A_461 = tpu.memref_slice %arg18[%dma_start3A_459, %dma_start3A_460] : memref<100000x16xf32, #tpu.memory_space<vmem_shared>> -> memref<100000x16xf32, #tpu.memory_space<vmem_shared>>
        tpu.enqueue_indirect_dma source(%dma_start3A_455 : memref<128x16xf32, #tpu.memory_space<vmem>>) target(%dma_start3A_461 : memref<100000x16xf32, #tpu.memory_space<vmem_shared>>) offsets(%dma_start3A_458 : memref<128xi32, #tpu.memory_space<vmem>>) semaphore(%arg16 : memref<!tpu.dma_semaphore, #tpu.memory_space<semaphore_mem>>) {add = true}
      } else {
      }
      %sub3A_235 = arith.constant 2 : i32
      %sub3A_236 = arith.subi %add3A_12, %sub3A_235 : i32
      %lt3A_237 = arith.cmpi slt, %add3A_223, %sub3A_236 : i32
      %convert_element_type3A_238 = arith.extui %lt3A_237 : i1 to i32
      %cond3A_239 = arith.constant 0 : i32
      %cond3A_240 = arith.cmpi ne, %convert_element_type3A_238, %cond3A_239 : i32
      scf.if %cond3A_240 {
        %add3A_266 = arith.constant 2 : i32
        %add3A_267 = arith.addi %add3A_224, %add3A_266 : i32
        %mul3A_268 = arith.constant 2 : i32
        %mul3A_269 = arith.muli %add3A_267, %mul3A_268 : i32
        %mul3A_270 = arith.constant 128 : i32
        %mul3A_271 = arith.muli %mul3A_269, %mul3A_270 : i32
        %add3A_272 = arith.constant 3200000 : i32
        %add3A_273 = arith.addi %add3A_272, %mul3A_271 : i32
        %dma_start3A_274 = tpu.memref_slice %arg2[%add3A_273] : memref<6400000xi32, #tpu.memory_space<hbm>> -> memref<256xi32, #tpu.memory_space<hbm>>
        %dma_start3A_275 = tpu.memref_slice %arg2[%add3A_273] : memref<6400000xi32, #tpu.memory_space<hbm>> -> memref<256xi32, #tpu.memory_space<hbm>>
        tpu.enqueue_dma source(%dma_start3A_275 : memref<256xi32, #tpu.memory_space<hbm>>) target(%arg10 : memref<256xi32, #tpu.memory_space<vmem>>) target_semaphore(%arg14 : memref<!tpu.dma_semaphore, #tpu.memory_space<semaphore_mem>>)
        %mul3A_276 = arith.constant 2 : i32
        %mul3A_277 = arith.muli %add3A_267, %mul3A_276 : i32
        %add3A_278 = arith.constant 0 : i32
        %add3A_279 = arith.addi %add3A_278, %mul3A_277 : i32
        %add3A_280 = arith.constant 0 : i32
        %add3A_281 = arith.addi %add3A_279, %add3A_280 : i32
        %mul3A_282 = arith.constant 8 : i32
        %mul3A_283 = arith.muli %add3A_281, %mul3A_282 : i32
        %dma_start3A_284 = arith.constant 0 : i32
        %dma_start3A_285 = arith.constant 0 : i32
        %dma_start3A_286 = tpu.memref_slice %arg6[%dma_start3A_284, %dma_start3A_285] : memref<32x129xf32, #tpu.memory_space<vmem>> -> memref<8x128xf32, #tpu.memory_space<vmem>>
        %dma_start3A_287 = arith.constant 0 : i32
        %dma_start3A_288 = tpu.memref_slice %arg3[%mul3A_283, %dma_start3A_287] : memref<400000x128xf32, #tpu.memory_space<hbm>> -> memref<8x128xf32, #tpu.memory_space<hbm>>
        %dma_start3A_289 = arith.constant 0 : i32
        %dma_start3A_290 = arith.constant 0 : i32
        %dma_start3A_291 = tpu.memref_slice %arg6[%dma_start3A_289, %dma_start3A_290] : memref<32x129xf32, #tpu.memory_space<vmem>> -> memref<8x128xf32, #tpu.memory_space<vmem>>
        %dma_start3A_292 = arith.constant 0 : i32
        %dma_start3A_293 = tpu.memref_slice %arg3[%mul3A_283, %dma_start3A_292] : memref<400000x128xf32, #tpu.memory_space<hbm>> -> memref<8x128xf32, #tpu.memory_space<hbm>>
        tpu.enqueue_dma source(%dma_start3A_293 : memref<8x128xf32, #tpu.memory_space<hbm>>) target(%dma_start3A_291 : memref<8x128xf32, #tpu.memory_space<vmem>>) target_semaphore(%arg14 : memref<!tpu.dma_semaphore, #tpu.memory_space<semaphore_mem>>)
        %mul3A_294 = arith.constant 2 : i32
        %mul3A_295 = arith.muli %add3A_267, %mul3A_294 : i32
        %add3A_296 = arith.constant 25000 : i32
        %add3A_297 = arith.addi %add3A_296, %mul3A_295 : i32
        %add3A_298 = arith.constant 0 : i32
        %add3A_299 = arith.addi %add3A_297, %add3A_298 : i32
        %mul3A_300 = arith.constant 8 : i32
        %mul3A_301 = arith.muli %add3A_299, %mul3A_300 : i32
        %dma_start3A_302 = arith.constant 8 : i32
        %dma_start3A_303 = arith.constant 0 : i32
        %dma_start3A_304 = tpu.memref_slice %arg6[%dma_start3A_302, %dma_start3A_303] : memref<32x129xf32, #tpu.memory_space<vmem>> -> memref<8x128xf32, #tpu.memory_space<vmem>>
        %dma_start3A_305 = arith.constant 0 : i32
        %dma_start3A_306 = tpu.memref_slice %arg3[%mul3A_301, %dma_start3A_305] : memref<400000x128xf32, #tpu.memory_space<hbm>> -> memref<8x128xf32, #tpu.memory_space<hbm>>
        %dma_start3A_307 = arith.constant 8 : i32
        %dma_start3A_308 = arith.constant 0 : i32
        %dma_start3A_309 = tpu.memref_slice %arg6[%dma_start3A_307, %dma_start3A_308] : memref<32x129xf32, #tpu.memory_space<vmem>> -> memref<8x128xf32, #tpu.memory_space<vmem>>
        %dma_start3A_310 = arith.constant 0 : i32
        %dma_start3A_311 = tpu.memref_slice %arg3[%mul3A_301, %dma_start3A_310] : memref<400000x128xf32, #tpu.memory_space<hbm>> -> memref<8x128xf32, #tpu.memory_space<hbm>>
        tpu.enqueue_dma source(%dma_start3A_311 : memref<8x128xf32, #tpu.memory_space<hbm>>) target(%dma_start3A_309 : memref<8x128xf32, #tpu.memory_space<vmem>>) target_semaphore(%arg14 : memref<!tpu.dma_semaphore, #tpu.memory_space<semaphore_mem>>)
        %mul3A_312 = arith.constant 2 : i32
        %mul3A_313 = arith.muli %add3A_267, %mul3A_312 : i32
        %add3A_314 = arith.constant 0 : i32
        %add3A_315 = arith.addi %add3A_314, %mul3A_313 : i32
        %add3A_316 = arith.constant 1 : i32
        %add3A_317 = arith.addi %add3A_315, %add3A_316 : i32
        %mul3A_318 = arith.constant 8 : i32
        %mul3A_319 = arith.muli %add3A_317, %mul3A_318 : i32
        %dma_start3A_320 = arith.constant 16 : i32
        %dma_start3A_321 = arith.constant 0 : i32
        %dma_start3A_322 = tpu.memref_slice %arg6[%dma_start3A_320, %dma_start3A_321] : memref<32x129xf32, #tpu.memory_space<vmem>> -> memref<8x128xf32, #tpu.memory_space<vmem>>
        %dma_start3A_323 = arith.constant 0 : i32
        %dma_start3A_324 = tpu.memref_slice %arg3[%mul3A_319, %dma_start3A_323] : memref<400000x128xf32, #tpu.memory_space<hbm>> -> memref<8x128xf32, #tpu.memory_space<hbm>>
        %dma_start3A_325 = arith.constant 16 : i32
        %dma_start3A_326 = arith.constant 0 : i32
        %dma_start3A_327 = tpu.memref_slice %arg6[%dma_start3A_325, %dma_start3A_326] : memref<32x129xf32, #tpu.memory_space<vmem>> -> memref<8x128xf32, #tpu.memory_space<vmem>>
        %dma_start3A_328 = arith.constant 0 : i32
        %dma_start3A_329 = tpu.memref_slice %arg3[%mul3A_319, %dma_start3A_328] : memref<400000x128xf32, #tpu.memory_space<hbm>> -> memref<8x128xf32, #tpu.memory_space<hbm>>
        tpu.enqueue_dma source(%dma_start3A_329 : memref<8x128xf32, #tpu.memory_space<hbm>>) target(%dma_start3A_327 : memref<8x128xf32, #tpu.memory_space<vmem>>) target_semaphore(%arg14 : memref<!tpu.dma_semaphore, #tpu.memory_space<semaphore_mem>>)
        %mul3A_330 = arith.constant 2 : i32
        %mul3A_331 = arith.muli %add3A_267, %mul3A_330 : i32
        %add3A_332 = arith.constant 25000 : i32
        %add3A_333 = arith.addi %add3A_332, %mul3A_331 : i32
        %add3A_334 = arith.constant 1 : i32
        %add3A_335 = arith.addi %add3A_333, %add3A_334 : i32
        %mul3A_336 = arith.constant 8 : i32
        %mul3A_337 = arith.muli %add3A_335, %mul3A_336 : i32
        %dma_start3A_338 = arith.constant 24 : i32
        %dma_start3A_339 = arith.constant 0 : i32
        %dma_start3A_340 = tpu.memref_slice %arg6[%dma_start3A_338, %dma_start3A_339] : memref<32x129xf32, #tpu.memory_space<vmem>> -> memref<8x128xf32, #tpu.memory_space<vmem>>
        %dma_start3A_341 = arith.constant 0 : i32
        %dma_start3A_342 = tpu.memref_slice %arg3[%mul3A_337, %dma_start3A_341] : memref<400000x128xf32, #tpu.memory_space<hbm>> -> memref<8x128xf32, #tpu.memory_space<hbm>>
        %dma_start3A_343 = arith.constant 24 : i32
        %dma_start3A_344 = arith.constant 0 : i32
        %dma_start3A_345 = tpu.memref_slice %arg6[%dma_start3A_343, %dma_start3A_344] : memref<32x129xf32, #tpu.memory_space<vmem>> -> memref<8x128xf32, #tpu.memory_space<vmem>>
        %dma_start3A_346 = arith.constant 0 : i32
        %dma_start3A_347 = tpu.memref_slice %arg3[%mul3A_337, %dma_start3A_346] : memref<400000x128xf32, #tpu.memory_space<hbm>> -> memref<8x128xf32, #tpu.memory_space<hbm>>
        tpu.enqueue_dma source(%dma_start3A_347 : memref<8x128xf32, #tpu.memory_space<hbm>>) target(%dma_start3A_345 : memref<8x128xf32, #tpu.memory_space<vmem>>) target_semaphore(%arg14 : memref<!tpu.dma_semaphore, #tpu.memory_space<semaphore_mem>>)
      } else {
      }
      %mul3A_241 = arith.constant 2 : i32
      %mul3A_242 = arith.muli %mul3A_241, %while3A_218 : i32
      %add3A_243 = arith.constant 1 : i32
      %add3A_244 = arith.addi %mul3A_242, %add3A_243 : i32
      %add3A_245 = arith.addi %add3A_10, %add3A_244 : i32
      %ge3A_246 = arith.constant 2 : i32
      %ge3A_247 = arith.cmpi sge, %add3A_244, %ge3A_246 : i32
      %add3A_248 = arith.constant 2 : i32
      %add3A_249 = arith.addi %add3A_12, %add3A_248 : i32
      %lt3A_250 = arith.cmpi slt, %add3A_244, %add3A_249 : i32
      %and3A_251 = arith.andi %ge3A_247, %lt3A_250 : i1
      %convert_element_type3A_252 = arith.extui %and3A_251 : i1 to i32
      %cond3A_253 = arith.constant 0 : i32
      %cond3A_254 = arith.cmpi ne, %convert_element_type3A_252, %cond3A_253 : i32
      scf.if %cond3A_254 {
        %dma_wait3A = arith.constant 0 : i32
        %dma_wait3A_266 = arith.constant 0 : i32
        %dma_wait3A_267 = arith.constant 0 : i32
        %dma_wait3A_268 = tpu.memref_slice %arg9[%dma_wait3A_266, %dma_wait3A_267] : memref<256x16xf32, #tpu.memory_space<vmem>> -> memref<128x16xf32, #tpu.memory_space<vmem>>
        %dma_wait3A_269 = arith.constant 0 : i32
        %dma_wait3A_270 = tpu.memref_slice %arg13[%dma_wait3A, %dma_wait3A_269] : memref<2x128xi32, #tpu.memory_space<vmem>> -> memref<1x128xi32, #tpu.memory_space<vmem>>
        %dma_wait3A_271 = tpu.memref_squeeze %dma_wait3A_270 : memref<1x128xi32, #tpu.memory_space<vmem>> -> memref<128xi32, #tpu.memory_space<vmem>>
        %dma_wait3A_272 = arith.constant 0 : i32
        %dma_wait3A_273 = arith.constant 0 : i32
        %dma_wait3A_274 = tpu.memref_slice %arg18[%dma_wait3A_272, %dma_wait3A_273] : memref<100000x16xf32, #tpu.memory_space<vmem_shared>> -> memref<100000x16xf32, #tpu.memory_space<vmem_shared>>
        tpu.wait_indirect_dma semaphore(%arg17 : memref<!tpu.dma_semaphore, #tpu.memory_space<semaphore_mem>>) src(%dma_wait3A_268 : memref<128x16xf32, #tpu.memory_space<vmem>>) dst(%dma_wait3A_274 : memref<100000x16xf32, #tpu.memory_space<vmem_shared>>)
        %dma_wait3A_275 = arith.constant 1 : i32
        %dma_wait3A_276 = arith.constant 128 : i32
        %dma_wait3A_277 = arith.constant 0 : i32
        %dma_wait3A_278 = tpu.memref_slice %arg9[%dma_wait3A_276, %dma_wait3A_277] : memref<256x16xf32, #tpu.memory_space<vmem>> -> memref<128x16xf32, #tpu.memory_space<vmem>>
        %dma_wait3A_279 = arith.constant 0 : i32
        %dma_wait3A_280 = tpu.memref_slice %arg13[%dma_wait3A_275, %dma_wait3A_279] : memref<2x128xi32, #tpu.memory_space<vmem>> -> memref<1x128xi32, #tpu.memory_space<vmem>>
        %dma_wait3A_281 = tpu.memref_squeeze %dma_wait3A_280 : memref<1x128xi32, #tpu.memory_space<vmem>> -> memref<128xi32, #tpu.memory_space<vmem>>
        %dma_wait3A_282 = arith.constant 0 : i32
        %dma_wait3A_283 = arith.constant 0 : i32
        %dma_wait3A_284 = tpu.memref_slice %arg18[%dma_wait3A_282, %dma_wait3A_283] : memref<100000x16xf32, #tpu.memory_space<vmem_shared>> -> memref<100000x16xf32, #tpu.memory_space<vmem_shared>>
        tpu.wait_indirect_dma semaphore(%arg17 : memref<!tpu.dma_semaphore, #tpu.memory_space<semaphore_mem>>) src(%dma_wait3A_278 : memref<128x16xf32, #tpu.memory_space<vmem>>) dst(%dma_wait3A_284 : memref<100000x16xf32, #tpu.memory_space<vmem_shared>>)
      } else {
      }
      %lt3A_255 = arith.cmpi slt, %add3A_244, %add3A_12 : i32
      %convert_element_type3A_256 = arith.extui %lt3A_255 : i1 to i32
      %cond3A_257 = arith.constant 0 : i32
      %cond3A_258 = arith.cmpi ne, %convert_element_type3A_256, %cond3A_257 : i32
      scf.if %cond3A_258 {
        %mul3A_266 = arith.constant 2 : i32
        %mul3A_267 = arith.muli %add3A_245, %mul3A_266 : i32
        %mul3A_268 = arith.constant 128 : i32
        %mul3A_269 = arith.muli %mul3A_267, %mul3A_268 : i32
        %add3A_270 = arith.constant 3200000 : i32
        %add3A_271 = arith.addi %add3A_270, %mul3A_269 : i32
        %dma_wait3A = tpu.memref_slice %arg2[%add3A_271] : memref<6400000xi32, #tpu.memory_space<hbm>> -> memref<256xi32, #tpu.memory_space<hbm>>
        %dma_wait3A_272 = tpu.memref_slice %arg2[%add3A_271] : memref<6400000xi32, #tpu.memory_space<hbm>> -> memref<256xi32, #tpu.memory_space<hbm>>
        tpu.wait_dma2 semaphore(%arg15 : memref<!tpu.dma_semaphore, #tpu.memory_space<semaphore_mem>>) src(%dma_wait3A_272 : memref<256xi32, #tpu.memory_space<hbm>>) dst(%arg11 : memref<256xi32, #tpu.memory_space<vmem>>)
        %mul3A_273 = arith.constant 2 : i32
        %mul3A_274 = arith.muli %add3A_245, %mul3A_273 : i32
        %add3A_275 = arith.constant 0 : i32
        %add3A_276 = arith.addi %add3A_275, %mul3A_274 : i32
        %add3A_277 = arith.constant 0 : i32
        %add3A_278 = arith.addi %add3A_276, %add3A_277 : i32
        %mul3A_279 = arith.constant 8 : i32
        %mul3A_280 = arith.muli %add3A_278, %mul3A_279 : i32
        %dma_wait3A_281 = arith.constant 0 : i32
        %dma_wait3A_282 = arith.constant 0 : i32
        %dma_wait3A_283 = tpu.memref_slice %arg7[%dma_wait3A_281, %dma_wait3A_282] : memref<32x129xf32, #tpu.memory_space<vmem>> -> memref<8x128xf32, #tpu.memory_space<vmem>>
        %dma_wait3A_284 = arith.constant 0 : i32
        %dma_wait3A_285 = tpu.memref_slice %arg3[%mul3A_280, %dma_wait3A_284] : memref<400000x128xf32, #tpu.memory_space<hbm>> -> memref<8x128xf32, #tpu.memory_space<hbm>>
        %dma_wait3A_286 = arith.constant 0 : i32
        %dma_wait3A_287 = arith.constant 0 : i32
        %dma_wait3A_288 = tpu.memref_slice %arg7[%dma_wait3A_286, %dma_wait3A_287] : memref<32x129xf32, #tpu.memory_space<vmem>> -> memref<8x128xf32, #tpu.memory_space<vmem>>
        %dma_wait3A_289 = arith.constant 0 : i32
        %dma_wait3A_290 = tpu.memref_slice %arg3[%mul3A_280, %dma_wait3A_289] : memref<400000x128xf32, #tpu.memory_space<hbm>> -> memref<8x128xf32, #tpu.memory_space<hbm>>
        tpu.wait_dma2 semaphore(%arg15 : memref<!tpu.dma_semaphore, #tpu.memory_space<semaphore_mem>>) src(%dma_wait3A_290 : memref<8x128xf32, #tpu.memory_space<hbm>>) dst(%dma_wait3A_288 : memref<8x128xf32, #tpu.memory_space<vmem>>)
        %mul3A_291 = arith.constant 2 : i32
        %mul3A_292 = arith.muli %add3A_245, %mul3A_291 : i32
        %add3A_293 = arith.constant 25000 : i32
        %add3A_294 = arith.addi %add3A_293, %mul3A_292 : i32
        %add3A_295 = arith.constant 0 : i32
        %add3A_296 = arith.addi %add3A_294, %add3A_295 : i32
        %mul3A_297 = arith.constant 8 : i32
        %mul3A_298 = arith.muli %add3A_296, %mul3A_297 : i32
        %dma_wait3A_299 = arith.constant 8 : i32
        %dma_wait3A_300 = arith.constant 0 : i32
        %dma_wait3A_301 = tpu.memref_slice %arg7[%dma_wait3A_299, %dma_wait3A_300] : memref<32x129xf32, #tpu.memory_space<vmem>> -> memref<8x128xf32, #tpu.memory_space<vmem>>
        %dma_wait3A_302 = arith.constant 0 : i32
        %dma_wait3A_303 = tpu.memref_slice %arg3[%mul3A_298, %dma_wait3A_302] : memref<400000x128xf32, #tpu.memory_space<hbm>> -> memref<8x128xf32, #tpu.memory_space<hbm>>
        %dma_wait3A_304 = arith.constant 8 : i32
        %dma_wait3A_305 = arith.constant 0 : i32
        %dma_wait3A_306 = tpu.memref_slice %arg7[%dma_wait3A_304, %dma_wait3A_305] : memref<32x129xf32, #tpu.memory_space<vmem>> -> memref<8x128xf32, #tpu.memory_space<vmem>>
        %dma_wait3A_307 = arith.constant 0 : i32
        %dma_wait3A_308 = tpu.memref_slice %arg3[%mul3A_298, %dma_wait3A_307] : memref<400000x128xf32, #tpu.memory_space<hbm>> -> memref<8x128xf32, #tpu.memory_space<hbm>>
        tpu.wait_dma2 semaphore(%arg15 : memref<!tpu.dma_semaphore, #tpu.memory_space<semaphore_mem>>) src(%dma_wait3A_308 : memref<8x128xf32, #tpu.memory_space<hbm>>) dst(%dma_wait3A_306 : memref<8x128xf32, #tpu.memory_space<vmem>>)
        %mul3A_309 = arith.constant 2 : i32
        %mul3A_310 = arith.muli %add3A_245, %mul3A_309 : i32
        %add3A_311 = arith.constant 0 : i32
        %add3A_312 = arith.addi %add3A_311, %mul3A_310 : i32
        %add3A_313 = arith.constant 1 : i32
        %add3A_314 = arith.addi %add3A_312, %add3A_313 : i32
        %mul3A_315 = arith.constant 8 : i32
        %mul3A_316 = arith.muli %add3A_314, %mul3A_315 : i32
        %dma_wait3A_317 = arith.constant 16 : i32
        %dma_wait3A_318 = arith.constant 0 : i32
        %dma_wait3A_319 = tpu.memref_slice %arg7[%dma_wait3A_317, %dma_wait3A_318] : memref<32x129xf32, #tpu.memory_space<vmem>> -> memref<8x128xf32, #tpu.memory_space<vmem>>
        %dma_wait3A_320 = arith.constant 0 : i32
        %dma_wait3A_321 = tpu.memref_slice %arg3[%mul3A_316, %dma_wait3A_320] : memref<400000x128xf32, #tpu.memory_space<hbm>> -> memref<8x128xf32, #tpu.memory_space<hbm>>
        %dma_wait3A_322 = arith.constant 16 : i32
        %dma_wait3A_323 = arith.constant 0 : i32
        %dma_wait3A_324 = tpu.memref_slice %arg7[%dma_wait3A_322, %dma_wait3A_323] : memref<32x129xf32, #tpu.memory_space<vmem>> -> memref<8x128xf32, #tpu.memory_space<vmem>>
        %dma_wait3A_325 = arith.constant 0 : i32
        %dma_wait3A_326 = tpu.memref_slice %arg3[%mul3A_316, %dma_wait3A_325] : memref<400000x128xf32, #tpu.memory_space<hbm>> -> memref<8x128xf32, #tpu.memory_space<hbm>>
        tpu.wait_dma2 semaphore(%arg15 : memref<!tpu.dma_semaphore, #tpu.memory_space<semaphore_mem>>) src(%dma_wait3A_326 : memref<8x128xf32, #tpu.memory_space<hbm>>) dst(%dma_wait3A_324 : memref<8x128xf32, #tpu.memory_space<vmem>>)
        %mul3A_327 = arith.constant 2 : i32
        %mul3A_328 = arith.muli %add3A_245, %mul3A_327 : i32
        %add3A_329 = arith.constant 25000 : i32
        %add3A_330 = arith.addi %add3A_329, %mul3A_328 : i32
        %add3A_331 = arith.constant 1 : i32
        %add3A_332 = arith.addi %add3A_330, %add3A_331 : i32
        %mul3A_333 = arith.constant 8 : i32
        %mul3A_334 = arith.muli %add3A_332, %mul3A_333 : i32
        %dma_wait3A_335 = arith.constant 24 : i32
        %dma_wait3A_336 = arith.constant 0 : i32
        %dma_wait3A_337 = tpu.memref_slice %arg7[%dma_wait3A_335, %dma_wait3A_336] : memref<32x129xf32, #tpu.memory_space<vmem>> -> memref<8x128xf32, #tpu.memory_space<vmem>>
        %dma_wait3A_338 = arith.constant 0 : i32
        %dma_wait3A_339 = tpu.memref_slice %arg3[%mul3A_334, %dma_wait3A_338] : memref<400000x128xf32, #tpu.memory_space<hbm>> -> memref<8x128xf32, #tpu.memory_space<hbm>>
        %dma_wait3A_340 = arith.constant 24 : i32
        %dma_wait3A_341 = arith.constant 0 : i32
        %dma_wait3A_342 = tpu.memref_slice %arg7[%dma_wait3A_340, %dma_wait3A_341] : memref<32x129xf32, #tpu.memory_space<vmem>> -> memref<8x128xf32, #tpu.memory_space<vmem>>
        %dma_wait3A_343 = arith.constant 0 : i32
        %dma_wait3A_344 = tpu.memref_slice %arg3[%mul3A_334, %dma_wait3A_343] : memref<400000x128xf32, #tpu.memory_space<hbm>> -> memref<8x128xf32, #tpu.memory_space<hbm>>
        tpu.wait_dma2 semaphore(%arg15 : memref<!tpu.dma_semaphore, #tpu.memory_space<semaphore_mem>>) src(%dma_wait3A_344 : memref<8x128xf32, #tpu.memory_space<hbm>>) dst(%dma_wait3A_342 : memref<8x128xf32, #tpu.memory_space<vmem>>)
        %get3A = arith.constant 0 : index
        %get3A_345 = tpu.vector_load %arg11[%get3A] {strides = array<i32>} : memref<256xi32, #tpu.memory_space<vmem>>, vector<16xi32>,
        %swap3A = arith.constant 0 : i32
        %swap3A_346 = arith.index_cast %swap3A : i32 to index
        %swap3A_347 = arith.constant 0 : index
        %swap3A_348 = tpu.vector_load %arg13[%swap3A_346, %swap3A_347] {strides = array<i32>} : memref<2x128xi32, #tpu.memory_space<vmem>>, vector<16xi32>,
        tpu.vector_store %arg13[%swap3A_346, %swap3A_347], %get3A_345 {strides = array<i32>} : memref<2x128xi32, #tpu.memory_space<vmem>>, vector<16xi32>,
        %get3A_349 = arith.constant 16 : index
        %get3A_350 = tpu.vector_load %arg11[%get3A_349] {strides = array<i32>} : memref<256xi32, #tpu.memory_space<vmem>>, vector<16xi32>,
        %swap3A_351 = arith.constant 0 : i32
        %swap3A_352 = arith.index_cast %swap3A_351 : i32 to index
        %swap3A_353 = arith.constant 16 : index
        %swap3A_354 = tpu.vector_load %arg13[%swap3A_352, %swap3A_353] {strides = array<i32>} : memref<2x128xi32, #tpu.memory_space<vmem>>, vector<16xi32>,
        tpu.vector_store %arg13[%swap3A_352, %swap3A_353], %get3A_350 {strides = array<i32>} : memref<2x128xi32, #tpu.memory_space<vmem>>, vector<16xi32>,
        %get3A_355 = arith.constant 32 : index
        %get3A_356 = tpu.vector_load %arg11[%get3A_355] {strides = array<i32>} : memref<256xi32, #tpu.memory_space<vmem>>, vector<16xi32>,
        %swap3A_357 = arith.constant 0 : i32
        %swap3A_358 = arith.index_cast %swap3A_357 : i32 to index
        %swap3A_359 = arith.constant 32 : index
        %swap3A_360 = tpu.vector_load %arg13[%swap3A_358, %swap3A_359] {strides = array<i32>} : memref<2x128xi32, #tpu.memory_space<vmem>>, vector<16xi32>,
        tpu.vector_store %arg13[%swap3A_358, %swap3A_359], %get3A_356 {strides = array<i32>} : memref<2x128xi32, #tpu.memory_space<vmem>>, vector<16xi32>,
        %get3A_361 = arith.constant 48 : index
        %get3A_362 = tpu.vector_load %arg11[%get3A_361] {strides = array<i32>} : memref<256xi32, #tpu.memory_space<vmem>>, vector<16xi32>,
        %swap3A_363 = arith.constant 0 : i32
        %swap3A_364 = arith.index_cast %swap3A_363 : i32 to index
        %swap3A_365 = arith.constant 48 : index
        %swap3A_366 = tpu.vector_load %arg13[%swap3A_364, %swap3A_365] {strides = array<i32>} : memref<2x128xi32, #tpu.memory_space<vmem>>, vector<16xi32>,
        tpu.vector_store %arg13[%swap3A_364, %swap3A_365], %get3A_362 {strides = array<i32>} : memref<2x128xi32, #tpu.memory_space<vmem>>, vector<16xi32>,
        %get3A_367 = arith.constant 64 : index
        %get3A_368 = tpu.vector_load %arg11[%get3A_367] {strides = array<i32>} : memref<256xi32, #tpu.memory_space<vmem>>, vector<16xi32>,
        %swap3A_369 = arith.constant 0 : i32
        %swap3A_370 = arith.index_cast %swap3A_369 : i32 to index
        %swap3A_371 = arith.constant 64 : index
        %swap3A_372 = tpu.vector_load %arg13[%swap3A_370, %swap3A_371] {strides = array<i32>} : memref<2x128xi32, #tpu.memory_space<vmem>>, vector<16xi32>,
        tpu.vector_store %arg13[%swap3A_370, %swap3A_371], %get3A_368 {strides = array<i32>} : memref<2x128xi32, #tpu.memory_space<vmem>>, vector<16xi32>,
        %get3A_373 = arith.constant 80 : index
        %get3A_374 = tpu.vector_load %arg11[%get3A_373] {strides = array<i32>} : memref<256xi32, #tpu.memory_space<vmem>>, vector<16xi32>,
        %swap3A_375 = arith.constant 0 : i32
        %swap3A_376 = arith.index_cast %swap3A_375 : i32 to index
        %swap3A_377 = arith.constant 80 : index
        %swap3A_378 = tpu.vector_load %arg13[%swap3A_376, %swap3A_377] {strides = array<i32>} : memref<2x128xi32, #tpu.memory_space<vmem>>, vector<16xi32>,
        tpu.vector_store %arg13[%swap3A_376, %swap3A_377], %get3A_374 {strides = array<i32>} : memref<2x128xi32, #tpu.memory_space<vmem>>, vector<16xi32>,
        %get3A_379 = arith.constant 96 : index
        %get3A_380 = tpu.vector_load %arg11[%get3A_379] {strides = array<i32>} : memref<256xi32, #tpu.memory_space<vmem>>, vector<16xi32>,
        %swap3A_381 = arith.constant 0 : i32
        %swap3A_382 = arith.index_cast %swap3A_381 : i32 to index
        %swap3A_383 = arith.constant 96 : index
        %swap3A_384 = tpu.vector_load %arg13[%swap3A_382, %swap3A_383] {strides = array<i32>} : memref<2x128xi32, #tpu.memory_space<vmem>>, vector<16xi32>,
        tpu.vector_store %arg13[%swap3A_382, %swap3A_383], %get3A_380 {strides = array<i32>} : memref<2x128xi32, #tpu.memory_space<vmem>>, vector<16xi32>,
        %get3A_385 = arith.constant 112 : index
        %get3A_386 = tpu.vector_load %arg11[%get3A_385] {strides = array<i32>} : memref<256xi32, #tpu.memory_space<vmem>>, vector<16xi32>,
        %swap3A_387 = arith.constant 0 : i32
        %swap3A_388 = arith.index_cast %swap3A_387 : i32 to index
        %swap3A_389 = arith.constant 112 : index
        %swap3A_390 = tpu.vector_load %arg13[%swap3A_388, %swap3A_389] {strides = array<i32>} : memref<2x128xi32, #tpu.memory_space<vmem>>, vector<16xi32>,
        tpu.vector_store %arg13[%swap3A_388, %swap3A_389], %get3A_386 {strides = array<i32>} : memref<2x128xi32, #tpu.memory_space<vmem>>, vector<16xi32>,
        %get3A_391 = arith.constant 128 : index
        %get3A_392 = tpu.vector_load %arg11[%get3A_391] {strides = array<i32>} : memref<256xi32, #tpu.memory_space<vmem>>, vector<16xi32>,
        %swap3A_393 = arith.constant 1 : i32
        %swap3A_394 = arith.index_cast %swap3A_393 : i32 to index
        %swap3A_395 = arith.constant 0 : index
        %swap3A_396 = tpu.vector_load %arg13[%swap3A_394, %swap3A_395] {strides = array<i32>} : memref<2x128xi32, #tpu.memory_space<vmem>>, vector<16xi32>,
        tpu.vector_store %arg13[%swap3A_394, %swap3A_395], %get3A_392 {strides = array<i32>} : memref<2x128xi32, #tpu.memory_space<vmem>>, vector<16xi32>,
        %get3A_397 = arith.constant 144 : index
        %get3A_398 = tpu.vector_load %arg11[%get3A_397] {strides = array<i32>} : memref<256xi32, #tpu.memory_space<vmem>>, vector<16xi32>,
        %swap3A_399 = arith.constant 1 : i32
        %swap3A_400 = arith.index_cast %swap3A_399 : i32 to index
        %swap3A_401 = arith.constant 16 : index
        %swap3A_402 = tpu.vector_load %arg13[%swap3A_400, %swap3A_401] {strides = array<i32>} : memref<2x128xi32, #tpu.memory_space<vmem>>, vector<16xi32>,
        tpu.vector_store %arg13[%swap3A_400, %swap3A_401], %get3A_398 {strides = array<i32>} : memref<2x128xi32, #tpu.memory_space<vmem>>, vector<16xi32>,
        %get3A_403 = arith.constant 160 : index
        %get3A_404 = tpu.vector_load %arg11[%get3A_403] {strides = array<i32>} : memref<256xi32, #tpu.memory_space<vmem>>, vector<16xi32>,
        %swap3A_405 = arith.constant 1 : i32
        %swap3A_406 = arith.index_cast %swap3A_405 : i32 to index
        %swap3A_407 = arith.constant 32 : index
        %swap3A_408 = tpu.vector_load %arg13[%swap3A_406, %swap3A_407] {strides = array<i32>} : memref<2x128xi32, #tpu.memory_space<vmem>>, vector<16xi32>,
        tpu.vector_store %arg13[%swap3A_406, %swap3A_407], %get3A_404 {strides = array<i32>} : memref<2x128xi32, #tpu.memory_space<vmem>>, vector<16xi32>,
        %get3A_409 = arith.constant 176 : index
        %get3A_410 = tpu.vector_load %arg11[%get3A_409] {strides = array<i32>} : memref<256xi32, #tpu.memory_space<vmem>>, vector<16xi32>,
        %swap3A_411 = arith.constant 1 : i32
        %swap3A_412 = arith.index_cast %swap3A_411 : i32 to index
        %swap3A_413 = arith.constant 48 : index
        %swap3A_414 = tpu.vector_load %arg13[%swap3A_412, %swap3A_413] {strides = array<i32>} : memref<2x128xi32, #tpu.memory_space<vmem>>, vector<16xi32>,
        tpu.vector_store %arg13[%swap3A_412, %swap3A_413], %get3A_410 {strides = array<i32>} : memref<2x128xi32, #tpu.memory_space<vmem>>, vector<16xi32>,
        %get3A_415 = arith.constant 192 : index
        %get3A_416 = tpu.vector_load %arg11[%get3A_415] {strides = array<i32>} : memref<256xi32, #tpu.memory_space<vmem>>, vector<16xi32>,
        %swap3A_417 = arith.constant 1 : i32
        %swap3A_418 = arith.index_cast %swap3A_417 : i32 to index
        %swap3A_419 = arith.constant 64 : index
        %swap3A_420 = tpu.vector_load %arg13[%swap3A_418, %swap3A_419] {strides = array<i32>} : memref<2x128xi32, #tpu.memory_space<vmem>>, vector<16xi32>,
        tpu.vector_store %arg13[%swap3A_418, %swap3A_419], %get3A_416 {strides = array<i32>} : memref<2x128xi32, #tpu.memory_space<vmem>>, vector<16xi32>,
        %get3A_421 = arith.constant 208 : index
        %get3A_422 = tpu.vector_load %arg11[%get3A_421] {strides = array<i32>} : memref<256xi32, #tpu.memory_space<vmem>>, vector<16xi32>,
        %swap3A_423 = arith.constant 1 : i32
        %swap3A_424 = arith.index_cast %swap3A_423 : i32 to index
        %swap3A_425 = arith.constant 80 : index
        %swap3A_426 = tpu.vector_load %arg13[%swap3A_424, %swap3A_425] {strides = array<i32>} : memref<2x128xi32, #tpu.memory_space<vmem>>, vector<16xi32>,
        tpu.vector_store %arg13[%swap3A_424, %swap3A_425], %get3A_422 {strides = array<i32>} : memref<2x128xi32, #tpu.memory_space<vmem>>, vector<16xi32>,
        %get3A_427 = arith.constant 224 : index
        %get3A_428 = tpu.vector_load %arg11[%get3A_427] {strides = array<i32>} : memref<256xi32, #tpu.memory_space<vmem>>, vector<16xi32>,
        %swap3A_429 = arith.constant 1 : i32
        %swap3A_430 = arith.index_cast %swap3A_429 : i32 to index
        %swap3A_431 = arith.constant 96 : index
        %swap3A_432 = tpu.vector_load %arg13[%swap3A_430, %swap3A_431] {strides = array<i32>} : memref<2x128xi32, #tpu.memory_space<vmem>>, vector<16xi32>,
        tpu.vector_store %arg13[%swap3A_430, %swap3A_431], %get3A_428 {strides = array<i32>} : memref<2x128xi32, #tpu.memory_space<vmem>>, vector<16xi32>,
        %get3A_433 = arith.constant 240 : index
        %get3A_434 = tpu.vector_load %arg11[%get3A_433] {strides = array<i32>} : memref<256xi32, #tpu.memory_space<vmem>>, vector<16xi32>,
        %swap3A_435 = arith.constant 1 : i32
        %swap3A_436 = arith.index_cast %swap3A_435 : i32 to index
        %swap3A_437 = arith.constant 112 : index
        %swap3A_438 = tpu.vector_load %arg13[%swap3A_436, %swap3A_437] {strides = array<i32>} : memref<2x128xi32, #tpu.memory_space<vmem>>, vector<16xi32>,
        tpu.vector_store %arg13[%swap3A_436, %swap3A_437], %get3A_434 {strides = array<i32>} : memref<2x128xi32, #tpu.memory_space<vmem>>, vector<16xi32>,
        %parallel_loop3A = arith.constant 0 : i32
        %parallel_loop3A_439 = arith.constant 128 : i32
        %parallel_loop3A_440 = arith.constant 8 : i32
        %parallel_loop3A_441 = scf.for %parallel_loop3A_462 = %parallel_loop3A to %parallel_loop3A_439 step %parallel_loop3A_440 iter_args(%parallel_loop3A_463 = %mul3A_21) -> (vector<16xi32>)  : i32 {
          %parallel_loop3A_464 = arith.constant 0 : i32
          %parallel_loop3A_465 = vector.broadcast %parallel_loop3A_464 : i32 to vector<16xi32>
          %parallel_loop3A_466 = arith.addi %parallel_loop3A_463, %parallel_loop3A_465 : vector<16xi32>
          %parallel_loop3A_467 = tpu.vector_load_idx %arg7[%add3A_15, %parallel_loop3A_466] : memref<32x129xf32, #tpu.memory_space<vmem>>[vector<16xi32>, vector<16xi32>], vector<16xf32>,
          %parallel_loop3A_468 = arith.constant 0 : i32
          %parallel_loop3A_469 = arith.addi %parallel_loop3A_468, %parallel_loop3A_462 : i32
          %parallel_loop3A_470 = arith.constant 0 : i32
          %parallel_loop3A_471 = arith.addi %parallel_loop3A_469, %parallel_loop3A_470 : i32
          %parallel_loop3A_472 = arith.index_cast %parallel_loop3A_471 : i32 to index
          %parallel_loop3A_473 = arith.constant 0 : index
          %parallel_loop3A_474 = tpu.vector_load %arg9[%parallel_loop3A_472, %parallel_loop3A_473] {strides = array<i32>} : memref<256x16xf32, #tpu.memory_space<vmem>>, vector<16xf32>,
          tpu.vector_store %arg9[%parallel_loop3A_472, %parallel_loop3A_473], %parallel_loop3A_467 {strides = array<i32>} : memref<256x16xf32, #tpu.memory_space<vmem>>, vector<16xf32>,
          %parallel_loop3A_475 = arith.constant 0 : i32
          %parallel_loop3A_476 = vector.broadcast %parallel_loop3A_475 : i32 to vector<16xi32>
          %parallel_loop3A_477 = arith.addi %parallel_loop3A_463, %parallel_loop3A_476 : vector<16xi32>
          %parallel_loop3A_478 = tpu.vector_load_idx %arg7[%add3A_18, %parallel_loop3A_477] : memref<32x129xf32, #tpu.memory_space<vmem>>[vector<16xi32>, vector<16xi32>], vector<16xf32>,
          %parallel_loop3A_479 = arith.constant 128 : i32
          %parallel_loop3A_480 = arith.addi %parallel_loop3A_479, %parallel_loop3A_462 : i32
          %parallel_loop3A_481 = arith.constant 0 : i32
          %parallel_loop3A_482 = arith.addi %parallel_loop3A_480, %parallel_loop3A_481 : i32
          %parallel_loop3A_483 = arith.index_cast %parallel_loop3A_482 : i32 to index
          %parallel_loop3A_484 = arith.constant 0 : index
          %parallel_loop3A_485 = tpu.vector_load %arg9[%parallel_loop3A_483, %parallel_loop3A_484] {strides = array<i32>} : memref<256x16xf32, #tpu.memory_space<vmem>>, vector<16xf32>,
          tpu.vector_store %arg9[%parallel_loop3A_483, %parallel_loop3A_484], %parallel_loop3A_478 {strides = array<i32>} : memref<256x16xf32, #tpu.memory_space<vmem>>, vector<16xf32>,
          %parallel_loop3A_486 = arith.constant 1 : i32
          %parallel_loop3A_487 = vector.broadcast %parallel_loop3A_486 : i32 to vector<16xi32>
          %parallel_loop3A_488 = arith.addi %parallel_loop3A_463, %parallel_loop3A_487 : vector<16xi32>
          %parallel_loop3A_489 = tpu.vector_load_idx %arg7[%add3A_15, %parallel_loop3A_488] : memref<32x129xf32, #tpu.memory_space<vmem>>[vector<16xi32>, vector<16xi32>], vector<16xf32>,
          %parallel_loop3A_490 = arith.constant 0 : i32
          %parallel_loop3A_491 = arith.addi %parallel_loop3A_490, %parallel_loop3A_462 : i32
          %parallel_loop3A_492 = arith.constant 1 : i32
          %parallel_loop3A_493 = arith.addi %parallel_loop3A_491, %parallel_loop3A_492 : i32
          %parallel_loop3A_494 = arith.index_cast %parallel_loop3A_493 : i32 to index
          %parallel_loop3A_495 = arith.constant 0 : index
          %parallel_loop3A_496 = tpu.vector_load %arg9[%parallel_loop3A_494, %parallel_loop3A_495] {strides = array<i32>} : memref<256x16xf32, #tpu.memory_space<vmem>>, vector<16xf32>,
          tpu.vector_store %arg9[%parallel_loop3A_494, %parallel_loop3A_495], %parallel_loop3A_489 {strides = array<i32>} : memref<256x16xf32, #tpu.memory_space<vmem>>, vector<16xf32>,
          %parallel_loop3A_497 = arith.constant 1 : i32
          %parallel_loop3A_498 = vector.broadcast %parallel_loop3A_497 : i32 to vector<16xi32>
          %parallel_loop3A_499 = arith.addi %parallel_loop3A_463, %parallel_loop3A_498 : vector<16xi32>
          %parallel_loop3A_500 = tpu.vector_load_idx %arg7[%add3A_18, %parallel_loop3A_499] : memref<32x129xf32, #tpu.memory_space<vmem>>[vector<16xi32>, vector<16xi32>], vector<16xf32>,
          %parallel_loop3A_501 = arith.constant 128 : i32
          %parallel_loop3A_502 = arith.addi %parallel_loop3A_501, %parallel_loop3A_462 : i32
          %parallel_loop3A_503 = arith.constant 1 : i32
          %parallel_loop3A_504 = arith.addi %parallel_loop3A_502, %parallel_loop3A_503 : i32
          %parallel_loop3A_505 = arith.index_cast %parallel_loop3A_504 : i32 to index
          %parallel_loop3A_506 = arith.constant 0 : index
          %parallel_loop3A_507 = tpu.vector_load %arg9[%parallel_loop3A_505, %parallel_loop3A_506] {strides = array<i32>} : memref<256x16xf32, #tpu.memory_space<vmem>>, vector<16xf32>,
          tpu.vector_store %arg9[%parallel_loop3A_505, %parallel_loop3A_506], %parallel_loop3A_500 {strides = array<i32>} : memref<256x16xf32, #tpu.memory_space<vmem>>, vector<16xf32>,
          %parallel_loop3A_508 = arith.constant 2 : i32
          %parallel_loop3A_509 = vector.broadcast %parallel_loop3A_508 : i32 to vector<16xi32>
          %parallel_loop3A_510 = arith.addi %parallel_loop3A_463, %parallel_loop3A_509 : vector<16xi32>
          %parallel_loop3A_511 = tpu.vector_load_idx %arg7[%add3A_15, %parallel_loop3A_510] : memref<32x129xf32, #tpu.memory_space<vmem>>[vector<16xi32>, vector<16xi32>], vector<16xf32>,
          %parallel_loop3A_512 = arith.constant 0 : i32
          %parallel_loop3A_513 = arith.addi %parallel_loop3A_512, %parallel_loop3A_462 : i32
          %parallel_loop3A_514 = arith.constant 2 : i32
          %parallel_loop3A_515 = arith.addi %parallel_loop3A_513, %parallel_loop3A_514 : i32
          %parallel_loop3A_516 = arith.index_cast %parallel_loop3A_515 : i32 to index
          %parallel_loop3A_517 = arith.constant 0 : index
          %parallel_loop3A_518 = tpu.vector_load %arg9[%parallel_loop3A_516, %parallel_loop3A_517] {strides = array<i32>} : memref<256x16xf32, #tpu.memory_space<vmem>>, vector<16xf32>,
          tpu.vector_store %arg9[%parallel_loop3A_516, %parallel_loop3A_517], %parallel_loop3A_511 {strides = array<i32>} : memref<256x16xf32, #tpu.memory_space<vmem>>, vector<16xf32>,
          %parallel_loop3A_519 = arith.constant 2 : i32
          %parallel_loop3A_520 = vector.broadcast %parallel_loop3A_519 : i32 to vector<16xi32>
          %parallel_loop3A_521 = arith.addi %parallel_loop3A_463, %parallel_loop3A_520 : vector<16xi32>
          %parallel_loop3A_522 = tpu.vector_load_idx %arg7[%add3A_18, %parallel_loop3A_521] : memref<32x129xf32, #tpu.memory_space<vmem>>[vector<16xi32>, vector<16xi32>], vector<16xf32>,
          %parallel_loop3A_523 = arith.constant 128 : i32
          %parallel_loop3A_524 = arith.addi %parallel_loop3A_523, %parallel_loop3A_462 : i32
          %parallel_loop3A_525 = arith.constant 2 : i32
          %parallel_loop3A_526 = arith.addi %parallel_loop3A_524, %parallel_loop3A_525 : i32
          %parallel_loop3A_527 = arith.index_cast %parallel_loop3A_526 : i32 to index
          %parallel_loop3A_528 = arith.constant 0 : index
          %parallel_loop3A_529 = tpu.vector_load %arg9[%parallel_loop3A_527, %parallel_loop3A_528] {strides = array<i32>} : memref<256x16xf32, #tpu.memory_space<vmem>>, vector<16xf32>,
          tpu.vector_store %arg9[%parallel_loop3A_527, %parallel_loop3A_528], %parallel_loop3A_522 {strides = array<i32>} : memref<256x16xf32, #tpu.memory_space<vmem>>, vector<16xf32>,
          %parallel_loop3A_530 = arith.constant 3 : i32
          %parallel_loop3A_531 = vector.broadcast %parallel_loop3A_530 : i32 to vector<16xi32>
          %parallel_loop3A_532 = arith.addi %parallel_loop3A_463, %parallel_loop3A_531 : vector<16xi32>
          %parallel_loop3A_533 = tpu.vector_load_idx %arg7[%add3A_15, %parallel_loop3A_532] : memref<32x129xf32, #tpu.memory_space<vmem>>[vector<16xi32>, vector<16xi32>], vector<16xf32>,
          %parallel_loop3A_534 = arith.constant 0 : i32
          %parallel_loop3A_535 = arith.addi %parallel_loop3A_534, %parallel_loop3A_462 : i32
          %parallel_loop3A_536 = arith.constant 3 : i32
          %parallel_loop3A_537 = arith.addi %parallel_loop3A_535, %parallel_loop3A_536 : i32
          %parallel_loop3A_538 = arith.index_cast %parallel_loop3A_537 : i32 to index
          %parallel_loop3A_539 = arith.constant 0 : index
          %parallel_loop3A_540 = tpu.vector_load %arg9[%parallel_loop3A_538, %parallel_loop3A_539] {strides = array<i32>} : memref<256x16xf32, #tpu.memory_space<vmem>>, vector<16xf32>,
          tpu.vector_store %arg9[%parallel_loop3A_538, %parallel_loop3A_539], %parallel_loop3A_533 {strides = array<i32>} : memref<256x16xf32, #tpu.memory_space<vmem>>, vector<16xf32>,
          %parallel_loop3A_541 = arith.constant 3 : i32
          %parallel_loop3A_542 = vector.broadcast %parallel_loop3A_541 : i32 to vector<16xi32>
          %parallel_loop3A_543 = arith.addi %parallel_loop3A_463, %parallel_loop3A_542 : vector<16xi32>
          %parallel_loop3A_544 = tpu.vector_load_idx %arg7[%add3A_18, %parallel_loop3A_543] : memref<32x129xf32, #tpu.memory_space<vmem>>[vector<16xi32>, vector<16xi32>], vector<16xf32>,
          %parallel_loop3A_545 = arith.constant 128 : i32
          %parallel_loop3A_546 = arith.addi %parallel_loop3A_545, %parallel_loop3A_462 : i32
          %parallel_loop3A_547 = arith.constant 3 : i32
          %parallel_loop3A_548 = arith.addi %parallel_loop3A_546, %parallel_loop3A_547 : i32
          %parallel_loop3A_549 = arith.index_cast %parallel_loop3A_548 : i32 to index
          %parallel_loop3A_550 = arith.constant 0 : index
          %parallel_loop3A_551 = tpu.vector_load %arg9[%parallel_loop3A_549, %parallel_loop3A_550] {strides = array<i32>} : memref<256x16xf32, #tpu.memory_space<vmem>>, vector<16xf32>,
          tpu.vector_store %arg9[%parallel_loop3A_549, %parallel_loop3A_550], %parallel_loop3A_544 {strides = array<i32>} : memref<256x16xf32, #tpu.memory_space<vmem>>, vector<16xf32>,
          %parallel_loop3A_552 = arith.constant 4 : i32
          %parallel_loop3A_553 = vector.broadcast %parallel_loop3A_552 : i32 to vector<16xi32>
          %parallel_loop3A_554 = arith.addi %parallel_loop3A_463, %parallel_loop3A_553 : vector<16xi32>
          %parallel_loop3A_555 = tpu.vector_load_idx %arg7[%add3A_15, %parallel_loop3A_554] : memref<32x129xf32, #tpu.memory_space<vmem>>[vector<16xi32>, vector<16xi32>], vector<16xf32>,
          %parallel_loop3A_556 = arith.constant 0 : i32
          %parallel_loop3A_557 = arith.addi %parallel_loop3A_556, %parallel_loop3A_462 : i32
          %parallel_loop3A_558 = arith.constant 4 : i32
          %parallel_loop3A_559 = arith.addi %parallel_loop3A_557, %parallel_loop3A_558 : i32
          %parallel_loop3A_560 = arith.index_cast %parallel_loop3A_559 : i32 to index
          %parallel_loop3A_561 = arith.constant 0 : index
          %parallel_loop3A_562 = tpu.vector_load %arg9[%parallel_loop3A_560, %parallel_loop3A_561] {strides = array<i32>} : memref<256x16xf32, #tpu.memory_space<vmem>>, vector<16xf32>,
          tpu.vector_store %arg9[%parallel_loop3A_560, %parallel_loop3A_561], %parallel_loop3A_555 {strides = array<i32>} : memref<256x16xf32, #tpu.memory_space<vmem>>, vector<16xf32>,
          %parallel_loop3A_563 = arith.constant 4 : i32
          %parallel_loop3A_564 = vector.broadcast %parallel_loop3A_563 : i32 to vector<16xi32>
          %parallel_loop3A_565 = arith.addi %parallel_loop3A_463, %parallel_loop3A_564 : vector<16xi32>
          %parallel_loop3A_566 = tpu.vector_load_idx %arg7[%add3A_18, %parallel_loop3A_565] : memref<32x129xf32, #tpu.memory_space<vmem>>[vector<16xi32>, vector<16xi32>], vector<16xf32>,
          %parallel_loop3A_567 = arith.constant 128 : i32
          %parallel_loop3A_568 = arith.addi %parallel_loop3A_567, %parallel_loop3A_462 : i32
          %parallel_loop3A_569 = arith.constant 4 : i32
          %parallel_loop3A_570 = arith.addi %parallel_loop3A_568, %parallel_loop3A_569 : i32
          %parallel_loop3A_571 = arith.index_cast %parallel_loop3A_570 : i32 to index
          %parallel_loop3A_572 = arith.constant 0 : index
          %parallel_loop3A_573 = tpu.vector_load %arg9[%parallel_loop3A_571, %parallel_loop3A_572] {strides = array<i32>} : memref<256x16xf32, #tpu.memory_space<vmem>>, vector<16xf32>,
          tpu.vector_store %arg9[%parallel_loop3A_571, %parallel_loop3A_572], %parallel_loop3A_566 {strides = array<i32>} : memref<256x16xf32, #tpu.memory_space<vmem>>, vector<16xf32>,
          %parallel_loop3A_574 = arith.constant 5 : i32
          %parallel_loop3A_575 = vector.broadcast %parallel_loop3A_574 : i32 to vector<16xi32>
          %parallel_loop3A_576 = arith.addi %parallel_loop3A_463, %parallel_loop3A_575 : vector<16xi32>
          %parallel_loop3A_577 = tpu.vector_load_idx %arg7[%add3A_15, %parallel_loop3A_576] : memref<32x129xf32, #tpu.memory_space<vmem>>[vector<16xi32>, vector<16xi32>], vector<16xf32>,
          %parallel_loop3A_578 = arith.constant 0 : i32
          %parallel_loop3A_579 = arith.addi %parallel_loop3A_578, %parallel_loop3A_462 : i32
          %parallel_loop3A_580 = arith.constant 5 : i32
          %parallel_loop3A_581 = arith.addi %parallel_loop3A_579, %parallel_loop3A_580 : i32
          %parallel_loop3A_582 = arith.index_cast %parallel_loop3A_581 : i32 to index
          %parallel_loop3A_583 = arith.constant 0 : index
          %parallel_loop3A_584 = tpu.vector_load %arg9[%parallel_loop3A_582, %parallel_loop3A_583] {strides = array<i32>} : memref<256x16xf32, #tpu.memory_space<vmem>>, vector<16xf32>,
          tpu.vector_store %arg9[%parallel_loop3A_582, %parallel_loop3A_583], %parallel_loop3A_577 {strides = array<i32>} : memref<256x16xf32, #tpu.memory_space<vmem>>, vector<16xf32>,
          %parallel_loop3A_585 = arith.constant 5 : i32
          %parallel_loop3A_586 = vector.broadcast %parallel_loop3A_585 : i32 to vector<16xi32>
          %parallel_loop3A_587 = arith.addi %parallel_loop3A_463, %parallel_loop3A_586 : vector<16xi32>
          %parallel_loop3A_588 = tpu.vector_load_idx %arg7[%add3A_18, %parallel_loop3A_587] : memref<32x129xf32, #tpu.memory_space<vmem>>[vector<16xi32>, vector<16xi32>], vector<16xf32>,
          %parallel_loop3A_589 = arith.constant 128 : i32
          %parallel_loop3A_590 = arith.addi %parallel_loop3A_589, %parallel_loop3A_462 : i32
          %parallel_loop3A_591 = arith.constant 5 : i32
          %parallel_loop3A_592 = arith.addi %parallel_loop3A_590, %parallel_loop3A_591 : i32
          %parallel_loop3A_593 = arith.index_cast %parallel_loop3A_592 : i32 to index
          %parallel_loop3A_594 = arith.constant 0 : index
          %parallel_loop3A_595 = tpu.vector_load %arg9[%parallel_loop3A_593, %parallel_loop3A_594] {strides = array<i32>} : memref<256x16xf32, #tpu.memory_space<vmem>>, vector<16xf32>,
          tpu.vector_store %arg9[%parallel_loop3A_593, %parallel_loop3A_594], %parallel_loop3A_588 {strides = array<i32>} : memref<256x16xf32, #tpu.memory_space<vmem>>, vector<16xf32>,
          %parallel_loop3A_596 = arith.constant 6 : i32
          %parallel_loop3A_597 = vector.broadcast %parallel_loop3A_596 : i32 to vector<16xi32>
          %parallel_loop3A_598 = arith.addi %parallel_loop3A_463, %parallel_loop3A_597 : vector<16xi32>
          %parallel_loop3A_599 = tpu.vector_load_idx %arg7[%add3A_15, %parallel_loop3A_598] : memref<32x129xf32, #tpu.memory_space<vmem>>[vector<16xi32>, vector<16xi32>], vector<16xf32>,
          %parallel_loop3A_600 = arith.constant 0 : i32
          %parallel_loop3A_601 = arith.addi %parallel_loop3A_600, %parallel_loop3A_462 : i32
          %parallel_loop3A_602 = arith.constant 6 : i32
          %parallel_loop3A_603 = arith.addi %parallel_loop3A_601, %parallel_loop3A_602 : i32
          %parallel_loop3A_604 = arith.index_cast %parallel_loop3A_603 : i32 to index
          %parallel_loop3A_605 = arith.constant 0 : index
          %parallel_loop3A_606 = tpu.vector_load %arg9[%parallel_loop3A_604, %parallel_loop3A_605] {strides = array<i32>} : memref<256x16xf32, #tpu.memory_space<vmem>>, vector<16xf32>,
          tpu.vector_store %arg9[%parallel_loop3A_604, %parallel_loop3A_605], %parallel_loop3A_599 {strides = array<i32>} : memref<256x16xf32, #tpu.memory_space<vmem>>, vector<16xf32>,
          %parallel_loop3A_607 = arith.constant 6 : i32
          %parallel_loop3A_608 = vector.broadcast %parallel_loop3A_607 : i32 to vector<16xi32>
          %parallel_loop3A_609 = arith.addi %parallel_loop3A_463, %parallel_loop3A_608 : vector<16xi32>
          %parallel_loop3A_610 = tpu.vector_load_idx %arg7[%add3A_18, %parallel_loop3A_609] : memref<32x129xf32, #tpu.memory_space<vmem>>[vector<16xi32>, vector<16xi32>], vector<16xf32>,
          %parallel_loop3A_611 = arith.constant 128 : i32
          %parallel_loop3A_612 = arith.addi %parallel_loop3A_611, %parallel_loop3A_462 : i32
          %parallel_loop3A_613 = arith.constant 6 : i32
          %parallel_loop3A_614 = arith.addi %parallel_loop3A_612, %parallel_loop3A_613 : i32
          %parallel_loop3A_615 = arith.index_cast %parallel_loop3A_614 : i32 to index
          %parallel_loop3A_616 = arith.constant 0 : index
          %parallel_loop3A_617 = tpu.vector_load %arg9[%parallel_loop3A_615, %parallel_loop3A_616] {strides = array<i32>} : memref<256x16xf32, #tpu.memory_space<vmem>>, vector<16xf32>,
          tpu.vector_store %arg9[%parallel_loop3A_615, %parallel_loop3A_616], %parallel_loop3A_610 {strides = array<i32>} : memref<256x16xf32, #tpu.memory_space<vmem>>, vector<16xf32>,
          %parallel_loop3A_618 = arith.constant 7 : i32
          %parallel_loop3A_619 = vector.broadcast %parallel_loop3A_618 : i32 to vector<16xi32>
          %parallel_loop3A_620 = arith.addi %parallel_loop3A_463, %parallel_loop3A_619 : vector<16xi32>
          %parallel_loop3A_621 = tpu.vector_load_idx %arg7[%add3A_15, %parallel_loop3A_620] : memref<32x129xf32, #tpu.memory_space<vmem>>[vector<16xi32>, vector<16xi32>], vector<16xf32>,
          %parallel_loop3A_622 = arith.constant 0 : i32
          %parallel_loop3A_623 = arith.addi %parallel_loop3A_622, %parallel_loop3A_462 : i32
          %parallel_loop3A_624 = arith.constant 7 : i32
          %parallel_loop3A_625 = arith.addi %parallel_loop3A_623, %parallel_loop3A_624 : i32
          %parallel_loop3A_626 = arith.index_cast %parallel_loop3A_625 : i32 to index
          %parallel_loop3A_627 = arith.constant 0 : index
          %parallel_loop3A_628 = tpu.vector_load %arg9[%parallel_loop3A_626, %parallel_loop3A_627] {strides = array<i32>} : memref<256x16xf32, #tpu.memory_space<vmem>>, vector<16xf32>,
          tpu.vector_store %arg9[%parallel_loop3A_626, %parallel_loop3A_627], %parallel_loop3A_621 {strides = array<i32>} : memref<256x16xf32, #tpu.memory_space<vmem>>, vector<16xf32>,
          %parallel_loop3A_629 = arith.constant 7 : i32
          %parallel_loop3A_630 = vector.broadcast %parallel_loop3A_629 : i32 to vector<16xi32>
          %parallel_loop3A_631 = arith.addi %parallel_loop3A_463, %parallel_loop3A_630 : vector<16xi32>
          %parallel_loop3A_632 = tpu.vector_load_idx %arg7[%add3A_18, %parallel_loop3A_631] : memref<32x129xf32, #tpu.memory_space<vmem>>[vector<16xi32>, vector<16xi32>], vector<16xf32>,
          %parallel_loop3A_633 = arith.constant 128 : i32
          %parallel_loop3A_634 = arith.addi %parallel_loop3A_633, %parallel_loop3A_462 : i32
          %parallel_loop3A_635 = arith.constant 7 : i32
          %parallel_loop3A_636 = arith.addi %parallel_loop3A_634, %parallel_loop3A_635 : i32
          %parallel_loop3A_637 = arith.index_cast %parallel_loop3A_636 : i32 to index
          %parallel_loop3A_638 = arith.constant 0 : index
          %parallel_loop3A_639 = tpu.vector_load %arg9[%parallel_loop3A_637, %parallel_loop3A_638] {strides = array<i32>} : memref<256x16xf32, #tpu.memory_space<vmem>>, vector<16xf32>,
          tpu.vector_store %arg9[%parallel_loop3A_637, %parallel_loop3A_638], %parallel_loop3A_632 {strides = array<i32>} : memref<256x16xf32, #tpu.memory_space<vmem>>, vector<16xf32>,
          %parallel_loop3A_640 = arith.constant 8 : i32
          %parallel_loop3A_641 = vector.broadcast %parallel_loop3A_640 : i32 to vector<16xi32>
          %parallel_loop3A_642 = arith.addi %parallel_loop3A_463, %parallel_loop3A_641 : vector<16xi32>
          scf.yield %parallel_loop3A_642 : vector<16xi32>
        } {sc.loop_unroll_factor = 1 : i64, sc.parallel_access}
        %dma_start3A_442 = arith.constant 0 : i32
        %dma_start3A_443 = arith.constant 0 : i32
        %dma_start3A_444 = arith.constant 0 : i32
        %dma_start3A_445 = tpu.memref_slice %arg9[%dma_start3A_443, %dma_start3A_444] : memref<256x16xf32, #tpu.memory_space<vmem>> -> memref<128x16xf32, #tpu.memory_space<vmem>>
        %dma_start3A_446 = arith.constant 0 : i32
        %dma_start3A_447 = tpu.memref_slice %arg13[%dma_start3A_442, %dma_start3A_446] : memref<2x128xi32, #tpu.memory_space<vmem>> -> memref<1x128xi32, #tpu.memory_space<vmem>>
        %dma_start3A_448 = tpu.memref_squeeze %dma_start3A_447 : memref<1x128xi32, #tpu.memory_space<vmem>> -> memref<128xi32, #tpu.memory_space<vmem>>
        %dma_start3A_449 = arith.constant 0 : i32
        %dma_start3A_450 = arith.constant 0 : i32
        %dma_start3A_451 = tpu.memref_slice %arg18[%dma_start3A_449, %dma_start3A_450] : memref<100000x16xf32, #tpu.memory_space<vmem_shared>> -> memref<100000x16xf32, #tpu.memory_space<vmem_shared>>
        tpu.enqueue_indirect_dma source(%dma_start3A_445 : memref<128x16xf32, #tpu.memory_space<vmem>>) target(%dma_start3A_451 : memref<100000x16xf32, #tpu.memory_space<vmem_shared>>) offsets(%dma_start3A_448 : memref<128xi32, #tpu.memory_space<vmem>>) semaphore(%arg17 : memref<!tpu.dma_semaphore, #tpu.memory_space<semaphore_mem>>) {add = true}
        %dma_start3A_452 = arith.constant 1 : i32
        %dma_start3A_453 = arith.constant 128 : i32
        %dma_start3A_454 = arith.constant 0 : i32
        %dma_start3A_455 = tpu.memref_slice %arg9[%dma_start3A_453, %dma_start3A_454] : memref<256x16xf32, #tpu.memory_space<vmem>> -> memref<128x16xf32, #tpu.memory_space<vmem>>
        %dma_start3A_456 = arith.constant 0 : i32
        %dma_start3A_457 = tpu.memref_slice %arg13[%dma_start3A_452, %dma_start3A_456] : memref<2x128xi32, #tpu.memory_space<vmem>> -> memref<1x128xi32, #tpu.memory_space<vmem>>
        %dma_start3A_458 = tpu.memref_squeeze %dma_start3A_457 : memref<1x128xi32, #tpu.memory_space<vmem>> -> memref<128xi32, #tpu.memory_space<vmem>>
        %dma_start3A_459 = arith.constant 0 : i32
        %dma_start3A_460 = arith.constant 0 : i32
        %dma_start3A_461 = tpu.memref_slice %arg18[%dma_start3A_459, %dma_start3A_460] : memref<100000x16xf32, #tpu.memory_space<vmem_shared>> -> memref<100000x16xf32, #tpu.memory_space<vmem_shared>>
        tpu.enqueue_indirect_dma source(%dma_start3A_455 : memref<128x16xf32, #tpu.memory_space<vmem>>) target(%dma_start3A_461 : memref<100000x16xf32, #tpu.memory_space<vmem_shared>>) offsets(%dma_start3A_458 : memref<128xi32, #tpu.memory_space<vmem>>) semaphore(%arg17 : memref<!tpu.dma_semaphore, #tpu.memory_space<semaphore_mem>>) {add = true}
      } else {
      }
      %sub3A_259 = arith.constant 2 : i32
      %sub3A_260 = arith.subi %add3A_12, %sub3A_259 : i32
      %lt3A_261 = arith.cmpi slt, %add3A_244, %sub3A_260 : i32
      %convert_element_type3A_262 = arith.extui %lt3A_261 : i1 to i32
      %cond3A_263 = arith.constant 0 : i32
      %cond3A_264 = arith.cmpi ne, %convert_element_type3A_262, %cond3A_263 : i32
      scf.if %cond3A_264 {
        %add3A_266 = arith.constant 2 : i32
        %add3A_267 = arith.addi %add3A_245, %add3A_266 : i32
        %mul3A_268 = arith.constant 2 : i32
        %mul3A_269 = arith.muli %add3A_267, %mul3A_268 : i32
        %mul3A_270 = arith.constant 128 : i32
        %mul3A_271 = arith.muli %mul3A_269, %mul3A_270 : i32
        %add3A_272 = arith.constant 3200000 : i32
        %add3A_273 = arith.addi %add3A_272, %mul3A_271 : i32
        %dma_start3A_274 = tpu.memref_slice %arg2[%add3A_273] : memref<6400000xi32, #tpu.memory_space<hbm>> -> memref<256xi32, #tpu.memory_space<hbm>>
        %dma_start3A_275 = tpu.memref_slice %arg2[%add3A_273] : memref<6400000xi32, #tpu.memory_space<hbm>> -> memref<256xi32, #tpu.memory_space<hbm>>
        tpu.enqueue_dma source(%dma_start3A_275 : memref<256xi32, #tpu.memory_space<hbm>>) target(%arg11 : memref<256xi32, #tpu.memory_space<vmem>>) target_semaphore(%arg15 : memref<!tpu.dma_semaphore, #tpu.memory_space<semaphore_mem>>)
        %mul3A_276 = arith.constant 2 : i32
        %mul3A_277 = arith.muli %add3A_267, %mul3A_276 : i32
        %add3A_278 = arith.constant 0 : i32
        %add3A_279 = arith.addi %add3A_278, %mul3A_277 : i32
        %add3A_280 = arith.constant 0 : i32
        %add3A_281 = arith.addi %add3A_279, %add3A_280 : i32
        %mul3A_282 = arith.constant 8 : i32
        %mul3A_283 = arith.muli %add3A_281, %mul3A_282 : i32
        %dma_start3A_284 = arith.constant 0 : i32
        %dma_start3A_285 = arith.constant 0 : i32
        %dma_start3A_286 = tpu.memref_slice %arg7[%dma_start3A_284, %dma_start3A_285] : memref<32x129xf32, #tpu.memory_space<vmem>> -> memref<8x128xf32, #tpu.memory_space<vmem>>
        %dma_start3A_287 = arith.constant 0 : i32
        %dma_start3A_288 = tpu.memref_slice %arg3[%mul3A_283, %dma_start3A_287] : memref<400000x128xf32, #tpu.memory_space<hbm>> -> memref<8x128xf32, #tpu.memory_space<hbm>>
        %dma_start3A_289 = arith.constant 0 : i32
        %dma_start3A_290 = arith.constant 0 : i32
        %dma_start3A_291 = tpu.memref_slice %arg7[%dma_start3A_289, %dma_start3A_290] : memref<32x129xf32, #tpu.memory_space<vmem>> -> memref<8x128xf32, #tpu.memory_space<vmem>>
        %dma_start3A_292 = arith.constant 0 : i32
        %dma_start3A_293 = tpu.memref_slice %arg3[%mul3A_283, %dma_start3A_292] : memref<400000x128xf32, #tpu.memory_space<hbm>> -> memref<8x128xf32, #tpu.memory_space<hbm>>
        tpu.enqueue_dma source(%dma_start3A_293 : memref<8x128xf32, #tpu.memory_space<hbm>>) target(%dma_start3A_291 : memref<8x128xf32, #tpu.memory_space<vmem>>) target_semaphore(%arg15 : memref<!tpu.dma_semaphore, #tpu.memory_space<semaphore_mem>>)
        %mul3A_294 = arith.constant 2 : i32
        %mul3A_295 = arith.muli %add3A_267, %mul3A_294 : i32
        %add3A_296 = arith.constant 25000 : i32
        %add3A_297 = arith.addi %add3A_296, %mul3A_295 : i32
        %add3A_298 = arith.constant 0 : i32
        %add3A_299 = arith.addi %add3A_297, %add3A_298 : i32
        %mul3A_300 = arith.constant 8 : i32
        %mul3A_301 = arith.muli %add3A_299, %mul3A_300 : i32
        %dma_start3A_302 = arith.constant 8 : i32
        %dma_start3A_303 = arith.constant 0 : i32
        %dma_start3A_304 = tpu.memref_slice %arg7[%dma_start3A_302, %dma_start3A_303] : memref<32x129xf32, #tpu.memory_space<vmem>> -> memref<8x128xf32, #tpu.memory_space<vmem>>
        %dma_start3A_305 = arith.constant 0 : i32
        %dma_start3A_306 = tpu.memref_slice %arg3[%mul3A_301, %dma_start3A_305] : memref<400000x128xf32, #tpu.memory_space<hbm>> -> memref<8x128xf32, #tpu.memory_space<hbm>>
        %dma_start3A_307 = arith.constant 8 : i32
        %dma_start3A_308 = arith.constant 0 : i32
        %dma_start3A_309 = tpu.memref_slice %arg7[%dma_start3A_307, %dma_start3A_308] : memref<32x129xf32, #tpu.memory_space<vmem>> -> memref<8x128xf32, #tpu.memory_space<vmem>>
        %dma_start3A_310 = arith.constant 0 : i32
        %dma_start3A_311 = tpu.memref_slice %arg3[%mul3A_301, %dma_start3A_310] : memref<400000x128xf32, #tpu.memory_space<hbm>> -> memref<8x128xf32, #tpu.memory_space<hbm>>
        tpu.enqueue_dma source(%dma_start3A_311 : memref<8x128xf32, #tpu.memory_space<hbm>>) target(%dma_start3A_309 : memref<8x128xf32, #tpu.memory_space<vmem>>) target_semaphore(%arg15 : memref<!tpu.dma_semaphore, #tpu.memory_space<semaphore_mem>>)
        %mul3A_312 = arith.constant 2 : i32
        %mul3A_313 = arith.muli %add3A_267, %mul3A_312 : i32
        %add3A_314 = arith.constant 0 : i32
        %add3A_315 = arith.addi %add3A_314, %mul3A_313 : i32
        %add3A_316 = arith.constant 1 : i32
        %add3A_317 = arith.addi %add3A_315, %add3A_316 : i32
        %mul3A_318 = arith.constant 8 : i32
        %mul3A_319 = arith.muli %add3A_317, %mul3A_318 : i32
        %dma_start3A_320 = arith.constant 16 : i32
        %dma_start3A_321 = arith.constant 0 : i32
        %dma_start3A_322 = tpu.memref_slice %arg7[%dma_start3A_320, %dma_start3A_321] : memref<32x129xf32, #tpu.memory_space<vmem>> -> memref<8x128xf32, #tpu.memory_space<vmem>>
        %dma_start3A_323 = arith.constant 0 : i32
        %dma_start3A_324 = tpu.memref_slice %arg3[%mul3A_319, %dma_start3A_323] : memref<400000x128xf32, #tpu.memory_space<hbm>> -> memref<8x128xf32, #tpu.memory_space<hbm>>
        %dma_start3A_325 = arith.constant 16 : i32
        %dma_start3A_326 = arith.constant 0 : i32
        %dma_start3A_327 = tpu.memref_slice %arg7[%dma_start3A_325, %dma_start3A_326] : memref<32x129xf32, #tpu.memory_space<vmem>> -> memref<8x128xf32, #tpu.memory_space<vmem>>
        %dma_start3A_328 = arith.constant 0 : i32
        %dma_start3A_329 = tpu.memref_slice %arg3[%mul3A_319, %dma_start3A_328] : memref<400000x128xf32, #tpu.memory_space<hbm>> -> memref<8x128xf32, #tpu.memory_space<hbm>>
        tpu.enqueue_dma source(%dma_start3A_329 : memref<8x128xf32, #tpu.memory_space<hbm>>) target(%dma_start3A_327 : memref<8x128xf32, #tpu.memory_space<vmem>>) target_semaphore(%arg15 : memref<!tpu.dma_semaphore, #tpu.memory_space<semaphore_mem>>)
        %mul3A_330 = arith.constant 2 : i32
        %mul3A_331 = arith.muli %add3A_267, %mul3A_330 : i32
        %add3A_332 = arith.constant 25000 : i32
        %add3A_333 = arith.addi %add3A_332, %mul3A_331 : i32
        %add3A_334 = arith.constant 1 : i32
        %add3A_335 = arith.addi %add3A_333, %add3A_334 : i32
        %mul3A_336 = arith.constant 8 : i32
        %mul3A_337 = arith.muli %add3A_335, %mul3A_336 : i32
        %dma_start3A_338 = arith.constant 24 : i32
        %dma_start3A_339 = arith.constant 0 : i32
        %dma_start3A_340 = tpu.memref_slice %arg7[%dma_start3A_338, %dma_start3A_339] : memref<32x129xf32, #tpu.memory_space<vmem>> -> memref<8x128xf32, #tpu.memory_space<vmem>>
        %dma_start3A_341 = arith.constant 0 : i32
        %dma_start3A_342 = tpu.memref_slice %arg3[%mul3A_337, %dma_start3A_341] : memref<400000x128xf32, #tpu.memory_space<hbm>> -> memref<8x128xf32, #tpu.memory_space<hbm>>
        %dma_start3A_343 = arith.constant 24 : i32
        %dma_start3A_344 = arith.constant 0 : i32
        %dma_start3A_345 = tpu.memref_slice %arg7[%dma_start3A_343, %dma_start3A_344] : memref<32x129xf32, #tpu.memory_space<vmem>> -> memref<8x128xf32, #tpu.memory_space<vmem>>
        %dma_start3A_346 = arith.constant 0 : i32
        %dma_start3A_347 = tpu.memref_slice %arg3[%mul3A_337, %dma_start3A_346] : memref<400000x128xf32, #tpu.memory_space<hbm>> -> memref<8x128xf32, #tpu.memory_space<hbm>>
        tpu.enqueue_dma source(%dma_start3A_347 : memref<8x128xf32, #tpu.memory_space<hbm>>) target(%dma_start3A_345 : memref<8x128xf32, #tpu.memory_space<vmem>>) target_semaphore(%arg15 : memref<!tpu.dma_semaphore, #tpu.memory_space<semaphore_mem>>)
      } else {
      }
      %while3A_265 = arith.constant 0 : i32
      scf.yield %while3A_265 : i32
    }
    %barrier3A_214 = arith.constant 0 : index
    tpu.barrier barrier_id(%barrier3A_214)
    %mul3A_215 = arith.constant 16 : i32
    %mul3A_216 = arith.muli %arg0, %mul3A_215 : i32
    %multiple_of3A_217 = tpu.assume_multiple %mul3A_216, 16 : i32
    "tpu.region"() ({
      %run_scoped3A = tpu.sem_alloc : memref<!tpu.dma_semaphore, #tpu.memory_space<semaphore_mem>>
      %dma_start3A_218 = tpu.memref_slice %arg5[%multiple_of3A, %multiple_of3A_217] : memref<100000x128xf32, #tpu.memory_space<hbm>> -> memref<6256x16xf32, #tpu.memory_space<hbm>>
      %dma_start3A_219 = arith.constant 0 : i32
      %dma_start3A_220 = tpu.memref_slice %arg18[%multiple_of3A, %dma_start3A_219] : memref<100000x16xf32, #tpu.memory_space<vmem_shared>> -> memref<6256x16xf32, #tpu.memory_space<vmem_shared>>
      tpu.enqueue_dma source(%dma_start3A_220 : memref<6256x16xf32, #tpu.memory_space<vmem_shared>>) target(%dma_start3A_218 : memref<6256x16xf32, #tpu.memory_space<hbm>>) target_semaphore(%run_scoped3A : memref<!tpu.dma_semaphore, #tpu.memory_space<semaphore_mem>>)
      %dma_wait3A = tpu.memref_slice %arg5[%multiple_of3A, %multiple_of3A_217] : memref<100000x128xf32, #tpu.memory_space<hbm>> -> memref<6256x16xf32, #tpu.memory_space<hbm>>
      %dma_wait3A_221 = arith.constant 0 : i32
      %dma_wait3A_222 = tpu.memref_slice %arg18[%multiple_of3A, %dma_wait3A_221] : memref<100000x16xf32, #tpu.memory_space<vmem_shared>> -> memref<6256x16xf32, #tpu.memory_space<vmem_shared>>
      tpu.wait_dma2 semaphore(%run_scoped3A : memref<!tpu.dma_semaphore, #tpu.memory_space<semaphore_mem>>) src(%dma_wait3A_222 : memref<6256x16xf32, #tpu.memory_space<vmem_shared>>) dst(%dma_wait3A : memref<6256x16xf32, #tpu.memory_space<hbm>>)
      tpu.yield
    }) : () -> ()
    return
  }
}

module attributes {stable_mosaic.version = 14 : i64} {
  func.func @_mlp_body(%arg0: i32, %arg1: memref<2000x128xf32, #tpu.memory_space<vmem>>, %arg2: memref<2000x128xf32, #tpu.memory_space<vmem>>, %arg3: memref<128x128xf32, #tpu.memory_space<vmem>>, %arg4: memref<16x128xf32, #tpu.memory_space<vmem>>, %arg5: memref<1x128xf32, #tpu.memory_space<vmem>>, %arg6: memref<128x128xf32, #tpu.memory_space<vmem>>, %arg7: memref<1x128xf32, #tpu.memory_space<vmem>>, %arg8: memref<128x128xf32, #tpu.memory_space<vmem>>, %arg9: memref<1x128xf32, #tpu.memory_space<vmem>>, %arg10: memref<1x128xf32, #tpu.memory_space<vmem>>, %arg11: memref<2000x128xf32, #tpu.memory_space<vmem>>) attributes {dimension_semantics = [#tpu.dimension_semantics<arbitrary>], iteration_bounds = array<i64: 50>, scalar_prefetch = 0 : i64, scratch_operands = 0 : i64, tpu.core_type = #tpu.core_type<tc>, window_params = [{transform_indices = @transform_0, window_bounds = array<i64: 2000, 128>}, {transform_indices = @transform_1, window_bounds = array<i64: 2000, 128>}, {pipeline_mode = #tpu.pipeline_mode<synchronous>, transform_indices = @transform_2, window_bounds = array<i64: 128, 128>}, {pipeline_mode = #tpu.pipeline_mode<synchronous>, transform_indices = @transform_3, window_bounds = array<i64: 16, 128>}, {pipeline_mode = #tpu.pipeline_mode<synchronous>, transform_indices = @transform_4, window_bounds = array<i64: 1, 128>}, {pipeline_mode = #tpu.pipeline_mode<synchronous>, transform_indices = @transform_5, window_bounds = array<i64: 128, 128>}, {pipeline_mode = #tpu.pipeline_mode<synchronous>, transform_indices = @transform_6, window_bounds = array<i64: 1, 128>}, {pipeline_mode = #tpu.pipeline_mode<synchronous>, transform_indices = @transform_7, window_bounds = array<i64: 128, 128>}, {pipeline_mode = #tpu.pipeline_mode<synchronous>, transform_indices = @transform_8, window_bounds = array<i64: 1, 128>}, {pipeline_mode = #tpu.pipeline_mode<synchronous>, transform_indices = @transform_9, window_bounds = array<i64: 1, 128>}, {transform_indices = @transform_10, window_bounds = array<i64: 2000, 128>}]} {
    %get3A = arith.constant 0 : index
    %get3A_0 = arith.constant 0 : index
    %get3A_1 = vector.load %arg1[%get3A, %get3A_0] : memref<2000x128xf32, #tpu.memory_space<vmem>>, vector<2000x128xf32>
    %get3A_2 = arith.constant 0 : index
    %get3A_3 = arith.constant 0 : index
    %get3A_4 = vector.load %arg2[%get3A_2, %get3A_3] : memref<2000x128xf32, #tpu.memory_space<vmem>>, vector<2000x16xf32>
    %get3A_5 = arith.constant 0 : index
    %get3A_6 = arith.constant 16 : index
    %get3A_7 = vector.load %arg2[%get3A_5, %get3A_6] : memref<2000x128xf32, #tpu.memory_space<vmem>>, vector<2000x16xf32>
    %add3A = arith.addf %get3A_4, %get3A_7 : vector<2000x16xf32>
    %get3A_8 = arith.constant 0 : index
    %get3A_9 = arith.constant 0 : index
    %get3A_10 = vector.load %arg3[%get3A_8, %get3A_9] : memref<128x128xf32, #tpu.memory_space<vmem>>, vector<128x128xf32>
    %dot_general3A = arith.constant dense<0.000000e+00> : vector<2000x128xf32>
    %dot_general3A_11 = tpu.matmul %get3A_1, %get3A_10, %dot_general3A {dimension_numbers = #tpu.dot_dimension_numbers<[1], [0], [0], [1], [0, 0, 1, 1], [], []>, transpose_lhs_hint = false} : vector<2000x128xf32>, vector<128x128xf32>, vector<2000x128xf32> -> vector<2000x128xf32>
    %get3A_12 = arith.constant 0 : index
    %get3A_13 = arith.constant 0 : index
    %get3A_14 = vector.load %arg4[%get3A_12, %get3A_13] : memref<16x128xf32, #tpu.memory_space<vmem>>, vector<16x128xf32>
    %dot_general3A_15 = arith.constant dense<0.000000e+00> : vector<2000x128xf32>
    %dot_general3A_16 = tpu.matmul %add3A, %get3A_14, %dot_general3A_15 {dimension_numbers = #tpu.dot_dimension_numbers<[1], [0], [0], [1], [0, 0, 1, 1], [], []>, transpose_lhs_hint = false} : vector<2000x16xf32>, vector<16x128xf32>, vector<2000x128xf32> -> vector<2000x128xf32>
    %add3A_17 = arith.addf %dot_general3A_11, %dot_general3A_16 : vector<2000x128xf32>
    %get3A_18 = arith.constant 0 : index
    %get3A_19 = arith.constant 0 : index
    %get3A_20 = vector.load %arg5[%get3A_18, %get3A_19] : memref<1x128xf32, #tpu.memory_space<vmem>>, vector<1x128xf32>
    %add3A_21 = vector.broadcast %get3A_20 : vector<1x128xf32> to vector<2000x128xf32>
    %add3A_22 = arith.addf %add3A_17, %add3A_21 : vector<2000x128xf32>
    %ge3A = arith.constant 0.000000e+00 : f32
    %ge3A_23 = vector.broadcast %ge3A : f32 to vector<2000x128xf32>
    %ge3A_24 = arith.cmpf oge, %add3A_22, %ge3A_23 : vector<2000x128xf32>
    %mul3A = arith.constant 2.000000e-01 : f32
    %mul3A_25 = vector.broadcast %mul3A : f32 to vector<2000x128xf32>
    %mul3A_26 = arith.mulf %mul3A_25, %add3A_22 : vector<2000x128xf32>
    %select_n3A = arith.select %ge3A_24, %add3A_22, %mul3A_26 : vector<2000x128xi1>, vector<2000x128xf32>
    %get3A_27 = arith.constant 0 : index
    %get3A_28 = arith.constant 0 : index
    %get3A_29 = vector.load %arg6[%get3A_27, %get3A_28] : memref<128x128xf32, #tpu.memory_space<vmem>>, vector<128x128xf32>
    %dot_general3A_30 = arith.constant dense<0.000000e+00> : vector<2000x128xf32>
    %dot_general3A_31 = tpu.matmul %select_n3A, %get3A_29, %dot_general3A_30 {dimension_numbers = #tpu.dot_dimension_numbers<[1], [0], [0], [1], [0, 0, 1, 1], [], []>, transpose_lhs_hint = false} : vector<2000x128xf32>, vector<128x128xf32>, vector<2000x128xf32> -> vector<2000x128xf32>
    %get3A_32 = arith.constant 0 : index
    %get3A_33 = arith.constant 0 : index
    %get3A_34 = vector.load %arg7[%get3A_32, %get3A_33] : memref<1x128xf32, #tpu.memory_space<vmem>>, vector<1x128xf32>
    %add3A_35 = vector.broadcast %get3A_34 : vector<1x128xf32> to vector<2000x128xf32>
    %add3A_36 = arith.addf %dot_general3A_31, %add3A_35 : vector<2000x128xf32>
    %ge3A_37 = arith.constant 0.000000e+00 : f32
    %ge3A_38 = vector.broadcast %ge3A_37 : f32 to vector<2000x128xf32>
    %ge3A_39 = arith.cmpf oge, %add3A_36, %ge3A_38 : vector<2000x128xf32>
    %mul3A_40 = arith.constant 2.000000e-01 : f32
    %mul3A_41 = vector.broadcast %mul3A_40 : f32 to vector<2000x128xf32>
    %mul3A_42 = arith.mulf %mul3A_41, %add3A_36 : vector<2000x128xf32>
    %select_n3A_43 = arith.select %ge3A_39, %add3A_36, %mul3A_42 : vector<2000x128xi1>, vector<2000x128xf32>
    %get3A_44 = arith.constant 0 : index
    %get3A_45 = arith.constant 0 : index
    %get3A_46 = vector.load %arg8[%get3A_44, %get3A_45] : memref<128x128xf32, #tpu.memory_space<vmem>>, vector<128x128xf32>
    %dot_general3A_47 = arith.constant dense<0.000000e+00> : vector<2000x128xf32>
    %dot_general3A_48 = tpu.matmul %select_n3A_43, %get3A_46, %dot_general3A_47 {dimension_numbers = #tpu.dot_dimension_numbers<[1], [0], [0], [1], [0, 0, 1, 1], [], []>, transpose_lhs_hint = false} : vector<2000x128xf32>, vector<128x128xf32>, vector<2000x128xf32> -> vector<2000x128xf32>
    %reduce_sum3A = arith.constant dense<0.000000e+00> : vector<2000xf32>
    %reduce_sum3A_49 = vector.multi_reduction <add>, %dot_general3A_48, %reduce_sum3A [1] : vector<2000x128xf32> to vector<2000xf32>
    %broadcast_in_dim3A = vector.shape_cast %reduce_sum3A_49 : vector<2000xf32> to vector<2000x1xf32>
    %div3A = arith.constant 1.280000e+02 : f32
    %div3A_50 = vector.broadcast %div3A : f32 to vector<2000x1xf32>
    %div3A_51 = arith.divf %broadcast_in_dim3A, %div3A_50 : vector<2000x1xf32>
    %sub3A = vector.broadcast %div3A_51 : vector<2000x1xf32> to vector<2000x128xf32>
    %sub3A_52 = arith.subf %dot_general3A_48, %sub3A : vector<2000x128xf32>
    %integer_pow3A = arith.mulf %sub3A_52, %sub3A_52 : vector<2000x128xf32>
    %reduce_sum3A_53 = arith.constant dense<0.000000e+00> : vector<2000xf32>
    %reduce_sum3A_54 = vector.multi_reduction <add>, %integer_pow3A, %reduce_sum3A_53 [1] : vector<2000x128xf32> to vector<2000xf32>
    %broadcast_in_dim3A_55 = vector.shape_cast %reduce_sum3A_54 : vector<2000xf32> to vector<2000x1xf32>
    %div3A_56 = arith.constant 1.280000e+02 : f32
    %div3A_57 = vector.broadcast %div3A_56 : f32 to vector<2000x1xf32>
    %div3A_58 = arith.divf %broadcast_in_dim3A_55, %div3A_57 : vector<2000x1xf32>
    %sub3A_59 = vector.broadcast %div3A_51 : vector<2000x1xf32> to vector<2000x128xf32>
    %sub3A_60 = arith.subf %dot_general3A_48, %sub3A_59 : vector<2000x128xf32>
    %add3A_61 = arith.constant 9.99999974E-6 : f32
    %add3A_62 = vector.broadcast %add3A_61 : f32 to vector<2000x1xf32>
    %add3A_63 = arith.addf %div3A_58, %add3A_62 : vector<2000x1xf32>
    %rsqrt3A = math.rsqrt %add3A_63 : vector<2000x1xf32>
    %mul3A_64 = vector.broadcast %rsqrt3A : vector<2000x1xf32> to vector<2000x128xf32>
    %mul3A_65 = arith.mulf %sub3A_60, %mul3A_64 : vector<2000x128xf32>
    %get3A_66 = arith.constant 0 : index
    %get3A_67 = arith.constant 0 : index
    %get3A_68 = vector.load %arg9[%get3A_66, %get3A_67] : memref<1x128xf32, #tpu.memory_space<vmem>>, vector<1x128xf32>
    %mul3A_69 = vector.broadcast %get3A_68 : vector<1x128xf32> to vector<2000x128xf32>
    %mul3A_70 = arith.mulf %mul3A_65, %mul3A_69 : vector<2000x128xf32>
    %get3A_71 = arith.constant 0 : index
    %get3A_72 = arith.constant 0 : index
    %get3A_73 = vector.load %arg10[%get3A_71, %get3A_72] : memref<1x128xf32, #tpu.memory_space<vmem>>, vector<1x128xf32>
    %add3A_74 = vector.broadcast %get3A_73 : vector<1x128xf32> to vector<2000x128xf32>
    %add3A_75 = arith.addf %mul3A_70, %add3A_74 : vector<2000x128xf32>
    %swap3A = arith.constant 0 : index
    %swap3A_76 = arith.constant 0 : index
    %swap3A_77 = vector.load %arg11[%swap3A, %swap3A_76] : memref<2000x128xf32, #tpu.memory_space<vmem>>, vector<2000x128xf32>
    tpu.vector_store %arg11[%swap3A, %swap3A_76], %add3A_75 {strides = array<i32>} : memref<2000x128xf32, #tpu.memory_space<vmem>>, vector<2000x128xf32>,
    return
  }
  func.func @transform_0(%arg0: i32) -> (i32, i32) {
    %c0_i32 = arith.constant 0 : i32
    %c0_i32_0 = arith.constant 0 : i32
    return %arg0, %c0_i32 : i32, i32
  }
  func.func @transform_1(%arg0: i32) -> (i32, i32) {
    %c0_i32 = arith.constant 0 : i32
    %c0_i32_0 = arith.constant 0 : i32
    return %arg0, %c0_i32 : i32, i32
  }
  func.func @transform_2(%arg0: i32) -> (i32, i32) {
    %c0_i32 = arith.constant 0 : i32
    %c0_i32_0 = arith.constant 0 : i32
    %c0_i32_1 = arith.constant 0 : i32
    return %c0_i32, %c0_i32_0 : i32, i32
  }
  func.func @transform_3(%arg0: i32) -> (i32, i32) {
    %c0_i32 = arith.constant 0 : i32
    %c0_i32_0 = arith.constant 0 : i32
    %c0_i32_1 = arith.constant 0 : i32
    return %c0_i32, %c0_i32_0 : i32, i32
  }
  func.func @transform_4(%arg0: i32) -> (i32, i32) {
    %c0_i32 = arith.constant 0 : i32
    %c0_i32_0 = arith.constant 0 : i32
    %c0_i32_1 = arith.constant 0 : i32
    return %c0_i32, %c0_i32_0 : i32, i32
  }
  func.func @transform_5(%arg0: i32) -> (i32, i32) {
    %c0_i32 = arith.constant 0 : i32
    %c0_i32_0 = arith.constant 0 : i32
    %c0_i32_1 = arith.constant 0 : i32
    return %c0_i32, %c0_i32_0 : i32, i32
  }
  func.func @transform_6(%arg0: i32) -> (i32, i32) {
    %c0_i32 = arith.constant 0 : i32
    %c0_i32_0 = arith.constant 0 : i32
    %c0_i32_1 = arith.constant 0 : i32
    return %c0_i32, %c0_i32_0 : i32, i32
  }
  func.func @transform_7(%arg0: i32) -> (i32, i32) {
    %c0_i32 = arith.constant 0 : i32
    %c0_i32_0 = arith.constant 0 : i32
    %c0_i32_1 = arith.constant 0 : i32
    return %c0_i32, %c0_i32_0 : i32, i32
  }
  func.func @transform_8(%arg0: i32) -> (i32, i32) {
    %c0_i32 = arith.constant 0 : i32
    %c0_i32_0 = arith.constant 0 : i32
    %c0_i32_1 = arith.constant 0 : i32
    return %c0_i32, %c0_i32_0 : i32, i32
  }
  func.func @transform_9(%arg0: i32) -> (i32, i32) {
    %c0_i32 = arith.constant 0 : i32
    %c0_i32_0 = arith.constant 0 : i32
    %c0_i32_1 = arith.constant 0 : i32
    return %c0_i32, %c0_i32_0 : i32, i32
  }
  func.func @transform_10(%arg0: i32) -> (i32, i32) {
    %c0_i32 = arith.constant 0 : i32
    %c0_i32_0 = arith.constant 0 : i32
    return %arg0, %c0_i32 : i32, i32
  }
}

</mosaic_0001>

<sc_bundles>
// kernel: kernel.4.cloned.1.call-start
scs
__scs_entry_jumppad:
0x0: {  	(pc) =	sbr.rel $0x88, $3  }
0x1: {  	(tag) =	ssettag $0x0;
	lr =	simm.s32 $0x1  }
0x2: {  	[smem:$0x3F97] =	sst lr;
	_ =	strace $0xD0000000  }
0x3: {  	_ = 	snop  }
0x4: {  	_ = 	snop  }
0x5: {  	_ = 	snop  }
0x6: {  	_ = 	snop  }
0x7: {  	_ = 	snop  }
__scs_overlays_trampoline_lowered:
0x8: {  	[smem:$0x3FA6] =	sst s0  }
0x9: {  	[smem:$0x3FA7] =	sst s1  }
0xa: {  	[smem:$0x3FA8] =	sst s2  }
0xb: {  	[smem:$0x3FA9] =	sst s3  }
0xc: {  	[smem:$0x3FAA] =	sst s4  }
0xd: {  	[smem:$0x3FAB] =	sst s5  }
0xe: {  	[smem:$0x3FAC] =	sst s6  }
0xf: {  	[smem:$0x3FAD] =	sst s7  }
0x10: {  	[smem:$0x3FAE] =	sst s8  }
0x11: {  	[smem:$0x3FAF] =	sst s9;
	s0 =	simm.s32 @!p0 $0x0  }
0x12: {  	s1 =	sld [smem:$0x3F95];
	s0 =	simm.s32 @p0 $0x1  }
0x13: {  	[smem:$0x3FB0] =	sst s0;
	s0 =	simm.s32 @!p1 $0x0  }
0x14: {  	s2 =	sld [smem:$0x3F94];
	s0 =	simm.s32 @p1 $0x1  }
0x15: {  	[smem:$0x3FB1] =	sst s0;
	s0 =	simm.s32 @!p2 $0x0  }
0x16: {  	s3 =	sld [smem:$0x3FDB];
	s0 =	simm.s32 @p2 $0x1  }
0x17: {  	s4 =	simm.s32 $0x1BF5;
	[smem:$0x3FB3] =	sst s0  }
0x18: {  	s0 =	sld [smem:$0x3F96];
	_ =	swait.ge [sflag:s4], $0x0  }
0x19: {  	s7 =	sld [smem:$0x3F97]  }
0x1a: {  	s8 =	sadd.s32 $0xFFFFE003, lr  }
0x1b: {  	s9 =	sadd.s32 $0xFFFFFEF7, lr;
	s5 =	simm.s32 $0xFFFFFFFF;
	p2 =	slt.u32 s8, $0xFFFFF086  }
0x1c: {  	p1 =	slt.u32 s9, $0xF7A;
	s5 =	simm.s32 @!p2 $0x0  }
0x1d: {  	s5 =	simm.s32 @p1 $0x1;
	p0 =	seq.s32 s7, s2  }
0x1e: {  	s7 =	smul.u32 @!p0 $0xF7A, s2;
	p2 =	seq.s32 @!p0 s5, $0x0  }
0x1f: {  	s9 =	smul.u32 $0xF7A, s1;
	s8 =	simm.s32 @!p0 $0x1BF5;
	p2 =	por !p2, p0  }
0x20: {  	[sflag:s8] =	ssyncset.s32 @!p0 $0xFFFFF086;
	s6 =	sadd.s32 @!p0 s3, s7;
	s7 =	simm.s32 @!p0 $0x108  }
0x21: {  	s3 =	sadd.s32 s3, s9;
	s6 =	sadd.s32 @!p0 $0x88, s6;
	s7 =	simm.s32 @p2 $0x1082  }
0x22: {  	[simem:s7], [sflag:s8] =	dma.local @!p0 [hbm:s6], $0xF7A  }
0x23: {  	s9 =	sor.u32 $0xD0000000, s2;
	s6 =	simm.s32 $0x108;
	_ =	swait.ge @!p0 [sflag:s8], $0x0  }
0x24: {  	s3 =	sadd.s32 $0x88, s3;
	s6 =	simm.s32 @!p1 $0x1082;
	[sflag:s4] =	ssyncset.s32 $0xFFFFF086  }
0x25: {  	[simem:s6], [sflag:s4] =	dma.local [hbm:s3], $0xF7A  }
0x26: {  	[smem:$0x3F97] =	sst s1;
	(tag) =	ssettag s2;
	_ =	strace s9  }
0x27: {  	s1 =	sld [smem:$0x3FA7]  }
0x28: {  	s2 =	sld [smem:$0x3FA8]  }
0x29: {  	s4 =	sld [smem:$0x3FAA]  }
0x2a: {  	p0 =	seq.s32 s5, $0x0;
	s5 =	sld [smem:$0x3FAB]  }
0x2b: {  	s6 =	sld [smem:$0x3FAC]  }
0x2c: {  	s7 =	sld [smem:$0x3FAD]  }
0x2d: {  	s3 =	simm.s32 $0x108;
	s8 =	sld [smem:$0x3FAE]  }
0x2e: {  	s3 =	simm.s32 @!p0 $0x1082;
	s9 =	sld [smem:$0x3FAF]  }
0x2f: {  	lr =	sadd.s32 s0, s3;
	s0 =	sld [smem:$0x3FA6]  }
0x30: {  	s3 =	sld [smem:$0x3FA9]  }
0x31: {  	[smem:$0x3FB2] =	sst s10  }
0x32: {  	s10 =	sld [smem:$0x3FB0];
	_ =	sdelay $0x3  }
0x33: {  	p0 =	seq.s32 s10, $0x1;
	s10 =	sld [smem:$0x3FB2];
	_ =	sdelay $0x3  }
0x34: {  	[smem:$0x3FB2] =	sst s10  }
0x35: {  	s10 =	sld [smem:$0x3FB1];
	_ =	sdelay $0x3  }
0x36: {  	p1 =	seq.s32 s10, $0x1;
	s10 =	sld [smem:$0x3FB2];
	_ =	sdelay $0x3  }
0x37: {  	[smem:$0x3FB2] =	sst s10  }
0x38: {  	s10 =	sld [smem:$0x3FB3]  }
0x39: {  	_ = 	snop;
	(pc) =	sbr.ind lr, $3  }
0x3a: {  	_ = 	snop  }
0x3b: {  	_ = 	snop  }
0x3c: {  	p2 =	seq.s32 s10, $0x1;
	s10 =	sld [smem:$0x3FB2]  }
0x3d: {  	_ =	shalt  }
0x3e: {  	_ =	shalt  }
0x3f: {  	_ =	shalt  }
0x40: {  	_ =	shalt  }
0x41: {  	_ =	shalt  }
0x42: {  	_ =	shalt  }
0x43: {  	_ =	shalt  }
0x44: {  	_ =	shalt  }
0x45: {  	_ =	shalt  }
0x46: {  	_ =	shalt  }
0x47: {  	_ =	shalt  }
0x48: {  	_ =	shalt  }
0x49: {  	_ =	shalt  }
0x4a: {  	_ =	shalt  }
0x4b: {  	_ =	shalt  }
0x4c: {  	_ =	shalt  }
0x4d: {  	_ =	shalt  }
0x4e: {  	_ =	shalt  }
0x4f: {  	_ =	shalt  }
0x50: {  	_ =	shalt  }
0x51: {  	_ =	shalt  }
0x52: {  	_ =	shalt  }
0x53: {  	_ =	shalt  }
0x54: {  	_ =	shalt  }
0x55: {  	_ =	shalt  }
0x56: {  	_ =	shalt  }
0x57: {  	_ =	shalt  }
0x58: {  	_ =	shalt  }
0x59: {  	_ =	shalt  }
0x5a: {  	_ =	shalt  }
0x5b: {  	_ =	shalt  }
0x5c: {  	_ =	shalt  }
0x5d: {  	_ =	shalt  }
0x5e: {  	_ =	shalt  }
0x5f: {  	_ =	shalt  }
0x60: {  	_ =	shalt  }
0x61: {  	_ =	shalt  }
0x62: {  	_ =	shalt  }
0x63: {  	_ =	shalt  }
0x64: {  	_ =	shalt  }
0x65: {  	_ =	shalt  }
0x66: {  	_ =	shalt  }
0x67: {  	_ =	shalt  }
0x68: {  	_ =	shalt  }
0x69: {  	_ =	shalt  }
0x6a: {  	_ =	shalt  }
0x6b: {  	_ =	shalt  }
0x6c: {  	_ =	shalt  }
0x6d: {  	_ =	shalt  }
0x6e: {  	_ =	shalt  }
0x6f: {  	_ =	shalt  }
0x70: {  	_ =	shalt  }
0x71: {  	_ =	shalt  }
0x72: {  	_ =	shalt  }
0x73: {  	_ =	shalt  }
0x74: {  	_ =	shalt  }
0x75: {  	_ =	shalt  }
0x76: {  	_ =	shalt  }
0x77: {  	_ =	shalt  }
0x78: {  	_ =	shalt  }
0x79: {  	_ =	shalt  }
0x7a: {  	_ =	shalt  }
0x7b: {  	_ =	shalt  }
0x7c: {  	_ =	shalt  }
0x7d: {  	_ =	shalt  }
0x7e: {  	_ =	shalt  }
0x7f: {  	_ =	shalt  }
0x80: {  	_ =	shalt  }
0x81: {  	_ =	shalt  }
0x82: {  	_ =	shalt  }
0x83: {  	_ =	shalt  }
0x84: {  	_ =	shalt  }
0x85: {  	_ =	shalt  }
0x86: {  	_ =	shalt  }
0x87: {  	_ =	shalt  }
.Lfunc_end0:
.L_simem_size_0:
called_computation_lowered:
.L_overlay_start_0:
0x88: {  	s2 =	sld [smem:$0x3FD9]  }
0x89: {  	s3 =	sld [smem:$0x3FFE];
	_ =	sdelay $0x1  }
0x8a: {  	s1 =	srdreg.scid  }
0x8b: {  	s0 =	sand.u32 $0x1, s1  }
0x8c: {  	s17 =	sshll.u32 s0, $0xA;
	s2 =	sadd.s32 s3, s2  }
0x8d: {  	s2 =	sadd.s32 s2, s17  }
0x8e: {  	[smem:$0x3FBE] =	sst s2  }
0x8f: {  	_ = 	snop  }
0x90: {  	s2 =	sld [smem:$0x3FC7]  }
0x91: {  	s18 =	sld [smem:$0x3FD0];
	(tm) =	ssettm $0x1  }
0x92: {  	s4 =	sld [smem:$0x3FFB];
	_ =	sdelay $0x3  }
0x93: {  	_ =	strace s4  }
0x94: {  	s4 =	sld [smem:$0x3FFC];
	_ =	sdelay $0x3  }
0x95: {  	_ =	strace s4  }
0x96: {  	s4 =	sld [smem:$0x3FFD];
	_ =	sdelay $0x3  }
0x97: {  	_ =	strace s4  }
0x98: {  	_ =	strace $0x8FFFFFFF  }
0x99: {  	s19 =	sld [smem:$0x3FDB];
	_ =	sdelay $0x1  }
0x9a: {  	s5 =	simm.s32 $_scs_section_size  }
0x9b: {  	s6 =	simm.s32 $_size__tile_overlayer_lowered;
	s7 =	simm.s32 $_tile_overlayer_lowered  }
0x9c: {  	s22 =	simm.s32 $0x1BFF;
	s21 =	sshll.u32 s7, $0x1;
	s4 =	sadd.s32 s5, s19  }
0x9d: {  	s8 =	simm.s32 $0x0;
	s20 =	sshll.u32 s6, $0x1;
	s6 =	sadd.s32 s21, s4  }
0x9e: {  	[timem:s8], [sflag:s22] =	dma.local [hbm:s6], s20  }
0x9f: {  	_ =	swait.ge [sflag:s22], s20  }
0xa0: {  	s5 =	ssub.s32 $0x0, s20;
	[sflag:s22] =	ssyncset.done $0x0  }
0xa1: {  	[sflag:s22] =	ssyncadd.s32 s5;
	_ =	sdelay $0x1  }
0xa2: {  	s23 =	simm.s32 $0x1B8B  }
0xa3: {  	_ =	swait.ge [sflag:s23], $0x1  }
0xa4: {  	[sflag:s23] =	ssyncset.done $0x0  }
0xa5: {  	s25 =	simm.s32 $0x1B8E;
	s24 =	sld [smem:$0x3FFE];
	[sflag:s23] =	ssyncadd.s32 $0xFFFFFFFF  }
0xa6: {  	s26 =	simm.s32 $execute0_lowered;
	[smem:$0x3FD2] =	sst s25  }
0xa7: {  	s6 =	sshll.u32 s26, $0x1;
	_ =	strace $0x80000046;
	[dreg:$0x1] =	wrdreg $0xFFFFFFFF  }
0xa8: {  	s28 =	simm.s32 $_size_execute0_lowered;
	s4 =	sadd.s32 s4, s6;
	[dreg:$0x0] =	wrdreg $0x0  }
0xa9: {  	s6 =	sshll.u32 s28, $0x1;
	[dreg:$0x2] =	wrdreg s4  }
0xaa: {  	[dreg:$0x3] =	wrdreg s6  }
0xab: {  	[dreg:$0x4] =	wrdreg $0xC0  }
0xac: {  	_ =	task [dreg:s8], $0x5FFFF  }
0xad: {  	[dreg:$0x1] =	wrdreg $0xFFFFFFFF  }
0xae: {  	[dreg:$0x0] =	wrdreg $0x60  }
0xaf: {  	[dreg:$0x2] =	wrdreg s18  }
0xb0: {  	[dreg:$0x3] =	wrdreg s2  }
0xb1: {  	[dreg:$0x4] =	wrdreg s24  }
0xb2: {  	[dreg:$0x5] =	wrdreg $0x46000  }
0xb3: {  	[dreg:$0x6] =	wrdreg $0x9  }
0xb4: {  	_ =	task.clear_ibuf [dreg:s8], $0x7FFFF;
	_ =	strace $0x90000046  }
0xb5: {  	s29 =	simm.s32 $0x9;
	_ =	strace $0x80000048  }
0xb6: {  	_ =	swait.ge [sflag:s29], $0x1  }
0xb7: {  	[sflag:s29] =	ssyncadd.s32 $0xFFFFFFFF  }
0xb8: {  	_ =	strace $0x90000048  }
0xb9: {  	_ =	sfence  }
0xba: {  	s30 =	sld [smem:$0x0];
	_ =	sdelay $0x2  }
0xbb: {  	s31 =	sshll.u32 s1, $0xD;
	s1 =	sshrl.u32 s1, $0x2  }
0xbc: {  	s3 =	sand.u32 $0x4000, s31;
	s1 =	sadd.s32 s1, s30  }
0xbd: {  	s0 =	sor.u32 s3, s0;
	s1 =	sshll.u32 s1, $0x11  }
0xbe: {  	s0 =	sor.u32 s1, s0  }
0xbf: {  	s0 =	sadd.s32 $0x8F2B, s0  }
0xc0: {  	[sflag:s0] =	ssyncadd.remote.s32 $0x1  }
0xc1: {  	_ =	sfence.sel $0xFFFF  }
0xc2: {  	[dreg:$0x0] =	wrdreg $0xFFFFFFFF;
	(pc) =	sbr.abs _section_cstart, $3  }
0xc3: {  	[dreg:$0x1] =	wrdreg $0xFFFFFFFF  }
0xc4: {  	_ =	task.clear_ibuf [dreg:s8], $0x2FFFF;
	_ =	strace $0x9FFFFFFF  }
0xc5: {  	(tm) =	ssettm $0x7FFFFFFF  }
tec
execute0_lowered:
.L_overlay_start_1:
0x0: {  	(tag) =	ssettag $0x1  }
0x1: {  	s2 =	rddreg [dreg:$0x0]  }
0x2: {  	s3 =	rddreg [dreg:$0x1]  }
0x3: {  	s0 =	rddreg [dreg:$0x2];
	s11 =	stileid.u32  }
0x4: {  	s4 =	rddreg [dreg:$0x3];
	s5 =	simm.s32 $0x0;
	s6 =	srdreg.scid  }
0x5: {  	s20 =	simm.s32 $0xC5;
	s28 =	simm.s32 $0x1100;
	s29 =	simm.s32 $0x2068  }
0x6: {  	s30 =	simm.s32 $0x20F0;
	s31 =	simm.s32 $0x2178;
	s1 =	smul.u32 $0x1870, s11  }
0x7: {  	[smem:$0x7FF] =	sst s5;
	s6 =	sand.u32 $0x1, s6;
	s23 =	sshll.u32 s11, $0x6  }
0x8: {  	s13 =	sadd.s32 $0x80, s3;
	s8 =	sshll.u32 s6, $0x4;
	s6 =	ssub.s32 $0x2, s6  }
0x9: {  	_ =	strace $0x80000047;
	s1 =	smin.u32 s1, $0x16E30;
	s21 =	sshrl.u32 s6, $0x1  }
0xa: {  	s7 =	sshll.u32 s1, $0x1;
	s9 =	sshll.u32 s1, $0x7;
	s6 =	ssub.s32 s6, s21  }
0xb: {  	s1 =	sshll.u32 s1, $0x4;
	s21 =	simm.s32 $0x189;
	s7 =	sadd.s32 s7, s0  }
0xc: {  	s9 =	sor.u32 s8, s9;
	s8 =	sor.u32 s11, s8;
	s1 =	sadd.s32 s1, s4  }
0xd: {  	s11 =	sor.u32 $0x1C05, s23;
	s19 =	smax.u32 s6, $0x1;
	s6 =	simm.s32 $0x2  }
0xe: {  	s9 =	sshrl.u32 s9, $0x3;
	s10 =	smul.u32 $0x186, s8;
	[dreg:$0x5] =	wrdreg s1  }
0xf: {  	s22 =	smin.u32 s8, $0x14;
	s7 =	sadd.s32 $0x1200, s7;
	[dreg:$0x12] =	wrdreg s19  }
0x10: {  	p0 =	slt.u32 s8, $0x14;
	s19 =	simm.s32 $0x1ED0;
	[dreg:$0x7] =	wrdreg s11  }
0x11: {  	s0 =	sadd.s32 s9, s0;
	[dreg:$0x6] =	wrdreg s7;
	s9 =	simm.s32 $0x187  }
0x12: {  	s20 =	simm.s32 @!p0 $0xC4;
	s21 =	simm.s32 @!p0 $0x188;
	s10 =	sadd.s32 s22, s10  }
0x13: {  	s9 =	simm.s32 @!p0 $0x186;
	s22 =	simm.s32 $0x185;
	s0 =	sadd.s32 $0x32000, s0  }
0x14: {  	s24 =	sshll.u32 s10, $0x8;
	s22 =	simm.s32 @!p0 $0x184;
	s23 =	sadd.s32 $0x2, s10  }
0x15: {  	[dreg:$0x11] =	wrdreg s0;
	s25 =	sshrl.u32 s24, $0x3;
	s12 =	sadd.s32 s3, s24  }
0x16: {  	s8 =	sadd.s32 $0x100, s24;
	s1 =	sadd.s32 s24, s13;
	[dreg:$0x8] =	wrdreg s12  }
0x17: {  	s7 =	sadd.s32 s2, s25;
	s26 =	sadd.s32 $0x30D400, s12;
	[dreg:$0xd] =	wrdreg s1  }
0x18: {  	s14 =	sshrl.u32 s8, $0x3;
	s12 =	sadd.s32 $0x30D480, s12;
	[dreg:$0xa] =	wrdreg s26  }
0x19: {  	v0 =	vlaneseq.u32;
	s25 =	simm.s32 $0x0;
	s7 =	sadd.s32 $0x61A80, s7;
	[dreg:$0xb] =	wrdreg s12  }
0x1a: {  	v0 =	vmul.u32 $0x88, v0;
	[dreg:$0x9] =	wrdreg s7;
	s7 =	sand.u32 $0x1FFFFF00, s8;
	s8 =	sadd.s32 s2, s14  }
0x1b: {  	s0 =	simm.s32 $0x80;
	[dreg:$0x14] =	wrdreg s25;
	s16 =	sadd.s32 $0x61A80, s8  }
.Ltmp0:
0x1c: {  	v1 =	vadd.s32 $0x880, v0;
	v2 =	vor.u32 $0x1, v0;
	v3 =	vadd.s32 $0x881, v0;
	s18 =	sadd.s32 s7, s13;
	[dreg:$0xe] =	wrdreg s16;
	(pc) =	sbr.rel .LBB2_1-.Ltmp0, $4  }
0x1d: {  	v4 =	vor.u32 $0x2, v0;
	v5 =	vadd.s32 $0x882, v0;
	v6 =	vor.u32 $0x3, v0;
	s1 =	simm.s32 $0x1;
	s15 =	sadd.s32 s3, s7;
	[dreg:$0x10] =	wrdreg s18  }
0x1e: {  	v7 =	vadd.s32 $0x883, v0;
	v8 =	vor.u32 $0x4, v0;
	v9 =	vadd.s32 $0x884, v0;
	s26 =	simm.s32 $0x1FE0;
	s17 =	sadd.s32 $0x30D400, s15;
	[dreg:$0xc] =	wrdreg s15  }
0x1f: {  	v10 =	vor.u32 $0x5, v0;
	v11 =	vadd.s32 $0x885, v0;
	v12 =	vor.u32 $0x6, v0;
	s8 =	simm.s32 $0x5;
	s24 =	sadd.s32 $0x30D480, s15;
	[dreg:$0xf] =	wrdreg s17  }
0x20: {  	v13 =	vadd.s32 $0x886, v0;
	v14 =	vor.u32 $0x7, v0;
	v15 =	vadd.s32 $0x887, v0;
	s18 =	simm.s32 $0x1E48;
	s15 =	simm.s32 $0x1F58;
	[dreg:$0x13] =	wrdreg s24  }
.LBB2_15:
0x21: {  	[bflag:$0x0] =	sbarrier.arrive $0xFFFF  }
0x22: {  	s11 =	rddreg [dreg:$0x7]  }
0x23: {  	s7 =	rddreg [dreg:$0x11]  }
0x24: {  	s8 =	simm.s32 $0x10;
	s10 =	rddreg [dreg:$0x15]  }
0x25: {  	[hbm:s7@s8], [sflag:s11] =	dma.strided [spmem:s10@s6], $0x30E0, s1, $0x2   }
0x26: {  	s8 =	simm.s32 $0x5  }
0x27: {  	_ =	swait.ge [sflag:s8], $0x30E0  }
0x28: {  	s24 =	rddreg [dreg:$0x14]  }
0x29: {  	s25 =	rddreg [dreg:$0x12];
	s10 =	sadd.s32 $0x1, s24  }
0x2a: {  	p0 =	sne.s32 s10, s25  }
.Ltmp1:
0x2b: {  	_ = 	snop;
	(pc) =	sbr.rel @!p0 .LBB2_16-.Ltmp1, $3  }
0x2c: {  	_ =	sdelay $0x1  }
0x2d: {  	[sflag:s8] =	ssyncset.done $0x0  }
0x2e: {  	[sflag:s8] =	ssyncadd.s32 $0xFFFFCF20;
	[dreg:$0x14] =	wrdreg s10  }
.LBB2_1:
0x2f: {  	s7 =	rddreg [dreg:$0x5]  }
0x30: {  	s17 =	rddreg [dreg:$0x6];
	s10 =	sshrl.u32 s7, $0x3  }
0x31: {  	[dreg:$0x15] =	wrdreg s10  }
0x32: {  	[spmem:s10], [sflag:s11] =	dma.local [hbm:s17], $0x30E0  }
0x33: {  	_ =	swait.ge [sflag:s8], $0x30E0  }
0x34: {  	[sflag:s8] =	ssyncset.done $0x0  }
0x35: {  	[sflag:s8] =	ssyncadd.s32 $0xFFFFCF20  }
0x36: {  	[bflag:$0x0] =	sbarrier.arrive $0xFFFF  }
0x37: {  	s25 =	simm.s32 $0x4200;
	s24 =	rddreg [dreg:$0x9]  }
0x38: {  	[tilespmem:s25], [sflag:$0x1] =	stream.linear.gather [hbm4b:s24+s5], $0x100, $0x38;
	[tilespmem:$0x1CCA0] =	vst v63  }
0x39: {  	s8 =	rddreg [dreg:$0x8]  }
0x3a: {  	[tilespmem:s5], [sflag:$0x1] =	stream.linear.gather [hbm4b:s8+s5], $0x80, $0x38;
	[tilespmem:$0x1CCA0] =	vst v63  }
0x3b: {  	s11 =	simm.s32 $0x88;
	s10 =	sadd.s32 $0x10, s8  }
0x3c: {  	[tilespmem:s11], [sflag:$0x1] =	stream.linear.gather [hbm4b:s10+s5], $0x80, $0x38;
	[tilespmem:$0x1CCA0] =	vst v63  }
0x3d: {  	s14 =	simm.s32 $0x110;
	s12 =	sadd.s32 $0x20, s8  }
0x3e: {  	[tilespmem:s14], [sflag:$0x1] =	stream.linear.gather [hbm4b:s12+s5], $0x80, $0x38;
	[tilespmem:$0x1CCA0] =	vst v63  }
0x3f: {  	s17 =	simm.s32 $0x198;
	s16 =	sadd.s32 $0x30, s8  }
0x40: {  	[tilespmem:s17], [sflag:$0x1] =	stream.linear.gather [hbm4b:s16+s5], $0x80, $0x38;
	[tilespmem:$0x1CCA0] =	vst v63  }
0x41: {  	s24 =	sadd.s32 $0x40, s8;
	s25 =	simm.s32 $0x220  }
0x42: {  	[tilespmem:s25], [sflag:$0x1] =	stream.linear.gather [hbm4b:s24+s5], $0x80, $0x38;
	[tilespmem:$0x1CCA0] =	vst v63  }
0x43: {  	s11 =	sadd.s32 $0x50, s8;
	s12 =	simm.s32 $0x2A8  }
0x44: {  	[tilespmem:s12], [sflag:$0x1] =	stream.linear.gather [hbm4b:s11+s5], $0x80, $0x38;
	[tilespmem:$0x1CCA0] =	vst v63  }
0x45: {  	s14 =	sadd.s32 $0x60, s8;
	s16 =	simm.s32 $0x330  }
0x46: {  	[tilespmem:s16], [sflag:$0x1] =	stream.linear.gather [hbm4b:s14+s5], $0x80, $0x38;
	[tilespmem:$0x1CCA0] =	vst v63  }
0x47: {  	s17 =	sadd.s32 $0x70, s8;
	s24 =	simm.s32 $0x3B8  }
0x48: {  	[tilespmem:s24], [sflag:$0x1] =	stream.linear.gather [hbm4b:s17+s5], $0x80, $0x38;
	[tilespmem:$0x1CCA0] =	vst v63  }
0x49: {  	s8 =	rddreg [dreg:$0xa];
	s25 =	simm.s32 $0x440  }
0x4a: {  	[tilespmem:s25], [sflag:$0x1] =	stream.linear.gather [hbm4b:s8+s5], $0x80, $0x38;
	[tilespmem:$0x1CCA0] =	vst v63  }
0x4b: {  	s10 =	sadd.s32 $0x10, s8;
	s11 =	simm.s32 $0x4C8  }
0x4c: {  	[tilespmem:s11], [sflag:$0x1] =	stream.linear.gather [hbm4b:s10+s5], $0x80, $0x38;
	[tilespmem:$0x1CCA0] =	vst v63  }
0x4d: {  	s12 =	sadd.s32 $0x20, s8;
	s14 =	simm.s32 $0x550  }
0x4e: {  	[tilespmem:s14], [sflag:$0x1] =	stream.linear.gather [hbm4b:s12+s5], $0x80, $0x38;
	[tilespmem:$0x1CCA0] =	vst v63  }
0x4f: {  	s16 =	sadd.s32 $0x30, s8;
	s17 =	simm.s32 $0x5D8  }
0x50: {  	[tilespmem:s17], [sflag:$0x1] =	stream.linear.gather [hbm4b:s16+s5], $0x80, $0x38;
	[tilespmem:$0x1CCA0] =	vst v63  }
0x51: {  	s24 =	sadd.s32 $0x40, s8;
	s25 =	simm.s32 $0x660  }
0x52: {  	[tilespmem:s25], [sflag:$0x1] =	stream.linear.gather [hbm4b:s24+s5], $0x80, $0x38;
	[tilespmem:$0x1CCA0] =	vst v63  }
0x53: {  	s11 =	sadd.s32 $0x50, s8;
	s12 =	simm.s32 $0x6E8  }
0x54: {  	[tilespmem:s12], [sflag:$0x1] =	stream.linear.gather [hbm4b:s11+s5], $0x80, $0x38;
	[tilespmem:$0x1CCA0] =	vst v63  }
0x55: {  	s14 =	sadd.s32 $0x60, s8;
	s16 =	simm.s32 $0x770  }
0x56: {  	[tilespmem:s16], [sflag:$0x1] =	stream.linear.gather [hbm4b:s14+s5], $0x80, $0x38;
	[tilespmem:$0x1CCA0] =	vst v63  }
0x57: {  	s17 =	sadd.s32 $0x70, s8;
	s24 =	simm.s32 $0x7F8  }
0x58: {  	[tilespmem:s24], [sflag:$0x1] =	stream.linear.gather [hbm4b:s17+s5], $0x80, $0x38;
	[tilespmem:$0x1CCA0] =	vst v63  }
0x59: {  	s8 =	rddreg [dreg:$0xd];
	s25 =	simm.s32 $0x880  }
0x5a: {  	[tilespmem:s25], [sflag:$0x1] =	stream.linear.gather [hbm4b:s8+s5], $0x80, $0x38;
	[tilespmem:$0x1CCA0] =	vst v63  }
0x5b: {  	s10 =	sadd.s32 $0x10, s8;
	s11 =	simm.s32 $0x908  }
0x5c: {  	[tilespmem:s11], [sflag:$0x1] =	stream.linear.gather [hbm4b:s10+s5], $0x80, $0x38;
	[tilespmem:$0x1CCA0] =	vst v63  }
0x5d: {  	s12 =	sadd.s32 $0x20, s8;
	s14 =	simm.s32 $0x990  }
0x5e: {  	[tilespmem:s14], [sflag:$0x1] =	stream.linear.gather [hbm4b:s12+s5], $0x80, $0x38;
	[tilespmem:$0x1CCA0] =	vst v63  }
0x5f: {  	s16 =	sadd.s32 $0x30, s8;
	s17 =	simm.s32 $0xA18  }
0x60: {  	[tilespmem:s17], [sflag:$0x1] =	stream.linear.gather [hbm4b:s16+s5], $0x80, $0x38;
	[tilespmem:$0x1CCA0] =	vst v63  }
0x61: {  	s24 =	sadd.s32 $0x40, s8;
	s25 =	simm.s32 $0xAA0  }
0x62: {  	[tilespmem:s25], [sflag:$0x1] =	stream.linear.gather [hbm4b:s24+s5], $0x80, $0x38;
	[tilespmem:$0x1CCA0] =	vst v63  }
0x63: {  	s11 =	sadd.s32 $0x50, s8;
	s12 =	simm.s32 $0xB28  }
0x64: {  	[tilespmem:s12], [sflag:$0x1] =	stream.linear.gather [hbm4b:s11+s5], $0x80, $0x38;
	[tilespmem:$0x1CCA0] =	vst v63  }
0x65: {  	s14 =	sadd.s32 $0x60, s8;
	s16 =	simm.s32 $0xBB0  }
0x66: {  	[tilespmem:s16], [sflag:$0x1] =	stream.linear.gather [hbm4b:s14+s5], $0x80, $0x38;
	[tilespmem:$0x1CCA0] =	vst v63  }
0x67: {  	s17 =	sadd.s32 $0x70, s8;
	s24 =	simm.s32 $0xC38  }
0x68: {  	[tilespmem:s24], [sflag:$0x1] =	stream.linear.gather [hbm4b:s17+s5], $0x80, $0x38;
	[tilespmem:$0x1CCA0] =	vst v63  }
0x69: {  	s8 =	rddreg [dreg:$0xb];
	s25 =	simm.s32 $0xCC0  }
0x6a: {  	[tilespmem:s25], [sflag:$0x1] =	stream.linear.gather [hbm4b:s8+s5], $0x80, $0x38;
	[tilespmem:$0x1CCA0] =	vst v63  }
0x6b: {  	s10 =	sadd.s32 $0x10, s8;
	s11 =	simm.s32 $0xD48  }
0x6c: {  	[tilespmem:s11], [sflag:$0x1] =	stream.linear.gather [hbm4b:s10+s5], $0x80, $0x38;
	[tilespmem:$0x1CCA0] =	vst v63  }
0x6d: {  	s12 =	sadd.s32 $0x20, s8;
	s14 =	simm.s32 $0xDD0  }
0x6e: {  	[tilespmem:s14], [sflag:$0x1] =	stream.linear.gather [hbm4b:s12+s5], $0x80, $0x38;
	[tilespmem:$0x1CCA0] =	vst v63  }
0x6f: {  	s16 =	sadd.s32 $0x30, s8;
	s17 =	simm.s32 $0xE58  }
0x70: {  	[tilespmem:s17], [sflag:$0x1] =	stream.linear.gather [hbm4b:s16+s5], $0x80, $0x38;
	[tilespmem:$0x1CCA0] =	vst v63  }
0x71: {  	s24 =	sadd.s32 $0x40, s8;
	s25 =	simm.s32 $0xEE0  }
0x72: {  	[tilespmem:s25], [sflag:$0x1] =	stream.linear.gather [hbm4b:s24+s5], $0x80, $0x38;
	[tilespmem:$0x1CCA0] =	vst v63  }
0x73: {  	s10 =	sadd.s32 $0x50, s8;
	s11 =	simm.s32 $0xF68  }
0x74: {  	[tilespmem:s11], [sflag:$0x1] =	stream.linear.gather [hbm4b:s10+s5], $0x80, $0x38;
	[tilespmem:$0x1CCA0] =	vst v63  }
0x75: {  	s12 =	sadd.s32 $0x60, s8;
	s14 =	simm.s32 $0xFF0  }
0x76: {  	[tilespmem:s14], [sflag:$0x1] =	stream.linear.gather [hbm4b:s12+s5], $0x80, $0x38;
	[tilespmem:$0x1CCA0] =	vst v63  }
0x77: {  	s16 =	sadd.s32 $0x70, s8;
	s17 =	simm.s32 $0x1078  }
0x78: {  	[tilespmem:s17], [sflag:$0x1] =	stream.linear.gather [hbm4b:s16+s5], $0x80, $0x38;
	[tilespmem:$0x1CCA0] =	vst v63  }
0x79: {  	s24 =	rddreg [dreg:$0xe];
	s25 =	simm.s32 $0x4300  }
0x7a: {  	[tilespmem:s25], [sflag:$0x2] =	stream.linear.gather [hbm4b:s24+s5], $0x100, $0x38;
	[tilespmem:$0x1CCA0] =	vst v63  }
0x7b: {  	s8 =	rddreg [dreg:$0xc]  }
0x7c: {  	[tilespmem:s28], [sflag:$0x2] =	stream.linear.gather [hbm4b:s8+s5], $0x80, $0x38;
	[tilespmem:$0x1CCA0] =	vst v63  }
0x7d: {  	s10 =	sadd.s32 $0x10, s8;
	s11 =	simm.s32 $0x1188  }
0x7e: {  	[tilespmem:s11], [sflag:$0x2] =	stream.linear.gather [hbm4b:s10+s5], $0x80, $0x38;
	[tilespmem:$0x1CCA0] =	vst v63  }
0x7f: {  	s12 =	sadd.s32 $0x20, s8;
	s14 =	simm.s32 $0x1210  }
0x80: {  	[tilespmem:s14], [sflag:$0x2] =	stream.linear.gather [hbm4b:s12+s5], $0x80, $0x38;
	[tilespmem:$0x1CCA0] =	vst v63  }
0x81: {  	s16 =	sadd.s32 $0x30, s8;
	s17 =	simm.s32 $0x1298  }
0x82: {  	[tilespmem:s17], [sflag:$0x2] =	stream.linear.gather [hbm4b:s16+s5], $0x80, $0x38;
	[tilespmem:$0x1CCA0] =	vst v63  }
0x83: {  	s24 =	sadd.s32 $0x40, s8;
	s25 =	simm.s32 $0x1320  }
0x84: {  	[tilespmem:s25], [sflag:$0x2] =	stream.linear.gather [hbm4b:s24+s5], $0x80, $0x38;
	[tilespmem:$0x1CCA0] =	vst v63  }
0x85: {  	s11 =	sadd.s32 $0x50, s8;
	s12 =	simm.s32 $0x13A8  }
0x86: {  	[tilespmem:s12], [sflag:$0x2] =	stream.linear.gather [hbm4b:s11+s5], $0x80, $0x38;
	[tilespmem:$0x1CCA0] =	vst v63  }
0x87: {  	s14 =	sadd.s32 $0x60, s8;
	s16 =	simm.s32 $0x1430  }
0x88: {  	[tilespmem:s16], [sflag:$0x2] =	stream.linear.gather [hbm4b:s14+s5], $0x80, $0x38;
	[tilespmem:$0x1CCA0] =	vst v63  }
0x89: {  	s17 =	sadd.s32 $0x70, s8;
	s24 =	simm.s32 $0x14B8  }
0x8a: {  	[tilespmem:s24], [sflag:$0x2] =	stream.linear.gather [hbm4b:s17+s5], $0x80, $0x38;
	[tilespmem:$0x1CCA0] =	vst v63  }
0x8b: {  	s8 =	rddreg [dreg:$0xf];
	s25 =	simm.s32 $0x1540  }
0x8c: {  	[tilespmem:s25], [sflag:$0x2] =	stream.linear.gather [hbm4b:s8+s5], $0x80, $0x38;
	[tilespmem:$0x1CCA0] =	vst v63  }
0x8d: {  	s10 =	sadd.s32 $0x10, s8;
	s11 =	simm.s32 $0x15C8  }
0x8e: {  	[tilespmem:s11], [sflag:$0x2] =	stream.linear.gather [hbm4b:s10+s5], $0x80, $0x38;
	[tilespmem:$0x1CCA0] =	vst v63  }
0x8f: {  	s12 =	sadd.s32 $0x20, s8;
	s14 =	simm.s32 $0x1650  }
0x90: {  	[tilespmem:s14], [sflag:$0x2] =	stream.linear.gather [hbm4b:s12+s5], $0x80, $0x38;
	[tilespmem:$0x1CCA0] =	vst v63  }
0x91: {  	s16 =	sadd.s32 $0x30, s8;
	s17 =	simm.s32 $0x16D8  }
0x92: {  	[tilespmem:s17], [sflag:$0x2] =	stream.linear.gather [hbm4b:s16+s5], $0x80, $0x38;
	[tilespmem:$0x1CCA0] =	vst v63  }
0x93: {  	s24 =	sadd.s32 $0x40, s8;
	s25 =	simm.s32 $0x1760  }
0x94: {  	[tilespmem:s25], [sflag:$0x2] =	stream.linear.gather [hbm4b:s24+s5], $0x80, $0x38;
	[tilespmem:$0x1CCA0] =	vst v63  }
0x95: {  	s11 =	sadd.s32 $0x50, s8;
	s12 =	simm.s32 $0x17E8  }
0x96: {  	[tilespmem:s12], [sflag:$0x2] =	stream.linear.gather [hbm4b:s11+s5], $0x80, $0x38;
	[tilespmem:$0x1CCA0] =	vst v63  }
0x97: {  	s14 =	sadd.s32 $0x60, s8;
	s16 =	simm.s32 $0x1870  }
0x98: {  	[tilespmem:s16], [sflag:$0x2] =	stream.linear.gather [hbm4b:s14+s5], $0x80, $0x38;
	[tilespmem:$0x1CCA0] =	vst v63  }
0x99: {  	s17 =	sadd.s32 $0x70, s8;
	s24 =	simm.s32 $0x18F8  }
0x9a: {  	[tilespmem:s24], [sflag:$0x2] =	stream.linear.gather [hbm4b:s17+s5], $0x80, $0x38;
	[tilespmem:$0x1CCA0] =	vst v63  }
0x9b: {  	s8 =	rddreg [dreg:$0x10];
	s25 =	simm.s32 $0x1980  }
0x9c: {  	[tilespmem:s25], [sflag:$0x2] =	stream.linear.gather [hbm4b:s8+s5], $0x80, $0x38;
	[tilespmem:$0x1CCA0] =	vst v63  }
0x9d: {  	s10 =	sadd.s32 $0x10, s8;
	s11 =	simm.s32 $0x1A08  }
0x9e: {  	[tilespmem:s11], [sflag:$0x2] =	stream.linear.gather [hbm4b:s10+s5], $0x80, $0x38;
	[tilespmem:$0x1CCA0] =	vst v63  }
0x9f: {  	s12 =	sadd.s32 $0x20, s8;
	s14 =	simm.s32 $0x1A90  }
0xa0: {  	[tilespmem:s14], [sflag:$0x2] =	stream.linear.gather [hbm4b:s12+s5], $0x80, $0x38;
	[tilespmem:$0x1CCA0] =	vst v63  }
0xa1: {  	s16 =	sadd.s32 $0x30, s8;
	s17 =	simm.s32 $0x1B18  }
0xa2: {  	[tilespmem:s17], [sflag:$0x2] =	stream.linear.gather [hbm4b:s16+s5], $0x80, $0x38;
	[tilespmem:$0x1CCA0] =	vst v63  }
0xa3: {  	s24 =	sadd.s32 $0x40, s8;
	s25 =	simm.s32 $0x1BA0  }
0xa4: {  	[tilespmem:s25], [sflag:$0x2] =	stream.linear.gather [hbm4b:s24+s5], $0x80, $0x38;
	[tilespmem:$0x1CCA0] =	vst v63  }
0xa5: {  	s11 =	sadd.s32 $0x50, s8;
	s12 =	simm.s32 $0x1C28  }
0xa6: {  	[tilespmem:s12], [sflag:$0x2] =	stream.linear.gather [hbm4b:s11+s5], $0x80, $0x38;
	[tilespmem:$0x1CCA0] =	vst v63  }
0xa7: {  	s14 =	sadd.s32 $0x60, s8;
	s16 =	simm.s32 $0x1CB0  }
0xa8: {  	[tilespmem:s16], [sflag:$0x2] =	stream.linear.gather [hbm4b:s14+s5], $0x80, $0x38;
	[tilespmem:$0x1CCA0] =	vst v63  }
0xa9: {  	s17 =	sadd.s32 $0x70, s8;
	s24 =	simm.s32 $0x1D38  }
0xaa: {  	[tilespmem:s24], [sflag:$0x2] =	stream.linear.gather [hbm4b:s17+s5], $0x80, $0x38;
	[tilespmem:$0x1CCA0] =	vst v63  }
0xab: {  	s10 =	simm.s32 $0x1DC0;
	s25 =	rddreg [dreg:$0x13]  }
0xac: {  	[tilespmem:s10], [sflag:$0x2] =	stream.linear.gather [hbm4b:s25+s5], $0x80, $0x38;
	[tilespmem:$0x1CCA0] =	vst v63  }
0xad: {  	s11 =	sadd.s32 $0x10, s25  }
0xae: {  	[tilespmem:s18], [sflag:$0x2] =	stream.linear.gather [hbm4b:s11+s5], $0x80, $0x38;
	[tilespmem:$0x1CCA0] =	vst v63  }
0xaf: {  	s12 =	sadd.s32 $0x20, s25  }
0xb0: {  	[tilespmem:s19], [sflag:$0x2] =	stream.linear.gather [hbm4b:s12+s5], $0x80, $0x38;
	[tilespmem:$0x1CCA0] =	vst v63  }
0xb1: {  	s14 =	sadd.s32 $0x30, s25  }
0xb2: {  	[tilespmem:s15], [sflag:$0x2] =	stream.linear.gather [hbm4b:s14+s5], $0x80, $0x38;
	[tilespmem:$0x1CCA0] =	vst v63  }
0xb3: {  	s16 =	sadd.s32 $0x40, s25  }
0xb4: {  	[tilespmem:s26], [sflag:$0x2] =	stream.linear.gather [hbm4b:s16+s5], $0x80, $0x38;
	[tilespmem:$0x1CCA0] =	vst v63  }
0xb5: {  	s17 =	sadd.s32 $0x50, s25  }
0xb6: {  	[tilespmem:s29], [sflag:$0x2] =	stream.linear.gather [hbm4b:s17+s5], $0x80, $0x38;
	[tilespmem:$0x1CCA0] =	vst v63  }
.Ltmp2:
0xb7: {  	_ = 	snop;
	(pc) =	sbr.rel .LBB2_2-.Ltmp2, $4  }
0xb8: {  	s24 =	sadd.s32 $0x60, s25  }
0xb9: {  	[tilespmem:s30], [sflag:$0x2] =	stream.linear.gather [hbm4b:s24+s5], $0x80, $0x38;
	[tilespmem:$0x1CCA0] =	vst v63  }
0xba: {  	s7 =	simm.s32 $0x0;
	s25 =	sadd.s32 $0x70, s25  }
0xbb: {  	[tilespmem:s31], [sflag:$0x2] =	stream.linear.gather [hbm4b:s25+s5], $0x80, $0x38;
	[tilespmem:$0x1CCA0] =	vst v63  }
.LBB2_14:
0xbc: {  	s7 =	sadd.s32 $0x1, s7  }
0xbd: {  	p0 =	sne.s32 s7, s20  }
.Ltmp3:
0xbe: {  	_ = 	snop;
	(pc) =	sbr.rel @!p0 .LBB2_15-.Ltmp3, $1  }
0xbf: {  	_ =	sdelay $0x3  }
.LBB2_2:
0xc0: {  	s11 =	sshll.u32 s7, $0x1;
	p0 =	seq.s32 s7, $0x0  }
0xc1: {  	p1 =	sge.u32 @!p0 s11, s21  }
0xc2: {  	p1 =	por p1, p0  }
0xc3: {  	s8 =	simm.s32 @!p1 $0x3  }
0xc4: {  	p2 =	sge.u32 s11, s9;
	_ =	swait.ge @!p1 [sflag:s8], $0x800  }
.Ltmp4:
0xc5: {  	[sflag:s8] =	ssyncset.done @!p1 $0x0;
	(pc) =	sbr.rel @p2 .LBB2_6-.Ltmp4, $4  }
0xc6: {  	[sflag:s8] =	ssyncadd.s32 @!p1 $0xFFFFF800  }
0xc7: {  	_ =	swait.ge @!p1 [sflag:s8], $0x800  }
0xc8: {  	[sflag:s8] =	ssyncset.done @!p1 $0x0  }
0xc9: {  	[sflag:s8] =	ssyncadd.s32 @!p1 $0xFFFFF800  }
0xca: {  	_ =	swait.ge [sflag:s1], $0x100  }
0xcb: {  	[sflag:s1] =	ssyncset.done $0x0  }
0xcc: {  	[sflag:s1] =	ssyncadd.s32 $0xFFFFFF00  }
0xcd: {  	_ =	swait.ge [sflag:s1], $0x400  }
0xce: {  	[sflag:s1] =	ssyncset.done $0x0  }
0xcf: {  	[sflag:s1] =	ssyncadd.s32 $0xFFFFFC00  }
0xd0: {  	_ =	swait.ge [sflag:s1], $0x400  }
0xd1: {  	[sflag:s1] =	ssyncset.done $0x0  }
0xd2: {  	[sflag:s1] =	ssyncadd.s32 $0xFFFFFC00  }
0xd3: {  	_ =	swait.ge [sflag:s1], $0x400  }
0xd4: {  	[sflag:s1] =	ssyncset.done $0x0  }
0xd5: {  	[sflag:s1] =	ssyncadd.s32 $0xFFFFFC00  }
0xd6: {  	_ =	swait.ge [sflag:s1], $0x400  }
0xd7: {  	[sflag:s1] =	ssyncset.done $0x0  }
0xd8: {  	[sflag:s1] =	ssyncadd.s32 $0xFFFFFC00  }
0xd9: {  	v16 =	vld [tilespmem:$0x4200]  }
0xda: {  	v17 =	vld [tilespmem:$0x4210]  }
0xdb: {  	v18 =	vld [tilespmem:$0x4220]  }
0xdc: {  	v19 =	vld [tilespmem:$0x4230]  }
0xdd: {  	v20 =	vld [tilespmem:$0x4240]  }
0xde: {  	[tilespmem:$0x4400] =	vst v16;
	v16 =	vld [tilespmem:$0x4250]  }
0xdf: {  	[tilespmem:$0x4410] =	vst v17;
	v17 =	vld [tilespmem:$0x4260]  }
0xe0: {  	[tilespmem:$0x4420] =	vst v18;
	v18 =	vld [tilespmem:$0x4270]  }
0xe1: {  	[tilespmem:$0x4430] =	vst v19;
	v19 =	vld [tilespmem:$0x4280]  }
0xe2: {  	[tilespmem:$0x4440] =	vst v20;
	v20 =	vld [tilespmem:$0x4290]  }
0xe3: {  	[tilespmem:$0x4450] =	vst v16;
	v16 =	vld [tilespmem:$0x42A0]  }
0xe4: {  	[tilespmem:$0x4460] =	vst v17;
	v17 =	vld [tilespmem:$0x42B0]  }
0xe5: {  	[tilespmem:$0x4470] =	vst v18;
	v18 =	vld [tilespmem:$0x42C0]  }
0xe6: {  	[tilespmem:$0x4480] =	vst v19;
	v19 =	vld [tilespmem:$0x42D0]  }
0xe7: {  	[tilespmem:$0x4490] =	vst v20;
	v20 =	vld [tilespmem:$0x42E0]  }
0xe8: {  	v22 =	vimm.s32 $0x0;
	[tilespmem:$0x44A0] =	vst v16;
	v16 =	vld [tilespmem:$0x42F0]  }
0xe9: {  	[tilespmem:$0x44B0] =	vst v17;
	v17 =	vadd.s32 v0, v22  }
0xea: {  	[tilespmem:$0x44C0] =	vst v18  }
0xeb: {  	[tilespmem:$0x44D0] =	vst v19  }
0xec: {  	[tilespmem:$0x44E0] =	vst v20  }
0xed: {  	[tilespmem:$0x44F0] =	vst v16  }
0xee: {  	v16 =	vld.idx.msk [tilespmem:v17+s5+$0x0], $0xffff  }
0xef: {  	v17 =	vadd.s32 v1, v22;
	_ =	sdelay $0x2  }
0xf0: {  	s25 =	simm.s32 $0x2A00  }
0xf1: {  	[tilespmem:s25+$0xFFFFF800] =	vst v16  }
0xf2: {  	v17 =	vld.idx.msk [tilespmem:v17+s5+$0x0], $0xffff  }
0xf3: {  	v18 =	vadd.s32 v2, v22  }
0xf4: {  	v16 =	vadd.s32 $0x8, v22  }
0xf5: {  	v19 =	vadd.s32 v0, v16;
	_ =	sdelay $0x1  }
0xf6: {  	[tilespmem:s25+$0x0] =	vst v17  }
0xf7: {  	v17 =	vld.idx.msk [tilespmem:v18+s5+$0x0], $0xffff  }
0xf8: {  	v18 =	vadd.s32 v3, v22  }
0xf9: {  	v19 =	vld.idx.msk [tilespmem:v19+s5+$0x0], $0xffff  }
0xfa: {  	v20 =	vadd.s32 v1, v16;
	_ =	sdelay $0x1  }
0xfb: {  	[tilespmem:s25+$0xFFFFF810] =	vst v17  }
0xfc: {  	s17 =	simm.s32 $0x2A80;
	v18 =	vld.idx.msk [tilespmem:v18+s5+$0x0], $0xffff  }
0xfd: {  	[tilespmem:s17+$0xFFFFF800] =	vst v19;
	v19 =	vadd.s32 v4, v22  }
0xfe: {  	v20 =	vld.idx.msk [tilespmem:v20+s5+$0x0], $0xffff  }
0xff: {  	v21 =	vadd.s32 v2, v16  }
0x100: {  	v17 =	vadd.s32 $0x8, v16  }
0x101: {  	v23 =	vadd.s32 v0, v17;
	[tilespmem:s25+$0x10] =	vst v18  }
0x102: {  	v18 =	vld.idx.msk [tilespmem:v19+s5+$0x0], $0xffff  }
0x103: {  	[tilespmem:s17+$0x0] =	vst v20;
	v19 =	vadd.s32 v5, v22  }
0x104: {  	v20 =	vld.idx.msk [tilespmem:v21+s5+$0x0], $0xffff  }
0x105: {  	v21 =	vadd.s32 v3, v16  }
0x106: {  	v23 =	vld.idx.msk [tilespmem:v23+s5+$0x0], $0xffff  }
0x107: {  	v24 =	vadd.s32 v1, v17;
	[tilespmem:s25+$0xFFFFF820] =	vst v18  }
0x108: {  	v18 =	vld.idx.msk [tilespmem:v19+s5+$0x0], $0xffff  }
0x109: {  	[tilespmem:s17+$0xFFFFF810] =	vst v20;
	v19 =	vadd.s32 v6, v22  }
0x10a: {  	s24 =	simm.s32 $0x2B00;
	v20 =	vld.idx.msk [tilespmem:v21+s5+$0x0], $0xffff  }
0x10b: {  	[tilespmem:s24+$0xFFFFF800] =	vst v23  }
0x10c: {  	v21 =	vadd.s32 v4, v16;
	v23 =	vld.idx.msk [tilespmem:v24+s5+$0x0], $0xffff  }
0x10d: {  	v24 =	vadd.s32 v2, v17;
	[tilespmem:s25+$0x20] =	vst v18;
	v18 =	vadd.s32 $0x8, v17  }
0x10e: {  	v19 =	vld.idx.msk [tilespmem:v19+s5+$0x0], $0xffff;
	v25 =	vadd.s32 v0, v18  }
0x10f: {  	[tilespmem:s17+$0x10] =	vst v20;
	v20 =	vadd.s32 v7, v22;
	_ =	sdelay $0x1  }
0x110: {  	[tilespmem:s24+$0x0] =	vst v23;
	v21 =	vld.idx.msk [tilespmem:v21+s5+$0x0], $0xffff  }
0x111: {  	v23 =	vadd.s32 v5, v16;
	v24 =	vld.idx.msk [tilespmem:v24+s5+$0x0], $0xffff  }
0x112: {  	v26 =	vadd.s32 v3, v17;
	v25 =	vld.idx.msk [tilespmem:v25+s5+$0x0], $0xffff;
	[tilespmem:s25+$0xFFFFF830] =	vst v19  }
0x113: {  	v19 =	vld.idx.msk [tilespmem:v20+s5+$0x0], $0xffff;
	v20 =	vadd.s32 v1, v18;
	_ =	sdelay $0x1  }
0x114: {  	[tilespmem:s17+$0xFFFFF820] =	vst v21;
	v21 =	vadd.s32 v8, v22  }
0x115: {  	s8 =	simm.s32 $0x2B80;
	[tilespmem:s24+$0xFFFFF810] =	vst v24;
	v23 =	vld.idx.msk [tilespmem:v23+s5+$0x0], $0xffff  }
0x116: {  	v24 =	vadd.s32 v6, v16;
	v26 =	vld.idx.msk [tilespmem:v26+s5+$0x0], $0xffff;
	[tilespmem:s8+$0xFFFFF800] =	vst v25  }
0x117: {  	v25 =	vadd.s32 v4, v17;
	v20 =	vld.idx.msk [tilespmem:v20+s5+$0x0], $0xffff  }
0x118: {  	v27 =	vadd.s32 v2, v18;
	[tilespmem:s25+$0x30] =	vst v19;
	v19 =	vadd.s32 $0x8, v18  }
0x119: {  	v21 =	vld.idx.msk [tilespmem:v21+s5+$0x0], $0xffff;
	v28 =	vadd.s32 v0, v19  }
0x11a: {  	[tilespmem:s17+$0x20] =	vst v23;
	v23 =	vadd.s32 v9, v22  }
0x11b: {  	[tilespmem:s24+$0x10] =	vst v26;
	v24 =	vld.idx.msk [tilespmem:v24+s5+$0x0], $0xffff  }
0x11c: {  	v25 =	vld.idx.msk [tilespmem:v25+s5+$0x0], $0xffff;
	[tilespmem:s8+$0x0] =	vst v20  }
0x11d: {  	v26 =	vadd.s32 v7, v16;
	v20 =	vld.idx.msk [tilespmem:v27+s5+$0x0], $0xffff  }
0x11e: {  	v27 =	vadd.s32 v5, v17;
	[tilespmem:s25+$0xFFFFF840] =	vst v21;
	v28 =	vld.idx.msk [tilespmem:v28+s5+$0x0], $0xffff  }
0x11f: {  	v21 =	vld.idx.msk [tilespmem:v23+s5+$0x0], $0xffff;
	v23 =	vadd.s32 v3, v18  }
0x120: {  	v29 =	vadd.s32 v1, v19  }
0x121: {  	[tilespmem:s17+$0xFFFFF830] =	vst v24;
	v24 =	vadd.s32 v10, v22  }
0x122: {  	v26 =	vld.idx.msk [tilespmem:v26+s5+$0x0], $0xffff;
	[tilespmem:s24+$0xFFFFF820] =	vst v25  }
0x123: {  	s12 =	simm.s32 $0x2C00;
	v25 =	vadd.s32 v8, v16;
	v27 =	vld.idx.msk [tilespmem:v27+s5+$0x0], $0xffff;
	[tilespmem:s8+$0xFFFFF810] =	vst v20  }
0x124: {  	v30 =	vadd.s32 v6, v17;
	[tilespmem:s12+$0xFFFFF800] =	vst v28;
	v20 =	vadd.s32 $0x8, v19;
	v23 =	vld.idx.msk [tilespmem:v23+s5+$0x0], $0xffff  }
0x125: {  	[tilespmem:s25+$0x40] =	vst v21;
	v28 =	vld.idx.msk [tilespmem:v29+s5+$0x0], $0xffff;
	v31 =	vadd.s32 v0, v20  }
0x126: {  	v21 =	vld.idx.msk [tilespmem:v24+s5+$0x0], $0xffff;
	v24 =	vadd.s32 v4, v18  }
0x127: {  	[tilespmem:s17+$0x30] =	vst v26;
	v29 =	vadd.s32 v2, v19  }
0x128: {  	v26 =	vadd.s32 v11, v22;
	v25 =	vld.idx.msk [tilespmem:v25+s5+$0x0], $0xffff;
	[tilespmem:s24+$0x20] =	vst v27  }
0x129: {  	v30 =	vld.idx.msk [tilespmem:v30+s5+$0x0], $0xffff  }
0x12a: {  	v27 =	vadd.s32 v9, v16;
	[tilespmem:s8+$0x10] =	vst v23;
	v31 =	vld.idx.msk [tilespmem:v31+s5+$0x0], $0xffff  }
0x12b: {  	[tilespmem:s12+$0x0] =	vst v28;
	v23 =	vld.idx.msk [tilespmem:v24+s5+$0x0], $0xffff;
	v24 =	vadd.s32 v7, v17  }
0x12c: {  	v32 =	vadd.s32 v1, v20;
	[tilespmem:s25+$0xFFFFF850] =	vst v21;
	v28 =	vld.idx.msk [tilespmem:v29+s5+$0x0], $0xffff  }
0x12d: {  	v21 =	vld.idx.msk [tilespmem:v26+s5+$0x0], $0xffff;
	v26 =	vadd.s32 v5, v18  }
0x12e: {  	v29 =	vadd.s32 v3, v19;
	[tilespmem:s17+$0xFFFFF840] =	vst v25  }
0x12f: {  	s14 =	simm.s32 $0x2C80;
	v25 =	vadd.s32 v12, v22;
	v27 =	vld.idx.msk [tilespmem:v27+s5+$0x0], $0xffff;
	[tilespmem:s24+$0xFFFFF830] =	vst v30  }
0x130: {  	[tilespmem:s14+$0xFFFFF800] =	vst v31;
	v24 =	vld.idx.msk [tilespmem:v24+s5+$0x0], $0xffff  }
0x131: {  	v30 =	vadd.s32 v10, v16;
	[tilespmem:s8+$0xFFFFF820] =	vst v23;
	v32 =	vld.idx.msk [tilespmem:v32+s5+$0x0], $0xffff  }
0x132: {  	[tilespmem:s12+$0xFFFFF810] =	vst v28;
	v23 =	vld.idx.msk [tilespmem:v26+s5+$0x0], $0xffff;
	v26 =	vadd.s32 v8, v17  }
0x133: {  	v28 =	vadd.s32 v6, v18;
	[tilespmem:s25+$0x50] =	vst v21;
	v29 =	vld.idx.msk [tilespmem:v29+s5+$0x0], $0xffff  }
0x134: {  	v33 =	vadd.s32 v2, v20;
	v25 =	vld.idx.msk [tilespmem:v25+s5+$0x0], $0xffff;
	[tilespmem:s17+$0x40] =	vst v27  }
0x135: {  	v31 =	vadd.s32 v4, v19;
	[tilespmem:s24+$0x30] =	vst v24  }
0x136: {  	v27 =	vadd.s32 v13, v22;
	v30 =	vld.idx.msk [tilespmem:v30+s5+$0x0], $0xffff;
	[tilespmem:s14+$0x0] =	vst v32  }
0x137: {  	v24 =	vadd.s32 v11, v16;
	v26 =	vld.idx.msk [tilespmem:v26+s5+$0x0], $0xffff;
	[tilespmem:s8+$0x20] =	vst v23  }
0x138: {  	v21 =	vadd.s32 $0x8, v20;
	[tilespmem:s12+$0x10] =	vst v29;
	v23 =	vld.idx.msk [tilespmem:v28+s5+$0x0], $0xffff;
	v28 =	vadd.s32 v9, v17  }
0x139: {  	v32 =	vld.idx.msk [tilespmem:v33+s5+$0x0], $0xffff;
	[tilespmem:s25+$0xFFFFF860] =	vst v25;
	v25 =	vadd.s32 v0, v21  }
0x13a: {  	v29 =	vld.idx.msk [tilespmem:v31+s5+$0x0], $0xffff;
	v31 =	vadd.s32 v7, v18  }
0x13b: {  	v62 =	vadd.s32 v5, v19;
	v27 =	vld.idx.msk [tilespmem:v27+s5+$0x0], $0xffff;
	[tilespmem:s17+$0xFFFFF850] =	vst v30  }
0x13c: {  	v30 =	vadd.s32 v14, v22;
	v24 =	vld.idx.msk [tilespmem:v24+s5+$0x0], $0xffff;
	[tilespmem:s24+$0xFFFFF840] =	vst v26  }
0x13d: {  	v34 =	vadd.s32 v3, v20;
	v26 =	vld.idx.msk [tilespmem:v28+s5+$0x0], $0xffff  }
0x13e: {  	v28 =	vadd.s32 v12, v16;
	v25 =	vld.idx.msk [tilespmem:v25+s5+$0x0], $0xffff;
	[tilespmem:s8+$0xFFFFF830] =	vst v23  }
0x13f: {  	[tilespmem:s12+$0xFFFFF820] =	vst v29;
	v23 =	vld.idx.msk [tilespmem:v31+s5+$0x0], $0xffff;
	v31 =	vadd.s32 v10, v17  }
0x140: {  	[tilespmem:s25+$0x60] =	vst v27;
	v27 =	vadd.s32 v1, v21;
	v33 =	vld.idx.msk [tilespmem:v62+s5+$0x0], $0xffff  }
0x141: {  	v35 =	vadd.s32 v8, v18;
	[tilespmem:s14+$0xFFFFF810] =	vst v32;
	v29 =	vld.idx.msk [tilespmem:v30+s5+$0x0], $0xffff  }
0x142: {  	v63 =	vadd.s32 v6, v19;
	v30 =	vld.idx.msk [tilespmem:v34+s5+$0x0], $0xffff;
	[tilespmem:s17+$0x50] =	vst v24  }
0x143: {  	s16 =	simm.s32 $0x2D00;
	v36 =	vld.idx.msk [tilespmem:v28+s5+$0x0], $0xffff;
	v28 =	vadd.s32 v15, v22;
	[tilespmem:s24+$0x40] =	vst v26  }
0x144: {  	[tilespmem:s16+$0xFFFFF800] =	vst v25;
	v22 =	vadd.s32 v13, v16;
	v24 =	vld.idx.msk [tilespmem:v31+s5+$0x0], $0xffff  }
0x145: {  	v32 =	vadd.s32 v4, v20;
	v31 =	vld.idx.msk [tilespmem:v27+s5+$0x0], $0xffff;
	[tilespmem:s8+$0x30] =	vst v23  }
0x146: {  	v25 =	vadd.s32 v11, v17;
	[tilespmem:s12+$0x20] =	vst v33;
	v26 =	vld.idx.msk [tilespmem:v35+s5+$0x0], $0xffff  }
0x147: {  	v33 =	vadd.s32 v2, v21;
	[tilespmem:s25+$0xFFFFF870] =	vst v29;
	v29 =	vld.idx.msk [tilespmem:v63+s5+$0x0], $0xffff  }
0x148: {  	s10 =	simm.s32 $0x30;
	v27 =	vadd.s32 $0x8, v21;
	v23 =	vld.idx.msk [tilespmem:v28+s5+$0x0], $0xffff;
	v28 =	vadd.s32 v9, v18;
	[tilespmem:s17+$0xFFFFF860] =	vst v36  }
.LBB2_4:
0x149: {  	v34 =	vadd.s32 v0, v27;
	s10 =	sadd.s32 $0x8, s10;
	[tilespmem:s14+$0x10] =	vst v30;
	v22 =	vld.idx.msk [tilespmem:v22+s5+$0x0], $0xffff  }
0x14a: {  	p1 =	slt.u32 s10, $0x78;
	v30 =	vld.idx.msk [tilespmem:v32+s5+$0x0], $0xffff;
	v32 =	vadd.s32 v7, v19;
	[tilespmem:s24+$0xFFFFF850] =	vst v24  }
0x14b: {  	[tilespmem:s16+$0x0] =	vst v31;
	v24 =	vld.idx.msk [tilespmem:v25+s5+$0x0], $0xffff;
	v25 =	vadd.s32 v14, v16  }
0x14c: {  	v31 =	vld.idx.msk [tilespmem:v33+s5+$0x0], $0xffff;
	v33 =	vadd.s32 v5, v20;
	[tilespmem:s8+$0xFFFFF840] =	vst v26  }
0x14d: {  	v26 =	vld.idx.msk [tilespmem:v28+s5+$0x0], $0xffff;
	v28 =	vadd.s32 v12, v17;
	[tilespmem:s25+$0x70] =	vst v23;
	s25 =	smov.u32 s17;
	s17 =	smov.u32 s24;
	s24 =	smov.u32 s8  }
0x14e: {  	s8 =	smov.u32 s12;
	v23 =	vld.idx.msk [tilespmem:v34+s5+$0x0], $0xffff;
	v34 =	vadd.s32 v3, v21;
	[tilespmem:s12+$0xFFFFF830] =	vst v29;
	s12 =	smov.u32 s14;
	s14 =	smov.u32 s16  }
0x14f: {  	v29 =	vld.idx.msk [tilespmem:v32+s5+$0x0], $0xffff;
	v32 =	vadd.s32 v10, v18;
	[tilespmem:s25+$0x60] =	vst v22  }
0x150: {  	v35 =	vadd.s32 v1, v27;
	[tilespmem:s12+$0xFFFFF820] =	vst v30;
	v36 =	vld.idx.msk [tilespmem:v25+s5+$0x0], $0xffff  }
0x151: {  	v25 =	vadd.s32 v8, v19;
	v37 =	vld.idx.msk [tilespmem:v33+s5+$0x0], $0xffff;
	[tilespmem:s17+$0x50] =	vst v24  }
0x152: {  	[tilespmem:s16+$0xFFFFF810] =	vst v31;
	v38 =	vld.idx.msk [tilespmem:v28+s5+$0x0], $0xffff;
	v28 =	vadd.s32 v15, v16;
	v16 =	vmovc v17;
	v17 =	vmov v18;
	v18 =	vmov v19  }
0x153: {  	s16 =	sadd.s32 $0x80, s16;
	v19 =	vmovc v20;
	v30 =	vld.idx.msk [tilespmem:v34+s5+$0x0], $0xffff;
	v34 =	vadd.s32 v6, v20;
	[tilespmem:s24+$0x40] =	vst v26;
	v20 =	vmov v21;
	v21 =	vmov v27  }
.Ltmp5:
0x154: {  	v22 =	vadd.s32 v13, v16;
	[tilespmem:s16+$0xFFFFF800] =	vst v23;
	v24 =	vld.idx.msk [tilespmem:v32+s5+$0x0], $0xffff;
	(pc) =	sbr.rel @p1 .LBB2_4-.Ltmp5, $4  }
0x155: {  	v32 =	vadd.s32 v4, v20;
	v31 =	vld.idx.msk [tilespmem:v35+s5+$0x0], $0xffff;
	[tilespmem:s8+$0x30] =	vst v29  }
0x156: {  	v26 =	vld.idx.msk [tilespmem:v25+s5+$0x0], $0xffff;
	v25 =	vadd.s32 v11, v17;
	[tilespmem:s25+$0xFFFFF870] =	vst v36  }
0x157: {  	v33 =	vadd.s32 v2, v27;
	[tilespmem:s12+$0x20] =	vst v37;
	v23 =	vld.idx.msk [tilespmem:v28+s5+$0x0], $0xffff  }
0x158: {  	v27 =	vadd.s32 $0x8, v27;
	v28 =	vadd.s32 v9, v18;
	v29 =	vld.idx.msk [tilespmem:v34+s5+$0x0], $0xffff;
	[tilespmem:s17+$0xFFFFF860] =	vst v38  }
0x159: {  	_ =	sdelay $0x2  }
0x15a: {  	[tilespmem:s16+$0x0] =	vst v31  }
0x15b: {  	v27 =	vld.idx.msk [tilespmem:v33+s5+$0x0], $0xffff  }
0x15c: {  	v44 =	vadd.s32 v3, v21;
	_ =	sdelay $0x3  }
0x15d: {  	[tilespmem:s16+$0xFFFFF810] =	vst v27  }
0x15e: {  	v27 =	vld.idx.msk [tilespmem:v44+s5+$0x0], $0xffff  }
0x15f: {  	v45 =	vadd.s32 v4, v21;
	_ =	sdelay $0x2  }
0x160: {  	[tilespmem:s14+$0x10] =	vst v30  }
0x161: {  	v30 =	vld.idx.msk [tilespmem:v32+s5+$0x0], $0xffff;
	[tilespmem:s16+$0x10] =	vst v27  }
0x162: {  	v46 =	vadd.s32 v5, v20;
	v31 =	vld.idx.msk [tilespmem:v45+s5+$0x0], $0xffff  }
0x163: {  	v47 =	vadd.s32 v5, v21;
	_ =	sdelay $0x2  }
0x164: {  	[tilespmem:s14+$0xFFFFF820] =	vst v30  }
0x165: {  	v27 =	vld.idx.msk [tilespmem:v46+s5+$0x0], $0xffff;
	[tilespmem:s16+$0xFFFFF820] =	vst v31  }
0x166: {  	v48 =	vadd.s32 v6, v20;
	v31 =	vld.idx.msk [tilespmem:v47+s5+$0x0], $0xffff  }
0x167: {  	v49 =	vadd.s32 v6, v21;
	_ =	sdelay $0x2  }
0x168: {  	[tilespmem:s14+$0x20] =	vst v27  }
0x169: {  	v50 =	vadd.s32 v7, v19;
	v30 =	vld.idx.msk [tilespmem:v48+s5+$0x0], $0xffff;
	[tilespmem:s16+$0x20] =	vst v31  }
0x16a: {  	v51 =	vadd.s32 v7, v20;
	v32 =	vld.idx.msk [tilespmem:v49+s5+$0x0], $0xffff  }
0x16b: {  	v52 =	vadd.s32 v7, v21;
	_ =	sdelay $0x1  }
0x16c: {  	[tilespmem:s12+$0xFFFFF830] =	vst v29  }
0x16d: {  	v27 =	vld.idx.msk [tilespmem:v50+s5+$0x0], $0xffff;
	[tilespmem:s14+$0xFFFFF830] =	vst v30  }
0x16e: {  	v53 =	vadd.s32 v8, v19;
	v30 =	vld.idx.msk [tilespmem:v51+s5+$0x0], $0xffff;
	[tilespmem:s16+$0xFFFFF830] =	vst v32  }
0x16f: {  	v54 =	vadd.s32 v8, v20;
	v32 =	vld.idx.msk [tilespmem:v52+s5+$0x0], $0xffff  }
0x170: {  	v55 =	vadd.s32 v8, v21;
	_ =	sdelay $0x1  }
0x171: {  	[tilespmem:s12+$0x30] =	vst v27  }
0x172: {  	v27 =	vld.idx.msk [tilespmem:v53+s5+$0x0], $0xffff;
	[tilespmem:s14+$0x30] =	vst v30  }
0x173: {  	v56 =	vadd.s32 v9, v19;
	v30 =	vld.idx.msk [tilespmem:v54+s5+$0x0], $0xffff;
	[tilespmem:s16+$0x30] =	vst v32  }
0x174: {  	v57 =	vadd.s32 v9, v20;
	v32 =	vld.idx.msk [tilespmem:v55+s5+$0x0], $0xffff  }
0x175: {  	v58 =	vadd.s32 v9, v21  }
0x176: {  	[tilespmem:s8+$0xFFFFF840] =	vst v26  }
0x177: {  	v26 =	vld.idx.msk [tilespmem:v28+s5+$0x0], $0xffff;
	[tilespmem:s12+$0xFFFFF840] =	vst v27  }
0x178: {  	v59 =	vadd.s32 v10, v18;
	v60 =	vld.idx.msk [tilespmem:v56+s5+$0x0], $0xffff;
	[tilespmem:s14+$0xFFFFF840] =	vst v30  }
0x179: {  	v61 =	vadd.s32 v10, v19;
	v30 =	vld.idx.msk [tilespmem:v57+s5+$0x0], $0xffff;
	[tilespmem:s16+$0xFFFFF840] =	vst v32  }
0x17a: {  	v62 =	vadd.s32 v10, v20;
	v32 =	vld.idx.msk [tilespmem:v58+s5+$0x0], $0xffff  }
0x17b: {  	v63 =	vadd.s32 v10, v21  }
0x17c: {  	[tilespmem:s8+$0x40] =	vst v26  }
0x17d: {  	v26 =	vld.idx.msk [tilespmem:v59+s5+$0x0], $0xffff;
	[tilespmem:s12+$0x40] =	vst v60  }
0x17e: {  	v36 =	vadd.s32 v11, v18;
	v28 =	vld.idx.msk [tilespmem:v61+s5+$0x0], $0xffff;
	[tilespmem:s14+$0x40] =	vst v30  }
0x17f: {  	v37 =	vadd.s32 v11, v19;
	v30 =	vld.idx.msk [tilespmem:v62+s5+$0x0], $0xffff;
	[tilespmem:s16+$0x40] =	vst v32  }
0x180: {  	v38 =	vadd.s32 v11, v20;
	v32 =	vld.idx.msk [tilespmem:v63+s5+$0x0], $0xffff  }
0x181: {  	[tilespmem:s24+$0xFFFFF850] =	vst v24;
	v39 =	vadd.s32 v11, v21  }
0x182: {  	v25 =	vld.idx.msk [tilespmem:v25+s5+$0x0], $0xffff;
	[tilespmem:s8+$0xFFFFF850] =	vst v26  }
0x183: {  	v40 =	vadd.s32 v12, v17;
	v27 =	vld.idx.msk [tilespmem:v36+s5+$0x0], $0xffff;
	[tilespmem:s12+$0xFFFFF850] =	vst v28  }
0x184: {  	v41 =	vadd.s32 v12, v18;
	v29 =	vld.idx.msk [tilespmem:v37+s5+$0x0], $0xffff;
	[tilespmem:s14+$0xFFFFF850] =	vst v30  }
0x185: {  	v42 =	vadd.s32 v12, v19;
	v31 =	vld.idx.msk [tilespmem:v38+s5+$0x0], $0xffff;
	[tilespmem:s16+$0xFFFFF850] =	vst v32  }
0x186: {  	v43 =	vadd.s32 v12, v20;
	v24 =	vld.idx.msk [tilespmem:v39+s5+$0x0], $0xffff  }
0x187: {  	[tilespmem:s24+$0x50] =	vst v25;
	v44 =	vadd.s32 v12, v21  }
0x188: {  	v26 =	vld.idx.msk [tilespmem:v40+s5+$0x0], $0xffff;
	[tilespmem:s8+$0x50] =	vst v27  }
0x189: {  	v45 =	vadd.s32 v13, v17;
	v28 =	vld.idx.msk [tilespmem:v41+s5+$0x0], $0xffff;
	[tilespmem:s12+$0x50] =	vst v29  }
0x18a: {  	v46 =	vadd.s32 v13, v18;
	v30 =	vld.idx.msk [tilespmem:v42+s5+$0x0], $0xffff;
	[tilespmem:s14+$0x50] =	vst v31  }
0x18b: {  	v47 =	vadd.s32 v13, v19;
	v32 =	vld.idx.msk [tilespmem:v43+s5+$0x0], $0xffff;
	[tilespmem:s16+$0x50] =	vst v24  }
0x18c: {  	[tilespmem:s25+$0x70] =	vst v23;
	v48 =	vadd.s32 v13, v20;
	v24 =	vld.idx.msk [tilespmem:v44+s5+$0x0], $0xffff  }
0x18d: {  	v22 =	vld.idx.msk [tilespmem:v22+s5+$0x0], $0xffff;
	[tilespmem:s24+$0xFFFFF860] =	vst v26;
	v49 =	vadd.s32 v13, v21  }
0x18e: {  	v50 =	vadd.s32 v14, v16;
	v27 =	vld.idx.msk [tilespmem:v45+s5+$0x0], $0xffff;
	[tilespmem:s8+$0xFFFFF860] =	vst v28  }
0x18f: {  	v51 =	vadd.s32 v14, v17;
	v29 =	vld.idx.msk [tilespmem:v46+s5+$0x0], $0xffff;
	[tilespmem:s12+$0xFFFFF860] =	vst v30  }
0x190: {  	v52 =	vadd.s32 v14, v18;
	v31 =	vld.idx.msk [tilespmem:v47+s5+$0x0], $0xffff;
	[tilespmem:s14+$0xFFFFF860] =	vst v32  }
0x191: {  	v53 =	vadd.s32 v14, v19;
	v23 =	vld.idx.msk [tilespmem:v48+s5+$0x0], $0xffff;
	[tilespmem:s16+$0xFFFFF860] =	vst v24  }
0x192: {  	[tilespmem:s17+$0x60] =	vst v22;
	v54 =	vadd.s32 v14, v20;
	v24 =	vld.idx.msk [tilespmem:v49+s5+$0x0], $0xffff  }
0x193: {  	v56 =	vadd.s32 v14, v21;
	v55 =	vld.idx.msk [tilespmem:v50+s5+$0x0], $0xffff;
	[tilespmem:s24+$0x60] =	vst v27  }
0x194: {  	v16 =	vadd.s32 v15, v16;
	v27 =	vld.idx.msk [tilespmem:v51+s5+$0x0], $0xffff;
	[tilespmem:s8+$0x60] =	vst v29  }
0x195: {  	v17 =	vadd.s32 v15, v17;
	v57 =	vld.idx.msk [tilespmem:v52+s5+$0x0], $0xffff;
	[tilespmem:s12+$0x60] =	vst v31  }
0x196: {  	v58 =	vadd.s32 v15, v18;
	v59 =	vld.idx.msk [tilespmem:v53+s5+$0x0], $0xffff;
	[tilespmem:s14+$0x60] =	vst v23  }
0x197: {  	v60 =	vadd.s32 v15, v19;
	v22 =	vld.idx.msk [tilespmem:v54+s5+$0x0], $0xffff;
	[tilespmem:s16+$0x60] =	vst v24  }
0x198: {  	v61 =	vadd.s32 v15, v20;
	[tilespmem:s17+$0xFFFFF870] =	vst v55;
	v62 =	vld.idx.msk [tilespmem:v56+s5+$0x0], $0xffff  }
0x199: {  	v16 =	vld.idx.msk [tilespmem:v16+s5+$0x0], $0xffff;
	[tilespmem:s24+$0xFFFFF870] =	vst v27;
	v63 =	vadd.s32 v15, v21  }
0x19a: {  	v17 =	vld.idx.msk [tilespmem:v17+s5+$0x0], $0xffff;
	[tilespmem:s8+$0xFFFFF870] =	vst v57  }
0x19b: {  	v18 =	vld.idx.msk [tilespmem:v58+s5+$0x0], $0xffff;
	[tilespmem:s12+$0xFFFFF870] =	vst v59  }
0x19c: {  	v19 =	vld.idx.msk [tilespmem:v60+s5+$0x0], $0xffff;
	[tilespmem:s14+$0xFFFFF870] =	vst v22  }
0x19d: {  	v20 =	vld.idx.msk [tilespmem:v61+s5+$0x0], $0xffff;
	[tilespmem:s16+$0xFFFFF870] =	vst v62  }
0x19e: {  	[tilespmem:s17+$0x70] =	vst v16;
	v16 =	vld.idx.msk [tilespmem:v63+s5+$0x0], $0xffff  }
0x19f: {  	[tilespmem:s24+$0x70] =	vst v17  }
0x1a0: {  	[tilespmem:s8+$0x70] =	vst v18  }
0x1a1: {  	[tilespmem:s12+$0x70] =	vst v19  }
0x1a2: {  	[tilespmem:s14+$0x70] =	vst v20  }
0x1a3: {  	s10 =	simm.s32 $0x2200;
	s17 =	simm.s32 $0x4400;
	[tilespmem:s16+$0x70] =	vst v16  }
0x1a4: {  	[spmem:s4] =	stream.indirect.scatter.add.f32 [tilespmem:s10], [sflag:$0x3], $0x10, s17, s0, $0xb8;
	[tilespmem:$0x1CCA0] =	vst v63  }
0x1a5: {  	s25 =	simm.s32 $0x2A00;
	s24 =	simm.s32 $0x4480  }
0x1a6: {  	[spmem:s4] =	stream.indirect.scatter.add.f32 [tilespmem:s25], [sflag:$0x3], $0x10, s24, s0, $0xb8;
	[tilespmem:$0x1CCA0] =	vst v63  }
.LBB2_6:
0x1a7: {  	p1 =	sge.u32 s11, s22  }
.Ltmp6:
0x1a8: {  	_ = 	snop;
	(pc) =	sbr.rel @p1 .LBB2_8-.Ltmp6, $1  }
0x1a9: {  	_ =	sdelay $0x3  }
0x1aa: {  	s8 =	sadd.s32 s11, s23  }
0x1ab: {  	s8 =	sshll.u32 s8, $0x8  }
0x1ac: {  	s10 =	sshrl.u32 s8, $0x3  }
0x1ad: {  	s10 =	sadd.s32 s2, s10  }
0x1ae: {  	s12 =	simm.s32 $0x4200;
	s8 =	sand.u32 $0x1FFFFF00, s8;
	s10 =	sadd.s32 $0x61A80, s10  }
0x1af: {  	[tilespmem:s12], [sflag:$0x1] =	stream.linear.gather [hbm4b:s10+s5], $0x100, $0x38;
	[tilespmem:$0x1CCA0] =	vst v63  }
0x1b0: {  	s10 =	sadd.s32 s3, s8  }
0x1b1: {  	[tilespmem:s5], [sflag:$0x1] =	stream.linear.gather [hbm4b:s10+s5], $0x80, $0x38;
	[tilespmem:$0x1CCA0] =	vst v63  }
0x1b2: {  	s14 =	simm.s32 $0x88;
	s17 =	sadd.s32 $0x10, s10  }
0x1b3: {  	[tilespmem:s14], [sflag:$0x1] =	stream.linear.gather [hbm4b:s17+s5], $0x80, $0x38;
	[tilespmem:$0x1CCA0] =	vst v63  }
0x1b4: {  	s25 =	simm.s32 $0x110;
	s24 =	sadd.s32 $0x20, s10  }
0x1b5: {  	[tilespmem:s25], [sflag:$0x1] =	stream.linear.gather [hbm4b:s24+s5], $0x80, $0x38;
	[tilespmem:$0x1CCA0] =	vst v63  }
0x1b6: {  	s16 =	sadd.s32 $0x30, s10;
	s17 =	simm.s32 $0x198  }
0x1b7: {  	[tilespmem:s17], [sflag:$0x1] =	stream.linear.gather [hbm4b:s16+s5], $0x80, $0x38;
	[tilespmem:$0x1CCA0] =	vst v63  }
0x1b8: {  	s24 =	sadd.s32 $0x40, s10;
	s25 =	simm.s32 $0x220  }
0x1b9: {  	[tilespmem:s25], [sflag:$0x1] =	stream.linear.gather [hbm4b:s24+s5], $0x80, $0x38;
	[tilespmem:$0x1CCA0] =	vst v63  }
0x1ba: {  	s16 =	sadd.s32 $0x50, s10;
	s17 =	simm.s32 $0x2A8  }
0x1bb: {  	[tilespmem:s17], [sflag:$0x1] =	stream.linear.gather [hbm4b:s16+s5], $0x80, $0x38;
	[tilespmem:$0x1CCA0] =	vst v63  }
0x1bc: {  	s24 =	sadd.s32 $0x60, s10;
	s25 =	simm.s32 $0x330  }
0x1bd: {  	[tilespmem:s25], [sflag:$0x1] =	stream.linear.gather [hbm4b:s24+s5], $0x80, $0x38;
	[tilespmem:$0x1CCA0] =	vst v63  }
0x1be: {  	s16 =	sadd.s32 $0x70, s10;
	s17 =	simm.s32 $0x3B8  }
0x1bf: {  	[tilespmem:s17], [sflag:$0x1] =	stream.linear.gather [hbm4b:s16+s5], $0x80, $0x38;
	[tilespmem:$0x1CCA0] =	vst v63  }
0x1c0: {  	s12 =	sadd.s32 $0x30D400, s10;
	s24 =	simm.s32 $0x440  }
0x1c1: {  	[tilespmem:s24], [sflag:$0x1] =	stream.linear.gather [hbm4b:s12+s5], $0x80, $0x38;
	[tilespmem:$0x1CCA0] =	vst v63  }
0x1c2: {  	s25 =	sadd.s32 $0x10, s12;
	s16 =	simm.s32 $0x4C8  }
0x1c3: {  	[tilespmem:s16], [sflag:$0x1] =	stream.linear.gather [hbm4b:s25+s5], $0x80, $0x38;
	[tilespmem:$0x1CCA0] =	vst v63  }
0x1c4: {  	s17 =	simm.s32 $0x550;
	s16 =	sadd.s32 $0x20, s12  }
0x1c5: {  	[tilespmem:s17], [sflag:$0x1] =	stream.linear.gather [hbm4b:s16+s5], $0x80, $0x38;
	[tilespmem:$0x1CCA0] =	vst v63  }
0x1c6: {  	s24 =	sadd.s32 $0x30, s12;
	s25 =	simm.s32 $0x5D8  }
0x1c7: {  	[tilespmem:s25], [sflag:$0x1] =	stream.linear.gather [hbm4b:s24+s5], $0x80, $0x38;
	[tilespmem:$0x1CCA0] =	vst v63  }
0x1c8: {  	s16 =	sadd.s32 $0x40, s12;
	s17 =	simm.s32 $0x660  }
0x1c9: {  	[tilespmem:s17], [sflag:$0x1] =	stream.linear.gather [hbm4b:s16+s5], $0x80, $0x38;
	[tilespmem:$0x1CCA0] =	vst v63  }
0x1ca: {  	s24 =	sadd.s32 $0x50, s12;
	s25 =	simm.s32 $0x6E8  }
0x1cb: {  	[tilespmem:s25], [sflag:$0x1] =	stream.linear.gather [hbm4b:s24+s5], $0x80, $0x38;
	[tilespmem:$0x1CCA0] =	vst v63  }
0x1cc: {  	s17 =	sadd.s32 $0x60, s12;
	s24 =	simm.s32 $0x770  }
0x1cd: {  	[tilespmem:s24], [sflag:$0x1] =	stream.linear.gather [hbm4b:s17+s5], $0x80, $0x38;
	[tilespmem:$0x1CCA0] =	vst v63  }
0x1ce: {  	s12 =	sadd.s32 $0x70, s12;
	s25 =	simm.s32 $0x7F8  }
0x1cf: {  	[tilespmem:s25], [sflag:$0x1] =	stream.linear.gather [hbm4b:s12+s5], $0x80, $0x38;
	[tilespmem:$0x1CCA0] =	vst v63  }
0x1d0: {  	s8 =	sadd.s32 s8, s13;
	s14 =	simm.s32 $0x880  }
0x1d1: {  	[tilespmem:s14], [sflag:$0x1] =	stream.linear.gather [hbm4b:s8+s5], $0x80, $0x38;
	[tilespmem:$0x1CCA0] =	vst v63  }
0x1d2: {  	s16 =	sadd.s32 $0x10, s8;
	s17 =	simm.s32 $0x908  }
0x1d3: {  	[tilespmem:s17], [sflag:$0x1] =	stream.linear.gather [hbm4b:s16+s5], $0x80, $0x38;
	[tilespmem:$0x1CCA0] =	vst v63  }
0x1d4: {  	s24 =	sadd.s32 $0x20, s8;
	s25 =	simm.s32 $0x990  }
0x1d5: {  	[tilespmem:s25], [sflag:$0x1] =	stream.linear.gather [hbm4b:s24+s5], $0x80, $0x38;
	[tilespmem:$0x1CCA0] =	vst v63  }
0x1d6: {  	s16 =	sadd.s32 $0x30, s8;
	s17 =	simm.s32 $0xA18  }
0x1d7: {  	[tilespmem:s17], [sflag:$0x1] =	stream.linear.gather [hbm4b:s16+s5], $0x80, $0x38;
	[tilespmem:$0x1CCA0] =	vst v63  }
0x1d8: {  	s24 =	sadd.s32 $0x40, s8;
	s25 =	simm.s32 $0xAA0  }
0x1d9: {  	[tilespmem:s25], [sflag:$0x1] =	stream.linear.gather [hbm4b:s24+s5], $0x80, $0x38;
	[tilespmem:$0x1CCA0] =	vst v63  }
0x1da: {  	s16 =	sadd.s32 $0x50, s8;
	s17 =	simm.s32 $0xB28  }
0x1db: {  	[tilespmem:s17], [sflag:$0x1] =	stream.linear.gather [hbm4b:s16+s5], $0x80, $0x38;
	[tilespmem:$0x1CCA0] =	vst v63  }
0x1dc: {  	s24 =	sadd.s32 $0x60, s8;
	s25 =	simm.s32 $0xBB0  }
0x1dd: {  	[tilespmem:s25], [sflag:$0x1] =	stream.linear.gather [hbm4b:s24+s5], $0x80, $0x38;
	[tilespmem:$0x1CCA0] =	vst v63  }
0x1de: {  	s8 =	sadd.s32 $0x70, s8;
	s16 =	simm.s32 $0xC38  }
0x1df: {  	[tilespmem:s16], [sflag:$0x1] =	stream.linear.gather [hbm4b:s8+s5], $0x80, $0x38;
	[tilespmem:$0x1CCA0] =	vst v63  }
0x1e0: {  	s17 =	simm.s32 $0xCC0;
	s8 =	sadd.s32 $0x30D480, s10  }
0x1e1: {  	[tilespmem:s17], [sflag:$0x1] =	stream.linear.gather [hbm4b:s8+s5], $0x80, $0x38;
	[tilespmem:$0x1CCA0] =	vst v63  }
0x1e2: {  	s25 =	simm.s32 $0xD48;
	s24 =	sadd.s32 $0x10, s8  }
0x1e3: {  	[tilespmem:s25], [sflag:$0x1] =	stream.linear.gather [hbm4b:s24+s5], $0x80, $0x38;
	[tilespmem:$0x1CCA0] =	vst v63  }
0x1e4: {  	s14 =	simm.s32 $0xDD0;
	s12 =	sadd.s32 $0x20, s8  }
0x1e5: {  	[tilespmem:s14], [sflag:$0x1] =	stream.linear.gather [hbm4b:s12+s5], $0x80, $0x38;
	[tilespmem:$0x1CCA0] =	vst v63  }
0x1e6: {  	s16 =	sadd.s32 $0x30, s8;
	s17 =	simm.s32 $0xE58  }
0x1e7: {  	[tilespmem:s17], [sflag:$0x1] =	stream.linear.gather [hbm4b:s16+s5], $0x80, $0x38;
	[tilespmem:$0x1CCA0] =	vst v63  }
0x1e8: {  	s24 =	sadd.s32 $0x40, s8;
	s25 =	simm.s32 $0xEE0  }
0x1e9: {  	[tilespmem:s25], [sflag:$0x1] =	stream.linear.gather [hbm4b:s24+s5], $0x80, $0x38;
	[tilespmem:$0x1CCA0] =	vst v63  }
0x1ea: {  	s14 =	sadd.s32 $0x50, s8;
	s16 =	simm.s32 $0xF68  }
0x1eb: {  	[tilespmem:s16], [sflag:$0x1] =	stream.linear.gather [hbm4b:s14+s5], $0x80, $0x38;
	[tilespmem:$0x1CCA0] =	vst v63  }
0x1ec: {  	s17 =	sadd.s32 $0x60, s8;
	s24 =	simm.s32 $0xFF0  }
0x1ed: {  	[tilespmem:s24], [sflag:$0x1] =	stream.linear.gather [hbm4b:s17+s5], $0x80, $0x38;
	[tilespmem:$0x1CCA0] =	vst v63  }
0x1ee: {  	s8 =	sadd.s32 $0x70, s8;
	s25 =	simm.s32 $0x1078  }
0x1ef: {  	[tilespmem:s25], [sflag:$0x1] =	stream.linear.gather [hbm4b:s8+s5], $0x80, $0x38;
	[tilespmem:$0x1CCA0] =	vst v63  }
.LBB2_8:
0x1f0: {  	s11 =	sor.u32 $0x1, s11  }
0x1f1: {  	p1 =	sge.u32 @!p0 s11, s21  }
0x1f2: {  	p0 =	por p1, p0  }
0x1f3: {  	s8 =	simm.s32 @!p0 $0x4  }
0x1f4: {  	p1 =	sge.u32 s11, s9;
	_ =	swait.ge @!p0 [sflag:s8], $0x800  }
.Ltmp7:
0x1f5: {  	[sflag:s8] =	ssyncset.done @!p0 $0x0;
	(pc) =	sbr.rel @p1 .LBB2_12-.Ltmp7, $4  }
0x1f6: {  	[sflag:s8] =	ssyncadd.s32 @!p0 $0xFFFFF800  }
0x1f7: {  	_ =	swait.ge @!p0 [sflag:s8], $0x800  }
0x1f8: {  	[sflag:s8] =	ssyncset.done @!p0 $0x0  }
0x1f9: {  	[sflag:s8] =	ssyncadd.s32 @!p0 $0xFFFFF800  }
0x1fa: {  	_ =	swait.ge [sflag:s6], $0x100  }
0x1fb: {  	[sflag:s6] =	ssyncset.done $0x0  }
0x1fc: {  	[sflag:s6] =	ssyncadd.s32 $0xFFFFFF00  }
0x1fd: {  	_ =	swait.ge [sflag:s6], $0x400  }
0x1fe: {  	[sflag:s6] =	ssyncset.done $0x0  }
0x1ff: {  	[sflag:s6] =	ssyncadd.s32 $0xFFFFFC00  }
0x200: {  	_ =	swait.ge [sflag:s6], $0x400  }
0x201: {  	[sflag:s6] =	ssyncset.done $0x0  }
0x202: {  	[sflag:s6] =	ssyncadd.s32 $0xFFFFFC00  }
0x203: {  	_ =	swait.ge [sflag:s6], $0x400  }
0x204: {  	[sflag:s6] =	ssyncset.done $0x0  }
0x205: {  	[sflag:s6] =	ssyncadd.s32 $0xFFFFFC00  }
0x206: {  	_ =	swait.ge [sflag:s6], $0x400  }
0x207: {  	[sflag:s6] =	ssyncset.done $0x0  }
0x208: {  	[sflag:s6] =	ssyncadd.s32 $0xFFFFFC00  }
0x209: {  	v16 =	vld [tilespmem:$0x4300]  }
0x20a: {  	v17 =	vld [tilespmem:$0x4310]  }
0x20b: {  	v18 =	vld [tilespmem:$0x4320]  }
0x20c: {  	v19 =	vld [tilespmem:$0x4330]  }
0x20d: {  	v20 =	vld [tilespmem:$0x4340]  }
0x20e: {  	[tilespmem:$0x4500] =	vst v16;
	v16 =	vld [tilespmem:$0x4350]  }
0x20f: {  	[tilespmem:$0x4510] =	vst v17;
	v17 =	vld [tilespmem:$0x4360]  }
0x210: {  	[tilespmem:$0x4520] =	vst v18;
	v18 =	vld [tilespmem:$0x4370]  }
0x211: {  	[tilespmem:$0x4530] =	vst v19;
	v19 =	vld [tilespmem:$0x4380]  }
0x212: {  	[tilespmem:$0x4540] =	vst v20;
	v20 =	vld [tilespmem:$0x4390]  }
0x213: {  	[tilespmem:$0x4550] =	vst v16;
	v16 =	vld [tilespmem:$0x43A0]  }
0x214: {  	[tilespmem:$0x4560] =	vst v17;
	v17 =	vld [tilespmem:$0x43B0]  }
0x215: {  	[tilespmem:$0x4570] =	vst v18;
	v18 =	vld [tilespmem:$0x43C0]  }
0x216: {  	[tilespmem:$0x4580] =	vst v19;
	v19 =	vld [tilespmem:$0x43D0]  }
0x217: {  	[tilespmem:$0x4590] =	vst v20;
	v20 =	vld [tilespmem:$0x43E0]  }
0x218: {  	v22 =	vimm.s32 $0x0;
	[tilespmem:$0x45A0] =	vst v16;
	v16 =	vld [tilespmem:$0x43F0]  }
0x219: {  	[tilespmem:$0x45B0] =	vst v17;
	v17 =	vadd.s32 v0, v22  }
0x21a: {  	[tilespmem:$0x45C0] =	vst v18  }
0x21b: {  	[tilespmem:$0x45D0] =	vst v19  }
0x21c: {  	[tilespmem:$0x45E0] =	vst v20  }
0x21d: {  	[tilespmem:$0x45F0] =	vst v16  }
0x21e: {  	v16 =	vld.idx.msk [tilespmem:v17+s28+$0x0], $0xffff  }
0x21f: {  	v17 =	vadd.s32 v1, v22;
	_ =	sdelay $0x2  }
0x220: {  	s25 =	simm.s32 $0x3A00  }
0x221: {  	[tilespmem:s25+$0xFFFFF800] =	vst v16  }
0x222: {  	v17 =	vld.idx.msk [tilespmem:v17+s28+$0x0], $0xffff  }
0x223: {  	v18 =	vadd.s32 v2, v22  }
0x224: {  	v16 =	vadd.s32 $0x8, v22  }
0x225: {  	v19 =	vadd.s32 v0, v16;
	_ =	sdelay $0x1  }
0x226: {  	[tilespmem:s25+$0x0] =	vst v17  }
0x227: {  	v17 =	vld.idx.msk [tilespmem:v18+s28+$0x0], $0xffff  }
0x228: {  	v18 =	vadd.s32 v3, v22  }
0x229: {  	v19 =	vld.idx.msk [tilespmem:v19+s28+$0x0], $0xffff  }
0x22a: {  	v20 =	vadd.s32 v1, v16;
	_ =	sdelay $0x1  }
0x22b: {  	[tilespmem:s25+$0xFFFFF810] =	vst v17  }
0x22c: {  	s17 =	simm.s32 $0x3A80;
	v18 =	vld.idx.msk [tilespmem:v18+s28+$0x0], $0xffff  }
0x22d: {  	[tilespmem:s17+$0xFFFFF800] =	vst v19;
	v19 =	vadd.s32 v4, v22  }
0x22e: {  	v20 =	vld.idx.msk [tilespmem:v20+s28+$0x0], $0xffff  }
0x22f: {  	v21 =	vadd.s32 v2, v16  }
0x230: {  	v17 =	vadd.s32 $0x8, v16  }
0x231: {  	v23 =	vadd.s32 v0, v17;
	[tilespmem:s25+$0x10] =	vst v18  }
0x232: {  	v18 =	vld.idx.msk [tilespmem:v19+s28+$0x0], $0xffff  }
0x233: {  	[tilespmem:s17+$0x0] =	vst v20;
	v19 =	vadd.s32 v5, v22  }
0x234: {  	v20 =	vld.idx.msk [tilespmem:v21+s28+$0x0], $0xffff  }
0x235: {  	v21 =	vadd.s32 v3, v16  }
0x236: {  	v23 =	vld.idx.msk [tilespmem:v23+s28+$0x0], $0xffff  }
0x237: {  	v24 =	vadd.s32 v1, v17;
	[tilespmem:s25+$0xFFFFF820] =	vst v18  }
0x238: {  	v18 =	vld.idx.msk [tilespmem:v19+s28+$0x0], $0xffff  }
0x239: {  	[tilespmem:s17+$0xFFFFF810] =	vst v20;
	v19 =	vadd.s32 v6, v22  }
0x23a: {  	s24 =	simm.s32 $0x3B00;
	v20 =	vld.idx.msk [tilespmem:v21+s28+$0x0], $0xffff  }
0x23b: {  	[tilespmem:s24+$0xFFFFF800] =	vst v23  }
0x23c: {  	v21 =	vadd.s32 v4, v16;
	v23 =	vld.idx.msk [tilespmem:v24+s28+$0x0], $0xffff  }
0x23d: {  	v24 =	vadd.s32 v2, v17;
	[tilespmem:s25+$0x20] =	vst v18;
	v18 =	vadd.s32 $0x8, v17  }
0x23e: {  	v19 =	vld.idx.msk [tilespmem:v19+s28+$0x0], $0xffff;
	v25 =	vadd.s32 v0, v18  }
0x23f: {  	[tilespmem:s17+$0x10] =	vst v20;
	v20 =	vadd.s32 v7, v22;
	_ =	sdelay $0x1  }
0x240: {  	[tilespmem:s24+$0x0] =	vst v23;
	v21 =	vld.idx.msk [tilespmem:v21+s28+$0x0], $0xffff  }
0x241: {  	v23 =	vadd.s32 v5, v16;
	v24 =	vld.idx.msk [tilespmem:v24+s28+$0x0], $0xffff  }
0x242: {  	v26 =	vadd.s32 v3, v17;
	v25 =	vld.idx.msk [tilespmem:v25+s28+$0x0], $0xffff;
	[tilespmem:s25+$0xFFFFF830] =	vst v19  }
0x243: {  	v19 =	vld.idx.msk [tilespmem:v20+s28+$0x0], $0xffff;
	v20 =	vadd.s32 v1, v18;
	_ =	sdelay $0x1  }
0x244: {  	[tilespmem:s17+$0xFFFFF820] =	vst v21;
	v21 =	vadd.s32 v8, v22  }
0x245: {  	s8 =	simm.s32 $0x3B80;
	[tilespmem:s24+$0xFFFFF810] =	vst v24;
	v23 =	vld.idx.msk [tilespmem:v23+s28+$0x0], $0xffff  }
0x246: {  	v24 =	vadd.s32 v6, v16;
	v26 =	vld.idx.msk [tilespmem:v26+s28+$0x0], $0xffff;
	[tilespmem:s8+$0xFFFFF800] =	vst v25  }
0x247: {  	v25 =	vadd.s32 v4, v17;
	v20 =	vld.idx.msk [tilespmem:v20+s28+$0x0], $0xffff  }
0x248: {  	v27 =	vadd.s32 v2, v18;
	[tilespmem:s25+$0x30] =	vst v19;
	v19 =	vadd.s32 $0x8, v18  }
0x249: {  	v21 =	vld.idx.msk [tilespmem:v21+s28+$0x0], $0xffff;
	v28 =	vadd.s32 v0, v19  }
0x24a: {  	[tilespmem:s17+$0x20] =	vst v23;
	v23 =	vadd.s32 v9, v22  }
0x24b: {  	[tilespmem:s24+$0x10] =	vst v26;
	v24 =	vld.idx.msk [tilespmem:v24+s28+$0x0], $0xffff  }
0x24c: {  	v25 =	vld.idx.msk [tilespmem:v25+s28+$0x0], $0xffff;
	[tilespmem:s8+$0x0] =	vst v20  }
0x24d: {  	v26 =	vadd.s32 v7, v16;
	v20 =	vld.idx.msk [tilespmem:v27+s28+$0x0], $0xffff  }
0x24e: {  	v27 =	vadd.s32 v5, v17;
	[tilespmem:s25+$0xFFFFF840] =	vst v21;
	v28 =	vld.idx.msk [tilespmem:v28+s28+$0x0], $0xffff  }
0x24f: {  	v21 =	vld.idx.msk [tilespmem:v23+s28+$0x0], $0xffff;
	v23 =	vadd.s32 v3, v18  }
0x250: {  	v29 =	vadd.s32 v1, v19  }
0x251: {  	[tilespmem:s17+$0xFFFFF830] =	vst v24;
	v24 =	vadd.s32 v10, v22  }
0x252: {  	v26 =	vld.idx.msk [tilespmem:v26+s28+$0x0], $0xffff;
	[tilespmem:s24+$0xFFFFF820] =	vst v25  }
0x253: {  	s12 =	simm.s32 $0x3C00;
	v25 =	vadd.s32 v8, v16;
	v27 =	vld.idx.msk [tilespmem:v27+s28+$0x0], $0xffff;
	[tilespmem:s8+$0xFFFFF810] =	vst v20  }
0x254: {  	v30 =	vadd.s32 v6, v17;
	[tilespmem:s12+$0xFFFFF800] =	vst v28;
	v20 =	vadd.s32 $0x8, v19;
	v23 =	vld.idx.msk [tilespmem:v23+s28+$0x0], $0xffff  }
0x255: {  	[tilespmem:s25+$0x40] =	vst v21;
	v28 =	vld.idx.msk [tilespmem:v29+s28+$0x0], $0xffff;
	v31 =	vadd.s32 v0, v20  }
0x256: {  	v21 =	vld.idx.msk [tilespmem:v24+s28+$0x0], $0xffff;
	v24 =	vadd.s32 v4, v18  }
0x257: {  	[tilespmem:s17+$0x30] =	vst v26;
	v29 =	vadd.s32 v2, v19  }
0x258: {  	v26 =	vadd.s32 v11, v22;
	v25 =	vld.idx.msk [tilespmem:v25+s28+$0x0], $0xffff;
	[tilespmem:s24+$0x20] =	vst v27  }
0x259: {  	v30 =	vld.idx.msk [tilespmem:v30+s28+$0x0], $0xffff  }
0x25a: {  	v27 =	vadd.s32 v9, v16;
	[tilespmem:s8+$0x10] =	vst v23;
	v31 =	vld.idx.msk [tilespmem:v31+s28+$0x0], $0xffff  }
0x25b: {  	[tilespmem:s12+$0x0] =	vst v28;
	v23 =	vld.idx.msk [tilespmem:v24+s28+$0x0], $0xffff;
	v24 =	vadd.s32 v7, v17  }
0x25c: {  	v32 =	vadd.s32 v1, v20;
	[tilespmem:s25+$0xFFFFF850] =	vst v21;
	v28 =	vld.idx.msk [tilespmem:v29+s28+$0x0], $0xffff  }
0x25d: {  	v21 =	vld.idx.msk [tilespmem:v26+s28+$0x0], $0xffff;
	v26 =	vadd.s32 v5, v18  }
0x25e: {  	v29 =	vadd.s32 v3, v19;
	[tilespmem:s17+$0xFFFFF840] =	vst v25  }
0x25f: {  	s14 =	simm.s32 $0x3C80;
	v25 =	vadd.s32 v12, v22;
	v27 =	vld.idx.msk [tilespmem:v27+s28+$0x0], $0xffff;
	[tilespmem:s24+$0xFFFFF830] =	vst v30  }
0x260: {  	[tilespmem:s14+$0xFFFFF800] =	vst v31;
	v24 =	vld.idx.msk [tilespmem:v24+s28+$0x0], $0xffff  }
0x261: {  	v30 =	vadd.s32 v10, v16;
	[tilespmem:s8+$0xFFFFF820] =	vst v23;
	v32 =	vld.idx.msk [tilespmem:v32+s28+$0x0], $0xffff  }
0x262: {  	[tilespmem:s12+$0xFFFFF810] =	vst v28;
	v23 =	vld.idx.msk [tilespmem:v26+s28+$0x0], $0xffff;
	v26 =	vadd.s32 v8, v17  }
0x263: {  	v28 =	vadd.s32 v6, v18;
	[tilespmem:s25+$0x50] =	vst v21;
	v29 =	vld.idx.msk [tilespmem:v29+s28+$0x0], $0xffff  }
0x264: {  	v33 =	vadd.s32 v2, v20;
	v25 =	vld.idx.msk [tilespmem:v25+s28+$0x0], $0xffff;
	[tilespmem:s17+$0x40] =	vst v27  }
0x265: {  	v31 =	vadd.s32 v4, v19;
	[tilespmem:s24+$0x30] =	vst v24  }
0x266: {  	v27 =	vadd.s32 v13, v22;
	v30 =	vld.idx.msk [tilespmem:v30+s28+$0x0], $0xffff;
	[tilespmem:s14+$0x0] =	vst v32  }
0x267: {  	v24 =	vadd.s32 v11, v16;
	v26 =	vld.idx.msk [tilespmem:v26+s28+$0x0], $0xffff;
	[tilespmem:s8+$0x20] =	vst v23  }
0x268: {  	v21 =	vadd.s32 $0x8, v20;
	[tilespmem:s12+$0x10] =	vst v29;
	v23 =	vld.idx.msk [tilespmem:v28+s28+$0x0], $0xffff;
	v28 =	vadd.s32 v9, v17  }
0x269: {  	v32 =	vld.idx.msk [tilespmem:v33+s28+$0x0], $0xffff;
	[tilespmem:s25+$0xFFFFF860] =	vst v25;
	v25 =	vadd.s32 v0, v21  }
0x26a: {  	v29 =	vld.idx.msk [tilespmem:v31+s28+$0x0], $0xffff;
	v31 =	vadd.s32 v7, v18  }
0x26b: {  	v62 =	vadd.s32 v5, v19;
	v27 =	vld.idx.msk [tilespmem:v27+s28+$0x0], $0xffff;
	[tilespmem:s17+$0xFFFFF850] =	vst v30  }
0x26c: {  	v30 =	vadd.s32 v14, v22;
	v24 =	vld.idx.msk [tilespmem:v24+s28+$0x0], $0xffff;
	[tilespmem:s24+$0xFFFFF840] =	vst v26  }
0x26d: {  	v34 =	vadd.s32 v3, v20;
	v26 =	vld.idx.msk [tilespmem:v28+s28+$0x0], $0xffff  }
0x26e: {  	v28 =	vadd.s32 v12, v16;
	v25 =	vld.idx.msk [tilespmem:v25+s28+$0x0], $0xffff;
	[tilespmem:s8+$0xFFFFF830] =	vst v23  }
0x26f: {  	[tilespmem:s12+$0xFFFFF820] =	vst v29;
	v23 =	vld.idx.msk [tilespmem:v31+s28+$0x0], $0xffff;
	v31 =	vadd.s32 v10, v17  }
0x270: {  	[tilespmem:s25+$0x60] =	vst v27;
	v27 =	vadd.s32 v1, v21;
	v33 =	vld.idx.msk [tilespmem:v62+s28+$0x0], $0xffff  }
0x271: {  	v35 =	vadd.s32 v8, v18;
	[tilespmem:s14+$0xFFFFF810] =	vst v32;
	v29 =	vld.idx.msk [tilespmem:v30+s28+$0x0], $0xffff  }
0x272: {  	v63 =	vadd.s32 v6, v19;
	v30 =	vld.idx.msk [tilespmem:v34+s28+$0x0], $0xffff;
	[tilespmem:s17+$0x50] =	vst v24  }
0x273: {  	s16 =	simm.s32 $0x3D00;
	v36 =	vld.idx.msk [tilespmem:v28+s28+$0x0], $0xffff;
	v28 =	vadd.s32 v15, v22;
	[tilespmem:s24+$0x40] =	vst v26  }
0x274: {  	[tilespmem:s16+$0xFFFFF800] =	vst v25;
	v22 =	vadd.s32 v13, v16;
	v24 =	vld.idx.msk [tilespmem:v31+s28+$0x0], $0xffff  }
0x275: {  	v32 =	vadd.s32 v4, v20;
	v31 =	vld.idx.msk [tilespmem:v27+s28+$0x0], $0xffff;
	[tilespmem:s8+$0x30] =	vst v23  }
0x276: {  	v25 =	vadd.s32 v11, v17;
	[tilespmem:s12+$0x20] =	vst v33;
	v26 =	vld.idx.msk [tilespmem:v35+s28+$0x0], $0xffff  }
0x277: {  	v33 =	vadd.s32 v2, v21;
	[tilespmem:s25+$0xFFFFF870] =	vst v29;
	v29 =	vld.idx.msk [tilespmem:v63+s28+$0x0], $0xffff  }
0x278: {  	s10 =	simm.s32 $0x30;
	v27 =	vadd.s32 $0x8, v21;
	v23 =	vld.idx.msk [tilespmem:v28+s28+$0x0], $0xffff;
	v28 =	vadd.s32 v9, v18;
	[tilespmem:s17+$0xFFFFF860] =	vst v36  }
.LBB2_10:
0x279: {  	v34 =	vadd.s32 v0, v27;
	s10 =	sadd.s32 $0x8, s10;
	[tilespmem:s14+$0x10] =	vst v30;
	v22 =	vld.idx.msk [tilespmem:v22+s28+$0x0], $0xffff  }
0x27a: {  	p0 =	slt.u32 s10, $0x78;
	v30 =	vld.idx.msk [tilespmem:v32+s28+$0x0], $0xffff;
	v32 =	vadd.s32 v7, v19;
	[tilespmem:s24+$0xFFFFF850] =	vst v24  }
0x27b: {  	[tilespmem:s16+$0x0] =	vst v31;
	v24 =	vld.idx.msk [tilespmem:v25+s28+$0x0], $0xffff;
	v25 =	vadd.s32 v14, v16  }
0x27c: {  	v31 =	vld.idx.msk [tilespmem:v33+s28+$0x0], $0xffff;
	v33 =	vadd.s32 v5, v20;
	[tilespmem:s8+$0xFFFFF840] =	vst v26  }
0x27d: {  	v26 =	vld.idx.msk [tilespmem:v28+s28+$0x0], $0xffff;
	v28 =	vadd.s32 v12, v17;
	[tilespmem:s25+$0x70] =	vst v23;
	s25 =	smov.u32 s17;
	s17 =	smov.u32 s24;
	s24 =	smov.u32 s8  }
0x27e: {  	s8 =	smov.u32 s12;
	v23 =	vld.idx.msk [tilespmem:v34+s28+$0x0], $0xffff;
	v34 =	vadd.s32 v3, v21;
	[tilespmem:s12+$0xFFFFF830] =	vst v29;
	s12 =	smov.u32 s14;
	s14 =	smov.u32 s16  }
0x27f: {  	v29 =	vld.idx.msk [tilespmem:v32+s28+$0x0], $0xffff;
	v32 =	vadd.s32 v10, v18;
	[tilespmem:s25+$0x60] =	vst v22  }
0x280: {  	v35 =	vadd.s32 v1, v27;
	[tilespmem:s12+$0xFFFFF820] =	vst v30;
	v36 =	vld.idx.msk [tilespmem:v25+s28+$0x0], $0xffff  }
0x281: {  	v25 =	vadd.s32 v8, v19;
	v37 =	vld.idx.msk [tilespmem:v33+s28+$0x0], $0xffff;
	[tilespmem:s17+$0x50] =	vst v24  }
0x282: {  	[tilespmem:s16+$0xFFFFF810] =	vst v31;
	v38 =	vld.idx.msk [tilespmem:v28+s28+$0x0], $0xffff;
	v28 =	vadd.s32 v15, v16;
	v16 =	vmovc v17;
	v17 =	vmov v18;
	v18 =	vmov v19  }
0x283: {  	s16 =	sadd.s32 $0x80, s16;
	v19 =	vmovc v20;
	v30 =	vld.idx.msk [tilespmem:v34+s28+$0x0], $0xffff;
	v34 =	vadd.s32 v6, v20;
	[tilespmem:s24+$0x40] =	vst v26;
	v20 =	vmov v21;
	v21 =	vmov v27  }
.Ltmp8:
0x284: {  	v22 =	vadd.s32 v13, v16;
	[tilespmem:s16+$0xFFFFF800] =	vst v23;
	v24 =	vld.idx.msk [tilespmem:v32+s28+$0x0], $0xffff;
	(pc) =	sbr.rel @p0 .LBB2_10-.Ltmp8, $4  }
0x285: {  	v32 =	vadd.s32 v4, v20;
	v31 =	vld.idx.msk [tilespmem:v35+s28+$0x0], $0xffff;
	[tilespmem:s8+$0x30] =	vst v29  }
0x286: {  	v26 =	vld.idx.msk [tilespmem:v25+s28+$0x0], $0xffff;
	v25 =	vadd.s32 v11, v17;
	[tilespmem:s25+$0xFFFFF870] =	vst v36  }
0x287: {  	v33 =	vadd.s32 v2, v27;
	[tilespmem:s12+$0x20] =	vst v37;
	v23 =	vld.idx.msk [tilespmem:v28+s28+$0x0], $0xffff  }
0x288: {  	v27 =	vadd.s32 $0x8, v27;
	v28 =	vadd.s32 v9, v18;
	v29 =	vld.idx.msk [tilespmem:v34+s28+$0x0], $0xffff;
	[tilespmem:s17+$0xFFFFF860] =	vst v38  }
0x289: {  	_ =	sdelay $0x2  }
0x28a: {  	[tilespmem:s16+$0x0] =	vst v31  }
0x28b: {  	v27 =	vld.idx.msk [tilespmem:v33+s28+$0x0], $0xffff  }
0x28c: {  	v44 =	vadd.s32 v3, v21;
	_ =	sdelay $0x3  }
0x28d: {  	[tilespmem:s16+$0xFFFFF810] =	vst v27  }
0x28e: {  	v27 =	vld.idx.msk [tilespmem:v44+s28+$0x0], $0xffff  }
0x28f: {  	v45 =	vadd.s32 v4, v21;
	_ =	sdelay $0x2  }
0x290: {  	[tilespmem:s14+$0x10] =	vst v30  }
0x291: {  	v30 =	vld.idx.msk [tilespmem:v32+s28+$0x0], $0xffff;
	[tilespmem:s16+$0x10] =	vst v27  }
0x292: {  	v46 =	vadd.s32 v5, v20;
	v31 =	vld.idx.msk [tilespmem:v45+s28+$0x0], $0xffff  }
0x293: {  	v47 =	vadd.s32 v5, v21;
	_ =	sdelay $0x2  }
0x294: {  	[tilespmem:s14+$0xFFFFF820] =	vst v30  }
0x295: {  	v27 =	vld.idx.msk [tilespmem:v46+s28+$0x0], $0xffff;
	[tilespmem:s16+$0xFFFFF820] =	vst v31  }
0x296: {  	v48 =	vadd.s32 v6, v20;
	v31 =	vld.idx.msk [tilespmem:v47+s28+$0x0], $0xffff  }
0x297: {  	v49 =	vadd.s32 v6, v21;
	_ =	sdelay $0x2  }
0x298: {  	[tilespmem:s14+$0x20] =	vst v27  }
0x299: {  	v50 =	vadd.s32 v7, v19;
	v30 =	vld.idx.msk [tilespmem:v48+s28+$0x0], $0xffff;
	[tilespmem:s16+$0x20] =	vst v31  }
0x29a: {  	v51 =	vadd.s32 v7, v20;
	v32 =	vld.idx.msk [tilespmem:v49+s28+$0x0], $0xffff  }
0x29b: {  	v52 =	vadd.s32 v7, v21;
	_ =	sdelay $0x1  }
0x29c: {  	[tilespmem:s12+$0xFFFFF830] =	vst v29  }
0x29d: {  	v27 =	vld.idx.msk [tilespmem:v50+s28+$0x0], $0xffff;
	[tilespmem:s14+$0xFFFFF830] =	vst v30  }
0x29e: {  	v53 =	vadd.s32 v8, v19;
	v30 =	vld.idx.msk [tilespmem:v51+s28+$0x0], $0xffff;
	[tilespmem:s16+$0xFFFFF830] =	vst v32  }
0x29f: {  	v54 =	vadd.s32 v8, v20;
	v32 =	vld.idx.msk [tilespmem:v52+s28+$0x0], $0xffff  }
0x2a0: {  	v55 =	vadd.s32 v8, v21;
	_ =	sdelay $0x1  }
0x2a1: {  	[tilespmem:s12+$0x30] =	vst v27  }
0x2a2: {  	v27 =	vld.idx.msk [tilespmem:v53+s28+$0x0], $0xffff;
	[tilespmem:s14+$0x30] =	vst v30  }
0x2a3: {  	v56 =	vadd.s32 v9, v19;
	v30 =	vld.idx.msk [tilespmem:v54+s28+$0x0], $0xffff;
	[tilespmem:s16+$0x30] =	vst v32  }
0x2a4: {  	v57 =	vadd.s32 v9, v20;
	v32 =	vld.idx.msk [tilespmem:v55+s28+$0x0], $0xffff  }
0x2a5: {  	v58 =	vadd.s32 v9, v21  }
0x2a6: {  	[tilespmem:s8+$0xFFFFF840] =	vst v26  }
0x2a7: {  	v26 =	vld.idx.msk [tilespmem:v28+s28+$0x0], $0xffff;
	[tilespmem:s12+$0xFFFFF840] =	vst v27  }
0x2a8: {  	v59 =	vadd.s32 v10, v18;
	v60 =	vld.idx.msk [tilespmem:v56+s28+$0x0], $0xffff;
	[tilespmem:s14+$0xFFFFF840] =	vst v30  }
0x2a9: {  	v61 =	vadd.s32 v10, v19;
	v30 =	vld.idx.msk [tilespmem:v57+s28+$0x0], $0xffff;
	[tilespmem:s16+$0xFFFFF840] =	vst v32  }
0x2aa: {  	v62 =	vadd.s32 v10, v20;
	v32 =	vld.idx.msk [tilespmem:v58+s28+$0x0], $0xffff  }
0x2ab: {  	v63 =	vadd.s32 v10, v21  }
0x2ac: {  	[tilespmem:s8+$0x40] =	vst v26  }
0x2ad: {  	v26 =	vld.idx.msk [tilespmem:v59+s28+$0x0], $0xffff;
	[tilespmem:s12+$0x40] =	vst v60  }
0x2ae: {  	v36 =	vadd.s32 v11, v18;
	v28 =	vld.idx.msk [tilespmem:v61+s28+$0x0], $0xffff;
	[tilespmem:s14+$0x40] =	vst v30  }
0x2af: {  	v37 =	vadd.s32 v11, v19;
	v30 =	vld.idx.msk [tilespmem:v62+s28+$0x0], $0xffff;
	[tilespmem:s16+$0x40] =	vst v32  }
0x2b0: {  	v38 =	vadd.s32 v11, v20;
	v32 =	vld.idx.msk [tilespmem:v63+s28+$0x0], $0xffff  }
0x2b1: {  	[tilespmem:s24+$0xFFFFF850] =	vst v24;
	v39 =	vadd.s32 v11, v21  }
0x2b2: {  	v25 =	vld.idx.msk [tilespmem:v25+s28+$0x0], $0xffff;
	[tilespmem:s8+$0xFFFFF850] =	vst v26  }
0x2b3: {  	v40 =	vadd.s32 v12, v17;
	v27 =	vld.idx.msk [tilespmem:v36+s28+$0x0], $0xffff;
	[tilespmem:s12+$0xFFFFF850] =	vst v28  }
0x2b4: {  	v41 =	vadd.s32 v12, v18;
	v29 =	vld.idx.msk [tilespmem:v37+s28+$0x0], $0xffff;
	[tilespmem:s14+$0xFFFFF850] =	vst v30  }
0x2b5: {  	v42 =	vadd.s32 v12, v19;
	v31 =	vld.idx.msk [tilespmem:v38+s28+$0x0], $0xffff;
	[tilespmem:s16+$0xFFFFF850] =	vst v32  }
0x2b6: {  	v43 =	vadd.s32 v12, v20;
	v24 =	vld.idx.msk [tilespmem:v39+s28+$0x0], $0xffff  }
0x2b7: {  	[tilespmem:s24+$0x50] =	vst v25;
	v44 =	vadd.s32 v12, v21  }
0x2b8: {  	v26 =	vld.idx.msk [tilespmem:v40+s28+$0x0], $0xffff;
	[tilespmem:s8+$0x50] =	vst v27  }
0x2b9: {  	v45 =	vadd.s32 v13, v17;
	v28 =	vld.idx.msk [tilespmem:v41+s28+$0x0], $0xffff;
	[tilespmem:s12+$0x50] =	vst v29  }
0x2ba: {  	v46 =	vadd.s32 v13, v18;
	v30 =	vld.idx.msk [tilespmem:v42+s28+$0x0], $0xffff;
	[tilespmem:s14+$0x50] =	vst v31  }
0x2bb: {  	v47 =	vadd.s32 v13, v19;
	v32 =	vld.idx.msk [tilespmem:v43+s28+$0x0], $0xffff;
	[tilespmem:s16+$0x50] =	vst v24  }
0x2bc: {  	[tilespmem:s25+$0x70] =	vst v23;
	v48 =	vadd.s32 v13, v20;
	v24 =	vld.idx.msk [tilespmem:v44+s28+$0x0], $0xffff  }
0x2bd: {  	v22 =	vld.idx.msk [tilespmem:v22+s28+$0x0], $0xffff;
	[tilespmem:s24+$0xFFFFF860] =	vst v26;
	v49 =	vadd.s32 v13, v21  }
0x2be: {  	v50 =	vadd.s32 v14, v16;
	v27 =	vld.idx.msk [tilespmem:v45+s28+$0x0], $0xffff;
	[tilespmem:s8+$0xFFFFF860] =	vst v28  }
0x2bf: {  	v51 =	vadd.s32 v14, v17;
	v29 =	vld.idx.msk [tilespmem:v46+s28+$0x0], $0xffff;
	[tilespmem:s12+$0xFFFFF860] =	vst v30  }
0x2c0: {  	v52 =	vadd.s32 v14, v18;
	v31 =	vld.idx.msk [tilespmem:v47+s28+$0x0], $0xffff;
	[tilespmem:s14+$0xFFFFF860] =	vst v32  }
0x2c1: {  	v53 =	vadd.s32 v14, v19;
	v23 =	vld.idx.msk [tilespmem:v48+s28+$0x0], $0xffff;
	[tilespmem:s16+$0xFFFFF860] =	vst v24  }
0x2c2: {  	[tilespmem:s17+$0x60] =	vst v22;
	v54 =	vadd.s32 v14, v20;
	v24 =	vld.idx.msk [tilespmem:v49+s28+$0x0], $0xffff  }
0x2c3: {  	v56 =	vadd.s32 v14, v21;
	v55 =	vld.idx.msk [tilespmem:v50+s28+$0x0], $0xffff;
	[tilespmem:s24+$0x60] =	vst v27  }
0x2c4: {  	v16 =	vadd.s32 v15, v16;
	v27 =	vld.idx.msk [tilespmem:v51+s28+$0x0], $0xffff;
	[tilespmem:s8+$0x60] =	vst v29  }
0x2c5: {  	v17 =	vadd.s32 v15, v17;
	v57 =	vld.idx.msk [tilespmem:v52+s28+$0x0], $0xffff;
	[tilespmem:s12+$0x60] =	vst v31  }
0x2c6: {  	v58 =	vadd.s32 v15, v18;
	v59 =	vld.idx.msk [tilespmem:v53+s28+$0x0], $0xffff;
	[tilespmem:s14+$0x60] =	vst v23  }
0x2c7: {  	v60 =	vadd.s32 v15, v19;
	v22 =	vld.idx.msk [tilespmem:v54+s28+$0x0], $0xffff;
	[tilespmem:s16+$0x60] =	vst v24  }
0x2c8: {  	v61 =	vadd.s32 v15, v20;
	[tilespmem:s17+$0xFFFFF870] =	vst v55;
	v62 =	vld.idx.msk [tilespmem:v56+s28+$0x0], $0xffff  }
0x2c9: {  	v16 =	vld.idx.msk [tilespmem:v16+s28+$0x0], $0xffff;
	[tilespmem:s24+$0xFFFFF870] =	vst v27;
	v63 =	vadd.s32 v15, v21  }
0x2ca: {  	v17 =	vld.idx.msk [tilespmem:v17+s28+$0x0], $0xffff;
	[tilespmem:s8+$0xFFFFF870] =	vst v57  }
0x2cb: {  	v18 =	vld.idx.msk [tilespmem:v58+s28+$0x0], $0xffff;
	[tilespmem:s12+$0xFFFFF870] =	vst v59  }
0x2cc: {  	v19 =	vld.idx.msk [tilespmem:v60+s28+$0x0], $0xffff;
	[tilespmem:s14+$0xFFFFF870] =	vst v22  }
0x2cd: {  	v20 =	vld.idx.msk [tilespmem:v61+s28+$0x0], $0xffff;
	[tilespmem:s16+$0xFFFFF870] =	vst v62  }
0x2ce: {  	[tilespmem:s17+$0x70] =	vst v16;
	v16 =	vld.idx.msk [tilespmem:v63+s28+$0x0], $0xffff  }
0x2cf: {  	[tilespmem:s24+$0x70] =	vst v17  }
0x2d0: {  	[tilespmem:s8+$0x70] =	vst v18  }
0x2d1: {  	[tilespmem:s12+$0x70] =	vst v19  }
0x2d2: {  	[tilespmem:s14+$0x70] =	vst v20  }
0x2d3: {  	s10 =	simm.s32 $0x3200;
	s17 =	simm.s32 $0x4500;
	[tilespmem:s16+$0x70] =	vst v16  }
0x2d4: {  	[spmem:s4] =	stream.indirect.scatter.add.f32 [tilespmem:s10], [sflag:$0x4], $0x10, s17, s0, $0xb8;
	[tilespmem:$0x1CCA0] =	vst v63  }
0x2d5: {  	s25 =	simm.s32 $0x3A00;
	s24 =	simm.s32 $0x4580  }
0x2d6: {  	[spmem:s4] =	stream.indirect.scatter.add.f32 [tilespmem:s25], [sflag:$0x4], $0x10, s24, s0, $0xb8;
	[tilespmem:$0x1CCA0] =	vst v63  }
.LBB2_12:
0x2d7: {  	p0 =	sge.u32 s11, s22  }
.Ltmp9:
0x2d8: {  	_ = 	snop;
	(pc) =	sbr.rel @p0 .LBB2_14-.Ltmp9, $1  }
0x2d9: {  	_ =	sdelay $0x3  }
0x2da: {  	s8 =	sadd.s32 s11, s23  }
0x2db: {  	s8 =	sshll.u32 s8, $0x8  }
0x2dc: {  	s10 =	sshrl.u32 s8, $0x3  }
0x2dd: {  	s10 =	sadd.s32 s2, s10  }
0x2de: {  	s12 =	simm.s32 $0x4300;
	s8 =	sand.u32 $0x1FFFFF00, s8;
	s10 =	sadd.s32 $0x61A80, s10  }
0x2df: {  	[tilespmem:s12], [sflag:$0x2] =	stream.linear.gather [hbm4b:s10+s5], $0x100, $0x38;
	[tilespmem:$0x1CCA0] =	vst v63  }
0x2e0: {  	s10 =	sadd.s32 s3, s8  }
0x2e1: {  	[tilespmem:s28], [sflag:$0x2] =	stream.linear.gather [hbm4b:s10+s5], $0x80, $0x38;
	[tilespmem:$0x1CCA0] =	vst v63  }
0x2e2: {  	s12 =	simm.s32 $0x1188;
	s14 =	sadd.s32 $0x10, s10  }
0x2e3: {  	[tilespmem:s12], [sflag:$0x2] =	stream.linear.gather [hbm4b:s14+s5], $0x80, $0x38;
	[tilespmem:$0x1CCA0] =	vst v63  }
0x2e4: {  	s17 =	simm.s32 $0x1210;
	s16 =	sadd.s32 $0x20, s10  }
0x2e5: {  	[tilespmem:s17], [sflag:$0x2] =	stream.linear.gather [hbm4b:s16+s5], $0x80, $0x38;
	[tilespmem:$0x1CCA0] =	vst v63  }
0x2e6: {  	s25 =	simm.s32 $0x1298;
	s24 =	sadd.s32 $0x30, s10  }
0x2e7: {  	[tilespmem:s25], [sflag:$0x2] =	stream.linear.gather [hbm4b:s24+s5], $0x80, $0x38;
	[tilespmem:$0x1CCA0] =	vst v63  }
0x2e8: {  	s12 =	sadd.s32 $0x40, s10;
	s14 =	simm.s32 $0x1320  }
0x2e9: {  	[tilespmem:s14], [sflag:$0x2] =	stream.linear.gather [hbm4b:s12+s5], $0x80, $0x38;
	[tilespmem:$0x1CCA0] =	vst v63  }
0x2ea: {  	s16 =	sadd.s32 $0x50, s10;
	s17 =	simm.s32 $0x13A8  }
0x2eb: {  	[tilespmem:s17], [sflag:$0x2] =	stream.linear.gather [hbm4b:s16+s5], $0x80, $0x38;
	[tilespmem:$0x1CCA0] =	vst v63  }
0x2ec: {  	s24 =	sadd.s32 $0x60, s10;
	s25 =	simm.s32 $0x1430  }
0x2ed: {  	[tilespmem:s25], [sflag:$0x2] =	stream.linear.gather [hbm4b:s24+s5], $0x80, $0x38;
	[tilespmem:$0x1CCA0] =	vst v63  }
0x2ee: {  	s12 =	sadd.s32 $0x70, s10;
	s14 =	simm.s32 $0x14B8  }
0x2ef: {  	[tilespmem:s14], [sflag:$0x2] =	stream.linear.gather [hbm4b:s12+s5], $0x80, $0x38;
	[tilespmem:$0x1CCA0] =	vst v63  }
0x2f0: {  	s11 =	sadd.s32 $0x30D400, s10;
	s16 =	simm.s32 $0x1540  }
0x2f1: {  	[tilespmem:s16], [sflag:$0x2] =	stream.linear.gather [hbm4b:s11+s5], $0x80, $0x38;
	[tilespmem:$0x1CCA0] =	vst v63  }
0x2f2: {  	s17 =	sadd.s32 $0x10, s11;
	s14 =	simm.s32 $0x15C8  }
0x2f3: {  	[tilespmem:s14], [sflag:$0x2] =	stream.linear.gather [hbm4b:s17+s5], $0x80, $0x38;
	[tilespmem:$0x1CCA0] =	vst v63  }
0x2f4: {  	s24 =	sadd.s32 $0x20, s11;
	s25 =	simm.s32 $0x1650  }
0x2f5: {  	[tilespmem:s25], [sflag:$0x2] =	stream.linear.gather [hbm4b:s24+s5], $0x80, $0x38;
	[tilespmem:$0x1CCA0] =	vst v63  }
0x2f6: {  	s16 =	sadd.s32 $0x30, s11;
	s17 =	simm.s32 $0x16D8  }
0x2f7: {  	[tilespmem:s17], [sflag:$0x2] =	stream.linear.gather [hbm4b:s16+s5], $0x80, $0x38;
	[tilespmem:$0x1CCA0] =	vst v63  }
0x2f8: {  	s24 =	sadd.s32 $0x40, s11;
	s25 =	simm.s32 $0x1760  }
0x2f9: {  	[tilespmem:s25], [sflag:$0x2] =	stream.linear.gather [hbm4b:s24+s5], $0x80, $0x38;
	[tilespmem:$0x1CCA0] =	vst v63  }
0x2fa: {  	s16 =	sadd.s32 $0x50, s11;
	s17 =	simm.s32 $0x17E8  }
0x2fb: {  	[tilespmem:s17], [sflag:$0x2] =	stream.linear.gather [hbm4b:s16+s5], $0x80, $0x38;
	[tilespmem:$0x1CCA0] =	vst v63  }
0x2fc: {  	s24 =	sadd.s32 $0x60, s11;
	s25 =	simm.s32 $0x1870  }
0x2fd: {  	[tilespmem:s25], [sflag:$0x2] =	stream.linear.gather [hbm4b:s24+s5], $0x80, $0x38;
	[tilespmem:$0x1CCA0] =	vst v63  }
0x2fe: {  	s11 =	sadd.s32 $0x70, s11;
	s16 =	simm.s32 $0x18F8  }
0x2ff: {  	[tilespmem:s16], [sflag:$0x2] =	stream.linear.gather [hbm4b:s11+s5], $0x80, $0x38;
	[tilespmem:$0x1CCA0] =	vst v63  }
0x300: {  	s8 =	sadd.s32 s8, s13;
	s17 =	simm.s32 $0x1980  }
0x301: {  	[tilespmem:s17], [sflag:$0x2] =	stream.linear.gather [hbm4b:s8+s5], $0x80, $0x38;
	[tilespmem:$0x1CCA0] =	vst v63  }
0x302: {  	s24 =	sadd.s32 $0x10, s8;
	s25 =	simm.s32 $0x1A08  }
0x303: {  	[tilespmem:s25], [sflag:$0x2] =	stream.linear.gather [hbm4b:s24+s5], $0x80, $0x38;
	[tilespmem:$0x1CCA0] =	vst v63  }
0x304: {  	s12 =	sadd.s32 $0x20, s8;
	s14 =	simm.s32 $0x1A90  }
0x305: {  	[tilespmem:s14], [sflag:$0x2] =	stream.linear.gather [hbm4b:s12+s5], $0x80, $0x38;
	[tilespmem:$0x1CCA0] =	vst v63  }
0x306: {  	s16 =	sadd.s32 $0x30, s8;
	s17 =	simm.s32 $0x1B18  }
0x307: {  	[tilespmem:s17], [sflag:$0x2] =	stream.linear.gather [hbm4b:s16+s5], $0x80, $0x38;
	[tilespmem:$0x1CCA0] =	vst v63  }
0x308: {  	s24 =	sadd.s32 $0x40, s8;
	s25 =	simm.s32 $0x1BA0  }
0x309: {  	[tilespmem:s25], [sflag:$0x2] =	stream.linear.gather [hbm4b:s24+s5], $0x80, $0x38;
	[tilespmem:$0x1CCA0] =	vst v63  }
0x30a: {  	s14 =	sadd.s32 $0x50, s8;
	s16 =	simm.s32 $0x1C28  }
0x30b: {  	[tilespmem:s16], [sflag:$0x2] =	stream.linear.gather [hbm4b:s14+s5], $0x80, $0x38;
	[tilespmem:$0x1CCA0] =	vst v63  }
0x30c: {  	s17 =	sadd.s32 $0x60, s8;
	s24 =	simm.s32 $0x1CB0  }
0x30d: {  	[tilespmem:s24], [sflag:$0x2] =	stream.linear.gather [hbm4b:s17+s5], $0x80, $0x38;
	[tilespmem:$0x1CCA0] =	vst v63  }
0x30e: {  	s8 =	sadd.s32 $0x70, s8;
	s25 =	simm.s32 $0x1D38  }
0x30f: {  	[tilespmem:s25], [sflag:$0x2] =	stream.linear.gather [hbm4b:s8+s5], $0x80, $0x38;
	[tilespmem:$0x1CCA0] =	vst v63  }
0x310: {  	s11 =	simm.s32 $0x1DC0;
	s8 =	sadd.s32 $0x30D480, s10  }
0x311: {  	[tilespmem:s11], [sflag:$0x2] =	stream.linear.gather [hbm4b:s8+s5], $0x80, $0x38;
	[tilespmem:$0x1CCA0] =	vst v63  }
0x312: {  	s12 =	sadd.s32 $0x10, s8  }
0x313: {  	[tilespmem:s18], [sflag:$0x2] =	stream.linear.gather [hbm4b:s12+s5], $0x80, $0x38;
	[tilespmem:$0x1CCA0] =	vst v63  }
0x314: {  	s14 =	sadd.s32 $0x20, s8  }
0x315: {  	[tilespmem:s19], [sflag:$0x2] =	stream.linear.gather [hbm4b:s14+s5], $0x80, $0x38;
	[tilespmem:$0x1CCA0] =	vst v63  }
0x316: {  	s16 =	sadd.s32 $0x30, s8  }
0x317: {  	[tilespmem:s15], [sflag:$0x2] =	stream.linear.gather [hbm4b:s16+s5], $0x80, $0x38;
	[tilespmem:$0x1CCA0] =	vst v63  }
0x318: {  	s17 =	sadd.s32 $0x40, s8  }
0x319: {  	[tilespmem:s26], [sflag:$0x2] =	stream.linear.gather [hbm4b:s17+s5], $0x80, $0x38;
	[tilespmem:$0x1CCA0] =	vst v63  }
0x31a: {  	s24 =	sadd.s32 $0x50, s8  }
0x31b: {  	[tilespmem:s29], [sflag:$0x2] =	stream.linear.gather [hbm4b:s24+s5], $0x80, $0x38;
	[tilespmem:$0x1CCA0] =	vst v63  }
.Ltmp10:
0x31c: {  	_ = 	snop;
	(pc) =	sbr.rel .LBB2_14-.Ltmp10, $4  }
0x31d: {  	s25 =	sadd.s32 $0x60, s8  }
0x31e: {  	[tilespmem:s30], [sflag:$0x2] =	stream.linear.gather [hbm4b:s25+s5], $0x80, $0x38;
	[tilespmem:$0x1CCA0] =	vst v63  }
0x31f: {  	s8 =	sadd.s32 $0x70, s8  }
0x320: {  	[tilespmem:s31], [sflag:$0x2] =	stream.linear.gather [hbm4b:s8+s5], $0x80, $0x38;
	[tilespmem:$0x1CCA0] =	vst v63  }
.LBB2_16:
0x321: {  	_ =	sfence.sel $0x180000  }
0x322: {  	[bflag:$0x0] =	sbarrier.arrive $0xFFFF  }
0x323: {  	_ =	strace $0x90000047  }
0x324: {  	s0 =	stileid.u32;
	[bflag:$0x2] =	sbarrier.arrive $0xFFFF  }
0x325: {  	p0 =	sne.s32 s0, $0x0;
	s0 =	rddreg [dreg:$0x4]  }
0x326: {  	s0 =	sadd.s32 @!p0 $0x100000, s0  }
0x327: {  	[sflag:s0] =	ssyncadd.tile.s32 @!p0 $0x1;
	_ =	shalt  }
.Lfunc_end2:
_tile_overlayer_lowered:
.L_overlay_start_2:
0x328: {  	(tag) =	ssettag $0x2  }
0x329: {  	s0 =	rddreg [dreg:$0x0];
	s2 =	stileid.u32  }
0x32a: {  	s1 =	rddreg [dreg:$0x1];
	p0 =	sne.s32 s2, $0x0  }
0x32b: {  	s3 =	rddreg [dreg:$0x2];
	[bflag:$0x3] =	sbarrier.arrive $0xFFFF;
	s2 =	simm.s32 @!p0 $0x1C05  }
0x32c: {  	[timem:s3], [sflag:s2] =	dma.local @!p0 [hbm:s0], s1  }
0x32d: {  	s0 =	simm.s32 @!p0 $0x5  }
0x32e: {  	_ =	swait.ge @!p0 [sflag:s0], s1  }
0x32f: {  	s1 =	ssub.s32 @!p0 $0x0, s1;
	[sflag:s0] =	ssyncset.done @!p0 $0x0  }
0x330: {  	[sflag:s0] =	ssyncadd.s32 @!p0 s1  }
0x331: {  	[bflag:$0x3] =	sbarrier.arrive $0xFFFF  }
0x332: {  	_ =	shalt  }

</sc_bundles>
